<compile_context>
chip_gen: v7x
topology: tpu7x:2x2x1
jax: 0.10.2.dev20260603
libtpu: 0.0.44.dev20260713+nightly
codegen_flags: <defaults>
</compile_context>

<pallas_src>
import functools

import jax
import jax.numpy as jnp
from jax import lax
from jax.experimental import pallas as pl
from jax.experimental.pallas import tpu as pltpu
from jax.experimental.pallas import tpu_sc as plsc

N_NODES = 10000
N_EDGES = 320000
D = 128

NC = 2
NS = 16
NW = NC * NS

N_PAD = 10112
ROWS_PER_TILE = N_PAD // NS
LANES = 128
CHUNK = 64
NB = 4
S0 = 256
S1 = 64
E_PAD = (S0 + S1) * CHUNK * NS
IDX_MAX = max(S0, S1) * CHUNK // LANES
_WB = [CHUNK] * 9 + [ROWS_PER_TILE - 9 * CHUNK]

_DST_SHIFT = 14


def _sc_body(x_hbm, packed_hbm, out_hbm, idx_p, srcb, dstb, rows, agg, *gsems):
    c = lax.axis_index("c")
    s = lax.axis_index("s")

    steps = jnp.where(c == 0, S0, S1)
    idx_rows = lax.shift_right_logical(steps, 1)
    base = jnp.where(c == 0, s * (S0 // 2), NS * (S0 // 2) + s * (S1 // 2))

    for q in range(IDX_MAX // 32):

        @pl.when(q * 32 < idx_rows)
        def _():
            pltpu.sync_copy(
                packed_hbm.at[pl.ds(base + q * 32, 32)],
                idx_p.at[pl.ds(q * 32, 32)],
            )

    z = jnp.zeros((16,), jnp.float32)

    def _zero_row(i, _):
        for k in range(8):
            rows[0, i, pl.ds(k * 16, 16)] = z
        return 0

    lax.fori_loop(0, CHUNK, _zero_row, 0)
    rbase = s * ROWS_PER_TILE
    off = 0
    for wb in _WB:
        pltpu.sync_copy(
            rows.at[0].at[pl.ds(0, wb)], agg.at[pl.ds(rbase + off, wb)]
        )
        off += wb
    plsc.subcore_barrier()

    def _unpack(j, pb):
        row = lax.shift_right_logical(j, 1)
        o = (j & 1) * CHUNK
        for k in range(CHUNK // 16):
            v = idx_p[row, pl.ds(o + k * 16, 16)]
            srcb[pb, pl.ds(k * 16, 16)] = v & ((1 << _DST_SHIFT) - 1)
            dstb[pb, pl.ds(k * 16, 16)] = lax.shift_right_logical(v, _DST_SHIFT)

    for b in range(NB - 1):
        _unpack(jnp.int32(b), b)
        pltpu.async_copy(x_hbm.at[srcb.at[b]], rows.at[b], gsems[b])

    def _outer(t, _):
        for b in range(NB):
            j = t * NB + b
            pltpu.make_async_copy(x_hbm.at[srcb.at[b]], rows.at[b], gsems[b]).wait()
            nxt = (b + NB - 1) % NB

            @pl.when(j + NB - 1 < steps)
            def _():
                _unpack(j + NB - 1, nxt)
                pltpu.async_copy(x_hbm.at[srcb.at[nxt]], rows.at[nxt], gsems[nxt])

            pltpu.sync_copy(rows.at[b], agg.at[dstb.at[b]], add=True)
        return 0

    lax.fori_loop(0, steps // NB, _outer, 0)
    plsc.subcore_barrier()

    off = 0
    for k, wb in enumerate(_WB):
        r0 = rbase + off
        b = k % NB
        pltpu.sync_copy(agg.at[pl.ds(r0, wb)], rows.at[b].at[pl.ds(0, wb)])
        pltpu.sync_copy(rows.at[b].at[pl.ds(0, wb)], out_hbm.at[c, pl.ds(r0, wb)])
        off += wb


_sc_agg = functools.partial(
    pl.kernel,
    out_type=jax.ShapeDtypeStruct((NC, N_PAD, D), jnp.float32),
    mesh=plsc.VectorSubcoreMesh(core_axis_name="c", subcore_axis_name="s"),
    scratch_types=[
        pltpu.VMEM((IDX_MAX, LANES), jnp.int32),
        pltpu.VMEM((NB, CHUNK), jnp.int32),
        pltpu.VMEM((NB, CHUNK), jnp.int32),
        pltpu.VMEM((NB, CHUNK, D), jnp.float32),
        pltpu.VMEM_SHARED((N_PAD, D), jnp.float32),
        pltpu.SemaphoreType.DMA,
        pltpu.SemaphoreType.DMA,
        pltpu.SemaphoreType.DMA,
        pltpu.SemaphoreType.DMA,
    ],
)(_sc_body)


def _tc_body(x_ref, p_ref, w_ref, m_ref, o_ref):
    self_term = jnp.dot(x_ref[...], w_ref[...], preferred_element_type=jnp.float32)
    agg = p_ref[0] + p_ref[1]
    neigh = jnp.dot(agg, m_ref[...], preferred_element_type=jnp.float32)
    o_ref[...] = jnp.maximum(self_term + neigh, 0.0)


_TC_BLK = 1000


def _tc_combine(x, partials, W, M):
    return pl.pallas_call(
        _tc_body,
        grid=(N_NODES // _TC_BLK,),
        in_specs=[
            pl.BlockSpec((_TC_BLK, D), lambda i: (i, 0)),
            pl.BlockSpec((NC, _TC_BLK, D), lambda i: (0, i, 0)),
            pl.BlockSpec((D, D), lambda i: (0, 0)),
            pl.BlockSpec((D, D), lambda i: (0, 0)),
        ],
        out_specs=pl.BlockSpec((_TC_BLK, D), lambda i: (i, 0)),
        out_shape=jax.ShapeDtypeStruct((N_NODES, D), jnp.float32),
    )(x, partials, W, M)


@jax.jit
def kernel(x, edge_index, W, M):
    src = edge_index[0].astype(jnp.int32)
    dst = edge_index[1].astype(jnp.int32)
    pad = E_PAD - N_EDGES
    packed = src | (dst << _DST_SHIFT)
    pad_val = jnp.int32((N_PAD - 1) << _DST_SHIFT)
    packed = jnp.concatenate([packed, jnp.full((pad,), pad_val, jnp.int32)])
    partials = _sc_agg(x, packed.reshape(-1, LANES))
    return _tc_combine(x, partials, W, M)

# --- scband reference (transcript-rebuilt; emitter-appended) ---
"""Pipeline reference for scband-internal-graph-convolution-layer-36112085025451 (READ-ONLY COPY).

The authoritative reference and input builder live on the scoring server;
editing this copy changes nothing except your own understanding.
"""

import jax, jax.numpy as jnp
import numpy as np

N_NODES = 10000
N_EDGES = 320000
D = 128

def setup_inputs(seed: int = 0) -> dict:
    key = jax.random.key(seed)
    k1, k2, k3, k4 = jax.random.split(key, 4)
    x = jax.random.normal(k1, (N_NODES, D), dtype=jnp.float32)
    edge_index = jax.random.randint(k2, (2, N_EDGES), 0, N_NODES, dtype=jnp.int64)
    # learned parameters, sized per init_kwargs (node_representation_size x node_representation_size)
    W = jax.random.normal(k3, (D, D), dtype=jnp.float32)
    M = jax.random.normal(k4, (D, D), dtype=jnp.float32)
    return {"x": x, "edge_index": edge_index, "W": W, "M": M}

def reference(x, edge_index, W, M):
    # Faithful vectorized translation of InternalGraphConvolutionLayer.forward:
    # new_repr[i] = relu(x[i] @ W + sum_{j in neighbours(i)} x[j] @ M)
    src = edge_index[0]
    dst = edge_index[1]
    self_term = x @ W
    messages = jnp.take(x, src, axis=0) @ M
    neigh_sum = jax.ops.segment_sum(messages, dst, num_segments=N_NODES)
    out = jax.nn.relu(self_term + neigh_sum)
    return out

if __name__ == "__main__":
    import jax
    _d = setup_inputs()
    print(jax.jit(kernel)(*tuple(_d.values())))

</pallas_src>

<mosaic_0001>
#map = affine_map<(d0, d1) -> (0, 0)>
#map1 = affine_map<(d0, d1) -> (0, 0, 0)>
module attributes {stable_mosaic.version = 14 : i64} {
  func.func @_sc_body(%arg0: i32, %arg1: i32, %arg2: memref<10000x128xf32, #tpu.memory_space<hbm>>, %arg3: memref<2560x128xi32, #tpu.memory_space<hbm>>, %arg4: memref<2x10112x128xf32, #tpu.memory_space<hbm>>, %arg5: memref<128x128xi32, #tpu.memory_space<vmem>>, %arg6: memref<4x64xi32, #tpu.memory_space<vmem>>, %arg7: memref<4x64xi32, #tpu.memory_space<vmem>>, %arg8: memref<4x64x128xf32, #tpu.memory_space<vmem>>, %arg9: memref<10112x128xf32, #tpu.memory_space<vmem_shared>>, %arg10: memref<!tpu.dma_semaphore, #tpu.memory_space<semaphore_mem>>, %arg11: memref<!tpu.dma_semaphore, #tpu.memory_space<semaphore_mem>>, %arg12: memref<!tpu.dma_semaphore, #tpu.memory_space<semaphore_mem>>, %arg13: memref<!tpu.dma_semaphore, #tpu.memory_space<semaphore_mem>>) attributes {dimension_semantics = [#tpu.dimension_semantics<core_parallel>, #tpu.dimension_semantics<subcore_parallel>], iteration_bounds = array<i64: 2, 16>, scalar_prefetch = 0 : i64, scratch_operands = 9 : i64, tpu.core_type = #tpu.core_type<sc_vector_subcore>, window_params = [{transform_indices = #map}, {transform_indices = #map}, {transform_indices = #map1}]} {
    %eq3A = arith.constant 0 : i32
    %eq3A_0 = arith.cmpi eq, %arg0, %eq3A : i32
    %jit3A = arith.constant 256 : i32
    %jit3A_1 = arith.constant 64 : i32
    %select_n3A = arith.select %eq3A_0, %jit3A, %jit3A_1 : i32
    %shift_right_logical3A = arith.constant 1 : i32
    %shift_right_logical3A_2 = arith.shrui %select_n3A, %shift_right_logical3A : i32
    %eq3A_3 = arith.constant 0 : i32
    %eq3A_4 = arith.cmpi eq, %arg0, %eq3A_3 : i32
    %mul3A = arith.constant 128 : i32
    %mul3A_5 = arith.muli %arg1, %mul3A : i32
    %mul3A_6 = arith.constant 32 : i32
    %mul3A_7 = arith.muli %arg1, %mul3A_6 : i32
    %add3A = arith.constant 2048 : i32
    %add3A_8 = arith.addi %add3A, %mul3A_7 : i32
    %select_n3A_9 = arith.select %eq3A_4, %mul3A_5, %add3A_8 : i32
    %gt3A = arith.constant 0 : i32
    %gt3A_10 = arith.cmpi sgt, %shift_right_logical3A_2, %gt3A : i32
    %convert_element_type3A = arith.extui %gt3A_10 : i1 to i32
    %cond3A = arith.constant 0 : i32
    %cond3A_11 = arith.cmpi ne, %convert_element_type3A, %cond3A : i32
    scf.if %cond3A_11 {
      %add3A_480 = arith.constant 0 : i32
      %add3A_481 = arith.addi %select_n3A_9, %add3A_480 : i32
      "tpu.region"() ({
        %run_scoped3A_482 = tpu.sem_alloc : memref<!tpu.dma_semaphore, #tpu.memory_space<semaphore_mem>>
        %dma_start3A_483 = arith.constant 0 : i32
        %dma_start3A_484 = arith.constant 0 : i32
        %dma_start3A_485 = tpu.memref_slice %arg5[%dma_start3A_483, %dma_start3A_484] : memref<128x128xi32, #tpu.memory_space<vmem>> -> memref<32x128xi32, #tpu.memory_space<vmem>>
        %dma_start3A_486 = arith.constant 0 : i32
        %dma_start3A_487 = tpu.memref_slice %arg3[%add3A_481, %dma_start3A_486] : memref<2560x128xi32, #tpu.memory_space<hbm>> -> memref<32x128xi32, #tpu.memory_space<hbm>>
        %dma_start3A_488 = arith.constant 0 : i32
        %dma_start3A_489 = arith.constant 0 : i32
        %dma_start3A_490 = tpu.memref_slice %arg5[%dma_start3A_488, %dma_start3A_489] : memref<128x128xi32, #tpu.memory_space<vmem>> -> memref<32x128xi32, #tpu.memory_space<vmem>>
        %dma_start3A_491 = arith.constant 0 : i32
        %dma_start3A_492 = tpu.memref_slice %arg3[%add3A_481, %dma_start3A_491] : memref<2560x128xi32, #tpu.memory_space<hbm>> -> memref<32x128xi32, #tpu.memory_space<hbm>>
        tpu.enqueue_dma source(%dma_start3A_492 : memref<32x128xi32, #tpu.memory_space<hbm>>) target(%dma_start3A_490 : memref<32x128xi32, #tpu.memory_space<vmem>>) target_semaphore(%run_scoped3A_482 : memref<!tpu.dma_semaphore, #tpu.memory_space<semaphore_mem>>)
        %dma_wait3A = arith.constant 0 : i32
        %dma_wait3A_493 = arith.constant 0 : i32
        %dma_wait3A_494 = tpu.memref_slice %arg5[%dma_wait3A, %dma_wait3A_493] : memref<128x128xi32, #tpu.memory_space<vmem>> -> memref<32x128xi32, #tpu.memory_space<vmem>>
        %dma_wait3A_495 = arith.constant 0 : i32
        %dma_wait3A_496 = tpu.memref_slice %arg3[%add3A_481, %dma_wait3A_495] : memref<2560x128xi32, #tpu.memory_space<hbm>> -> memref<32x128xi32, #tpu.memory_space<hbm>>
        %dma_wait3A_497 = arith.constant 0 : i32
        %dma_wait3A_498 = arith.constant 0 : i32
        %dma_wait3A_499 = tpu.memref_slice %arg5[%dma_wait3A_497, %dma_wait3A_498] : memref<128x128xi32, #tpu.memory_space<vmem>> -> memref<32x128xi32, #tpu.memory_space<vmem>>
        %dma_wait3A_500 = arith.constant 0 : i32
        %dma_wait3A_501 = tpu.memref_slice %arg3[%add3A_481, %dma_wait3A_500] : memref<2560x128xi32, #tpu.memory_space<hbm>> -> memref<32x128xi32, #tpu.memory_space<hbm>>
        tpu.wait_dma2 semaphore(%run_scoped3A_482 : memref<!tpu.dma_semaphore, #tpu.memory_space<semaphore_mem>>) src(%dma_wait3A_501 : memref<32x128xi32, #tpu.memory_space<hbm>>) dst(%dma_wait3A_499 : memref<32x128xi32, #tpu.memory_space<vmem>>)
        tpu.yield
      }) : () -> ()
    } else {
    }
    %gt3A_12 = arith.constant 32 : i32
    %gt3A_13 = arith.cmpi sgt, %shift_right_logical3A_2, %gt3A_12 : i32
    %convert_element_type3A_14 = arith.extui %gt3A_13 : i1 to i32
    %cond3A_15 = arith.constant 0 : i32
    %cond3A_16 = arith.cmpi ne, %convert_element_type3A_14, %cond3A_15 : i32
    scf.if %cond3A_16 {
      %add3A_480 = arith.constant 32 : i32
      %add3A_481 = arith.addi %select_n3A_9, %add3A_480 : i32
      "tpu.region"() ({
        %run_scoped3A_482 = tpu.sem_alloc : memref<!tpu.dma_semaphore, #tpu.memory_space<semaphore_mem>>
        %dma_start3A_483 = arith.constant 32 : i32
        %dma_start3A_484 = arith.constant 0 : i32
        %dma_start3A_485 = tpu.memref_slice %arg5[%dma_start3A_483, %dma_start3A_484] : memref<128x128xi32, #tpu.memory_space<vmem>> -> memref<32x128xi32, #tpu.memory_space<vmem>>
        %dma_start3A_486 = arith.constant 0 : i32
        %dma_start3A_487 = tpu.memref_slice %arg3[%add3A_481, %dma_start3A_486] : memref<2560x128xi32, #tpu.memory_space<hbm>> -> memref<32x128xi32, #tpu.memory_space<hbm>>
        %dma_start3A_488 = arith.constant 32 : i32
        %dma_start3A_489 = arith.constant 0 : i32
        %dma_start3A_490 = tpu.memref_slice %arg5[%dma_start3A_488, %dma_start3A_489] : memref<128x128xi32, #tpu.memory_space<vmem>> -> memref<32x128xi32, #tpu.memory_space<vmem>>
        %dma_start3A_491 = arith.constant 0 : i32
        %dma_start3A_492 = tpu.memref_slice %arg3[%add3A_481, %dma_start3A_491] : memref<2560x128xi32, #tpu.memory_space<hbm>> -> memref<32x128xi32, #tpu.memory_space<hbm>>
        tpu.enqueue_dma source(%dma_start3A_492 : memref<32x128xi32, #tpu.memory_space<hbm>>) target(%dma_start3A_490 : memref<32x128xi32, #tpu.memory_space<vmem>>) target_semaphore(%run_scoped3A_482 : memref<!tpu.dma_semaphore, #tpu.memory_space<semaphore_mem>>)
        %dma_wait3A = arith.constant 32 : i32
        %dma_wait3A_493 = arith.constant 0 : i32
        %dma_wait3A_494 = tpu.memref_slice %arg5[%dma_wait3A, %dma_wait3A_493] : memref<128x128xi32, #tpu.memory_space<vmem>> -> memref<32x128xi32, #tpu.memory_space<vmem>>
        %dma_wait3A_495 = arith.constant 0 : i32
        %dma_wait3A_496 = tpu.memref_slice %arg3[%add3A_481, %dma_wait3A_495] : memref<2560x128xi32, #tpu.memory_space<hbm>> -> memref<32x128xi32, #tpu.memory_space<hbm>>
        %dma_wait3A_497 = arith.constant 32 : i32
        %dma_wait3A_498 = arith.constant 0 : i32
        %dma_wait3A_499 = tpu.memref_slice %arg5[%dma_wait3A_497, %dma_wait3A_498] : memref<128x128xi32, #tpu.memory_space<vmem>> -> memref<32x128xi32, #tpu.memory_space<vmem>>
        %dma_wait3A_500 = arith.constant 0 : i32
        %dma_wait3A_501 = tpu.memref_slice %arg3[%add3A_481, %dma_wait3A_500] : memref<2560x128xi32, #tpu.memory_space<hbm>> -> memref<32x128xi32, #tpu.memory_space<hbm>>
        tpu.wait_dma2 semaphore(%run_scoped3A_482 : memref<!tpu.dma_semaphore, #tpu.memory_space<semaphore_mem>>) src(%dma_wait3A_501 : memref<32x128xi32, #tpu.memory_space<hbm>>) dst(%dma_wait3A_499 : memref<32x128xi32, #tpu.memory_space<vmem>>)
        tpu.yield
      }) : () -> ()
    } else {
    }
    %gt3A_17 = arith.constant 64 : i32
    %gt3A_18 = arith.cmpi sgt, %shift_right_logical3A_2, %gt3A_17 : i32
    %convert_element_type3A_19 = arith.extui %gt3A_18 : i1 to i32
    %cond3A_20 = arith.constant 0 : i32
    %cond3A_21 = arith.cmpi ne, %convert_element_type3A_19, %cond3A_20 : i32
    scf.if %cond3A_21 {
      %add3A_480 = arith.constant 64 : i32
      %add3A_481 = arith.addi %select_n3A_9, %add3A_480 : i32
      "tpu.region"() ({
        %run_scoped3A_482 = tpu.sem_alloc : memref<!tpu.dma_semaphore, #tpu.memory_space<semaphore_mem>>
        %dma_start3A_483 = arith.constant 64 : i32
        %dma_start3A_484 = arith.constant 0 : i32
        %dma_start3A_485 = tpu.memref_slice %arg5[%dma_start3A_483, %dma_start3A_484] : memref<128x128xi32, #tpu.memory_space<vmem>> -> memref<32x128xi32, #tpu.memory_space<vmem>>
        %dma_start3A_486 = arith.constant 0 : i32
        %dma_start3A_487 = tpu.memref_slice %arg3[%add3A_481, %dma_start3A_486] : memref<2560x128xi32, #tpu.memory_space<hbm>> -> memref<32x128xi32, #tpu.memory_space<hbm>>
        %dma_start3A_488 = arith.constant 64 : i32
        %dma_start3A_489 = arith.constant 0 : i32
        %dma_start3A_490 = tpu.memref_slice %arg5[%dma_start3A_488, %dma_start3A_489] : memref<128x128xi32, #tpu.memory_space<vmem>> -> memref<32x128xi32, #tpu.memory_space<vmem>>
        %dma_start3A_491 = arith.constant 0 : i32
        %dma_start3A_492 = tpu.memref_slice %arg3[%add3A_481, %dma_start3A_491] : memref<2560x128xi32, #tpu.memory_space<hbm>> -> memref<32x128xi32, #tpu.memory_space<hbm>>
        tpu.enqueue_dma source(%dma_start3A_492 : memref<32x128xi32, #tpu.memory_space<hbm>>) target(%dma_start3A_490 : memref<32x128xi32, #tpu.memory_space<vmem>>) target_semaphore(%run_scoped3A_482 : memref<!tpu.dma_semaphore, #tpu.memory_space<semaphore_mem>>)
        %dma_wait3A = arith.constant 64 : i32
        %dma_wait3A_493 = arith.constant 0 : i32
        %dma_wait3A_494 = tpu.memref_slice %arg5[%dma_wait3A, %dma_wait3A_493] : memref<128x128xi32, #tpu.memory_space<vmem>> -> memref<32x128xi32, #tpu.memory_space<vmem>>
        %dma_wait3A_495 = arith.constant 0 : i32
        %dma_wait3A_496 = tpu.memref_slice %arg3[%add3A_481, %dma_wait3A_495] : memref<2560x128xi32, #tpu.memory_space<hbm>> -> memref<32x128xi32, #tpu.memory_space<hbm>>
        %dma_wait3A_497 = arith.constant 64 : i32
        %dma_wait3A_498 = arith.constant 0 : i32
        %dma_wait3A_499 = tpu.memref_slice %arg5[%dma_wait3A_497, %dma_wait3A_498] : memref<128x128xi32, #tpu.memory_space<vmem>> -> memref<32x128xi32, #tpu.memory_space<vmem>>
        %dma_wait3A_500 = arith.constant 0 : i32
        %dma_wait3A_501 = tpu.memref_slice %arg3[%add3A_481, %dma_wait3A_500] : memref<2560x128xi32, #tpu.memory_space<hbm>> -> memref<32x128xi32, #tpu.memory_space<hbm>>
        tpu.wait_dma2 semaphore(%run_scoped3A_482 : memref<!tpu.dma_semaphore, #tpu.memory_space<semaphore_mem>>) src(%dma_wait3A_501 : memref<32x128xi32, #tpu.memory_space<hbm>>) dst(%dma_wait3A_499 : memref<32x128xi32, #tpu.memory_space<vmem>>)
        tpu.yield
      }) : () -> ()
    } else {
    }
    %gt3A_22 = arith.constant 96 : i32
    %gt3A_23 = arith.cmpi sgt, %shift_right_logical3A_2, %gt3A_22 : i32
    %convert_element_type3A_24 = arith.extui %gt3A_23 : i1 to i32
    %cond3A_25 = arith.constant 0 : i32
    %cond3A_26 = arith.cmpi ne, %convert_element_type3A_24, %cond3A_25 : i32
    scf.if %cond3A_26 {
      %add3A_480 = arith.constant 96 : i32
      %add3A_481 = arith.addi %select_n3A_9, %add3A_480 : i32
      "tpu.region"() ({
        %run_scoped3A_482 = tpu.sem_alloc : memref<!tpu.dma_semaphore, #tpu.memory_space<semaphore_mem>>
        %dma_start3A_483 = arith.constant 96 : i32
        %dma_start3A_484 = arith.constant 0 : i32
        %dma_start3A_485 = tpu.memref_slice %arg5[%dma_start3A_483, %dma_start3A_484] : memref<128x128xi32, #tpu.memory_space<vmem>> -> memref<32x128xi32, #tpu.memory_space<vmem>>
        %dma_start3A_486 = arith.constant 0 : i32
        %dma_start3A_487 = tpu.memref_slice %arg3[%add3A_481, %dma_start3A_486] : memref<2560x128xi32, #tpu.memory_space<hbm>> -> memref<32x128xi32, #tpu.memory_space<hbm>>
        %dma_start3A_488 = arith.constant 96 : i32
        %dma_start3A_489 = arith.constant 0 : i32
        %dma_start3A_490 = tpu.memref_slice %arg5[%dma_start3A_488, %dma_start3A_489] : memref<128x128xi32, #tpu.memory_space<vmem>> -> memref<32x128xi32, #tpu.memory_space<vmem>>
        %dma_start3A_491 = arith.constant 0 : i32
        %dma_start3A_492 = tpu.memref_slice %arg3[%add3A_481, %dma_start3A_491] : memref<2560x128xi32, #tpu.memory_space<hbm>> -> memref<32x128xi32, #tpu.memory_space<hbm>>
        tpu.enqueue_dma source(%dma_start3A_492 : memref<32x128xi32, #tpu.memory_space<hbm>>) target(%dma_start3A_490 : memref<32x128xi32, #tpu.memory_space<vmem>>) target_semaphore(%run_scoped3A_482 : memref<!tpu.dma_semaphore, #tpu.memory_space<semaphore_mem>>)
        %dma_wait3A = arith.constant 96 : i32
        %dma_wait3A_493 = arith.constant 0 : i32
        %dma_wait3A_494 = tpu.memref_slice %arg5[%dma_wait3A, %dma_wait3A_493] : memref<128x128xi32, #tpu.memory_space<vmem>> -> memref<32x128xi32, #tpu.memory_space<vmem>>
        %dma_wait3A_495 = arith.constant 0 : i32
        %dma_wait3A_496 = tpu.memref_slice %arg3[%add3A_481, %dma_wait3A_495] : memref<2560x128xi32, #tpu.memory_space<hbm>> -> memref<32x128xi32, #tpu.memory_space<hbm>>
        %dma_wait3A_497 = arith.constant 96 : i32
        %dma_wait3A_498 = arith.constant 0 : i32
        %dma_wait3A_499 = tpu.memref_slice %arg5[%dma_wait3A_497, %dma_wait3A_498] : memref<128x128xi32, #tpu.memory_space<vmem>> -> memref<32x128xi32, #tpu.memory_space<vmem>>
        %dma_wait3A_500 = arith.constant 0 : i32
        %dma_wait3A_501 = tpu.memref_slice %arg3[%add3A_481, %dma_wait3A_500] : memref<2560x128xi32, #tpu.memory_space<hbm>> -> memref<32x128xi32, #tpu.memory_space<hbm>>
        tpu.wait_dma2 semaphore(%run_scoped3A_482 : memref<!tpu.dma_semaphore, #tpu.memory_space<semaphore_mem>>) src(%dma_wait3A_501 : memref<32x128xi32, #tpu.memory_space<hbm>>) dst(%dma_wait3A_499 : memref<32x128xi32, #tpu.memory_space<vmem>>)
        tpu.yield
      }) : () -> ()
    } else {
    }
    %broadcast_in_dim3A = arith.constant 0.000000e+00 : f32
    %broadcast_in_dim3A_27 = vector.broadcast %broadcast_in_dim3A : f32 to vector<16xf32>
    %scan3A = arith.constant 0 : i32
    %scan3A_28 = arith.constant 0 : i32
    %scan3A_29 = arith.constant 64 : i32
    %scan3A_30 = arith.addi %scan3A_28, %scan3A_29 : i32
    %scan3A_31 = arith.constant 1 : i32
    %scan3A_32 = scf.for %scan3A_480 = %scan3A_28 to %scan3A_30 step %scan3A_31 iter_args(%scan3A_481 = %scan3A) -> (i32)  : i32 {
      %swap3A_482 = arith.constant 0 : i32
      %swap3A_483 = arith.index_cast %swap3A_482 : i32 to index
      %swap3A_484 = arith.index_cast %scan3A_480 : i32 to index
      %swap3A_485 = arith.constant 0 : index
      %swap3A_486 = tpu.vector_load %arg8[%swap3A_483, %swap3A_484, %swap3A_485] {strides = array<i32>} : memref<4x64x128xf32, #tpu.memory_space<vmem>>, vector<1x1x16xf32>,
      %swap3A_487 = vector.shape_cast %swap3A_486 : vector<1x1x16xf32> to vector<16xf32>
      %swap3A_488 = vector.shape_cast %broadcast_in_dim3A_27 : vector<16xf32> to vector<1x1x16xf32>
      tpu.vector_store %arg8[%swap3A_483, %swap3A_484, %swap3A_485], %swap3A_488 {strides = array<i32>} : memref<4x64x128xf32, #tpu.memory_space<vmem>>, vector<1x1x16xf32>,
      %swap3A_489 = arith.constant 0 : i32
      %swap3A_490 = arith.index_cast %swap3A_489 : i32 to index
      %swap3A_491 = arith.index_cast %scan3A_480 : i32 to index
      %swap3A_492 = arith.constant 16 : index
      %swap3A_493 = tpu.vector_load %arg8[%swap3A_490, %swap3A_491, %swap3A_492] {strides = array<i32>} : memref<4x64x128xf32, #tpu.memory_space<vmem>>, vector<1x1x16xf32>,
      %swap3A_494 = vector.shape_cast %swap3A_493 : vector<1x1x16xf32> to vector<16xf32>
      %swap3A_495 = vector.shape_cast %broadcast_in_dim3A_27 : vector<16xf32> to vector<1x1x16xf32>
      tpu.vector_store %arg8[%swap3A_490, %swap3A_491, %swap3A_492], %swap3A_495 {strides = array<i32>} : memref<4x64x128xf32, #tpu.memory_space<vmem>>, vector<1x1x16xf32>,
      %swap3A_496 = arith.constant 0 : i32
      %swap3A_497 = arith.index_cast %swap3A_496 : i32 to index
      %swap3A_498 = arith.index_cast %scan3A_480 : i32 to index
      %swap3A_499 = arith.constant 32 : index
      %swap3A_500 = tpu.vector_load %arg8[%swap3A_497, %swap3A_498, %swap3A_499] {strides = array<i32>} : memref<4x64x128xf32, #tpu.memory_space<vmem>>, vector<1x1x16xf32>,
      %swap3A_501 = vector.shape_cast %swap3A_500 : vector<1x1x16xf32> to vector<16xf32>
      %swap3A_502 = vector.shape_cast %broadcast_in_dim3A_27 : vector<16xf32> to vector<1x1x16xf32>
      tpu.vector_store %arg8[%swap3A_497, %swap3A_498, %swap3A_499], %swap3A_502 {strides = array<i32>} : memref<4x64x128xf32, #tpu.memory_space<vmem>>, vector<1x1x16xf32>,
      %swap3A_503 = arith.constant 0 : i32
      %swap3A_504 = arith.index_cast %swap3A_503 : i32 to index
      %swap3A_505 = arith.index_cast %scan3A_480 : i32 to index
      %swap3A_506 = arith.constant 48 : index
      %swap3A_507 = tpu.vector_load %arg8[%swap3A_504, %swap3A_505, %swap3A_506] {strides = array<i32>} : memref<4x64x128xf32, #tpu.memory_space<vmem>>, vector<1x1x16xf32>,
      %swap3A_508 = vector.shape_cast %swap3A_507 : vector<1x1x16xf32> to vector<16xf32>
      %swap3A_509 = vector.shape_cast %broadcast_in_dim3A_27 : vector<16xf32> to vector<1x1x16xf32>
      tpu.vector_store %arg8[%swap3A_504, %swap3A_505, %swap3A_506], %swap3A_509 {strides = array<i32>} : memref<4x64x128xf32, #tpu.memory_space<vmem>>, vector<1x1x16xf32>,
      %swap3A_510 = arith.constant 0 : i32
      %swap3A_511 = arith.index_cast %swap3A_510 : i32 to index
      %swap3A_512 = arith.index_cast %scan3A_480 : i32 to index
      %swap3A_513 = arith.constant 64 : index
      %swap3A_514 = tpu.vector_load %arg8[%swap3A_511, %swap3A_512, %swap3A_513] {strides = array<i32>} : memref<4x64x128xf32, #tpu.memory_space<vmem>>, vector<1x1x16xf32>,
      %swap3A_515 = vector.shape_cast %swap3A_514 : vector<1x1x16xf32> to vector<16xf32>
      %swap3A_516 = vector.shape_cast %broadcast_in_dim3A_27 : vector<16xf32> to vector<1x1x16xf32>
      tpu.vector_store %arg8[%swap3A_511, %swap3A_512, %swap3A_513], %swap3A_516 {strides = array<i32>} : memref<4x64x128xf32, #tpu.memory_space<vmem>>, vector<1x1x16xf32>,
      %swap3A_517 = arith.constant 0 : i32
      %swap3A_518 = arith.index_cast %swap3A_517 : i32 to index
      %swap3A_519 = arith.index_cast %scan3A_480 : i32 to index
      %swap3A_520 = arith.constant 80 : index
      %swap3A_521 = tpu.vector_load %arg8[%swap3A_518, %swap3A_519, %swap3A_520] {strides = array<i32>} : memref<4x64x128xf32, #tpu.memory_space<vmem>>, vector<1x1x16xf32>,
      %swap3A_522 = vector.shape_cast %swap3A_521 : vector<1x1x16xf32> to vector<16xf32>
      %swap3A_523 = vector.shape_cast %broadcast_in_dim3A_27 : vector<16xf32> to vector<1x1x16xf32>
      tpu.vector_store %arg8[%swap3A_518, %swap3A_519, %swap3A_520], %swap3A_523 {strides = array<i32>} : memref<4x64x128xf32, #tpu.memory_space<vmem>>, vector<1x1x16xf32>,
      %swap3A_524 = arith.constant 0 : i32
      %swap3A_525 = arith.index_cast %swap3A_524 : i32 to index
      %swap3A_526 = arith.index_cast %scan3A_480 : i32 to index
      %swap3A_527 = arith.constant 96 : index
      %swap3A_528 = tpu.vector_load %arg8[%swap3A_525, %swap3A_526, %swap3A_527] {strides = array<i32>} : memref<4x64x128xf32, #tpu.memory_space<vmem>>, vector<1x1x16xf32>,
      %swap3A_529 = vector.shape_cast %swap3A_528 : vector<1x1x16xf32> to vector<16xf32>
      %swap3A_530 = vector.shape_cast %broadcast_in_dim3A_27 : vector<16xf32> to vector<1x1x16xf32>
      tpu.vector_store %arg8[%swap3A_525, %swap3A_526, %swap3A_527], %swap3A_530 {strides = array<i32>} : memref<4x64x128xf32, #tpu.memory_space<vmem>>, vector<1x1x16xf32>,
      %swap3A_531 = arith.constant 0 : i32
      %swap3A_532 = arith.index_cast %swap3A_531 : i32 to index
      %swap3A_533 = arith.index_cast %scan3A_480 : i32 to index
      %swap3A_534 = arith.constant 112 : index
      %swap3A_535 = tpu.vector_load %arg8[%swap3A_532, %swap3A_533, %swap3A_534] {strides = array<i32>} : memref<4x64x128xf32, #tpu.memory_space<vmem>>, vector<1x1x16xf32>,
      %swap3A_536 = vector.shape_cast %swap3A_535 : vector<1x1x16xf32> to vector<16xf32>
      %swap3A_537 = vector.shape_cast %broadcast_in_dim3A_27 : vector<16xf32> to vector<1x1x16xf32>
      tpu.vector_store %arg8[%swap3A_532, %swap3A_533, %swap3A_534], %swap3A_537 {strides = array<i32>} : memref<4x64x128xf32, #tpu.memory_space<vmem>>, vector<1x1x16xf32>,
      %scan3A_538 = arith.constant 0 : i32
      scf.yield %scan3A_538 : i32
    }
    %scan3A_33 = arith.constant 64 : i32
    %mul3A_34 = arith.constant 632 : i32
    %mul3A_35 = arith.muli %arg1, %mul3A_34 : i32
    %add3A_36 = arith.constant 0 : i32
    %add3A_37 = arith.addi %mul3A_35, %add3A_36 : i32
    %run_scoped3A = arith.constant 0 : i32
    "tpu.region"() ({
      %run_scoped3A_480 = tpu.sem_alloc : memref<!tpu.dma_semaphore, #tpu.memory_space<semaphore_mem>>
      %dma_start3A_481 = arith.constant 0 : i32
      %dma_start3A_482 = arith.constant 0 : i32
      %dma_start3A_483 = tpu.memref_slice %arg8[%run_scoped3A, %dma_start3A_481, %dma_start3A_482] : memref<4x64x128xf32, #tpu.memory_space<vmem>> -> memref<1x64x128xf32, #tpu.memory_space<vmem>>
      %dma_start3A_484 = tpu.memref_squeeze %dma_start3A_483 : memref<1x64x128xf32, #tpu.memory_space<vmem>> -> memref<64x128xf32, #tpu.memory_space<vmem>>
      %dma_start3A_485 = arith.constant 0 : i32
      %dma_start3A_486 = arith.constant 0 : i32
      %dma_start3A_487 = tpu.memref_slice %dma_start3A_484[%dma_start3A_485, %dma_start3A_486] : memref<64x128xf32, #tpu.memory_space<vmem>> -> memref<64x128xf32, #tpu.memory_space<vmem>>
      %dma_start3A_488 = arith.constant 0 : i32
      %dma_start3A_489 = tpu.memref_slice %arg9[%add3A_37, %dma_start3A_488] : memref<10112x128xf32, #tpu.memory_space<vmem_shared>> -> memref<64x128xf32, #tpu.memory_space<vmem_shared>>
      %dma_start3A_490 = arith.constant 0 : i32
      %dma_start3A_491 = tpu.memref_slice %arg9[%add3A_37, %dma_start3A_490] : memref<10112x128xf32, #tpu.memory_space<vmem_shared>> -> memref<64x128xf32, #tpu.memory_space<vmem_shared>>
      %dma_start3A_492 = arith.constant 0 : i32
      %dma_start3A_493 = arith.constant 0 : i32
      %dma_start3A_494 = tpu.memref_slice %arg8[%run_scoped3A, %dma_start3A_492, %dma_start3A_493] : memref<4x64x128xf32, #tpu.memory_space<vmem>> -> memref<1x64x128xf32, #tpu.memory_space<vmem>>
      %dma_start3A_495 = tpu.memref_squeeze %dma_start3A_494 : memref<1x64x128xf32, #tpu.memory_space<vmem>> -> memref<64x128xf32, #tpu.memory_space<vmem>>
      %dma_start3A_496 = arith.constant 0 : i32
      %dma_start3A_497 = arith.constant 0 : i32
      %dma_start3A_498 = tpu.memref_slice %dma_start3A_495[%dma_start3A_496, %dma_start3A_497] : memref<64x128xf32, #tpu.memory_space<vmem>> -> memref<64x128xf32, #tpu.memory_space<vmem>>
      tpu.enqueue_dma source(%dma_start3A_498 : memref<64x128xf32, #tpu.memory_space<vmem>>) target(%dma_start3A_491 : memref<64x128xf32, #tpu.memory_space<vmem_shared>>) target_semaphore(%run_scoped3A_480 : memref<!tpu.dma_semaphore, #tpu.memory_space<semaphore_mem>>)
      %dma_wait3A = arith.constant 0 : i32
      %dma_wait3A_499 = arith.constant 0 : i32
      %dma_wait3A_500 = tpu.memref_slice %arg8[%run_scoped3A, %dma_wait3A, %dma_wait3A_499] : memref<4x64x128xf32, #tpu.memory_space<vmem>> -> memref<1x64x128xf32, #tpu.memory_space<vmem>>
      %dma_wait3A_501 = tpu.memref_squeeze %dma_wait3A_500 : memref<1x64x128xf32, #tpu.memory_space<vmem>> -> memref<64x128xf32, #tpu.memory_space<vmem>>
      %dma_wait3A_502 = arith.constant 0 : i32
      %dma_wait3A_503 = arith.constant 0 : i32
      %dma_wait3A_504 = tpu.memref_slice %dma_wait3A_501[%dma_wait3A_502, %dma_wait3A_503] : memref<64x128xf32, #tpu.memory_space<vmem>> -> memref<64x128xf32, #tpu.memory_space<vmem>>
      %dma_wait3A_505 = arith.constant 0 : i32
      %dma_wait3A_506 = tpu.memref_slice %arg9[%add3A_37, %dma_wait3A_505] : memref<10112x128xf32, #tpu.memory_space<vmem_shared>> -> memref<64x128xf32, #tpu.memory_space<vmem_shared>>
      %dma_wait3A_507 = arith.constant 0 : i32
      %dma_wait3A_508 = tpu.memref_slice %arg9[%add3A_37, %dma_wait3A_507] : memref<10112x128xf32, #tpu.memory_space<vmem_shared>> -> memref<64x128xf32, #tpu.memory_space<vmem_shared>>
      %dma_wait3A_509 = arith.constant 0 : i32
      %dma_wait3A_510 = arith.constant 0 : i32
      %dma_wait3A_511 = tpu.memref_slice %arg8[%run_scoped3A, %dma_wait3A_509, %dma_wait3A_510] : memref<4x64x128xf32, #tpu.memory_space<vmem>> -> memref<1x64x128xf32, #tpu.memory_space<vmem>>
      %dma_wait3A_512 = tpu.memref_squeeze %dma_wait3A_511 : memref<1x64x128xf32, #tpu.memory_space<vmem>> -> memref<64x128xf32, #tpu.memory_space<vmem>>
      %dma_wait3A_513 = arith.constant 0 : i32
      %dma_wait3A_514 = arith.constant 0 : i32
      %dma_wait3A_515 = tpu.memref_slice %dma_wait3A_512[%dma_wait3A_513, %dma_wait3A_514] : memref<64x128xf32, #tpu.memory_space<vmem>> -> memref<64x128xf32, #tpu.memory_space<vmem>>
      tpu.wait_dma2 semaphore(%run_scoped3A_480 : memref<!tpu.dma_semaphore, #tpu.memory_space<semaphore_mem>>) src(%dma_wait3A_515 : memref<64x128xf32, #tpu.memory_space<vmem>>) dst(%dma_wait3A_508 : memref<64x128xf32, #tpu.memory_space<vmem_shared>>)
      tpu.yield
    }) : () -> ()
    %add3A_38 = arith.constant 64 : i32
    %add3A_39 = arith.addi %mul3A_35, %add3A_38 : i32
    %run_scoped3A_40 = arith.constant 0 : i32
    "tpu.region"() ({
      %run_scoped3A_480 = tpu.sem_alloc : memref<!tpu.dma_semaphore, #tpu.memory_space<semaphore_mem>>
      %dma_start3A_481 = arith.constant 0 : i32
      %dma_start3A_482 = arith.constant 0 : i32
      %dma_start3A_483 = tpu.memref_slice %arg8[%run_scoped3A_40, %dma_start3A_481, %dma_start3A_482] : memref<4x64x128xf32, #tpu.memory_space<vmem>> -> memref<1x64x128xf32, #tpu.memory_space<vmem>>
      %dma_start3A_484 = tpu.memref_squeeze %dma_start3A_483 : memref<1x64x128xf32, #tpu.memory_space<vmem>> -> memref<64x128xf32, #tpu.memory_space<vmem>>
      %dma_start3A_485 = arith.constant 0 : i32
      %dma_start3A_486 = arith.constant 0 : i32
      %dma_start3A_487 = tpu.memref_slice %dma_start3A_484[%dma_start3A_485, %dma_start3A_486] : memref<64x128xf32, #tpu.memory_space<vmem>> -> memref<64x128xf32, #tpu.memory_space<vmem>>
      %dma_start3A_488 = arith.constant 0 : i32
      %dma_start3A_489 = tpu.memref_slice %arg9[%add3A_39, %dma_start3A_488] : memref<10112x128xf32, #tpu.memory_space<vmem_shared>> -> memref<64x128xf32, #tpu.memory_space<vmem_shared>>
      %dma_start3A_490 = arith.constant 0 : i32
      %dma_start3A_491 = tpu.memref_slice %arg9[%add3A_39, %dma_start3A_490] : memref<10112x128xf32, #tpu.memory_space<vmem_shared>> -> memref<64x128xf32, #tpu.memory_space<vmem_shared>>
      %dma_start3A_492 = arith.constant 0 : i32
      %dma_start3A_493 = arith.constant 0 : i32
      %dma_start3A_494 = tpu.memref_slice %arg8[%run_scoped3A_40, %dma_start3A_492, %dma_start3A_493] : memref<4x64x128xf32, #tpu.memory_space<vmem>> -> memref<1x64x128xf32, #tpu.memory_space<vmem>>
      %dma_start3A_495 = tpu.memref_squeeze %dma_start3A_494 : memref<1x64x128xf32, #tpu.memory_space<vmem>> -> memref<64x128xf32, #tpu.memory_space<vmem>>
      %dma_start3A_496 = arith.constant 0 : i32
      %dma_start3A_497 = arith.constant 0 : i32
      %dma_start3A_498 = tpu.memref_slice %dma_start3A_495[%dma_start3A_496, %dma_start3A_497] : memref<64x128xf32, #tpu.memory_space<vmem>> -> memref<64x128xf32, #tpu.memory_space<vmem>>
      tpu.enqueue_dma source(%dma_start3A_498 : memref<64x128xf32, #tpu.memory_space<vmem>>) target(%dma_start3A_491 : memref<64x128xf32, #tpu.memory_space<vmem_shared>>) target_semaphore(%run_scoped3A_480 : memref<!tpu.dma_semaphore, #tpu.memory_space<semaphore_mem>>)
      %dma_wait3A = arith.constant 0 : i32
      %dma_wait3A_499 = arith.constant 0 : i32
      %dma_wait3A_500 = tpu.memref_slice %arg8[%run_scoped3A_40, %dma_wait3A, %dma_wait3A_499] : memref<4x64x128xf32, #tpu.memory_space<vmem>> -> memref<1x64x128xf32, #tpu.memory_space<vmem>>
      %dma_wait3A_501 = tpu.memref_squeeze %dma_wait3A_500 : memref<1x64x128xf32, #tpu.memory_space<vmem>> -> memref<64x128xf32, #tpu.memory_space<vmem>>
      %dma_wait3A_502 = arith.constant 0 : i32
      %dma_wait3A_503 = arith.constant 0 : i32
      %dma_wait3A_504 = tpu.memref_slice %dma_wait3A_501[%dma_wait3A_502, %dma_wait3A_503] : memref<64x128xf32, #tpu.memory_space<vmem>> -> memref<64x128xf32, #tpu.memory_space<vmem>>
      %dma_wait3A_505 = arith.constant 0 : i32
      %dma_wait3A_506 = tpu.memref_slice %arg9[%add3A_39, %dma_wait3A_505] : memref<10112x128xf32, #tpu.memory_space<vmem_shared>> -> memref<64x128xf32, #tpu.memory_space<vmem_shared>>
      %dma_wait3A_507 = arith.constant 0 : i32
      %dma_wait3A_508 = tpu.memref_slice %arg9[%add3A_39, %dma_wait3A_507] : memref<10112x128xf32, #tpu.memory_space<vmem_shared>> -> memref<64x128xf32, #tpu.memory_space<vmem_shared>>
      %dma_wait3A_509 = arith.constant 0 : i32
      %dma_wait3A_510 = arith.constant 0 : i32
      %dma_wait3A_511 = tpu.memref_slice %arg8[%run_scoped3A_40, %dma_wait3A_509, %dma_wait3A_510] : memref<4x64x128xf32, #tpu.memory_space<vmem>> -> memref<1x64x128xf32, #tpu.memory_space<vmem>>
      %dma_wait3A_512 = tpu.memref_squeeze %dma_wait3A_511 : memref<1x64x128xf32, #tpu.memory_space<vmem>> -> memref<64x128xf32, #tpu.memory_space<vmem>>
      %dma_wait3A_513 = arith.constant 0 : i32
      %dma_wait3A_514 = arith.constant 0 : i32
      %dma_wait3A_515 = tpu.memref_slice %dma_wait3A_512[%dma_wait3A_513, %dma_wait3A_514] : memref<64x128xf32, #tpu.memory_space<vmem>> -> memref<64x128xf32, #tpu.memory_space<vmem>>
      tpu.wait_dma2 semaphore(%run_scoped3A_480 : memref<!tpu.dma_semaphore, #tpu.memory_space<semaphore_mem>>) src(%dma_wait3A_515 : memref<64x128xf32, #tpu.memory_space<vmem>>) dst(%dma_wait3A_508 : memref<64x128xf32, #tpu.memory_space<vmem_shared>>)
      tpu.yield
    }) : () -> ()
    %add3A_41 = arith.constant 128 : i32
    %add3A_42 = arith.addi %mul3A_35, %add3A_41 : i32
    %run_scoped3A_43 = arith.constant 0 : i32
    "tpu.region"() ({
      %run_scoped3A_480 = tpu.sem_alloc : memref<!tpu.dma_semaphore, #tpu.memory_space<semaphore_mem>>
      %dma_start3A_481 = arith.constant 0 : i32
      %dma_start3A_482 = arith.constant 0 : i32
      %dma_start3A_483 = tpu.memref_slice %arg8[%run_scoped3A_43, %dma_start3A_481, %dma_start3A_482] : memref<4x64x128xf32, #tpu.memory_space<vmem>> -> memref<1x64x128xf32, #tpu.memory_space<vmem>>
      %dma_start3A_484 = tpu.memref_squeeze %dma_start3A_483 : memref<1x64x128xf32, #tpu.memory_space<vmem>> -> memref<64x128xf32, #tpu.memory_space<vmem>>
      %dma_start3A_485 = arith.constant 0 : i32
      %dma_start3A_486 = arith.constant 0 : i32
      %dma_start3A_487 = tpu.memref_slice %dma_start3A_484[%dma_start3A_485, %dma_start3A_486] : memref<64x128xf32, #tpu.memory_space<vmem>> -> memref<64x128xf32, #tpu.memory_space<vmem>>
      %dma_start3A_488 = arith.constant 0 : i32
      %dma_start3A_489 = tpu.memref_slice %arg9[%add3A_42, %dma_start3A_488] : memref<10112x128xf32, #tpu.memory_space<vmem_shared>> -> memref<64x128xf32, #tpu.memory_space<vmem_shared>>
      %dma_start3A_490 = arith.constant 0 : i32
      %dma_start3A_491 = tpu.memref_slice %arg9[%add3A_42, %dma_start3A_490] : memref<10112x128xf32, #tpu.memory_space<vmem_shared>> -> memref<64x128xf32, #tpu.memory_space<vmem_shared>>
      %dma_start3A_492 = arith.constant 0 : i32
      %dma_start3A_493 = arith.constant 0 : i32
      %dma_start3A_494 = tpu.memref_slice %arg8[%run_scoped3A_43, %dma_start3A_492, %dma_start3A_493] : memref<4x64x128xf32, #tpu.memory_space<vmem>> -> memref<1x64x128xf32, #tpu.memory_space<vmem>>
      %dma_start3A_495 = tpu.memref_squeeze %dma_start3A_494 : memref<1x64x128xf32, #tpu.memory_space<vmem>> -> memref<64x128xf32, #tpu.memory_space<vmem>>
      %dma_start3A_496 = arith.constant 0 : i32
      %dma_start3A_497 = arith.constant 0 : i32
      %dma_start3A_498 = tpu.memref_slice %dma_start3A_495[%dma_start3A_496, %dma_start3A_497] : memref<64x128xf32, #tpu.memory_space<vmem>> -> memref<64x128xf32, #tpu.memory_space<vmem>>
      tpu.enqueue_dma source(%dma_start3A_498 : memref<64x128xf32, #tpu.memory_space<vmem>>) target(%dma_start3A_491 : memref<64x128xf32, #tpu.memory_space<vmem_shared>>) target_semaphore(%run_scoped3A_480 : memref<!tpu.dma_semaphore, #tpu.memory_space<semaphore_mem>>)
      %dma_wait3A = arith.constant 0 : i32
      %dma_wait3A_499 = arith.constant 0 : i32
      %dma_wait3A_500 = tpu.memref_slice %arg8[%run_scoped3A_43, %dma_wait3A, %dma_wait3A_499] : memref<4x64x128xf32, #tpu.memory_space<vmem>> -> memref<1x64x128xf32, #tpu.memory_space<vmem>>
      %dma_wait3A_501 = tpu.memref_squeeze %dma_wait3A_500 : memref<1x64x128xf32, #tpu.memory_space<vmem>> -> memref<64x128xf32, #tpu.memory_space<vmem>>
      %dma_wait3A_502 = arith.constant 0 : i32
      %dma_wait3A_503 = arith.constant 0 : i32
      %dma_wait3A_504 = tpu.memref_slice %dma_wait3A_501[%dma_wait3A_502, %dma_wait3A_503] : memref<64x128xf32, #tpu.memory_space<vmem>> -> memref<64x128xf32, #tpu.memory_space<vmem>>
      %dma_wait3A_505 = arith.constant 0 : i32
      %dma_wait3A_506 = tpu.memref_slice %arg9[%add3A_42, %dma_wait3A_505] : memref<10112x128xf32, #tpu.memory_space<vmem_shared>> -> memref<64x128xf32, #tpu.memory_space<vmem_shared>>
      %dma_wait3A_507 = arith.constant 0 : i32
      %dma_wait3A_508 = tpu.memref_slice %arg9[%add3A_42, %dma_wait3A_507] : memref<10112x128xf32, #tpu.memory_space<vmem_shared>> -> memref<64x128xf32, #tpu.memory_space<vmem_shared>>
      %dma_wait3A_509 = arith.constant 0 : i32
      %dma_wait3A_510 = arith.constant 0 : i32
      %dma_wait3A_511 = tpu.memref_slice %arg8[%run_scoped3A_43, %dma_wait3A_509, %dma_wait3A_510] : memref<4x64x128xf32, #tpu.memory_space<vmem>> -> memref<1x64x128xf32, #tpu.memory_space<vmem>>
      %dma_wait3A_512 = tpu.memref_squeeze %dma_wait3A_511 : memref<1x64x128xf32, #tpu.memory_space<vmem>> -> memref<64x128xf32, #tpu.memory_space<vmem>>
      %dma_wait3A_513 = arith.constant 0 : i32
      %dma_wait3A_514 = arith.constant 0 : i32
      %dma_wait3A_515 = tpu.memref_slice %dma_wait3A_512[%dma_wait3A_513, %dma_wait3A_514] : memref<64x128xf32, #tpu.memory_space<vmem>> -> memref<64x128xf32, #tpu.memory_space<vmem>>
      tpu.wait_dma2 semaphore(%run_scoped3A_480 : memref<!tpu.dma_semaphore, #tpu.memory_space<semaphore_mem>>) src(%dma_wait3A_515 : memref<64x128xf32, #tpu.memory_space<vmem>>) dst(%dma_wait3A_508 : memref<64x128xf32, #tpu.memory_space<vmem_shared>>)
      tpu.yield
    }) : () -> ()
    %add3A_44 = arith.constant 192 : i32
    %add3A_45 = arith.addi %mul3A_35, %add3A_44 : i32
    %run_scoped3A_46 = arith.constant 0 : i32
    "tpu.region"() ({
      %run_scoped3A_480 = tpu.sem_alloc : memref<!tpu.dma_semaphore, #tpu.memory_space<semaphore_mem>>
      %dma_start3A_481 = arith.constant 0 : i32
      %dma_start3A_482 = arith.constant 0 : i32
      %dma_start3A_483 = tpu.memref_slice %arg8[%run_scoped3A_46, %dma_start3A_481, %dma_start3A_482] : memref<4x64x128xf32, #tpu.memory_space<vmem>> -> memref<1x64x128xf32, #tpu.memory_space<vmem>>
      %dma_start3A_484 = tpu.memref_squeeze %dma_start3A_483 : memref<1x64x128xf32, #tpu.memory_space<vmem>> -> memref<64x128xf32, #tpu.memory_space<vmem>>
      %dma_start3A_485 = arith.constant 0 : i32
      %dma_start3A_486 = arith.constant 0 : i32
      %dma_start3A_487 = tpu.memref_slice %dma_start3A_484[%dma_start3A_485, %dma_start3A_486] : memref<64x128xf32, #tpu.memory_space<vmem>> -> memref<64x128xf32, #tpu.memory_space<vmem>>
      %dma_start3A_488 = arith.constant 0 : i32
      %dma_start3A_489 = tpu.memref_slice %arg9[%add3A_45, %dma_start3A_488] : memref<10112x128xf32, #tpu.memory_space<vmem_shared>> -> memref<64x128xf32, #tpu.memory_space<vmem_shared>>
      %dma_start3A_490 = arith.constant 0 : i32
      %dma_start3A_491 = tpu.memref_slice %arg9[%add3A_45, %dma_start3A_490] : memref<10112x128xf32, #tpu.memory_space<vmem_shared>> -> memref<64x128xf32, #tpu.memory_space<vmem_shared>>
      %dma_start3A_492 = arith.constant 0 : i32
      %dma_start3A_493 = arith.constant 0 : i32
      %dma_start3A_494 = tpu.memref_slice %arg8[%run_scoped3A_46, %dma_start3A_492, %dma_start3A_493] : memref<4x64x128xf32, #tpu.memory_space<vmem>> -> memref<1x64x128xf32, #tpu.memory_space<vmem>>
      %dma_start3A_495 = tpu.memref_squeeze %dma_start3A_494 : memref<1x64x128xf32, #tpu.memory_space<vmem>> -> memref<64x128xf32, #tpu.memory_space<vmem>>
      %dma_start3A_496 = arith.constant 0 : i32
      %dma_start3A_497 = arith.constant 0 : i32
      %dma_start3A_498 = tpu.memref_slice %dma_start3A_495[%dma_start3A_496, %dma_start3A_497] : memref<64x128xf32, #tpu.memory_space<vmem>> -> memref<64x128xf32, #tpu.memory_space<vmem>>
      tpu.enqueue_dma source(%dma_start3A_498 : memref<64x128xf32, #tpu.memory_space<vmem>>) target(%dma_start3A_491 : memref<64x128xf32, #tpu.memory_space<vmem_shared>>) target_semaphore(%run_scoped3A_480 : memref<!tpu.dma_semaphore, #tpu.memory_space<semaphore_mem>>)
      %dma_wait3A = arith.constant 0 : i32
      %dma_wait3A_499 = arith.constant 0 : i32
      %dma_wait3A_500 = tpu.memref_slice %arg8[%run_scoped3A_46, %dma_wait3A, %dma_wait3A_499] : memref<4x64x128xf32, #tpu.memory_space<vmem>> -> memref<1x64x128xf32, #tpu.memory_space<vmem>>
      %dma_wait3A_501 = tpu.memref_squeeze %dma_wait3A_500 : memref<1x64x128xf32, #tpu.memory_space<vmem>> -> memref<64x128xf32, #tpu.memory_space<vmem>>
      %dma_wait3A_502 = arith.constant 0 : i32
      %dma_wait3A_503 = arith.constant 0 : i32
      %dma_wait3A_504 = tpu.memref_slice %dma_wait3A_501[%dma_wait3A_502, %dma_wait3A_503] : memref<64x128xf32, #tpu.memory_space<vmem>> -> memref<64x128xf32, #tpu.memory_space<vmem>>
      %dma_wait3A_505 = arith.constant 0 : i32
      %dma_wait3A_506 = tpu.memref_slice %arg9[%add3A_45, %dma_wait3A_505] : memref<10112x128xf32, #tpu.memory_space<vmem_shared>> -> memref<64x128xf32, #tpu.memory_space<vmem_shared>>
      %dma_wait3A_507 = arith.constant 0 : i32
      %dma_wait3A_508 = tpu.memref_slice %arg9[%add3A_45, %dma_wait3A_507] : memref<10112x128xf32, #tpu.memory_space<vmem_shared>> -> memref<64x128xf32, #tpu.memory_space<vmem_shared>>
      %dma_wait3A_509 = arith.constant 0 : i32
      %dma_wait3A_510 = arith.constant 0 : i32
      %dma_wait3A_511 = tpu.memref_slice %arg8[%run_scoped3A_46, %dma_wait3A_509, %dma_wait3A_510] : memref<4x64x128xf32, #tpu.memory_space<vmem>> -> memref<1x64x128xf32, #tpu.memory_space<vmem>>
      %dma_wait3A_512 = tpu.memref_squeeze %dma_wait3A_511 : memref<1x64x128xf32, #tpu.memory_space<vmem>> -> memref<64x128xf32, #tpu.memory_space<vmem>>
      %dma_wait3A_513 = arith.constant 0 : i32
      %dma_wait3A_514 = arith.constant 0 : i32
      %dma_wait3A_515 = tpu.memref_slice %dma_wait3A_512[%dma_wait3A_513, %dma_wait3A_514] : memref<64x128xf32, #tpu.memory_space<vmem>> -> memref<64x128xf32, #tpu.memory_space<vmem>>
      tpu.wait_dma2 semaphore(%run_scoped3A_480 : memref<!tpu.dma_semaphore, #tpu.memory_space<semaphore_mem>>) src(%dma_wait3A_515 : memref<64x128xf32, #tpu.memory_space<vmem>>) dst(%dma_wait3A_508 : memref<64x128xf32, #tpu.memory_space<vmem_shared>>)
      tpu.yield
    }) : () -> ()
    %add3A_47 = arith.constant 256 : i32
    %add3A_48 = arith.addi %mul3A_35, %add3A_47 : i32
    %run_scoped3A_49 = arith.constant 0 : i32
    "tpu.region"() ({
      %run_scoped3A_480 = tpu.sem_alloc : memref<!tpu.dma_semaphore, #tpu.memory_space<semaphore_mem>>
      %dma_start3A_481 = arith.constant 0 : i32
      %dma_start3A_482 = arith.constant 0 : i32
      %dma_start3A_483 = tpu.memref_slice %arg8[%run_scoped3A_49, %dma_start3A_481, %dma_start3A_482] : memref<4x64x128xf32, #tpu.memory_space<vmem>> -> memref<1x64x128xf32, #tpu.memory_space<vmem>>
      %dma_start3A_484 = tpu.memref_squeeze %dma_start3A_483 : memref<1x64x128xf32, #tpu.memory_space<vmem>> -> memref<64x128xf32, #tpu.memory_space<vmem>>
      %dma_start3A_485 = arith.constant 0 : i32
      %dma_start3A_486 = arith.constant 0 : i32
      %dma_start3A_487 = tpu.memref_slice %dma_start3A_484[%dma_start3A_485, %dma_start3A_486] : memref<64x128xf32, #tpu.memory_space<vmem>> -> memref<64x128xf32, #tpu.memory_space<vmem>>
      %dma_start3A_488 = arith.constant 0 : i32
      %dma_start3A_489 = tpu.memref_slice %arg9[%add3A_48, %dma_start3A_488] : memref<10112x128xf32, #tpu.memory_space<vmem_shared>> -> memref<64x128xf32, #tpu.memory_space<vmem_shared>>
      %dma_start3A_490 = arith.constant 0 : i32
      %dma_start3A_491 = tpu.memref_slice %arg9[%add3A_48, %dma_start3A_490] : memref<10112x128xf32, #tpu.memory_space<vmem_shared>> -> memref<64x128xf32, #tpu.memory_space<vmem_shared>>
      %dma_start3A_492 = arith.constant 0 : i32
      %dma_start3A_493 = arith.constant 0 : i32
      %dma_start3A_494 = tpu.memref_slice %arg8[%run_scoped3A_49, %dma_start3A_492, %dma_start3A_493] : memref<4x64x128xf32, #tpu.memory_space<vmem>> -> memref<1x64x128xf32, #tpu.memory_space<vmem>>
      %dma_start3A_495 = tpu.memref_squeeze %dma_start3A_494 : memref<1x64x128xf32, #tpu.memory_space<vmem>> -> memref<64x128xf32, #tpu.memory_space<vmem>>
      %dma_start3A_496 = arith.constant 0 : i32
      %dma_start3A_497 = arith.constant 0 : i32
      %dma_start3A_498 = tpu.memref_slice %dma_start3A_495[%dma_start3A_496, %dma_start3A_497] : memref<64x128xf32, #tpu.memory_space<vmem>> -> memref<64x128xf32, #tpu.memory_space<vmem>>
      tpu.enqueue_dma source(%dma_start3A_498 : memref<64x128xf32, #tpu.memory_space<vmem>>) target(%dma_start3A_491 : memref<64x128xf32, #tpu.memory_space<vmem_shared>>) target_semaphore(%run_scoped3A_480 : memref<!tpu.dma_semaphore, #tpu.memory_space<semaphore_mem>>)
      %dma_wait3A = arith.constant 0 : i32
      %dma_wait3A_499 = arith.constant 0 : i32
      %dma_wait3A_500 = tpu.memref_slice %arg8[%run_scoped3A_49, %dma_wait3A, %dma_wait3A_499] : memref<4x64x128xf32, #tpu.memory_space<vmem>> -> memref<1x64x128xf32, #tpu.memory_space<vmem>>
      %dma_wait3A_501 = tpu.memref_squeeze %dma_wait3A_500 : memref<1x64x128xf32, #tpu.memory_space<vmem>> -> memref<64x128xf32, #tpu.memory_space<vmem>>
      %dma_wait3A_502 = arith.constant 0 : i32
      %dma_wait3A_503 = arith.constant 0 : i32
      %dma_wait3A_504 = tpu.memref_slice %dma_wait3A_501[%dma_wait3A_502, %dma_wait3A_503] : memref<64x128xf32, #tpu.memory_space<vmem>> -> memref<64x128xf32, #tpu.memory_space<vmem>>
      %dma_wait3A_505 = arith.constant 0 : i32
      %dma_wait3A_506 = tpu.memref_slice %arg9[%add3A_48, %dma_wait3A_505] : memref<10112x128xf32, #tpu.memory_space<vmem_shared>> -> memref<64x128xf32, #tpu.memory_space<vmem_shared>>
      %dma_wait3A_507 = arith.constant 0 : i32
      %dma_wait3A_508 = tpu.memref_slice %arg9[%add3A_48, %dma_wait3A_507] : memref<10112x128xf32, #tpu.memory_space<vmem_shared>> -> memref<64x128xf32, #tpu.memory_space<vmem_shared>>
      %dma_wait3A_509 = arith.constant 0 : i32
      %dma_wait3A_510 = arith.constant 0 : i32
      %dma_wait3A_511 = tpu.memref_slice %arg8[%run_scoped3A_49, %dma_wait3A_509, %dma_wait3A_510] : memref<4x64x128xf32, #tpu.memory_space<vmem>> -> memref<1x64x128xf32, #tpu.memory_space<vmem>>
      %dma_wait3A_512 = tpu.memref_squeeze %dma_wait3A_511 : memref<1x64x128xf32, #tpu.memory_space<vmem>> -> memref<64x128xf32, #tpu.memory_space<vmem>>
      %dma_wait3A_513 = arith.constant 0 : i32
      %dma_wait3A_514 = arith.constant 0 : i32
      %dma_wait3A_515 = tpu.memref_slice %dma_wait3A_512[%dma_wait3A_513, %dma_wait3A_514] : memref<64x128xf32, #tpu.memory_space<vmem>> -> memref<64x128xf32, #tpu.memory_space<vmem>>
      tpu.wait_dma2 semaphore(%run_scoped3A_480 : memref<!tpu.dma_semaphore, #tpu.memory_space<semaphore_mem>>) src(%dma_wait3A_515 : memref<64x128xf32, #tpu.memory_space<vmem>>) dst(%dma_wait3A_508 : memref<64x128xf32, #tpu.memory_space<vmem_shared>>)
      tpu.yield
    }) : () -> ()
    %add3A_50 = arith.constant 320 : i32
    %add3A_51 = arith.addi %mul3A_35, %add3A_50 : i32
    %run_scoped3A_52 = arith.constant 0 : i32
    "tpu.region"() ({
      %run_scoped3A_480 = tpu.sem_alloc : memref<!tpu.dma_semaphore, #tpu.memory_space<semaphore_mem>>
      %dma_start3A_481 = arith.constant 0 : i32
      %dma_start3A_482 = arith.constant 0 : i32
      %dma_start3A_483 = tpu.memref_slice %arg8[%run_scoped3A_52, %dma_start3A_481, %dma_start3A_482] : memref<4x64x128xf32, #tpu.memory_space<vmem>> -> memref<1x64x128xf32, #tpu.memory_space<vmem>>
      %dma_start3A_484 = tpu.memref_squeeze %dma_start3A_483 : memref<1x64x128xf32, #tpu.memory_space<vmem>> -> memref<64x128xf32, #tpu.memory_space<vmem>>
      %dma_start3A_485 = arith.constant 0 : i32
      %dma_start3A_486 = arith.constant 0 : i32
      %dma_start3A_487 = tpu.memref_slice %dma_start3A_484[%dma_start3A_485, %dma_start3A_486] : memref<64x128xf32, #tpu.memory_space<vmem>> -> memref<64x128xf32, #tpu.memory_space<vmem>>
      %dma_start3A_488 = arith.constant 0 : i32
      %dma_start3A_489 = tpu.memref_slice %arg9[%add3A_51, %dma_start3A_488] : memref<10112x128xf32, #tpu.memory_space<vmem_shared>> -> memref<64x128xf32, #tpu.memory_space<vmem_shared>>
      %dma_start3A_490 = arith.constant 0 : i32
      %dma_start3A_491 = tpu.memref_slice %arg9[%add3A_51, %dma_start3A_490] : memref<10112x128xf32, #tpu.memory_space<vmem_shared>> -> memref<64x128xf32, #tpu.memory_space<vmem_shared>>
      %dma_start3A_492 = arith.constant 0 : i32
      %dma_start3A_493 = arith.constant 0 : i32
      %dma_start3A_494 = tpu.memref_slice %arg8[%run_scoped3A_52, %dma_start3A_492, %dma_start3A_493] : memref<4x64x128xf32, #tpu.memory_space<vmem>> -> memref<1x64x128xf32, #tpu.memory_space<vmem>>
      %dma_start3A_495 = tpu.memref_squeeze %dma_start3A_494 : memref<1x64x128xf32, #tpu.memory_space<vmem>> -> memref<64x128xf32, #tpu.memory_space<vmem>>
      %dma_start3A_496 = arith.constant 0 : i32
      %dma_start3A_497 = arith.constant 0 : i32
      %dma_start3A_498 = tpu.memref_slice %dma_start3A_495[%dma_start3A_496, %dma_start3A_497] : memref<64x128xf32, #tpu.memory_space<vmem>> -> memref<64x128xf32, #tpu.memory_space<vmem>>
      tpu.enqueue_dma source(%dma_start3A_498 : memref<64x128xf32, #tpu.memory_space<vmem>>) target(%dma_start3A_491 : memref<64x128xf32, #tpu.memory_space<vmem_shared>>) target_semaphore(%run_scoped3A_480 : memref<!tpu.dma_semaphore, #tpu.memory_space<semaphore_mem>>)
      %dma_wait3A = arith.constant 0 : i32
      %dma_wait3A_499 = arith.constant 0 : i32
      %dma_wait3A_500 = tpu.memref_slice %arg8[%run_scoped3A_52, %dma_wait3A, %dma_wait3A_499] : memref<4x64x128xf32, #tpu.memory_space<vmem>> -> memref<1x64x128xf32, #tpu.memory_space<vmem>>
      %dma_wait3A_501 = tpu.memref_squeeze %dma_wait3A_500 : memref<1x64x128xf32, #tpu.memory_space<vmem>> -> memref<64x128xf32, #tpu.memory_space<vmem>>
      %dma_wait3A_502 = arith.constant 0 : i32
      %dma_wait3A_503 = arith.constant 0 : i32
      %dma_wait3A_504 = tpu.memref_slice %dma_wait3A_501[%dma_wait3A_502, %dma_wait3A_503] : memref<64x128xf32, #tpu.memory_space<vmem>> -> memref<64x128xf32, #tpu.memory_space<vmem>>
      %dma_wait3A_505 = arith.constant 0 : i32
      %dma_wait3A_506 = tpu.memref_slice %arg9[%add3A_51, %dma_wait3A_505] : memref<10112x128xf32, #tpu.memory_space<vmem_shared>> -> memref<64x128xf32, #tpu.memory_space<vmem_shared>>
      %dma_wait3A_507 = arith.constant 0 : i32
      %dma_wait3A_508 = tpu.memref_slice %arg9[%add3A_51, %dma_wait3A_507] : memref<10112x128xf32, #tpu.memory_space<vmem_shared>> -> memref<64x128xf32, #tpu.memory_space<vmem_shared>>
      %dma_wait3A_509 = arith.constant 0 : i32
      %dma_wait3A_510 = arith.constant 0 : i32
      %dma_wait3A_511 = tpu.memref_slice %arg8[%run_scoped3A_52, %dma_wait3A_509, %dma_wait3A_510] : memref<4x64x128xf32, #tpu.memory_space<vmem>> -> memref<1x64x128xf32, #tpu.memory_space<vmem>>
      %dma_wait3A_512 = tpu.memref_squeeze %dma_wait3A_511 : memref<1x64x128xf32, #tpu.memory_space<vmem>> -> memref<64x128xf32, #tpu.memory_space<vmem>>
      %dma_wait3A_513 = arith.constant 0 : i32
      %dma_wait3A_514 = arith.constant 0 : i32
      %dma_wait3A_515 = tpu.memref_slice %dma_wait3A_512[%dma_wait3A_513, %dma_wait3A_514] : memref<64x128xf32, #tpu.memory_space<vmem>> -> memref<64x128xf32, #tpu.memory_space<vmem>>
      tpu.wait_dma2 semaphore(%run_scoped3A_480 : memref<!tpu.dma_semaphore, #tpu.memory_space<semaphore_mem>>) src(%dma_wait3A_515 : memref<64x128xf32, #tpu.memory_space<vmem>>) dst(%dma_wait3A_508 : memref<64x128xf32, #tpu.memory_space<vmem_shared>>)
      tpu.yield
    }) : () -> ()
    %add3A_53 = arith.constant 384 : i32
    %add3A_54 = arith.addi %mul3A_35, %add3A_53 : i32
    %run_scoped3A_55 = arith.constant 0 : i32
    "tpu.region"() ({
      %run_scoped3A_480 = tpu.sem_alloc : memref<!tpu.dma_semaphore, #tpu.memory_space<semaphore_mem>>
      %dma_start3A_481 = arith.constant 0 : i32
      %dma_start3A_482 = arith.constant 0 : i32
      %dma_start3A_483 = tpu.memref_slice %arg8[%run_scoped3A_55, %dma_start3A_481, %dma_start3A_482] : memref<4x64x128xf32, #tpu.memory_space<vmem>> -> memref<1x64x128xf32, #tpu.memory_space<vmem>>
      %dma_start3A_484 = tpu.memref_squeeze %dma_start3A_483 : memref<1x64x128xf32, #tpu.memory_space<vmem>> -> memref<64x128xf32, #tpu.memory_space<vmem>>
      %dma_start3A_485 = arith.constant 0 : i32
      %dma_start3A_486 = arith.constant 0 : i32
      %dma_start3A_487 = tpu.memref_slice %dma_start3A_484[%dma_start3A_485, %dma_start3A_486] : memref<64x128xf32, #tpu.memory_space<vmem>> -> memref<64x128xf32, #tpu.memory_space<vmem>>
      %dma_start3A_488 = arith.constant 0 : i32
      %dma_start3A_489 = tpu.memref_slice %arg9[%add3A_54, %dma_start3A_488] : memref<10112x128xf32, #tpu.memory_space<vmem_shared>> -> memref<64x128xf32, #tpu.memory_space<vmem_shared>>
      %dma_start3A_490 = arith.constant 0 : i32
      %dma_start3A_491 = tpu.memref_slice %arg9[%add3A_54, %dma_start3A_490] : memref<10112x128xf32, #tpu.memory_space<vmem_shared>> -> memref<64x128xf32, #tpu.memory_space<vmem_shared>>
      %dma_start3A_492 = arith.constant 0 : i32
      %dma_start3A_493 = arith.constant 0 : i32
      %dma_start3A_494 = tpu.memref_slice %arg8[%run_scoped3A_55, %dma_start3A_492, %dma_start3A_493] : memref<4x64x128xf32, #tpu.memory_space<vmem>> -> memref<1x64x128xf32, #tpu.memory_space<vmem>>
      %dma_start3A_495 = tpu.memref_squeeze %dma_start3A_494 : memref<1x64x128xf32, #tpu.memory_space<vmem>> -> memref<64x128xf32, #tpu.memory_space<vmem>>
      %dma_start3A_496 = arith.constant 0 : i32
      %dma_start3A_497 = arith.constant 0 : i32
      %dma_start3A_498 = tpu.memref_slice %dma_start3A_495[%dma_start3A_496, %dma_start3A_497] : memref<64x128xf32, #tpu.memory_space<vmem>> -> memref<64x128xf32, #tpu.memory_space<vmem>>
      tpu.enqueue_dma source(%dma_start3A_498 : memref<64x128xf32, #tpu.memory_space<vmem>>) target(%dma_start3A_491 : memref<64x128xf32, #tpu.memory_space<vmem_shared>>) target_semaphore(%run_scoped3A_480 : memref<!tpu.dma_semaphore, #tpu.memory_space<semaphore_mem>>)
      %dma_wait3A = arith.constant 0 : i32
      %dma_wait3A_499 = arith.constant 0 : i32
      %dma_wait3A_500 = tpu.memref_slice %arg8[%run_scoped3A_55, %dma_wait3A, %dma_wait3A_499] : memref<4x64x128xf32, #tpu.memory_space<vmem>> -> memref<1x64x128xf32, #tpu.memory_space<vmem>>
      %dma_wait3A_501 = tpu.memref_squeeze %dma_wait3A_500 : memref<1x64x128xf32, #tpu.memory_space<vmem>> -> memref<64x128xf32, #tpu.memory_space<vmem>>
      %dma_wait3A_502 = arith.constant 0 : i32
      %dma_wait3A_503 = arith.constant 0 : i32
      %dma_wait3A_504 = tpu.memref_slice %dma_wait3A_501[%dma_wait3A_502, %dma_wait3A_503] : memref<64x128xf32, #tpu.memory_space<vmem>> -> memref<64x128xf32, #tpu.memory_space<vmem>>
      %dma_wait3A_505 = arith.constant 0 : i32
      %dma_wait3A_506 = tpu.memref_slice %arg9[%add3A_54, %dma_wait3A_505] : memref<10112x128xf32, #tpu.memory_space<vmem_shared>> -> memref<64x128xf32, #tpu.memory_space<vmem_shared>>
      %dma_wait3A_507 = arith.constant 0 : i32
      %dma_wait3A_508 = tpu.memref_slice %arg9[%add3A_54, %dma_wait3A_507] : memref<10112x128xf32, #tpu.memory_space<vmem_shared>> -> memref<64x128xf32, #tpu.memory_space<vmem_shared>>
      %dma_wait3A_509 = arith.constant 0 : i32
      %dma_wait3A_510 = arith.constant 0 : i32
      %dma_wait3A_511 = tpu.memref_slice %arg8[%run_scoped3A_55, %dma_wait3A_509, %dma_wait3A_510] : memref<4x64x128xf32, #tpu.memory_space<vmem>> -> memref<1x64x128xf32, #tpu.memory_space<vmem>>
      %dma_wait3A_512 = tpu.memref_squeeze %dma_wait3A_511 : memref<1x64x128xf32, #tpu.memory_space<vmem>> -> memref<64x128xf32, #tpu.memory_space<vmem>>
      %dma_wait3A_513 = arith.constant 0 : i32
      %dma_wait3A_514 = arith.constant 0 : i32
      %dma_wait3A_515 = tpu.memref_slice %dma_wait3A_512[%dma_wait3A_513, %dma_wait3A_514] : memref<64x128xf32, #tpu.memory_space<vmem>> -> memref<64x128xf32, #tpu.memory_space<vmem>>
      tpu.wait_dma2 semaphore(%run_scoped3A_480 : memref<!tpu.dma_semaphore, #tpu.memory_space<semaphore_mem>>) src(%dma_wait3A_515 : memref<64x128xf32, #tpu.memory_space<vmem>>) dst(%dma_wait3A_508 : memref<64x128xf32, #tpu.memory_space<vmem_shared>>)
      tpu.yield
    }) : () -> ()
    %add3A_56 = arith.constant 448 : i32
    %add3A_57 = arith.addi %mul3A_35, %add3A_56 : i32
    %run_scoped3A_58 = arith.constant 0 : i32
    "tpu.region"() ({
      %run_scoped3A_480 = tpu.sem_alloc : memref<!tpu.dma_semaphore, #tpu.memory_space<semaphore_mem>>
      %dma_start3A_481 = arith.constant 0 : i32
      %dma_start3A_482 = arith.constant 0 : i32
      %dma_start3A_483 = tpu.memref_slice %arg8[%run_scoped3A_58, %dma_start3A_481, %dma_start3A_482] : memref<4x64x128xf32, #tpu.memory_space<vmem>> -> memref<1x64x128xf32, #tpu.memory_space<vmem>>
      %dma_start3A_484 = tpu.memref_squeeze %dma_start3A_483 : memref<1x64x128xf32, #tpu.memory_space<vmem>> -> memref<64x128xf32, #tpu.memory_space<vmem>>
      %dma_start3A_485 = arith.constant 0 : i32
      %dma_start3A_486 = arith.constant 0 : i32
      %dma_start3A_487 = tpu.memref_slice %dma_start3A_484[%dma_start3A_485, %dma_start3A_486] : memref<64x128xf32, #tpu.memory_space<vmem>> -> memref<64x128xf32, #tpu.memory_space<vmem>>
      %dma_start3A_488 = arith.constant 0 : i32
      %dma_start3A_489 = tpu.memref_slice %arg9[%add3A_57, %dma_start3A_488] : memref<10112x128xf32, #tpu.memory_space<vmem_shared>> -> memref<64x128xf32, #tpu.memory_space<vmem_shared>>
      %dma_start3A_490 = arith.constant 0 : i32
      %dma_start3A_491 = tpu.memref_slice %arg9[%add3A_57, %dma_start3A_490] : memref<10112x128xf32, #tpu.memory_space<vmem_shared>> -> memref<64x128xf32, #tpu.memory_space<vmem_shared>>
      %dma_start3A_492 = arith.constant 0 : i32
      %dma_start3A_493 = arith.constant 0 : i32
      %dma_start3A_494 = tpu.memref_slice %arg8[%run_scoped3A_58, %dma_start3A_492, %dma_start3A_493] : memref<4x64x128xf32, #tpu.memory_space<vmem>> -> memref<1x64x128xf32, #tpu.memory_space<vmem>>
      %dma_start3A_495 = tpu.memref_squeeze %dma_start3A_494 : memref<1x64x128xf32, #tpu.memory_space<vmem>> -> memref<64x128xf32, #tpu.memory_space<vmem>>
      %dma_start3A_496 = arith.constant 0 : i32
      %dma_start3A_497 = arith.constant 0 : i32
      %dma_start3A_498 = tpu.memref_slice %dma_start3A_495[%dma_start3A_496, %dma_start3A_497] : memref<64x128xf32, #tpu.memory_space<vmem>> -> memref<64x128xf32, #tpu.memory_space<vmem>>
      tpu.enqueue_dma source(%dma_start3A_498 : memref<64x128xf32, #tpu.memory_space<vmem>>) target(%dma_start3A_491 : memref<64x128xf32, #tpu.memory_space<vmem_shared>>) target_semaphore(%run_scoped3A_480 : memref<!tpu.dma_semaphore, #tpu.memory_space<semaphore_mem>>)
      %dma_wait3A = arith.constant 0 : i32
      %dma_wait3A_499 = arith.constant 0 : i32
      %dma_wait3A_500 = tpu.memref_slice %arg8[%run_scoped3A_58, %dma_wait3A, %dma_wait3A_499] : memref<4x64x128xf32, #tpu.memory_space<vmem>> -> memref<1x64x128xf32, #tpu.memory_space<vmem>>
      %dma_wait3A_501 = tpu.memref_squeeze %dma_wait3A_500 : memref<1x64x128xf32, #tpu.memory_space<vmem>> -> memref<64x128xf32, #tpu.memory_space<vmem>>
      %dma_wait3A_502 = arith.constant 0 : i32
      %dma_wait3A_503 = arith.constant 0 : i32
      %dma_wait3A_504 = tpu.memref_slice %dma_wait3A_501[%dma_wait3A_502, %dma_wait3A_503] : memref<64x128xf32, #tpu.memory_space<vmem>> -> memref<64x128xf32, #tpu.memory_space<vmem>>
      %dma_wait3A_505 = arith.constant 0 : i32
      %dma_wait3A_506 = tpu.memref_slice %arg9[%add3A_57, %dma_wait3A_505] : memref<10112x128xf32, #tpu.memory_space<vmem_shared>> -> memref<64x128xf32, #tpu.memory_space<vmem_shared>>
      %dma_wait3A_507 = arith.constant 0 : i32
      %dma_wait3A_508 = tpu.memref_slice %arg9[%add3A_57, %dma_wait3A_507] : memref<10112x128xf32, #tpu.memory_space<vmem_shared>> -> memref<64x128xf32, #tpu.memory_space<vmem_shared>>
      %dma_wait3A_509 = arith.constant 0 : i32
      %dma_wait3A_510 = arith.constant 0 : i32
      %dma_wait3A_511 = tpu.memref_slice %arg8[%run_scoped3A_58, %dma_wait3A_509, %dma_wait3A_510] : memref<4x64x128xf32, #tpu.memory_space<vmem>> -> memref<1x64x128xf32, #tpu.memory_space<vmem>>
      %dma_wait3A_512 = tpu.memref_squeeze %dma_wait3A_511 : memref<1x64x128xf32, #tpu.memory_space<vmem>> -> memref<64x128xf32, #tpu.memory_space<vmem>>
      %dma_wait3A_513 = arith.constant 0 : i32
      %dma_wait3A_514 = arith.constant 0 : i32
      %dma_wait3A_515 = tpu.memref_slice %dma_wait3A_512[%dma_wait3A_513, %dma_wait3A_514] : memref<64x128xf32, #tpu.memory_space<vmem>> -> memref<64x128xf32, #tpu.memory_space<vmem>>
      tpu.wait_dma2 semaphore(%run_scoped3A_480 : memref<!tpu.dma_semaphore, #tpu.memory_space<semaphore_mem>>) src(%dma_wait3A_515 : memref<64x128xf32, #tpu.memory_space<vmem>>) dst(%dma_wait3A_508 : memref<64x128xf32, #tpu.memory_space<vmem_shared>>)
      tpu.yield
    }) : () -> ()
    %add3A_59 = arith.constant 512 : i32
    %add3A_60 = arith.addi %mul3A_35, %add3A_59 : i32
    %run_scoped3A_61 = arith.constant 0 : i32
    "tpu.region"() ({
      %run_scoped3A_480 = tpu.sem_alloc : memref<!tpu.dma_semaphore, #tpu.memory_space<semaphore_mem>>
      %dma_start3A_481 = arith.constant 0 : i32
      %dma_start3A_482 = arith.constant 0 : i32
      %dma_start3A_483 = tpu.memref_slice %arg8[%run_scoped3A_61, %dma_start3A_481, %dma_start3A_482] : memref<4x64x128xf32, #tpu.memory_space<vmem>> -> memref<1x64x128xf32, #tpu.memory_space<vmem>>
      %dma_start3A_484 = tpu.memref_squeeze %dma_start3A_483 : memref<1x64x128xf32, #tpu.memory_space<vmem>> -> memref<64x128xf32, #tpu.memory_space<vmem>>
      %dma_start3A_485 = arith.constant 0 : i32
      %dma_start3A_486 = arith.constant 0 : i32
      %dma_start3A_487 = tpu.memref_slice %dma_start3A_484[%dma_start3A_485, %dma_start3A_486] : memref<64x128xf32, #tpu.memory_space<vmem>> -> memref<64x128xf32, #tpu.memory_space<vmem>>
      %dma_start3A_488 = arith.constant 0 : i32
      %dma_start3A_489 = tpu.memref_slice %arg9[%add3A_60, %dma_start3A_488] : memref<10112x128xf32, #tpu.memory_space<vmem_shared>> -> memref<64x128xf32, #tpu.memory_space<vmem_shared>>
      %dma_start3A_490 = arith.constant 0 : i32
      %dma_start3A_491 = tpu.memref_slice %arg9[%add3A_60, %dma_start3A_490] : memref<10112x128xf32, #tpu.memory_space<vmem_shared>> -> memref<64x128xf32, #tpu.memory_space<vmem_shared>>
      %dma_start3A_492 = arith.constant 0 : i32
      %dma_start3A_493 = arith.constant 0 : i32
      %dma_start3A_494 = tpu.memref_slice %arg8[%run_scoped3A_61, %dma_start3A_492, %dma_start3A_493] : memref<4x64x128xf32, #tpu.memory_space<vmem>> -> memref<1x64x128xf32, #tpu.memory_space<vmem>>
      %dma_start3A_495 = tpu.memref_squeeze %dma_start3A_494 : memref<1x64x128xf32, #tpu.memory_space<vmem>> -> memref<64x128xf32, #tpu.memory_space<vmem>>
      %dma_start3A_496 = arith.constant 0 : i32
      %dma_start3A_497 = arith.constant 0 : i32
      %dma_start3A_498 = tpu.memref_slice %dma_start3A_495[%dma_start3A_496, %dma_start3A_497] : memref<64x128xf32, #tpu.memory_space<vmem>> -> memref<64x128xf32, #tpu.memory_space<vmem>>
      tpu.enqueue_dma source(%dma_start3A_498 : memref<64x128xf32, #tpu.memory_space<vmem>>) target(%dma_start3A_491 : memref<64x128xf32, #tpu.memory_space<vmem_shared>>) target_semaphore(%run_scoped3A_480 : memref<!tpu.dma_semaphore, #tpu.memory_space<semaphore_mem>>)
      %dma_wait3A = arith.constant 0 : i32
      %dma_wait3A_499 = arith.constant 0 : i32
      %dma_wait3A_500 = tpu.memref_slice %arg8[%run_scoped3A_61, %dma_wait3A, %dma_wait3A_499] : memref<4x64x128xf32, #tpu.memory_space<vmem>> -> memref<1x64x128xf32, #tpu.memory_space<vmem>>
      %dma_wait3A_501 = tpu.memref_squeeze %dma_wait3A_500 : memref<1x64x128xf32, #tpu.memory_space<vmem>> -> memref<64x128xf32, #tpu.memory_space<vmem>>
      %dma_wait3A_502 = arith.constant 0 : i32
      %dma_wait3A_503 = arith.constant 0 : i32
      %dma_wait3A_504 = tpu.memref_slice %dma_wait3A_501[%dma_wait3A_502, %dma_wait3A_503] : memref<64x128xf32, #tpu.memory_space<vmem>> -> memref<64x128xf32, #tpu.memory_space<vmem>>
      %dma_wait3A_505 = arith.constant 0 : i32
      %dma_wait3A_506 = tpu.memref_slice %arg9[%add3A_60, %dma_wait3A_505] : memref<10112x128xf32, #tpu.memory_space<vmem_shared>> -> memref<64x128xf32, #tpu.memory_space<vmem_shared>>
      %dma_wait3A_507 = arith.constant 0 : i32
      %dma_wait3A_508 = tpu.memref_slice %arg9[%add3A_60, %dma_wait3A_507] : memref<10112x128xf32, #tpu.memory_space<vmem_shared>> -> memref<64x128xf32, #tpu.memory_space<vmem_shared>>
      %dma_wait3A_509 = arith.constant 0 : i32
      %dma_wait3A_510 = arith.constant 0 : i32
      %dma_wait3A_511 = tpu.memref_slice %arg8[%run_scoped3A_61, %dma_wait3A_509, %dma_wait3A_510] : memref<4x64x128xf32, #tpu.memory_space<vmem>> -> memref<1x64x128xf32, #tpu.memory_space<vmem>>
      %dma_wait3A_512 = tpu.memref_squeeze %dma_wait3A_511 : memref<1x64x128xf32, #tpu.memory_space<vmem>> -> memref<64x128xf32, #tpu.memory_space<vmem>>
      %dma_wait3A_513 = arith.constant 0 : i32
      %dma_wait3A_514 = arith.constant 0 : i32
      %dma_wait3A_515 = tpu.memref_slice %dma_wait3A_512[%dma_wait3A_513, %dma_wait3A_514] : memref<64x128xf32, #tpu.memory_space<vmem>> -> memref<64x128xf32, #tpu.memory_space<vmem>>
      tpu.wait_dma2 semaphore(%run_scoped3A_480 : memref<!tpu.dma_semaphore, #tpu.memory_space<semaphore_mem>>) src(%dma_wait3A_515 : memref<64x128xf32, #tpu.memory_space<vmem>>) dst(%dma_wait3A_508 : memref<64x128xf32, #tpu.memory_space<vmem_shared>>)
      tpu.yield
    }) : () -> ()
    %add3A_62 = arith.constant 576 : i32
    %add3A_63 = arith.addi %mul3A_35, %add3A_62 : i32
    %run_scoped3A_64 = arith.constant 0 : i32
    "tpu.region"() ({
      %run_scoped3A_480 = tpu.sem_alloc : memref<!tpu.dma_semaphore, #tpu.memory_space<semaphore_mem>>
      %dma_start3A_481 = arith.constant 0 : i32
      %dma_start3A_482 = arith.constant 0 : i32
      %dma_start3A_483 = tpu.memref_slice %arg8[%run_scoped3A_64, %dma_start3A_481, %dma_start3A_482] : memref<4x64x128xf32, #tpu.memory_space<vmem>> -> memref<1x64x128xf32, #tpu.memory_space<vmem>>
      %dma_start3A_484 = tpu.memref_squeeze %dma_start3A_483 : memref<1x64x128xf32, #tpu.memory_space<vmem>> -> memref<64x128xf32, #tpu.memory_space<vmem>>
      %dma_start3A_485 = arith.constant 0 : i32
      %dma_start3A_486 = arith.constant 0 : i32
      %dma_start3A_487 = tpu.memref_slice %dma_start3A_484[%dma_start3A_485, %dma_start3A_486] : memref<64x128xf32, #tpu.memory_space<vmem>> -> memref<56x128xf32, #tpu.memory_space<vmem>>
      %dma_start3A_488 = arith.constant 0 : i32
      %dma_start3A_489 = tpu.memref_slice %arg9[%add3A_63, %dma_start3A_488] : memref<10112x128xf32, #tpu.memory_space<vmem_shared>> -> memref<56x128xf32, #tpu.memory_space<vmem_shared>>
      %dma_start3A_490 = arith.constant 0 : i32
      %dma_start3A_491 = tpu.memref_slice %arg9[%add3A_63, %dma_start3A_490] : memref<10112x128xf32, #tpu.memory_space<vmem_shared>> -> memref<56x128xf32, #tpu.memory_space<vmem_shared>>
      %dma_start3A_492 = arith.constant 0 : i32
      %dma_start3A_493 = arith.constant 0 : i32
      %dma_start3A_494 = tpu.memref_slice %arg8[%run_scoped3A_64, %dma_start3A_492, %dma_start3A_493] : memref<4x64x128xf32, #tpu.memory_space<vmem>> -> memref<1x64x128xf32, #tpu.memory_space<vmem>>
      %dma_start3A_495 = tpu.memref_squeeze %dma_start3A_494 : memref<1x64x128xf32, #tpu.memory_space<vmem>> -> memref<64x128xf32, #tpu.memory_space<vmem>>
      %dma_start3A_496 = arith.constant 0 : i32
      %dma_start3A_497 = arith.constant 0 : i32
      %dma_start3A_498 = tpu.memref_slice %dma_start3A_495[%dma_start3A_496, %dma_start3A_497] : memref<64x128xf32, #tpu.memory_space<vmem>> -> memref<56x128xf32, #tpu.memory_space<vmem>>
      tpu.enqueue_dma source(%dma_start3A_498 : memref<56x128xf32, #tpu.memory_space<vmem>>) target(%dma_start3A_491 : memref<56x128xf32, #tpu.memory_space<vmem_shared>>) target_semaphore(%run_scoped3A_480 : memref<!tpu.dma_semaphore, #tpu.memory_space<semaphore_mem>>)
      %dma_wait3A = arith.constant 0 : i32
      %dma_wait3A_499 = arith.constant 0 : i32
      %dma_wait3A_500 = tpu.memref_slice %arg8[%run_scoped3A_64, %dma_wait3A, %dma_wait3A_499] : memref<4x64x128xf32, #tpu.memory_space<vmem>> -> memref<1x64x128xf32, #tpu.memory_space<vmem>>
      %dma_wait3A_501 = tpu.memref_squeeze %dma_wait3A_500 : memref<1x64x128xf32, #tpu.memory_space<vmem>> -> memref<64x128xf32, #tpu.memory_space<vmem>>
      %dma_wait3A_502 = arith.constant 0 : i32
      %dma_wait3A_503 = arith.constant 0 : i32
      %dma_wait3A_504 = tpu.memref_slice %dma_wait3A_501[%dma_wait3A_502, %dma_wait3A_503] : memref<64x128xf32, #tpu.memory_space<vmem>> -> memref<56x128xf32, #tpu.memory_space<vmem>>
      %dma_wait3A_505 = arith.constant 0 : i32
      %dma_wait3A_506 = tpu.memref_slice %arg9[%add3A_63, %dma_wait3A_505] : memref<10112x128xf32, #tpu.memory_space<vmem_shared>> -> memref<56x128xf32, #tpu.memory_space<vmem_shared>>
      %dma_wait3A_507 = arith.constant 0 : i32
      %dma_wait3A_508 = tpu.memref_slice %arg9[%add3A_63, %dma_wait3A_507] : memref<10112x128xf32, #tpu.memory_space<vmem_shared>> -> memref<56x128xf32, #tpu.memory_space<vmem_shared>>
      %dma_wait3A_509 = arith.constant 0 : i32
      %dma_wait3A_510 = arith.constant 0 : i32
      %dma_wait3A_511 = tpu.memref_slice %arg8[%run_scoped3A_64, %dma_wait3A_509, %dma_wait3A_510] : memref<4x64x128xf32, #tpu.memory_space<vmem>> -> memref<1x64x128xf32, #tpu.memory_space<vmem>>
      %dma_wait3A_512 = tpu.memref_squeeze %dma_wait3A_511 : memref<1x64x128xf32, #tpu.memory_space<vmem>> -> memref<64x128xf32, #tpu.memory_space<vmem>>
      %dma_wait3A_513 = arith.constant 0 : i32
      %dma_wait3A_514 = arith.constant 0 : i32
      %dma_wait3A_515 = tpu.memref_slice %dma_wait3A_512[%dma_wait3A_513, %dma_wait3A_514] : memref<64x128xf32, #tpu.memory_space<vmem>> -> memref<56x128xf32, #tpu.memory_space<vmem>>
      tpu.wait_dma2 semaphore(%run_scoped3A_480 : memref<!tpu.dma_semaphore, #tpu.memory_space<semaphore_mem>>) src(%dma_wait3A_515 : memref<56x128xf32, #tpu.memory_space<vmem>>) dst(%dma_wait3A_508 : memref<56x128xf32, #tpu.memory_space<vmem_shared>>)
      tpu.yield
    }) : () -> ()
    %barrier3A = arith.constant 0 : index
    tpu.barrier barrier_id(%barrier3A)
    %shift_right_logical3A_65 = arith.constant 0 : i32
    %shift_right_logical3A_66 = arith.constant 1 : i32
    %shift_right_logical3A_67 = arith.shrui %shift_right_logical3A_65, %shift_right_logical3A_66 : i32
    %and3A = arith.constant 0 : i32
    %and3A_68 = arith.constant 1 : i32
    %and3A_69 = arith.andi %and3A, %and3A_68 : i32
    %mul3A_70 = arith.constant 64 : i32
    %mul3A_71 = arith.muli %and3A_69, %mul3A_70 : i32
    %add3A_72 = arith.constant 0 : i32
    %add3A_73 = arith.addi %mul3A_71, %add3A_72 : i32
    %get3A = arith.index_cast %shift_right_logical3A_67 : i32 to index
    %get3A_74 = arith.index_cast %add3A_73 : i32 to index
    %get3A_75 = tpu.vector_load %arg5[%get3A, %get3A_74] {strides = array<i32>} : memref<128x128xi32, #tpu.memory_space<vmem>>, vector<1x16xi32>,
    %get3A_76 = vector.shape_cast %get3A_75 : vector<1x16xi32> to vector<16xi32>
    %and3A_77 = arith.constant 16383 : i32
    %and3A_78 = vector.broadcast %and3A_77 : i32 to vector<16xi32>
    %and3A_79 = arith.andi %get3A_76, %and3A_78 : vector<16xi32>
    %swap3A = arith.constant 0 : i32
    %swap3A_80 = arith.index_cast %swap3A : i32 to index
    %swap3A_81 = arith.constant 0 : index
    %swap3A_82 = tpu.vector_load %arg6[%swap3A_80, %swap3A_81] {strides = array<i32>} : memref<4x64xi32, #tpu.memory_space<vmem>>, vector<1x16xi32>,
    %swap3A_83 = vector.shape_cast %swap3A_82 : vector<1x16xi32> to vector<16xi32>
    %swap3A_84 = vector.shape_cast %and3A_79 : vector<16xi32> to vector<1x16xi32>
    tpu.vector_store %arg6[%swap3A_80, %swap3A_81], %swap3A_84 {strides = array<i32>} : memref<4x64xi32, #tpu.memory_space<vmem>>, vector<1x16xi32>,
    %shift_right_logical3A_85 = arith.constant 14 : i32
    %shift_right_logical3A_86 = vector.broadcast %shift_right_logical3A_85 : i32 to vector<16xi32>
    %shift_right_logical3A_87 = arith.shrui %get3A_76, %shift_right_logical3A_86 : vector<16xi32>
    %swap3A_88 = arith.constant 0 : i32
    %swap3A_89 = arith.index_cast %swap3A_88 : i32 to index
    %swap3A_90 = arith.constant 0 : index
    %swap3A_91 = tpu.vector_load %arg7[%swap3A_89, %swap3A_90] {strides = array<i32>} : memref<4x64xi32, #tpu.memory_space<vmem>>, vector<1x16xi32>,
    %swap3A_92 = vector.shape_cast %swap3A_91 : vector<1x16xi32> to vector<16xi32>
    %swap3A_93 = vector.shape_cast %shift_right_logical3A_87 : vector<16xi32> to vector<1x16xi32>
    tpu.vector_store %arg7[%swap3A_89, %swap3A_90], %swap3A_93 {strides = array<i32>} : memref<4x64xi32, #tpu.memory_space<vmem>>, vector<1x16xi32>,
    %add3A_94 = arith.constant 16 : i32
    %add3A_95 = arith.addi %mul3A_71, %add3A_94 : i32
    %get3A_96 = arith.index_cast %shift_right_logical3A_67 : i32 to index
    %get3A_97 = arith.index_cast %add3A_95 : i32 to index
    %get3A_98 = tpu.vector_load %arg5[%get3A_96, %get3A_97] {strides = array<i32>} : memref<128x128xi32, #tpu.memory_space<vmem>>, vector<1x16xi32>,
    %get3A_99 = vector.shape_cast %get3A_98 : vector<1x16xi32> to vector<16xi32>
    %and3A_100 = arith.constant 16383 : i32
    %and3A_101 = vector.broadcast %and3A_100 : i32 to vector<16xi32>
    %and3A_102 = arith.andi %get3A_99, %and3A_101 : vector<16xi32>
    %swap3A_103 = arith.constant 0 : i32
    %swap3A_104 = arith.index_cast %swap3A_103 : i32 to index
    %swap3A_105 = arith.constant 16 : index
    %swap3A_106 = tpu.vector_load %arg6[%swap3A_104, %swap3A_105] {strides = array<i32>} : memref<4x64xi32, #tpu.memory_space<vmem>>, vector<1x16xi32>,
    %swap3A_107 = vector.shape_cast %swap3A_106 : vector<1x16xi32> to vector<16xi32>
    %swap3A_108 = vector.shape_cast %and3A_102 : vector<16xi32> to vector<1x16xi32>
    tpu.vector_store %arg6[%swap3A_104, %swap3A_105], %swap3A_108 {strides = array<i32>} : memref<4x64xi32, #tpu.memory_space<vmem>>, vector<1x16xi32>,
    %shift_right_logical3A_109 = arith.constant 14 : i32
    %shift_right_logical3A_110 = vector.broadcast %shift_right_logical3A_109 : i32 to vector<16xi32>
    %shift_right_logical3A_111 = arith.shrui %get3A_99, %shift_right_logical3A_110 : vector<16xi32>
    %swap3A_112 = arith.constant 0 : i32
    %swap3A_113 = arith.index_cast %swap3A_112 : i32 to index
    %swap3A_114 = arith.constant 16 : index
    %swap3A_115 = tpu.vector_load %arg7[%swap3A_113, %swap3A_114] {strides = array<i32>} : memref<4x64xi32, #tpu.memory_space<vmem>>, vector<1x16xi32>,
    %swap3A_116 = vector.shape_cast %swap3A_115 : vector<1x16xi32> to vector<16xi32>
    %swap3A_117 = vector.shape_cast %shift_right_logical3A_111 : vector<16xi32> to vector<1x16xi32>
    tpu.vector_store %arg7[%swap3A_113, %swap3A_114], %swap3A_117 {strides = array<i32>} : memref<4x64xi32, #tpu.memory_space<vmem>>, vector<1x16xi32>,
    %add3A_118 = arith.constant 32 : i32
    %add3A_119 = arith.addi %mul3A_71, %add3A_118 : i32
    %get3A_120 = arith.index_cast %shift_right_logical3A_67 : i32 to index
    %get3A_121 = arith.index_cast %add3A_119 : i32 to index
    %get3A_122 = tpu.vector_load %arg5[%get3A_120, %get3A_121] {strides = array<i32>} : memref<128x128xi32, #tpu.memory_space<vmem>>, vector<1x16xi32>,
    %get3A_123 = vector.shape_cast %get3A_122 : vector<1x16xi32> to vector<16xi32>
    %and3A_124 = arith.constant 16383 : i32
    %and3A_125 = vector.broadcast %and3A_124 : i32 to vector<16xi32>
    %and3A_126 = arith.andi %get3A_123, %and3A_125 : vector<16xi32>
    %swap3A_127 = arith.constant 0 : i32
    %swap3A_128 = arith.index_cast %swap3A_127 : i32 to index
    %swap3A_129 = arith.constant 32 : index
    %swap3A_130 = tpu.vector_load %arg6[%swap3A_128, %swap3A_129] {strides = array<i32>} : memref<4x64xi32, #tpu.memory_space<vmem>>, vector<1x16xi32>,
    %swap3A_131 = vector.shape_cast %swap3A_130 : vector<1x16xi32> to vector<16xi32>
    %swap3A_132 = vector.shape_cast %and3A_126 : vector<16xi32> to vector<1x16xi32>
    tpu.vector_store %arg6[%swap3A_128, %swap3A_129], %swap3A_132 {strides = array<i32>} : memref<4x64xi32, #tpu.memory_space<vmem>>, vector<1x16xi32>,
    %shift_right_logical3A_133 = arith.constant 14 : i32
    %shift_right_logical3A_134 = vector.broadcast %shift_right_logical3A_133 : i32 to vector<16xi32>
    %shift_right_logical3A_135 = arith.shrui %get3A_123, %shift_right_logical3A_134 : vector<16xi32>
    %swap3A_136 = arith.constant 0 : i32
    %swap3A_137 = arith.index_cast %swap3A_136 : i32 to index
    %swap3A_138 = arith.constant 32 : index
    %swap3A_139 = tpu.vector_load %arg7[%swap3A_137, %swap3A_138] {strides = array<i32>} : memref<4x64xi32, #tpu.memory_space<vmem>>, vector<1x16xi32>,
    %swap3A_140 = vector.shape_cast %swap3A_139 : vector<1x16xi32> to vector<16xi32>
    %swap3A_141 = vector.shape_cast %shift_right_logical3A_135 : vector<16xi32> to vector<1x16xi32>
    tpu.vector_store %arg7[%swap3A_137, %swap3A_138], %swap3A_141 {strides = array<i32>} : memref<4x64xi32, #tpu.memory_space<vmem>>, vector<1x16xi32>,
    %add3A_142 = arith.constant 48 : i32
    %add3A_143 = arith.addi %mul3A_71, %add3A_142 : i32
    %get3A_144 = arith.index_cast %shift_right_logical3A_67 : i32 to index
    %get3A_145 = arith.index_cast %add3A_143 : i32 to index
    %get3A_146 = tpu.vector_load %arg5[%get3A_144, %get3A_145] {strides = array<i32>} : memref<128x128xi32, #tpu.memory_space<vmem>>, vector<1x16xi32>,
    %get3A_147 = vector.shape_cast %get3A_146 : vector<1x16xi32> to vector<16xi32>
    %and3A_148 = arith.constant 16383 : i32
    %and3A_149 = vector.broadcast %and3A_148 : i32 to vector<16xi32>
    %and3A_150 = arith.andi %get3A_147, %and3A_149 : vector<16xi32>
    %swap3A_151 = arith.constant 0 : i32
    %swap3A_152 = arith.index_cast %swap3A_151 : i32 to index
    %swap3A_153 = arith.constant 48 : index
    %swap3A_154 = tpu.vector_load %arg6[%swap3A_152, %swap3A_153] {strides = array<i32>} : memref<4x64xi32, #tpu.memory_space<vmem>>, vector<1x16xi32>,
    %swap3A_155 = vector.shape_cast %swap3A_154 : vector<1x16xi32> to vector<16xi32>
    %swap3A_156 = vector.shape_cast %and3A_150 : vector<16xi32> to vector<1x16xi32>
    tpu.vector_store %arg6[%swap3A_152, %swap3A_153], %swap3A_156 {strides = array<i32>} : memref<4x64xi32, #tpu.memory_space<vmem>>, vector<1x16xi32>,
    %shift_right_logical3A_157 = arith.constant 14 : i32
    %shift_right_logical3A_158 = vector.broadcast %shift_right_logical3A_157 : i32 to vector<16xi32>
    %shift_right_logical3A_159 = arith.shrui %get3A_147, %shift_right_logical3A_158 : vector<16xi32>
    %swap3A_160 = arith.constant 0 : i32
    %swap3A_161 = arith.index_cast %swap3A_160 : i32 to index
    %swap3A_162 = arith.constant 48 : index
    %swap3A_163 = tpu.vector_load %arg7[%swap3A_161, %swap3A_162] {strides = array<i32>} : memref<4x64xi32, #tpu.memory_space<vmem>>, vector<1x16xi32>,
    %swap3A_164 = vector.shape_cast %swap3A_163 : vector<1x16xi32> to vector<16xi32>
    %swap3A_165 = vector.shape_cast %shift_right_logical3A_159 : vector<16xi32> to vector<1x16xi32>
    tpu.vector_store %arg7[%swap3A_161, %swap3A_162], %swap3A_165 {strides = array<i32>} : memref<4x64xi32, #tpu.memory_space<vmem>>, vector<1x16xi32>,
    %dma_start3A = arith.constant 0 : i32
    %dma_start3A_166 = arith.constant 0 : i32
    %dma_start3A_167 = arith.constant 0 : i32
    %dma_start3A_168 = arith.constant 0 : i32
    %dma_start3A_169 = tpu.memref_slice %arg8[%dma_start3A_166, %dma_start3A_167, %dma_start3A_168] : memref<4x64x128xf32, #tpu.memory_space<vmem>> -> memref<1x64x128xf32, #tpu.memory_space<vmem>>
    %dma_start3A_170 = tpu.memref_squeeze %dma_start3A_169 : memref<1x64x128xf32, #tpu.memory_space<vmem>> -> memref<64x128xf32, #tpu.memory_space<vmem>>
    %dma_start3A_171 = arith.constant 0 : i32
    %dma_start3A_172 = tpu.memref_slice %arg6[%dma_start3A, %dma_start3A_171] : memref<4x64xi32, #tpu.memory_space<vmem>> -> memref<1x64xi32, #tpu.memory_space<vmem>>
    %dma_start3A_173 = tpu.memref_squeeze %dma_start3A_172 : memref<1x64xi32, #tpu.memory_space<vmem>> -> memref<64xi32, #tpu.memory_space<vmem>>
    %dma_start3A_174 = arith.constant 0 : i32
    %dma_start3A_175 = arith.constant 0 : i32
    %dma_start3A_176 = tpu.memref_slice %arg2[%dma_start3A_174, %dma_start3A_175] : memref<10000x128xf32, #tpu.memory_space<hbm>> -> memref<10000x128xf32, #tpu.memory_space<hbm>>
    tpu.enqueue_indirect_dma source(%dma_start3A_176 : memref<10000x128xf32, #tpu.memory_space<hbm>>) target(%dma_start3A_170 : memref<64x128xf32, #tpu.memory_space<vmem>>) offsets(%dma_start3A_173 : memref<64xi32, #tpu.memory_space<vmem>>) semaphore(%arg10 : memref<!tpu.dma_semaphore, #tpu.memory_space<semaphore_mem>>)
    %shift_right_logical3A_177 = arith.constant 1 : i32
    %shift_right_logical3A_178 = arith.constant 1 : i32
    %shift_right_logical3A_179 = arith.shrui %shift_right_logical3A_177, %shift_right_logical3A_178 : i32
    %and3A_180 = arith.constant 1 : i32
    %and3A_181 = arith.constant 1 : i32
    %and3A_182 = arith.andi %and3A_180, %and3A_181 : i32
    %mul3A_183 = arith.constant 64 : i32
    %mul3A_184 = arith.muli %and3A_182, %mul3A_183 : i32
    %add3A_185 = arith.constant 0 : i32
    %add3A_186 = arith.addi %mul3A_184, %add3A_185 : i32
    %get3A_187 = arith.index_cast %shift_right_logical3A_179 : i32 to index
    %get3A_188 = arith.index_cast %add3A_186 : i32 to index
    %get3A_189 = tpu.vector_load %arg5[%get3A_187, %get3A_188] {strides = array<i32>} : memref<128x128xi32, #tpu.memory_space<vmem>>, vector<1x16xi32>,
    %get3A_190 = vector.shape_cast %get3A_189 : vector<1x16xi32> to vector<16xi32>
    %and3A_191 = arith.constant 16383 : i32
    %and3A_192 = vector.broadcast %and3A_191 : i32 to vector<16xi32>
    %and3A_193 = arith.andi %get3A_190, %and3A_192 : vector<16xi32>
    %swap3A_194 = arith.constant 1 : i32
    %swap3A_195 = arith.index_cast %swap3A_194 : i32 to index
    %swap3A_196 = arith.constant 0 : index
    %swap3A_197 = tpu.vector_load %arg6[%swap3A_195, %swap3A_196] {strides = array<i32>} : memref<4x64xi32, #tpu.memory_space<vmem>>, vector<1x16xi32>,
    %swap3A_198 = vector.shape_cast %swap3A_197 : vector<1x16xi32> to vector<16xi32>
    %swap3A_199 = vector.shape_cast %and3A_193 : vector<16xi32> to vector<1x16xi32>
    tpu.vector_store %arg6[%swap3A_195, %swap3A_196], %swap3A_199 {strides = array<i32>} : memref<4x64xi32, #tpu.memory_space<vmem>>, vector<1x16xi32>,
    %shift_right_logical3A_200 = arith.constant 14 : i32
    %shift_right_logical3A_201 = vector.broadcast %shift_right_logical3A_200 : i32 to vector<16xi32>
    %shift_right_logical3A_202 = arith.shrui %get3A_190, %shift_right_logical3A_201 : vector<16xi32>
    %swap3A_203 = arith.constant 1 : i32
    %swap3A_204 = arith.index_cast %swap3A_203 : i32 to index
    %swap3A_205 = arith.constant 0 : index
    %swap3A_206 = tpu.vector_load %arg7[%swap3A_204, %swap3A_205] {strides = array<i32>} : memref<4x64xi32, #tpu.memory_space<vmem>>, vector<1x16xi32>,
    %swap3A_207 = vector.shape_cast %swap3A_206 : vector<1x16xi32> to vector<16xi32>
    %swap3A_208 = vector.shape_cast %shift_right_logical3A_202 : vector<16xi32> to vector<1x16xi32>
    tpu.vector_store %arg7[%swap3A_204, %swap3A_205], %swap3A_208 {strides = array<i32>} : memref<4x64xi32, #tpu.memory_space<vmem>>, vector<1x16xi32>,
    %add3A_209 = arith.constant 16 : i32
    %add3A_210 = arith.addi %mul3A_184, %add3A_209 : i32
    %get3A_211 = arith.index_cast %shift_right_logical3A_179 : i32 to index
    %get3A_212 = arith.index_cast %add3A_210 : i32 to index
    %get3A_213 = tpu.vector_load %arg5[%get3A_211, %get3A_212] {strides = array<i32>} : memref<128x128xi32, #tpu.memory_space<vmem>>, vector<1x16xi32>,
    %get3A_214 = vector.shape_cast %get3A_213 : vector<1x16xi32> to vector<16xi32>
    %and3A_215 = arith.constant 16383 : i32
    %and3A_216 = vector.broadcast %and3A_215 : i32 to vector<16xi32>
    %and3A_217 = arith.andi %get3A_214, %and3A_216 : vector<16xi32>
    %swap3A_218 = arith.constant 1 : i32
    %swap3A_219 = arith.index_cast %swap3A_218 : i32 to index
    %swap3A_220 = arith.constant 16 : index
    %swap3A_221 = tpu.vector_load %arg6[%swap3A_219, %swap3A_220] {strides = array<i32>} : memref<4x64xi32, #tpu.memory_space<vmem>>, vector<1x16xi32>,
    %swap3A_222 = vector.shape_cast %swap3A_221 : vector<1x16xi32> to vector<16xi32>
    %swap3A_223 = vector.shape_cast %and3A_217 : vector<16xi32> to vector<1x16xi32>
    tpu.vector_store %arg6[%swap3A_219, %swap3A_220], %swap3A_223 {strides = array<i32>} : memref<4x64xi32, #tpu.memory_space<vmem>>, vector<1x16xi32>,
    %shift_right_logical3A_224 = arith.constant 14 : i32
    %shift_right_logical3A_225 = vector.broadcast %shift_right_logical3A_224 : i32 to vector<16xi32>
    %shift_right_logical3A_226 = arith.shrui %get3A_214, %shift_right_logical3A_225 : vector<16xi32>
    %swap3A_227 = arith.constant 1 : i32
    %swap3A_228 = arith.index_cast %swap3A_227 : i32 to index
    %swap3A_229 = arith.constant 16 : index
    %swap3A_230 = tpu.vector_load %arg7[%swap3A_228, %swap3A_229] {strides = array<i32>} : memref<4x64xi32, #tpu.memory_space<vmem>>, vector<1x16xi32>,
    %swap3A_231 = vector.shape_cast %swap3A_230 : vector<1x16xi32> to vector<16xi32>
    %swap3A_232 = vector.shape_cast %shift_right_logical3A_226 : vector<16xi32> to vector<1x16xi32>
    tpu.vector_store %arg7[%swap3A_228, %swap3A_229], %swap3A_232 {strides = array<i32>} : memref<4x64xi32, #tpu.memory_space<vmem>>, vector<1x16xi32>,
    %add3A_233 = arith.constant 32 : i32
    %add3A_234 = arith.addi %mul3A_184, %add3A_233 : i32
    %get3A_235 = arith.index_cast %shift_right_logical3A_179 : i32 to index
    %get3A_236 = arith.index_cast %add3A_234 : i32 to index
    %get3A_237 = tpu.vector_load %arg5[%get3A_235, %get3A_236] {strides = array<i32>} : memref<128x128xi32, #tpu.memory_space<vmem>>, vector<1x16xi32>,
    %get3A_238 = vector.shape_cast %get3A_237 : vector<1x16xi32> to vector<16xi32>
    %and3A_239 = arith.constant 16383 : i32
    %and3A_240 = vector.broadcast %and3A_239 : i32 to vector<16xi32>
    %and3A_241 = arith.andi %get3A_238, %and3A_240 : vector<16xi32>
    %swap3A_242 = arith.constant 1 : i32
    %swap3A_243 = arith.index_cast %swap3A_242 : i32 to index
    %swap3A_244 = arith.constant 32 : index
    %swap3A_245 = tpu.vector_load %arg6[%swap3A_243, %swap3A_244] {strides = array<i32>} : memref<4x64xi32, #tpu.memory_space<vmem>>, vector<1x16xi32>,
    %swap3A_246 = vector.shape_cast %swap3A_245 : vector<1x16xi32> to vector<16xi32>
    %swap3A_247 = vector.shape_cast %and3A_241 : vector<16xi32> to vector<1x16xi32>
    tpu.vector_store %arg6[%swap3A_243, %swap3A_244], %swap3A_247 {strides = array<i32>} : memref<4x64xi32, #tpu.memory_space<vmem>>, vector<1x16xi32>,
    %shift_right_logical3A_248 = arith.constant 14 : i32
    %shift_right_logical3A_249 = vector.broadcast %shift_right_logical3A_248 : i32 to vector<16xi32>
    %shift_right_logical3A_250 = arith.shrui %get3A_238, %shift_right_logical3A_249 : vector<16xi32>
    %swap3A_251 = arith.constant 1 : i32
    %swap3A_252 = arith.index_cast %swap3A_251 : i32 to index
    %swap3A_253 = arith.constant 32 : index
    %swap3A_254 = tpu.vector_load %arg7[%swap3A_252, %swap3A_253] {strides = array<i32>} : memref<4x64xi32, #tpu.memory_space<vmem>>, vector<1x16xi32>,
    %swap3A_255 = vector.shape_cast %swap3A_254 : vector<1x16xi32> to vector<16xi32>
    %swap3A_256 = vector.shape_cast %shift_right_logical3A_250 : vector<16xi32> to vector<1x16xi32>
    tpu.vector_store %arg7[%swap3A_252, %swap3A_253], %swap3A_256 {strides = array<i32>} : memref<4x64xi32, #tpu.memory_space<vmem>>, vector<1x16xi32>,
    %add3A_257 = arith.constant 48 : i32
    %add3A_258 = arith.addi %mul3A_184, %add3A_257 : i32
    %get3A_259 = arith.index_cast %shift_right_logical3A_179 : i32 to index
    %get3A_260 = arith.index_cast %add3A_258 : i32 to index
    %get3A_261 = tpu.vector_load %arg5[%get3A_259, %get3A_260] {strides = array<i32>} : memref<128x128xi32, #tpu.memory_space<vmem>>, vector<1x16xi32>,
    %get3A_262 = vector.shape_cast %get3A_261 : vector<1x16xi32> to vector<16xi32>
    %and3A_263 = arith.constant 16383 : i32
    %and3A_264 = vector.broadcast %and3A_263 : i32 to vector<16xi32>
    %and3A_265 = arith.andi %get3A_262, %and3A_264 : vector<16xi32>
    %swap3A_266 = arith.constant 1 : i32
    %swap3A_267 = arith.index_cast %swap3A_266 : i32 to index
    %swap3A_268 = arith.constant 48 : index
    %swap3A_269 = tpu.vector_load %arg6[%swap3A_267, %swap3A_268] {strides = array<i32>} : memref<4x64xi32, #tpu.memory_space<vmem>>, vector<1x16xi32>,
    %swap3A_270 = vector.shape_cast %swap3A_269 : vector<1x16xi32> to vector<16xi32>
    %swap3A_271 = vector.shape_cast %and3A_265 : vector<16xi32> to vector<1x16xi32>
    tpu.vector_store %arg6[%swap3A_267, %swap3A_268], %swap3A_271 {strides = array<i32>} : memref<4x64xi32, #tpu.memory_space<vmem>>, vector<1x16xi32>,
    %shift_right_logical3A_272 = arith.constant 14 : i32
    %shift_right_logical3A_273 = vector.broadcast %shift_right_logical3A_272 : i32 to vector<16xi32>
    %shift_right_logical3A_274 = arith.shrui %get3A_262, %shift_right_logical3A_273 : vector<16xi32>
    %swap3A_275 = arith.constant 1 : i32
    %swap3A_276 = arith.index_cast %swap3A_275 : i32 to index
    %swap3A_277 = arith.constant 48 : index
    %swap3A_278 = tpu.vector_load %arg7[%swap3A_276, %swap3A_277] {strides = array<i32>} : memref<4x64xi32, #tpu.memory_space<vmem>>, vector<1x16xi32>,
    %swap3A_279 = vector.shape_cast %swap3A_278 : vector<1x16xi32> to vector<16xi32>
    %swap3A_280 = vector.shape_cast %shift_right_logical3A_274 : vector<16xi32> to vector<1x16xi32>
    tpu.vector_store %arg7[%swap3A_276, %swap3A_277], %swap3A_280 {strides = array<i32>} : memref<4x64xi32, #tpu.memory_space<vmem>>, vector<1x16xi32>,
    %dma_start3A_281 = arith.constant 1 : i32
    %dma_start3A_282 = arith.constant 1 : i32
    %dma_start3A_283 = arith.constant 0 : i32
    %dma_start3A_284 = arith.constant 0 : i32
    %dma_start3A_285 = tpu.memref_slice %arg8[%dma_start3A_282, %dma_start3A_283, %dma_start3A_284] : memref<4x64x128xf32, #tpu.memory_space<vmem>> -> memref<1x64x128xf32, #tpu.memory_space<vmem>>
    %dma_start3A_286 = tpu.memref_squeeze %dma_start3A_285 : memref<1x64x128xf32, #tpu.memory_space<vmem>> -> memref<64x128xf32, #tpu.memory_space<vmem>>
    %dma_start3A_287 = arith.constant 0 : i32
    %dma_start3A_288 = tpu.memref_slice %arg6[%dma_start3A_281, %dma_start3A_287] : memref<4x64xi32, #tpu.memory_space<vmem>> -> memref<1x64xi32, #tpu.memory_space<vmem>>
    %dma_start3A_289 = tpu.memref_squeeze %dma_start3A_288 : memref<1x64xi32, #tpu.memory_space<vmem>> -> memref<64xi32, #tpu.memory_space<vmem>>
    %dma_start3A_290 = arith.constant 0 : i32
    %dma_start3A_291 = arith.constant 0 : i32
    %dma_start3A_292 = tpu.memref_slice %arg2[%dma_start3A_290, %dma_start3A_291] : memref<10000x128xf32, #tpu.memory_space<hbm>> -> memref<10000x128xf32, #tpu.memory_space<hbm>>
    tpu.enqueue_indirect_dma source(%dma_start3A_292 : memref<10000x128xf32, #tpu.memory_space<hbm>>) target(%dma_start3A_286 : memref<64x128xf32, #tpu.memory_space<vmem>>) offsets(%dma_start3A_289 : memref<64xi32, #tpu.memory_space<vmem>>) semaphore(%arg11 : memref<!tpu.dma_semaphore, #tpu.memory_space<semaphore_mem>>)
    %shift_right_logical3A_293 = arith.constant 2 : i32
    %shift_right_logical3A_294 = arith.constant 1 : i32
    %shift_right_logical3A_295 = arith.shrui %shift_right_logical3A_293, %shift_right_logical3A_294 : i32
    %and3A_296 = arith.constant 2 : i32
    %and3A_297 = arith.constant 1 : i32
    %and3A_298 = arith.andi %and3A_296, %and3A_297 : i32
    %mul3A_299 = arith.constant 64 : i32
    %mul3A_300 = arith.muli %and3A_298, %mul3A_299 : i32
    %add3A_301 = arith.constant 0 : i32
    %add3A_302 = arith.addi %mul3A_300, %add3A_301 : i32
    %get3A_303 = arith.index_cast %shift_right_logical3A_295 : i32 to index
    %get3A_304 = arith.index_cast %add3A_302 : i32 to index
    %get3A_305 = tpu.vector_load %arg5[%get3A_303, %get3A_304] {strides = array<i32>} : memref<128x128xi32, #tpu.memory_space<vmem>>, vector<1x16xi32>,
    %get3A_306 = vector.shape_cast %get3A_305 : vector<1x16xi32> to vector<16xi32>
    %and3A_307 = arith.constant 16383 : i32
    %and3A_308 = vector.broadcast %and3A_307 : i32 to vector<16xi32>
    %and3A_309 = arith.andi %get3A_306, %and3A_308 : vector<16xi32>
    %swap3A_310 = arith.constant 2 : i32
    %swap3A_311 = arith.index_cast %swap3A_310 : i32 to index
    %swap3A_312 = arith.constant 0 : index
    %swap3A_313 = tpu.vector_load %arg6[%swap3A_311, %swap3A_312] {strides = array<i32>} : memref<4x64xi32, #tpu.memory_space<vmem>>, vector<1x16xi32>,
    %swap3A_314 = vector.shape_cast %swap3A_313 : vector<1x16xi32> to vector<16xi32>
    %swap3A_315 = vector.shape_cast %and3A_309 : vector<16xi32> to vector<1x16xi32>
    tpu.vector_store %arg6[%swap3A_311, %swap3A_312], %swap3A_315 {strides = array<i32>} : memref<4x64xi32, #tpu.memory_space<vmem>>, vector<1x16xi32>,
    %shift_right_logical3A_316 = arith.constant 14 : i32
    %shift_right_logical3A_317 = vector.broadcast %shift_right_logical3A_316 : i32 to vector<16xi32>
    %shift_right_logical3A_318 = arith.shrui %get3A_306, %shift_right_logical3A_317 : vector<16xi32>
    %swap3A_319 = arith.constant 2 : i32
    %swap3A_320 = arith.index_cast %swap3A_319 : i32 to index
    %swap3A_321 = arith.constant 0 : index
    %swap3A_322 = tpu.vector_load %arg7[%swap3A_320, %swap3A_321] {strides = array<i32>} : memref<4x64xi32, #tpu.memory_space<vmem>>, vector<1x16xi32>,
    %swap3A_323 = vector.shape_cast %swap3A_322 : vector<1x16xi32> to vector<16xi32>
    %swap3A_324 = vector.shape_cast %shift_right_logical3A_318 : vector<16xi32> to vector<1x16xi32>
    tpu.vector_store %arg7[%swap3A_320, %swap3A_321], %swap3A_324 {strides = array<i32>} : memref<4x64xi32, #tpu.memory_space<vmem>>, vector<1x16xi32>,
    %add3A_325 = arith.constant 16 : i32
    %add3A_326 = arith.addi %mul3A_300, %add3A_325 : i32
    %get3A_327 = arith.index_cast %shift_right_logical3A_295 : i32 to index
    %get3A_328 = arith.index_cast %add3A_326 : i32 to index
    %get3A_329 = tpu.vector_load %arg5[%get3A_327, %get3A_328] {strides = array<i32>} : memref<128x128xi32, #tpu.memory_space<vmem>>, vector<1x16xi32>,
    %get3A_330 = vector.shape_cast %get3A_329 : vector<1x16xi32> to vector<16xi32>
    %and3A_331 = arith.constant 16383 : i32
    %and3A_332 = vector.broadcast %and3A_331 : i32 to vector<16xi32>
    %and3A_333 = arith.andi %get3A_330, %and3A_332 : vector<16xi32>
    %swap3A_334 = arith.constant 2 : i32
    %swap3A_335 = arith.index_cast %swap3A_334 : i32 to index
    %swap3A_336 = arith.constant 16 : index
    %swap3A_337 = tpu.vector_load %arg6[%swap3A_335, %swap3A_336] {strides = array<i32>} : memref<4x64xi32, #tpu.memory_space<vmem>>, vector<1x16xi32>,
    %swap3A_338 = vector.shape_cast %swap3A_337 : vector<1x16xi32> to vector<16xi32>
    %swap3A_339 = vector.shape_cast %and3A_333 : vector<16xi32> to vector<1x16xi32>
    tpu.vector_store %arg6[%swap3A_335, %swap3A_336], %swap3A_339 {strides = array<i32>} : memref<4x64xi32, #tpu.memory_space<vmem>>, vector<1x16xi32>,
    %shift_right_logical3A_340 = arith.constant 14 : i32
    %shift_right_logical3A_341 = vector.broadcast %shift_right_logical3A_340 : i32 to vector<16xi32>
    %shift_right_logical3A_342 = arith.shrui %get3A_330, %shift_right_logical3A_341 : vector<16xi32>
    %swap3A_343 = arith.constant 2 : i32
    %swap3A_344 = arith.index_cast %swap3A_343 : i32 to index
    %swap3A_345 = arith.constant 16 : index
    %swap3A_346 = tpu.vector_load %arg7[%swap3A_344, %swap3A_345] {strides = array<i32>} : memref<4x64xi32, #tpu.memory_space<vmem>>, vector<1x16xi32>,
    %swap3A_347 = vector.shape_cast %swap3A_346 : vector<1x16xi32> to vector<16xi32>
    %swap3A_348 = vector.shape_cast %shift_right_logical3A_342 : vector<16xi32> to vector<1x16xi32>
    tpu.vector_store %arg7[%swap3A_344, %swap3A_345], %swap3A_348 {strides = array<i32>} : memref<4x64xi32, #tpu.memory_space<vmem>>, vector<1x16xi32>,
    %add3A_349 = arith.constant 32 : i32
    %add3A_350 = arith.addi %mul3A_300, %add3A_349 : i32
    %get3A_351 = arith.index_cast %shift_right_logical3A_295 : i32 to index
    %get3A_352 = arith.index_cast %add3A_350 : i32 to index
    %get3A_353 = tpu.vector_load %arg5[%get3A_351, %get3A_352] {strides = array<i32>} : memref<128x128xi32, #tpu.memory_space<vmem>>, vector<1x16xi32>,
    %get3A_354 = vector.shape_cast %get3A_353 : vector<1x16xi32> to vector<16xi32>
    %and3A_355 = arith.constant 16383 : i32
    %and3A_356 = vector.broadcast %and3A_355 : i32 to vector<16xi32>
    %and3A_357 = arith.andi %get3A_354, %and3A_356 : vector<16xi32>
    %swap3A_358 = arith.constant 2 : i32
    %swap3A_359 = arith.index_cast %swap3A_358 : i32 to index
    %swap3A_360 = arith.constant 32 : index
    %swap3A_361 = tpu.vector_load %arg6[%swap3A_359, %swap3A_360] {strides = array<i32>} : memref<4x64xi32, #tpu.memory_space<vmem>>, vector<1x16xi32>,
    %swap3A_362 = vector.shape_cast %swap3A_361 : vector<1x16xi32> to vector<16xi32>
    %swap3A_363 = vector.shape_cast %and3A_357 : vector<16xi32> to vector<1x16xi32>
    tpu.vector_store %arg6[%swap3A_359, %swap3A_360], %swap3A_363 {strides = array<i32>} : memref<4x64xi32, #tpu.memory_space<vmem>>, vector<1x16xi32>,
    %shift_right_logical3A_364 = arith.constant 14 : i32
    %shift_right_logical3A_365 = vector.broadcast %shift_right_logical3A_364 : i32 to vector<16xi32>
    %shift_right_logical3A_366 = arith.shrui %get3A_354, %shift_right_logical3A_365 : vector<16xi32>
    %swap3A_367 = arith.constant 2 : i32
    %swap3A_368 = arith.index_cast %swap3A_367 : i32 to index
    %swap3A_369 = arith.constant 32 : index
    %swap3A_370 = tpu.vector_load %arg7[%swap3A_368, %swap3A_369] {strides = array<i32>} : memref<4x64xi32, #tpu.memory_space<vmem>>, vector<1x16xi32>,
    %swap3A_371 = vector.shape_cast %swap3A_370 : vector<1x16xi32> to vector<16xi32>
    %swap3A_372 = vector.shape_cast %shift_right_logical3A_366 : vector<16xi32> to vector<1x16xi32>
    tpu.vector_store %arg7[%swap3A_368, %swap3A_369], %swap3A_372 {strides = array<i32>} : memref<4x64xi32, #tpu.memory_space<vmem>>, vector<1x16xi32>,
    %add3A_373 = arith.constant 48 : i32
    %add3A_374 = arith.addi %mul3A_300, %add3A_373 : i32
    %get3A_375 = arith.index_cast %shift_right_logical3A_295 : i32 to index
    %get3A_376 = arith.index_cast %add3A_374 : i32 to index
    %get3A_377 = tpu.vector_load %arg5[%get3A_375, %get3A_376] {strides = array<i32>} : memref<128x128xi32, #tpu.memory_space<vmem>>, vector<1x16xi32>,
    %get3A_378 = vector.shape_cast %get3A_377 : vector<1x16xi32> to vector<16xi32>
    %and3A_379 = arith.constant 16383 : i32
    %and3A_380 = vector.broadcast %and3A_379 : i32 to vector<16xi32>
    %and3A_381 = arith.andi %get3A_378, %and3A_380 : vector<16xi32>
    %swap3A_382 = arith.constant 2 : i32
    %swap3A_383 = arith.index_cast %swap3A_382 : i32 to index
    %swap3A_384 = arith.constant 48 : index
    %swap3A_385 = tpu.vector_load %arg6[%swap3A_383, %swap3A_384] {strides = array<i32>} : memref<4x64xi32, #tpu.memory_space<vmem>>, vector<1x16xi32>,
    %swap3A_386 = vector.shape_cast %swap3A_385 : vector<1x16xi32> to vector<16xi32>
    %swap3A_387 = vector.shape_cast %and3A_381 : vector<16xi32> to vector<1x16xi32>
    tpu.vector_store %arg6[%swap3A_383, %swap3A_384], %swap3A_387 {strides = array<i32>} : memref<4x64xi32, #tpu.memory_space<vmem>>, vector<1x16xi32>,
    %shift_right_logical3A_388 = arith.constant 14 : i32
    %shift_right_logical3A_389 = vector.broadcast %shift_right_logical3A_388 : i32 to vector<16xi32>
    %shift_right_logical3A_390 = arith.shrui %get3A_378, %shift_right_logical3A_389 : vector<16xi32>
    %swap3A_391 = arith.constant 2 : i32
    %swap3A_392 = arith.index_cast %swap3A_391 : i32 to index
    %swap3A_393 = arith.constant 48 : index
    %swap3A_394 = tpu.vector_load %arg7[%swap3A_392, %swap3A_393] {strides = array<i32>} : memref<4x64xi32, #tpu.memory_space<vmem>>, vector<1x16xi32>,
    %swap3A_395 = vector.shape_cast %swap3A_394 : vector<1x16xi32> to vector<16xi32>
    %swap3A_396 = vector.shape_cast %shift_right_logical3A_390 : vector<16xi32> to vector<1x16xi32>
    tpu.vector_store %arg7[%swap3A_392, %swap3A_393], %swap3A_396 {strides = array<i32>} : memref<4x64xi32, #tpu.memory_space<vmem>>, vector<1x16xi32>,
    %dma_start3A_397 = arith.constant 2 : i32
    %dma_start3A_398 = arith.constant 2 : i32
    %dma_start3A_399 = arith.constant 0 : i32
    %dma_start3A_400 = arith.constant 0 : i32
    %dma_start3A_401 = tpu.memref_slice %arg8[%dma_start3A_398, %dma_start3A_399, %dma_start3A_400] : memref<4x64x128xf32, #tpu.memory_space<vmem>> -> memref<1x64x128xf32, #tpu.memory_space<vmem>>
    %dma_start3A_402 = tpu.memref_squeeze %dma_start3A_401 : memref<1x64x128xf32, #tpu.memory_space<vmem>> -> memref<64x128xf32, #tpu.memory_space<vmem>>
    %dma_start3A_403 = arith.constant 0 : i32
    %dma_start3A_404 = tpu.memref_slice %arg6[%dma_start3A_397, %dma_start3A_403] : memref<4x64xi32, #tpu.memory_space<vmem>> -> memref<1x64xi32, #tpu.memory_space<vmem>>
    %dma_start3A_405 = tpu.memref_squeeze %dma_start3A_404 : memref<1x64xi32, #tpu.memory_space<vmem>> -> memref<64xi32, #tpu.memory_space<vmem>>
    %dma_start3A_406 = arith.constant 0 : i32
    %dma_start3A_407 = arith.constant 0 : i32
    %dma_start3A_408 = tpu.memref_slice %arg2[%dma_start3A_406, %dma_start3A_407] : memref<10000x128xf32, #tpu.memory_space<hbm>> -> memref<10000x128xf32, #tpu.memory_space<hbm>>
    tpu.enqueue_indirect_dma source(%dma_start3A_408 : memref<10000x128xf32, #tpu.memory_space<hbm>>) target(%dma_start3A_402 : memref<64x128xf32, #tpu.memory_space<vmem>>) offsets(%dma_start3A_405 : memref<64xi32, #tpu.memory_space<vmem>>) semaphore(%arg12 : memref<!tpu.dma_semaphore, #tpu.memory_space<semaphore_mem>>)
    %jit3A_409 = arith.constant 4 : i32
    %div3A = arith.divsi %select_n3A, %jit3A_409 : i32
    %sign3A = arith.constant 0 : i32
    %sign3A_410 = arith.cmpi sgt, %select_n3A, %sign3A : i32
    %sign3A_411 = arith.extui %sign3A_410 : i1 to i32
    %sign3A_412 = arith.constant 0 : i32
    %sign3A_413 = arith.cmpi slt, %select_n3A, %sign3A_412 : i32
    %sign3A_414 = arith.extui %sign3A_413 : i1 to i32
    %sign3A_415 = arith.subi %sign3A_411, %sign3A_414 : i32
    %sign3A_416 = arith.constant 0 : i32
    %sign3A_417 = arith.cmpi sgt, %jit3A_409, %sign3A_416 : i32
    %sign3A_418 = arith.extui %sign3A_417 : i1 to i32
    %sign3A_419 = arith.constant 0 : i32
    %sign3A_420 = arith.cmpi slt, %jit3A_409, %sign3A_419 : i32
    %sign3A_421 = arith.extui %sign3A_420 : i1 to i32
    %sign3A_422 = arith.subi %sign3A_418, %sign3A_421 : i32
    %ne3A = arith.cmpi ne, %sign3A_415, %sign3A_422 : i32
    %rem3A = arith.remsi %select_n3A, %jit3A_409 : i32
    %ne3A_423 = arith.constant 0 : i32
    %ne3A_424 = arith.cmpi ne, %rem3A, %ne3A_423 : i32
    %and3A_425 = arith.andi %ne3A, %ne3A_424 : i1
    %sub3A = arith.constant 1 : i32
    %sub3A_426 = arith.subi %div3A, %sub3A : i32
    %select_n3A_427 = arith.select %and3A_425, %sub3A_426, %div3A : i32
    %while3A = arith.constant 0 : i32
    %while3A_428 = arith.constant 0 : i32
    %while3A_429 = arith.subi %select_n3A_427, %while3A : i32
    %while3A_430 = arith.addi %while3A, %while3A_429 : i32
    %while3A_431 = arith.constant 1 : i32
    %while3A_432 = arith.divsi %while3A_429, %while3A_431 : i32
    %while3A_433 = arith.muli %while3A_432, %while3A_431 : i32
    %while3A_434 = arith.addi %while3A, %while3A_433 : i32
    %while3A_435 = arith.constant 1 : i32
    %while3A_436 = scf.for %while3A_480 = %while3A to %while3A_434 step %while3A_435 iter_args(%while3A_481 = %while3A_428) -> (i32)  : i32 {
      %mul3A_482 = arith.constant 4 : i32
      %mul3A_483 = arith.muli %while3A_480, %mul3A_482 : i32
      %add3A_484 = arith.constant 0 : i32
      %add3A_485 = arith.addi %mul3A_483, %add3A_484 : i32
      %dma_wait3A = arith.constant 0 : i32
      %dma_wait3A_486 = arith.constant 0 : i32
      %dma_wait3A_487 = arith.constant 0 : i32
      %dma_wait3A_488 = arith.constant 0 : i32
      %dma_wait3A_489 = tpu.memref_slice %arg8[%dma_wait3A_486, %dma_wait3A_487, %dma_wait3A_488] : memref<4x64x128xf32, #tpu.memory_space<vmem>> -> memref<1x64x128xf32, #tpu.memory_space<vmem>>
      %dma_wait3A_490 = tpu.memref_squeeze %dma_wait3A_489 : memref<1x64x128xf32, #tpu.memory_space<vmem>> -> memref<64x128xf32, #tpu.memory_space<vmem>>
      %dma_wait3A_491 = arith.constant 0 : i32
      %dma_wait3A_492 = tpu.memref_slice %arg6[%dma_wait3A, %dma_wait3A_491] : memref<4x64xi32, #tpu.memory_space<vmem>> -> memref<1x64xi32, #tpu.memory_space<vmem>>
      %dma_wait3A_493 = tpu.memref_squeeze %dma_wait3A_492 : memref<1x64xi32, #tpu.memory_space<vmem>> -> memref<64xi32, #tpu.memory_space<vmem>>
      %dma_wait3A_494 = arith.constant 0 : i32
      %dma_wait3A_495 = arith.constant 0 : i32
      %dma_wait3A_496 = tpu.memref_slice %arg2[%dma_wait3A_494, %dma_wait3A_495] : memref<10000x128xf32, #tpu.memory_space<hbm>> -> memref<10000x128xf32, #tpu.memory_space<hbm>>
      tpu.wait_indirect_dma semaphore(%arg10 : memref<!tpu.dma_semaphore, #tpu.memory_space<semaphore_mem>>) src(%dma_wait3A_496 : memref<10000x128xf32, #tpu.memory_space<hbm>>) dst(%dma_wait3A_490 : memref<64x128xf32, #tpu.memory_space<vmem>>)
      %add3A_497 = arith.constant 4 : i32
      %add3A_498 = arith.addi %add3A_485, %add3A_497 : i32
      %sub3A_499 = arith.constant 1 : i32
      %sub3A_500 = arith.subi %add3A_498, %sub3A_499 : i32
      %lt3A = arith.cmpi slt, %sub3A_500, %select_n3A : i32
      %convert_element_type3A_501 = arith.extui %lt3A : i1 to i32
      %cond3A_502 = arith.constant 0 : i32
      %cond3A_503 = arith.cmpi ne, %convert_element_type3A_501, %cond3A_502 : i32
      scf.if %cond3A_503 {
        %add3A_585 = arith.constant 4 : i32
        %add3A_586 = arith.addi %add3A_485, %add3A_585 : i32
        %sub3A_587 = arith.constant 1 : i32
        %sub3A_588 = arith.subi %add3A_586, %sub3A_587 : i32
        %shift_right_logical3A_589 = arith.constant 1 : i32
        %shift_right_logical3A_590 = arith.shrui %sub3A_588, %shift_right_logical3A_589 : i32
        %and3A_591 = arith.constant 1 : i32
        %and3A_592 = arith.andi %sub3A_588, %and3A_591 : i32
        %mul3A_593 = arith.constant 64 : i32
        %mul3A_594 = arith.muli %and3A_592, %mul3A_593 : i32
        %add3A_595 = arith.constant 0 : i32
        %add3A_596 = arith.addi %mul3A_594, %add3A_595 : i32
        %get3A_597 = arith.index_cast %shift_right_logical3A_590 : i32 to index
        %get3A_598 = arith.index_cast %add3A_596 : i32 to index
        %get3A_599 = tpu.vector_load %arg5[%get3A_597, %get3A_598] {strides = array<i32>} : memref<128x128xi32, #tpu.memory_space<vmem>>, vector<1x16xi32>,
        %get3A_600 = vector.shape_cast %get3A_599 : vector<1x16xi32> to vector<16xi32>
        %and3A_601 = arith.constant 16383 : i32
        %and3A_602 = vector.broadcast %and3A_601 : i32 to vector<16xi32>
        %and3A_603 = arith.andi %get3A_600, %and3A_602 : vector<16xi32>
        %swap3A_604 = arith.constant 3 : i32
        %swap3A_605 = arith.index_cast %swap3A_604 : i32 to index
        %swap3A_606 = arith.constant 0 : index
        %swap3A_607 = tpu.vector_load %arg6[%swap3A_605, %swap3A_606] {strides = array<i32>} : memref<4x64xi32, #tpu.memory_space<vmem>>, vector<1x16xi32>,
        %swap3A_608 = vector.shape_cast %swap3A_607 : vector<1x16xi32> to vector<16xi32>
        %swap3A_609 = vector.shape_cast %and3A_603 : vector<16xi32> to vector<1x16xi32>
        tpu.vector_store %arg6[%swap3A_605, %swap3A_606], %swap3A_609 {strides = array<i32>} : memref<4x64xi32, #tpu.memory_space<vmem>>, vector<1x16xi32>,
        %shift_right_logical3A_610 = arith.constant 14 : i32
        %shift_right_logical3A_611 = vector.broadcast %shift_right_logical3A_610 : i32 to vector<16xi32>
        %shift_right_logical3A_612 = arith.shrui %get3A_600, %shift_right_logical3A_611 : vector<16xi32>
        %swap3A_613 = arith.constant 3 : i32
        %swap3A_614 = arith.index_cast %swap3A_613 : i32 to index
        %swap3A_615 = arith.constant 0 : index
        %swap3A_616 = tpu.vector_load %arg7[%swap3A_614, %swap3A_615] {strides = array<i32>} : memref<4x64xi32, #tpu.memory_space<vmem>>, vector<1x16xi32>,
        %swap3A_617 = vector.shape_cast %swap3A_616 : vector<1x16xi32> to vector<16xi32>
        %swap3A_618 = vector.shape_cast %shift_right_logical3A_612 : vector<16xi32> to vector<1x16xi32>
        tpu.vector_store %arg7[%swap3A_614, %swap3A_615], %swap3A_618 {strides = array<i32>} : memref<4x64xi32, #tpu.memory_space<vmem>>, vector<1x16xi32>,
        %add3A_619 = arith.constant 16 : i32
        %add3A_620 = arith.addi %mul3A_594, %add3A_619 : i32
        %get3A_621 = arith.index_cast %shift_right_logical3A_590 : i32 to index
        %get3A_622 = arith.index_cast %add3A_620 : i32 to index
        %get3A_623 = tpu.vector_load %arg5[%get3A_621, %get3A_622] {strides = array<i32>} : memref<128x128xi32, #tpu.memory_space<vmem>>, vector<1x16xi32>,
        %get3A_624 = vector.shape_cast %get3A_623 : vector<1x16xi32> to vector<16xi32>
        %and3A_625 = arith.constant 16383 : i32
        %and3A_626 = vector.broadcast %and3A_625 : i32 to vector<16xi32>
        %and3A_627 = arith.andi %get3A_624, %and3A_626 : vector<16xi32>
        %swap3A_628 = arith.constant 3 : i32
        %swap3A_629 = arith.index_cast %swap3A_628 : i32 to index
        %swap3A_630 = arith.constant 16 : index
        %swap3A_631 = tpu.vector_load %arg6[%swap3A_629, %swap3A_630] {strides = array<i32>} : memref<4x64xi32, #tpu.memory_space<vmem>>, vector<1x16xi32>,
        %swap3A_632 = vector.shape_cast %swap3A_631 : vector<1x16xi32> to vector<16xi32>
        %swap3A_633 = vector.shape_cast %and3A_627 : vector<16xi32> to vector<1x16xi32>
        tpu.vector_store %arg6[%swap3A_629, %swap3A_630], %swap3A_633 {strides = array<i32>} : memref<4x64xi32, #tpu.memory_space<vmem>>, vector<1x16xi32>,
        %shift_right_logical3A_634 = arith.constant 14 : i32
        %shift_right_logical3A_635 = vector.broadcast %shift_right_logical3A_634 : i32 to vector<16xi32>
        %shift_right_logical3A_636 = arith.shrui %get3A_624, %shift_right_logical3A_635 : vector<16xi32>
        %swap3A_637 = arith.constant 3 : i32
        %swap3A_638 = arith.index_cast %swap3A_637 : i32 to index
        %swap3A_639 = arith.constant 16 : index
        %swap3A_640 = tpu.vector_load %arg7[%swap3A_638, %swap3A_639] {strides = array<i32>} : memref<4x64xi32, #tpu.memory_space<vmem>>, vector<1x16xi32>,
        %swap3A_641 = vector.shape_cast %swap3A_640 : vector<1x16xi32> to vector<16xi32>
        %swap3A_642 = vector.shape_cast %shift_right_logical3A_636 : vector<16xi32> to vector<1x16xi32>
        tpu.vector_store %arg7[%swap3A_638, %swap3A_639], %swap3A_642 {strides = array<i32>} : memref<4x64xi32, #tpu.memory_space<vmem>>, vector<1x16xi32>,
        %add3A_643 = arith.constant 32 : i32
        %add3A_644 = arith.addi %mul3A_594, %add3A_643 : i32
        %get3A_645 = arith.index_cast %shift_right_logical3A_590 : i32 to index
        %get3A_646 = arith.index_cast %add3A_644 : i32 to index
        %get3A_647 = tpu.vector_load %arg5[%get3A_645, %get3A_646] {strides = array<i32>} : memref<128x128xi32, #tpu.memory_space<vmem>>, vector<1x16xi32>,
        %get3A_648 = vector.shape_cast %get3A_647 : vector<1x16xi32> to vector<16xi32>
        %and3A_649 = arith.constant 16383 : i32
        %and3A_650 = vector.broadcast %and3A_649 : i32 to vector<16xi32>
        %and3A_651 = arith.andi %get3A_648, %and3A_650 : vector<16xi32>
        %swap3A_652 = arith.constant 3 : i32
        %swap3A_653 = arith.index_cast %swap3A_652 : i32 to index
        %swap3A_654 = arith.constant 32 : index
        %swap3A_655 = tpu.vector_load %arg6[%swap3A_653, %swap3A_654] {strides = array<i32>} : memref<4x64xi32, #tpu.memory_space<vmem>>, vector<1x16xi32>,
        %swap3A_656 = vector.shape_cast %swap3A_655 : vector<1x16xi32> to vector<16xi32>
        %swap3A_657 = vector.shape_cast %and3A_651 : vector<16xi32> to vector<1x16xi32>
        tpu.vector_store %arg6[%swap3A_653, %swap3A_654], %swap3A_657 {strides = array<i32>} : memref<4x64xi32, #tpu.memory_space<vmem>>, vector<1x16xi32>,
        %shift_right_logical3A_658 = arith.constant 14 : i32
        %shift_right_logical3A_659 = vector.broadcast %shift_right_logical3A_658 : i32 to vector<16xi32>
        %shift_right_logical3A_660 = arith.shrui %get3A_648, %shift_right_logical3A_659 : vector<16xi32>
        %swap3A_661 = arith.constant 3 : i32
        %swap3A_662 = arith.index_cast %swap3A_661 : i32 to index
        %swap3A_663 = arith.constant 32 : index
        %swap3A_664 = tpu.vector_load %arg7[%swap3A_662, %swap3A_663] {strides = array<i32>} : memref<4x64xi32, #tpu.memory_space<vmem>>, vector<1x16xi32>,
        %swap3A_665 = vector.shape_cast %swap3A_664 : vector<1x16xi32> to vector<16xi32>
        %swap3A_666 = vector.shape_cast %shift_right_logical3A_660 : vector<16xi32> to vector<1x16xi32>
        tpu.vector_store %arg7[%swap3A_662, %swap3A_663], %swap3A_666 {strides = array<i32>} : memref<4x64xi32, #tpu.memory_space<vmem>>, vector<1x16xi32>,
        %add3A_667 = arith.constant 48 : i32
        %add3A_668 = arith.addi %mul3A_594, %add3A_667 : i32
        %get3A_669 = arith.index_cast %shift_right_logical3A_590 : i32 to index
        %get3A_670 = arith.index_cast %add3A_668 : i32 to index
        %get3A_671 = tpu.vector_load %arg5[%get3A_669, %get3A_670] {strides = array<i32>} : memref<128x128xi32, #tpu.memory_space<vmem>>, vector<1x16xi32>,
        %get3A_672 = vector.shape_cast %get3A_671 : vector<1x16xi32> to vector<16xi32>
        %and3A_673 = arith.constant 16383 : i32
        %and3A_674 = vector.broadcast %and3A_673 : i32 to vector<16xi32>
        %and3A_675 = arith.andi %get3A_672, %and3A_674 : vector<16xi32>
        %swap3A_676 = arith.constant 3 : i32
        %swap3A_677 = arith.index_cast %swap3A_676 : i32 to index
        %swap3A_678 = arith.constant 48 : index
        %swap3A_679 = tpu.vector_load %arg6[%swap3A_677, %swap3A_678] {strides = array<i32>} : memref<4x64xi32, #tpu.memory_space<vmem>>, vector<1x16xi32>,
        %swap3A_680 = vector.shape_cast %swap3A_679 : vector<1x16xi32> to vector<16xi32>
        %swap3A_681 = vector.shape_cast %and3A_675 : vector<16xi32> to vector<1x16xi32>
        tpu.vector_store %arg6[%swap3A_677, %swap3A_678], %swap3A_681 {strides = array<i32>} : memref<4x64xi32, #tpu.memory_space<vmem>>, vector<1x16xi32>,
        %shift_right_logical3A_682 = arith.constant 14 : i32
        %shift_right_logical3A_683 = vector.broadcast %shift_right_logical3A_682 : i32 to vector<16xi32>
        %shift_right_logical3A_684 = arith.shrui %get3A_672, %shift_right_logical3A_683 : vector<16xi32>
        %swap3A_685 = arith.constant 3 : i32
        %swap3A_686 = arith.index_cast %swap3A_685 : i32 to index
        %swap3A_687 = arith.constant 48 : index
        %swap3A_688 = tpu.vector_load %arg7[%swap3A_686, %swap3A_687] {strides = array<i32>} : memref<4x64xi32, #tpu.memory_space<vmem>>, vector<1x16xi32>,
        %swap3A_689 = vector.shape_cast %swap3A_688 : vector<1x16xi32> to vector<16xi32>
        %swap3A_690 = vector.shape_cast %shift_right_logical3A_684 : vector<16xi32> to vector<1x16xi32>
        tpu.vector_store %arg7[%swap3A_686, %swap3A_687], %swap3A_690 {strides = array<i32>} : memref<4x64xi32, #tpu.memory_space<vmem>>, vector<1x16xi32>,
        %dma_start3A_691 = arith.constant 3 : i32
        %dma_start3A_692 = arith.constant 3 : i32
        %dma_start3A_693 = arith.constant 0 : i32
        %dma_start3A_694 = arith.constant 0 : i32
        %dma_start3A_695 = tpu.memref_slice %arg8[%dma_start3A_692, %dma_start3A_693, %dma_start3A_694] : memref<4x64x128xf32, #tpu.memory_space<vmem>> -> memref<1x64x128xf32, #tpu.memory_space<vmem>>
        %dma_start3A_696 = tpu.memref_squeeze %dma_start3A_695 : memref<1x64x128xf32, #tpu.memory_space<vmem>> -> memref<64x128xf32, #tpu.memory_space<vmem>>
        %dma_start3A_697 = arith.constant 0 : i32
        %dma_start3A_698 = tpu.memref_slice %arg6[%dma_start3A_691, %dma_start3A_697] : memref<4x64xi32, #tpu.memory_space<vmem>> -> memref<1x64xi32, #tpu.memory_space<vmem>>
        %dma_start3A_699 = tpu.memref_squeeze %dma_start3A_698 : memref<1x64xi32, #tpu.memory_space<vmem>> -> memref<64xi32, #tpu.memory_space<vmem>>
        %dma_start3A_700 = arith.constant 0 : i32
        %dma_start3A_701 = arith.constant 0 : i32
        %dma_start3A_702 = tpu.memref_slice %arg2[%dma_start3A_700, %dma_start3A_701] : memref<10000x128xf32, #tpu.memory_space<hbm>> -> memref<10000x128xf32, #tpu.memory_space<hbm>>
        tpu.enqueue_indirect_dma source(%dma_start3A_702 : memref<10000x128xf32, #tpu.memory_space<hbm>>) target(%dma_start3A_696 : memref<64x128xf32, #tpu.memory_space<vmem>>) offsets(%dma_start3A_699 : memref<64xi32, #tpu.memory_space<vmem>>) semaphore(%arg13 : memref<!tpu.dma_semaphore, #tpu.memory_space<semaphore_mem>>)
      } else {
      }
      %run_scoped3A_504 = arith.constant 0 : i32
      %run_scoped3A_505 = arith.constant 0 : i32
      "tpu.region"() ({
        %run_scoped3A_585 = tpu.sem_alloc : memref<!tpu.dma_semaphore, #tpu.memory_space<semaphore_mem>>
        %dma_start3A_586 = arith.constant 0 : i32
        %dma_start3A_587 = arith.constant 0 : i32
        %dma_start3A_588 = tpu.memref_slice %arg8[%run_scoped3A_504, %dma_start3A_586, %dma_start3A_587] : memref<4x64x128xf32, #tpu.memory_space<vmem>> -> memref<1x64x128xf32, #tpu.memory_space<vmem>>
        %dma_start3A_589 = tpu.memref_squeeze %dma_start3A_588 : memref<1x64x128xf32, #tpu.memory_space<vmem>> -> memref<64x128xf32, #tpu.memory_space<vmem>>
        %dma_start3A_590 = arith.constant 0 : i32
        %dma_start3A_591 = tpu.memref_slice %arg7[%run_scoped3A_505, %dma_start3A_590] : memref<4x64xi32, #tpu.memory_space<vmem>> -> memref<1x64xi32, #tpu.memory_space<vmem>>
        %dma_start3A_592 = tpu.memref_squeeze %dma_start3A_591 : memref<1x64xi32, #tpu.memory_space<vmem>> -> memref<64xi32, #tpu.memory_space<vmem>>
        %dma_start3A_593 = arith.constant 0 : i32
        %dma_start3A_594 = arith.constant 0 : i32
        %dma_start3A_595 = tpu.memref_slice %arg9[%dma_start3A_593, %dma_start3A_594] : memref<10112x128xf32, #tpu.memory_space<vmem_shared>> -> memref<10112x128xf32, #tpu.memory_space<vmem_shared>>
        tpu.enqueue_indirect_dma source(%dma_start3A_589 : memref<64x128xf32, #tpu.memory_space<vmem>>) target(%dma_start3A_595 : memref<10112x128xf32, #tpu.memory_space<vmem_shared>>) offsets(%dma_start3A_592 : memref<64xi32, #tpu.memory_space<vmem>>) semaphore(%run_scoped3A_585 : memref<!tpu.dma_semaphore, #tpu.memory_space<semaphore_mem>>) {add = true}
        %dma_wait3A_596 = arith.constant 0 : i32
        %dma_wait3A_597 = arith.constant 0 : i32
        %dma_wait3A_598 = tpu.memref_slice %arg8[%run_scoped3A_504, %dma_wait3A_596, %dma_wait3A_597] : memref<4x64x128xf32, #tpu.memory_space<vmem>> -> memref<1x64x128xf32, #tpu.memory_space<vmem>>
        %dma_wait3A_599 = tpu.memref_squeeze %dma_wait3A_598 : memref<1x64x128xf32, #tpu.memory_space<vmem>> -> memref<64x128xf32, #tpu.memory_space<vmem>>
        %dma_wait3A_600 = arith.constant 0 : i32
        %dma_wait3A_601 = tpu.memref_slice %arg7[%run_scoped3A_505, %dma_wait3A_600] : memref<4x64xi32, #tpu.memory_space<vmem>> -> memref<1x64xi32, #tpu.memory_space<vmem>>
        %dma_wait3A_602 = tpu.memref_squeeze %dma_wait3A_601 : memref<1x64xi32, #tpu.memory_space<vmem>> -> memref<64xi32, #tpu.memory_space<vmem>>
        %dma_wait3A_603 = arith.constant 0 : i32
        %dma_wait3A_604 = arith.constant 0 : i32
        %dma_wait3A_605 = tpu.memref_slice %arg9[%dma_wait3A_603, %dma_wait3A_604] : memref<10112x128xf32, #tpu.memory_space<vmem_shared>> -> memref<10112x128xf32, #tpu.memory_space<vmem_shared>>
        tpu.wait_indirect_dma semaphore(%run_scoped3A_585 : memref<!tpu.dma_semaphore, #tpu.memory_space<semaphore_mem>>) src(%dma_wait3A_599 : memref<64x128xf32, #tpu.memory_space<vmem>>) dst(%dma_wait3A_605 : memref<10112x128xf32, #tpu.memory_space<vmem_shared>>)
        tpu.yield
      }) : () -> ()
      %mul3A_506 = arith.constant 4 : i32
      %mul3A_507 = arith.muli %while3A_480, %mul3A_506 : i32
      %add3A_508 = arith.constant 1 : i32
      %add3A_509 = arith.addi %mul3A_507, %add3A_508 : i32
      %dma_wait3A_510 = arith.constant 1 : i32
      %dma_wait3A_511 = arith.constant 1 : i32
      %dma_wait3A_512 = arith.constant 0 : i32
      %dma_wait3A_513 = arith.constant 0 : i32
      %dma_wait3A_514 = tpu.memref_slice %arg8[%dma_wait3A_511, %dma_wait3A_512, %dma_wait3A_513] : memref<4x64x128xf32, #tpu.memory_space<vmem>> -> memref<1x64x128xf32, #tpu.memory_space<vmem>>
      %dma_wait3A_515 = tpu.memref_squeeze %dma_wait3A_514 : memref<1x64x128xf32, #tpu.memory_space<vmem>> -> memref<64x128xf32, #tpu.memory_space<vmem>>
      %dma_wait3A_516 = arith.constant 0 : i32
      %dma_wait3A_517 = tpu.memref_slice %arg6[%dma_wait3A_510, %dma_wait3A_516] : memref<4x64xi32, #tpu.memory_space<vmem>> -> memref<1x64xi32, #tpu.memory_space<vmem>>
      %dma_wait3A_518 = tpu.memref_squeeze %dma_wait3A_517 : memref<1x64xi32, #tpu.memory_space<vmem>> -> memref<64xi32, #tpu.memory_space<vmem>>
      %dma_wait3A_519 = arith.constant 0 : i32
      %dma_wait3A_520 = arith.constant 0 : i32
      %dma_wait3A_521 = tpu.memref_slice %arg2[%dma_wait3A_519, %dma_wait3A_520] : memref<10000x128xf32, #tpu.memory_space<hbm>> -> memref<10000x128xf32, #tpu.memory_space<hbm>>
      tpu.wait_indirect_dma semaphore(%arg11 : memref<!tpu.dma_semaphore, #tpu.memory_space<semaphore_mem>>) src(%dma_wait3A_521 : memref<10000x128xf32, #tpu.memory_space<hbm>>) dst(%dma_wait3A_515 : memref<64x128xf32, #tpu.memory_space<vmem>>)
      %add3A_522 = arith.constant 4 : i32
      %add3A_523 = arith.addi %add3A_509, %add3A_522 : i32
      %sub3A_524 = arith.constant 1 : i32
      %sub3A_525 = arith.subi %add3A_523, %sub3A_524 : i32
      %lt3A_526 = arith.cmpi slt, %sub3A_525, %select_n3A : i32
      %convert_element_type3A_527 = arith.extui %lt3A_526 : i1 to i32
      %cond3A_528 = arith.constant 0 : i32
      %cond3A_529 = arith.cmpi ne, %convert_element_type3A_527, %cond3A_528 : i32
      scf.if %cond3A_529 {
        %add3A_585 = arith.constant 4 : i32
        %add3A_586 = arith.addi %add3A_509, %add3A_585 : i32
        %sub3A_587 = arith.constant 1 : i32
        %sub3A_588 = arith.subi %add3A_586, %sub3A_587 : i32
        %shift_right_logical3A_589 = arith.constant 1 : i32
        %shift_right_logical3A_590 = arith.shrui %sub3A_588, %shift_right_logical3A_589 : i32
        %and3A_591 = arith.constant 1 : i32
        %and3A_592 = arith.andi %sub3A_588, %and3A_591 : i32
        %mul3A_593 = arith.constant 64 : i32
        %mul3A_594 = arith.muli %and3A_592, %mul3A_593 : i32
        %add3A_595 = arith.constant 0 : i32
        %add3A_596 = arith.addi %mul3A_594, %add3A_595 : i32
        %get3A_597 = arith.index_cast %shift_right_logical3A_590 : i32 to index
        %get3A_598 = arith.index_cast %add3A_596 : i32 to index
        %get3A_599 = tpu.vector_load %arg5[%get3A_597, %get3A_598] {strides = array<i32>} : memref<128x128xi32, #tpu.memory_space<vmem>>, vector<1x16xi32>,
        %get3A_600 = vector.shape_cast %get3A_599 : vector<1x16xi32> to vector<16xi32>
        %and3A_601 = arith.constant 16383 : i32
        %and3A_602 = vector.broadcast %and3A_601 : i32 to vector<16xi32>
        %and3A_603 = arith.andi %get3A_600, %and3A_602 : vector<16xi32>
        %swap3A_604 = arith.constant 0 : i32
        %swap3A_605 = arith.index_cast %swap3A_604 : i32 to index
        %swap3A_606 = arith.constant 0 : index
        %swap3A_607 = tpu.vector_load %arg6[%swap3A_605, %swap3A_606] {strides = array<i32>} : memref<4x64xi32, #tpu.memory_space<vmem>>, vector<1x16xi32>,
        %swap3A_608 = vector.shape_cast %swap3A_607 : vector<1x16xi32> to vector<16xi32>
        %swap3A_609 = vector.shape_cast %and3A_603 : vector<16xi32> to vector<1x16xi32>
        tpu.vector_store %arg6[%swap3A_605, %swap3A_606], %swap3A_609 {strides = array<i32>} : memref<4x64xi32, #tpu.memory_space<vmem>>, vector<1x16xi32>,
        %shift_right_logical3A_610 = arith.constant 14 : i32
        %shift_right_logical3A_611 = vector.broadcast %shift_right_logical3A_610 : i32 to vector<16xi32>
        %shift_right_logical3A_612 = arith.shrui %get3A_600, %shift_right_logical3A_611 : vector<16xi32>
        %swap3A_613 = arith.constant 0 : i32
        %swap3A_614 = arith.index_cast %swap3A_613 : i32 to index
        %swap3A_615 = arith.constant 0 : index
        %swap3A_616 = tpu.vector_load %arg7[%swap3A_614, %swap3A_615] {strides = array<i32>} : memref<4x64xi32, #tpu.memory_space<vmem>>, vector<1x16xi32>,
        %swap3A_617 = vector.shape_cast %swap3A_616 : vector<1x16xi32> to vector<16xi32>
        %swap3A_618 = vector.shape_cast %shift_right_logical3A_612 : vector<16xi32> to vector<1x16xi32>
        tpu.vector_store %arg7[%swap3A_614, %swap3A_615], %swap3A_618 {strides = array<i32>} : memref<4x64xi32, #tpu.memory_space<vmem>>, vector<1x16xi32>,
        %add3A_619 = arith.constant 16 : i32
        %add3A_620 = arith.addi %mul3A_594, %add3A_619 : i32
        %get3A_621 = arith.index_cast %shift_right_logical3A_590 : i32 to index
        %get3A_622 = arith.index_cast %add3A_620 : i32 to index
        %get3A_623 = tpu.vector_load %arg5[%get3A_621, %get3A_622] {strides = array<i32>} : memref<128x128xi32, #tpu.memory_space<vmem>>, vector<1x16xi32>,
        %get3A_624 = vector.shape_cast %get3A_623 : vector<1x16xi32> to vector<16xi32>
        %and3A_625 = arith.constant 16383 : i32
        %and3A_626 = vector.broadcast %and3A_625 : i32 to vector<16xi32>
        %and3A_627 = arith.andi %get3A_624, %and3A_626 : vector<16xi32>
        %swap3A_628 = arith.constant 0 : i32
        %swap3A_629 = arith.index_cast %swap3A_628 : i32 to index
        %swap3A_630 = arith.constant 16 : index
        %swap3A_631 = tpu.vector_load %arg6[%swap3A_629, %swap3A_630] {strides = array<i32>} : memref<4x64xi32, #tpu.memory_space<vmem>>, vector<1x16xi32>,
        %swap3A_632 = vector.shape_cast %swap3A_631 : vector<1x16xi32> to vector<16xi32>
        %swap3A_633 = vector.shape_cast %and3A_627 : vector<16xi32> to vector<1x16xi32>
        tpu.vector_store %arg6[%swap3A_629, %swap3A_630], %swap3A_633 {strides = array<i32>} : memref<4x64xi32, #tpu.memory_space<vmem>>, vector<1x16xi32>,
        %shift_right_logical3A_634 = arith.constant 14 : i32
        %shift_right_logical3A_635 = vector.broadcast %shift_right_logical3A_634 : i32 to vector<16xi32>
        %shift_right_logical3A_636 = arith.shrui %get3A_624, %shift_right_logical3A_635 : vector<16xi32>
        %swap3A_637 = arith.constant 0 : i32
        %swap3A_638 = arith.index_cast %swap3A_637 : i32 to index
        %swap3A_639 = arith.constant 16 : index
        %swap3A_640 = tpu.vector_load %arg7[%swap3A_638, %swap3A_639] {strides = array<i32>} : memref<4x64xi32, #tpu.memory_space<vmem>>, vector<1x16xi32>,
        %swap3A_641 = vector.shape_cast %swap3A_640 : vector<1x16xi32> to vector<16xi32>
        %swap3A_642 = vector.shape_cast %shift_right_logical3A_636 : vector<16xi32> to vector<1x16xi32>
        tpu.vector_store %arg7[%swap3A_638, %swap3A_639], %swap3A_642 {strides = array<i32>} : memref<4x64xi32, #tpu.memory_space<vmem>>, vector<1x16xi32>,
        %add3A_643 = arith.constant 32 : i32
        %add3A_644 = arith.addi %mul3A_594, %add3A_643 : i32
        %get3A_645 = arith.index_cast %shift_right_logical3A_590 : i32 to index
        %get3A_646 = arith.index_cast %add3A_644 : i32 to index
        %get3A_647 = tpu.vector_load %arg5[%get3A_645, %get3A_646] {strides = array<i32>} : memref<128x128xi32, #tpu.memory_space<vmem>>, vector<1x16xi32>,
        %get3A_648 = vector.shape_cast %get3A_647 : vector<1x16xi32> to vector<16xi32>
        %and3A_649 = arith.constant 16383 : i32
        %and3A_650 = vector.broadcast %and3A_649 : i32 to vector<16xi32>
        %and3A_651 = arith.andi %get3A_648, %and3A_650 : vector<16xi32>
        %swap3A_652 = arith.constant 0 : i32
        %swap3A_653 = arith.index_cast %swap3A_652 : i32 to index
        %swap3A_654 = arith.constant 32 : index
        %swap3A_655 = tpu.vector_load %arg6[%swap3A_653, %swap3A_654] {strides = array<i32>} : memref<4x64xi32, #tpu.memory_space<vmem>>, vector<1x16xi32>,
        %swap3A_656 = vector.shape_cast %swap3A_655 : vector<1x16xi32> to vector<16xi32>
        %swap3A_657 = vector.shape_cast %and3A_651 : vector<16xi32> to vector<1x16xi32>
        tpu.vector_store %arg6[%swap3A_653, %swap3A_654], %swap3A_657 {strides = array<i32>} : memref<4x64xi32, #tpu.memory_space<vmem>>, vector<1x16xi32>,
        %shift_right_logical3A_658 = arith.constant 14 : i32
        %shift_right_logical3A_659 = vector.broadcast %shift_right_logical3A_658 : i32 to vector<16xi32>
        %shift_right_logical3A_660 = arith.shrui %get3A_648, %shift_right_logical3A_659 : vector<16xi32>
        %swap3A_661 = arith.constant 0 : i32
        %swap3A_662 = arith.index_cast %swap3A_661 : i32 to index
        %swap3A_663 = arith.constant 32 : index
        %swap3A_664 = tpu.vector_load %arg7[%swap3A_662, %swap3A_663] {strides = array<i32>} : memref<4x64xi32, #tpu.memory_space<vmem>>, vector<1x16xi32>,
        %swap3A_665 = vector.shape_cast %swap3A_664 : vector<1x16xi32> to vector<16xi32>
        %swap3A_666 = vector.shape_cast %shift_right_logical3A_660 : vector<16xi32> to vector<1x16xi32>
        tpu.vector_store %arg7[%swap3A_662, %swap3A_663], %swap3A_666 {strides = array<i32>} : memref<4x64xi32, #tpu.memory_space<vmem>>, vector<1x16xi32>,
        %add3A_667 = arith.constant 48 : i32
        %add3A_668 = arith.addi %mul3A_594, %add3A_667 : i32
        %get3A_669 = arith.index_cast %shift_right_logical3A_590 : i32 to index
        %get3A_670 = arith.index_cast %add3A_668 : i32 to index
        %get3A_671 = tpu.vector_load %arg5[%get3A_669, %get3A_670] {strides = array<i32>} : memref<128x128xi32, #tpu.memory_space<vmem>>, vector<1x16xi32>,
        %get3A_672 = vector.shape_cast %get3A_671 : vector<1x16xi32> to vector<16xi32>
        %and3A_673 = arith.constant 16383 : i32
        %and3A_674 = vector.broadcast %and3A_673 : i32 to vector<16xi32>
        %and3A_675 = arith.andi %get3A_672, %and3A_674 : vector<16xi32>
        %swap3A_676 = arith.constant 0 : i32
        %swap3A_677 = arith.index_cast %swap3A_676 : i32 to index
        %swap3A_678 = arith.constant 48 : index
        %swap3A_679 = tpu.vector_load %arg6[%swap3A_677, %swap3A_678] {strides = array<i32>} : memref<4x64xi32, #tpu.memory_space<vmem>>, vector<1x16xi32>,
        %swap3A_680 = vector.shape_cast %swap3A_679 : vector<1x16xi32> to vector<16xi32>
        %swap3A_681 = vector.shape_cast %and3A_675 : vector<16xi32> to vector<1x16xi32>
        tpu.vector_store %arg6[%swap3A_677, %swap3A_678], %swap3A_681 {strides = array<i32>} : memref<4x64xi32, #tpu.memory_space<vmem>>, vector<1x16xi32>,
        %shift_right_logical3A_682 = arith.constant 14 : i32
        %shift_right_logical3A_683 = vector.broadcast %shift_right_logical3A_682 : i32 to vector<16xi32>
        %shift_right_logical3A_684 = arith.shrui %get3A_672, %shift_right_logical3A_683 : vector<16xi32>
        %swap3A_685 = arith.constant 0 : i32
        %swap3A_686 = arith.index_cast %swap3A_685 : i32 to index
        %swap3A_687 = arith.constant 48 : index
        %swap3A_688 = tpu.vector_load %arg7[%swap3A_686, %swap3A_687] {strides = array<i32>} : memref<4x64xi32, #tpu.memory_space<vmem>>, vector<1x16xi32>,
        %swap3A_689 = vector.shape_cast %swap3A_688 : vector<1x16xi32> to vector<16xi32>
        %swap3A_690 = vector.shape_cast %shift_right_logical3A_684 : vector<16xi32> to vector<1x16xi32>
        tpu.vector_store %arg7[%swap3A_686, %swap3A_687], %swap3A_690 {strides = array<i32>} : memref<4x64xi32, #tpu.memory_space<vmem>>, vector<1x16xi32>,
        %dma_start3A_691 = arith.constant 0 : i32
        %dma_start3A_692 = arith.constant 0 : i32
        %dma_start3A_693 = arith.constant 0 : i32
        %dma_start3A_694 = arith.constant 0 : i32
        %dma_start3A_695 = tpu.memref_slice %arg8[%dma_start3A_692, %dma_start3A_693, %dma_start3A_694] : memref<4x64x128xf32, #tpu.memory_space<vmem>> -> memref<1x64x128xf32, #tpu.memory_space<vmem>>
        %dma_start3A_696 = tpu.memref_squeeze %dma_start3A_695 : memref<1x64x128xf32, #tpu.memory_space<vmem>> -> memref<64x128xf32, #tpu.memory_space<vmem>>
        %dma_start3A_697 = arith.constant 0 : i32
        %dma_start3A_698 = tpu.memref_slice %arg6[%dma_start3A_691, %dma_start3A_697] : memref<4x64xi32, #tpu.memory_space<vmem>> -> memref<1x64xi32, #tpu.memory_space<vmem>>
        %dma_start3A_699 = tpu.memref_squeeze %dma_start3A_698 : memref<1x64xi32, #tpu.memory_space<vmem>> -> memref<64xi32, #tpu.memory_space<vmem>>
        %dma_start3A_700 = arith.constant 0 : i32
        %dma_start3A_701 = arith.constant 0 : i32
        %dma_start3A_702 = tpu.memref_slice %arg2[%dma_start3A_700, %dma_start3A_701] : memref<10000x128xf32, #tpu.memory_space<hbm>> -> memref<10000x128xf32, #tpu.memory_space<hbm>>
        tpu.enqueue_indirect_dma source(%dma_start3A_702 : memref<10000x128xf32, #tpu.memory_space<hbm>>) target(%dma_start3A_696 : memref<64x128xf32, #tpu.memory_space<vmem>>) offsets(%dma_start3A_699 : memref<64xi32, #tpu.memory_space<vmem>>) semaphore(%arg10 : memref<!tpu.dma_semaphore, #tpu.memory_space<semaphore_mem>>)
      } else {
      }
      %run_scoped3A_530 = arith.constant 1 : i32
      %run_scoped3A_531 = arith.constant 1 : i32
      "tpu.region"() ({
        %run_scoped3A_585 = tpu.sem_alloc : memref<!tpu.dma_semaphore, #tpu.memory_space<semaphore_mem>>
        %dma_start3A_586 = arith.constant 0 : i32
        %dma_start3A_587 = arith.constant 0 : i32
        %dma_start3A_588 = tpu.memref_slice %arg8[%run_scoped3A_530, %dma_start3A_586, %dma_start3A_587] : memref<4x64x128xf32, #tpu.memory_space<vmem>> -> memref<1x64x128xf32, #tpu.memory_space<vmem>>
        %dma_start3A_589 = tpu.memref_squeeze %dma_start3A_588 : memref<1x64x128xf32, #tpu.memory_space<vmem>> -> memref<64x128xf32, #tpu.memory_space<vmem>>
        %dma_start3A_590 = arith.constant 0 : i32
        %dma_start3A_591 = tpu.memref_slice %arg7[%run_scoped3A_531, %dma_start3A_590] : memref<4x64xi32, #tpu.memory_space<vmem>> -> memref<1x64xi32, #tpu.memory_space<vmem>>
        %dma_start3A_592 = tpu.memref_squeeze %dma_start3A_591 : memref<1x64xi32, #tpu.memory_space<vmem>> -> memref<64xi32, #tpu.memory_space<vmem>>
        %dma_start3A_593 = arith.constant 0 : i32
        %dma_start3A_594 = arith.constant 0 : i32
        %dma_start3A_595 = tpu.memref_slice %arg9[%dma_start3A_593, %dma_start3A_594] : memref<10112x128xf32, #tpu.memory_space<vmem_shared>> -> memref<10112x128xf32, #tpu.memory_space<vmem_shared>>
        tpu.enqueue_indirect_dma source(%dma_start3A_589 : memref<64x128xf32, #tpu.memory_space<vmem>>) target(%dma_start3A_595 : memref<10112x128xf32, #tpu.memory_space<vmem_shared>>) offsets(%dma_start3A_592 : memref<64xi32, #tpu.memory_space<vmem>>) semaphore(%run_scoped3A_585 : memref<!tpu.dma_semaphore, #tpu.memory_space<semaphore_mem>>) {add = true}
        %dma_wait3A_596 = arith.constant 0 : i32
        %dma_wait3A_597 = arith.constant 0 : i32
        %dma_wait3A_598 = tpu.memref_slice %arg8[%run_scoped3A_530, %dma_wait3A_596, %dma_wait3A_597] : memref<4x64x128xf32, #tpu.memory_space<vmem>> -> memref<1x64x128xf32, #tpu.memory_space<vmem>>
        %dma_wait3A_599 = tpu.memref_squeeze %dma_wait3A_598 : memref<1x64x128xf32, #tpu.memory_space<vmem>> -> memref<64x128xf32, #tpu.memory_space<vmem>>
        %dma_wait3A_600 = arith.constant 0 : i32
        %dma_wait3A_601 = tpu.memref_slice %arg7[%run_scoped3A_531, %dma_wait3A_600] : memref<4x64xi32, #tpu.memory_space<vmem>> -> memref<1x64xi32, #tpu.memory_space<vmem>>
        %dma_wait3A_602 = tpu.memref_squeeze %dma_wait3A_601 : memref<1x64xi32, #tpu.memory_space<vmem>> -> memref<64xi32, #tpu.memory_space<vmem>>
        %dma_wait3A_603 = arith.constant 0 : i32
        %dma_wait3A_604 = arith.constant 0 : i32
        %dma_wait3A_605 = tpu.memref_slice %arg9[%dma_wait3A_603, %dma_wait3A_604] : memref<10112x128xf32, #tpu.memory_space<vmem_shared>> -> memref<10112x128xf32, #tpu.memory_space<vmem_shared>>
        tpu.wait_indirect_dma semaphore(%run_scoped3A_585 : memref<!tpu.dma_semaphore, #tpu.memory_space<semaphore_mem>>) src(%dma_wait3A_599 : memref<64x128xf32, #tpu.memory_space<vmem>>) dst(%dma_wait3A_605 : memref<10112x128xf32, #tpu.memory_space<vmem_shared>>)
        tpu.yield
      }) : () -> ()
      %mul3A_532 = arith.constant 4 : i32
      %mul3A_533 = arith.muli %while3A_480, %mul3A_532 : i32
      %add3A_534 = arith.constant 2 : i32
      %add3A_535 = arith.addi %mul3A_533, %add3A_534 : i32
      %dma_wait3A_536 = arith.constant 2 : i32
      %dma_wait3A_537 = arith.constant 2 : i32
      %dma_wait3A_538 = arith.constant 0 : i32
      %dma_wait3A_539 = arith.constant 0 : i32
      %dma_wait3A_540 = tpu.memref_slice %arg8[%dma_wait3A_537, %dma_wait3A_538, %dma_wait3A_539] : memref<4x64x128xf32, #tpu.memory_space<vmem>> -> memref<1x64x128xf32, #tpu.memory_space<vmem>>
      %dma_wait3A_541 = tpu.memref_squeeze %dma_wait3A_540 : memref<1x64x128xf32, #tpu.memory_space<vmem>> -> memref<64x128xf32, #tpu.memory_space<vmem>>
      %dma_wait3A_542 = arith.constant 0 : i32
      %dma_wait3A_543 = tpu.memref_slice %arg6[%dma_wait3A_536, %dma_wait3A_542] : memref<4x64xi32, #tpu.memory_space<vmem>> -> memref<1x64xi32, #tpu.memory_space<vmem>>
      %dma_wait3A_544 = tpu.memref_squeeze %dma_wait3A_543 : memref<1x64xi32, #tpu.memory_space<vmem>> -> memref<64xi32, #tpu.memory_space<vmem>>
      %dma_wait3A_545 = arith.constant 0 : i32
      %dma_wait3A_546 = arith.constant 0 : i32
      %dma_wait3A_547 = tpu.memref_slice %arg2[%dma_wait3A_545, %dma_wait3A_546] : memref<10000x128xf32, #tpu.memory_space<hbm>> -> memref<10000x128xf32, #tpu.memory_space<hbm>>
      tpu.wait_indirect_dma semaphore(%arg12 : memref<!tpu.dma_semaphore, #tpu.memory_space<semaphore_mem>>) src(%dma_wait3A_547 : memref<10000x128xf32, #tpu.memory_space<hbm>>) dst(%dma_wait3A_541 : memref<64x128xf32, #tpu.memory_space<vmem>>)
      %add3A_548 = arith.constant 4 : i32
      %add3A_549 = arith.addi %add3A_535, %add3A_548 : i32
      %sub3A_550 = arith.constant 1 : i32
      %sub3A_551 = arith.subi %add3A_549, %sub3A_550 : i32
      %lt3A_552 = arith.cmpi slt, %sub3A_551, %select_n3A : i32
      %convert_element_type3A_553 = arith.extui %lt3A_552 : i1 to i32
      %cond3A_554 = arith.constant 0 : i32
      %cond3A_555 = arith.cmpi ne, %convert_element_type3A_553, %cond3A_554 : i32
      scf.if %cond3A_555 {
        %add3A_585 = arith.constant 4 : i32
        %add3A_586 = arith.addi %add3A_535, %add3A_585 : i32
        %sub3A_587 = arith.constant 1 : i32
        %sub3A_588 = arith.subi %add3A_586, %sub3A_587 : i32
        %shift_right_logical3A_589 = arith.constant 1 : i32
        %shift_right_logical3A_590 = arith.shrui %sub3A_588, %shift_right_logical3A_589 : i32
        %and3A_591 = arith.constant 1 : i32
        %and3A_592 = arith.andi %sub3A_588, %and3A_591 : i32
        %mul3A_593 = arith.constant 64 : i32
        %mul3A_594 = arith.muli %and3A_592, %mul3A_593 : i32
        %add3A_595 = arith.constant 0 : i32
        %add3A_596 = arith.addi %mul3A_594, %add3A_595 : i32
        %get3A_597 = arith.index_cast %shift_right_logical3A_590 : i32 to index
        %get3A_598 = arith.index_cast %add3A_596 : i32 to index
        %get3A_599 = tpu.vector_load %arg5[%get3A_597, %get3A_598] {strides = array<i32>} : memref<128x128xi32, #tpu.memory_space<vmem>>, vector<1x16xi32>,
        %get3A_600 = vector.shape_cast %get3A_599 : vector<1x16xi32> to vector<16xi32>
        %and3A_601 = arith.constant 16383 : i32
        %and3A_602 = vector.broadcast %and3A_601 : i32 to vector<16xi32>
        %and3A_603 = arith.andi %get3A_600, %and3A_602 : vector<16xi32>
        %swap3A_604 = arith.constant 1 : i32
        %swap3A_605 = arith.index_cast %swap3A_604 : i32 to index
        %swap3A_606 = arith.constant 0 : index
        %swap3A_607 = tpu.vector_load %arg6[%swap3A_605, %swap3A_606] {strides = array<i32>} : memref<4x64xi32, #tpu.memory_space<vmem>>, vector<1x16xi32>,
        %swap3A_608 = vector.shape_cast %swap3A_607 : vector<1x16xi32> to vector<16xi32>
        %swap3A_609 = vector.shape_cast %and3A_603 : vector<16xi32> to vector<1x16xi32>
        tpu.vector_store %arg6[%swap3A_605, %swap3A_606], %swap3A_609 {strides = array<i32>} : memref<4x64xi32, #tpu.memory_space<vmem>>, vector<1x16xi32>,
        %shift_right_logical3A_610 = arith.constant 14 : i32
        %shift_right_logical3A_611 = vector.broadcast %shift_right_logical3A_610 : i32 to vector<16xi32>
        %shift_right_logical3A_612 = arith.shrui %get3A_600, %shift_right_logical3A_611 : vector<16xi32>
        %swap3A_613 = arith.constant 1 : i32
        %swap3A_614 = arith.index_cast %swap3A_613 : i32 to index
        %swap3A_615 = arith.constant 0 : index
        %swap3A_616 = tpu.vector_load %arg7[%swap3A_614, %swap3A_615] {strides = array<i32>} : memref<4x64xi32, #tpu.memory_space<vmem>>, vector<1x16xi32>,
        %swap3A_617 = vector.shape_cast %swap3A_616 : vector<1x16xi32> to vector<16xi32>
        %swap3A_618 = vector.shape_cast %shift_right_logical3A_612 : vector<16xi32> to vector<1x16xi32>
        tpu.vector_store %arg7[%swap3A_614, %swap3A_615], %swap3A_618 {strides = array<i32>} : memref<4x64xi32, #tpu.memory_space<vmem>>, vector<1x16xi32>,
        %add3A_619 = arith.constant 16 : i32
        %add3A_620 = arith.addi %mul3A_594, %add3A_619 : i32
        %get3A_621 = arith.index_cast %shift_right_logical3A_590 : i32 to index
        %get3A_622 = arith.index_cast %add3A_620 : i32 to index
        %get3A_623 = tpu.vector_load %arg5[%get3A_621, %get3A_622] {strides = array<i32>} : memref<128x128xi32, #tpu.memory_space<vmem>>, vector<1x16xi32>,
        %get3A_624 = vector.shape_cast %get3A_623 : vector<1x16xi32> to vector<16xi32>
        %and3A_625 = arith.constant 16383 : i32
        %and3A_626 = vector.broadcast %and3A_625 : i32 to vector<16xi32>
        %and3A_627 = arith.andi %get3A_624, %and3A_626 : vector<16xi32>
        %swap3A_628 = arith.constant 1 : i32
        %swap3A_629 = arith.index_cast %swap3A_628 : i32 to index
        %swap3A_630 = arith.constant 16 : index
        %swap3A_631 = tpu.vector_load %arg6[%swap3A_629, %swap3A_630] {strides = array<i32>} : memref<4x64xi32, #tpu.memory_space<vmem>>, vector<1x16xi32>,
        %swap3A_632 = vector.shape_cast %swap3A_631 : vector<1x16xi32> to vector<16xi32>
        %swap3A_633 = vector.shape_cast %and3A_627 : vector<16xi32> to vector<1x16xi32>
        tpu.vector_store %arg6[%swap3A_629, %swap3A_630], %swap3A_633 {strides = array<i32>} : memref<4x64xi32, #tpu.memory_space<vmem>>, vector<1x16xi32>,
        %shift_right_logical3A_634 = arith.constant 14 : i32
        %shift_right_logical3A_635 = vector.broadcast %shift_right_logical3A_634 : i32 to vector<16xi32>
        %shift_right_logical3A_636 = arith.shrui %get3A_624, %shift_right_logical3A_635 : vector<16xi32>
        %swap3A_637 = arith.constant 1 : i32
        %swap3A_638 = arith.index_cast %swap3A_637 : i32 to index
        %swap3A_639 = arith.constant 16 : index
        %swap3A_640 = tpu.vector_load %arg7[%swap3A_638, %swap3A_639] {strides = array<i32>} : memref<4x64xi32, #tpu.memory_space<vmem>>, vector<1x16xi32>,
        %swap3A_641 = vector.shape_cast %swap3A_640 : vector<1x16xi32> to vector<16xi32>
        %swap3A_642 = vector.shape_cast %shift_right_logical3A_636 : vector<16xi32> to vector<1x16xi32>
        tpu.vector_store %arg7[%swap3A_638, %swap3A_639], %swap3A_642 {strides = array<i32>} : memref<4x64xi32, #tpu.memory_space<vmem>>, vector<1x16xi32>,
        %add3A_643 = arith.constant 32 : i32
        %add3A_644 = arith.addi %mul3A_594, %add3A_643 : i32
        %get3A_645 = arith.index_cast %shift_right_logical3A_590 : i32 to index
        %get3A_646 = arith.index_cast %add3A_644 : i32 to index
        %get3A_647 = tpu.vector_load %arg5[%get3A_645, %get3A_646] {strides = array<i32>} : memref<128x128xi32, #tpu.memory_space<vmem>>, vector<1x16xi32>,
        %get3A_648 = vector.shape_cast %get3A_647 : vector<1x16xi32> to vector<16xi32>
        %and3A_649 = arith.constant 16383 : i32
        %and3A_650 = vector.broadcast %and3A_649 : i32 to vector<16xi32>
        %and3A_651 = arith.andi %get3A_648, %and3A_650 : vector<16xi32>
        %swap3A_652 = arith.constant 1 : i32
        %swap3A_653 = arith.index_cast %swap3A_652 : i32 to index
        %swap3A_654 = arith.constant 32 : index
        %swap3A_655 = tpu.vector_load %arg6[%swap3A_653, %swap3A_654] {strides = array<i32>} : memref<4x64xi32, #tpu.memory_space<vmem>>, vector<1x16xi32>,
        %swap3A_656 = vector.shape_cast %swap3A_655 : vector<1x16xi32> to vector<16xi32>
        %swap3A_657 = vector.shape_cast %and3A_651 : vector<16xi32> to vector<1x16xi32>
        tpu.vector_store %arg6[%swap3A_653, %swap3A_654], %swap3A_657 {strides = array<i32>} : memref<4x64xi32, #tpu.memory_space<vmem>>, vector<1x16xi32>,
        %shift_right_logical3A_658 = arith.constant 14 : i32
        %shift_right_logical3A_659 = vector.broadcast %shift_right_logical3A_658 : i32 to vector<16xi32>
        %shift_right_logical3A_660 = arith.shrui %get3A_648, %shift_right_logical3A_659 : vector<16xi32>
        %swap3A_661 = arith.constant 1 : i32
        %swap3A_662 = arith.index_cast %swap3A_661 : i32 to index
        %swap3A_663 = arith.constant 32 : index
        %swap3A_664 = tpu.vector_load %arg7[%swap3A_662, %swap3A_663] {strides = array<i32>} : memref<4x64xi32, #tpu.memory_space<vmem>>, vector<1x16xi32>,
        %swap3A_665 = vector.shape_cast %swap3A_664 : vector<1x16xi32> to vector<16xi32>
        %swap3A_666 = vector.shape_cast %shift_right_logical3A_660 : vector<16xi32> to vector<1x16xi32>
        tpu.vector_store %arg7[%swap3A_662, %swap3A_663], %swap3A_666 {strides = array<i32>} : memref<4x64xi32, #tpu.memory_space<vmem>>, vector<1x16xi32>,
        %add3A_667 = arith.constant 48 : i32
        %add3A_668 = arith.addi %mul3A_594, %add3A_667 : i32
        %get3A_669 = arith.index_cast %shift_right_logical3A_590 : i32 to index
        %get3A_670 = arith.index_cast %add3A_668 : i32 to index
        %get3A_671 = tpu.vector_load %arg5[%get3A_669, %get3A_670] {strides = array<i32>} : memref<128x128xi32, #tpu.memory_space<vmem>>, vector<1x16xi32>,
        %get3A_672 = vector.shape_cast %get3A_671 : vector<1x16xi32> to vector<16xi32>
        %and3A_673 = arith.constant 16383 : i32
        %and3A_674 = vector.broadcast %and3A_673 : i32 to vector<16xi32>
        %and3A_675 = arith.andi %get3A_672, %and3A_674 : vector<16xi32>
        %swap3A_676 = arith.constant 1 : i32
        %swap3A_677 = arith.index_cast %swap3A_676 : i32 to index
        %swap3A_678 = arith.constant 48 : index
        %swap3A_679 = tpu.vector_load %arg6[%swap3A_677, %swap3A_678] {strides = array<i32>} : memref<4x64xi32, #tpu.memory_space<vmem>>, vector<1x16xi32>,
        %swap3A_680 = vector.shape_cast %swap3A_679 : vector<1x16xi32> to vector<16xi32>
        %swap3A_681 = vector.shape_cast %and3A_675 : vector<16xi32> to vector<1x16xi32>
        tpu.vector_store %arg6[%swap3A_677, %swap3A_678], %swap3A_681 {strides = array<i32>} : memref<4x64xi32, #tpu.memory_space<vmem>>, vector<1x16xi32>,
        %shift_right_logical3A_682 = arith.constant 14 : i32
        %shift_right_logical3A_683 = vector.broadcast %shift_right_logical3A_682 : i32 to vector<16xi32>
        %shift_right_logical3A_684 = arith.shrui %get3A_672, %shift_right_logical3A_683 : vector<16xi32>
        %swap3A_685 = arith.constant 1 : i32
        %swap3A_686 = arith.index_cast %swap3A_685 : i32 to index
        %swap3A_687 = arith.constant 48 : index
        %swap3A_688 = tpu.vector_load %arg7[%swap3A_686, %swap3A_687] {strides = array<i32>} : memref<4x64xi32, #tpu.memory_space<vmem>>, vector<1x16xi32>,
        %swap3A_689 = vector.shape_cast %swap3A_688 : vector<1x16xi32> to vector<16xi32>
        %swap3A_690 = vector.shape_cast %shift_right_logical3A_684 : vector<16xi32> to vector<1x16xi32>
        tpu.vector_store %arg7[%swap3A_686, %swap3A_687], %swap3A_690 {strides = array<i32>} : memref<4x64xi32, #tpu.memory_space<vmem>>, vector<1x16xi32>,
        %dma_start3A_691 = arith.constant 1 : i32
        %dma_start3A_692 = arith.constant 1 : i32
        %dma_start3A_693 = arith.constant 0 : i32
        %dma_start3A_694 = arith.constant 0 : i32
        %dma_start3A_695 = tpu.memref_slice %arg8[%dma_start3A_692, %dma_start3A_693, %dma_start3A_694] : memref<4x64x128xf32, #tpu.memory_space<vmem>> -> memref<1x64x128xf32, #tpu.memory_space<vmem>>
        %dma_start3A_696 = tpu.memref_squeeze %dma_start3A_695 : memref<1x64x128xf32, #tpu.memory_space<vmem>> -> memref<64x128xf32, #tpu.memory_space<vmem>>
        %dma_start3A_697 = arith.constant 0 : i32
        %dma_start3A_698 = tpu.memref_slice %arg6[%dma_start3A_691, %dma_start3A_697] : memref<4x64xi32, #tpu.memory_space<vmem>> -> memref<1x64xi32, #tpu.memory_space<vmem>>
        %dma_start3A_699 = tpu.memref_squeeze %dma_start3A_698 : memref<1x64xi32, #tpu.memory_space<vmem>> -> memref<64xi32, #tpu.memory_space<vmem>>
        %dma_start3A_700 = arith.constant 0 : i32
        %dma_start3A_701 = arith.constant 0 : i32
        %dma_start3A_702 = tpu.memref_slice %arg2[%dma_start3A_700, %dma_start3A_701] : memref<10000x128xf32, #tpu.memory_space<hbm>> -> memref<10000x128xf32, #tpu.memory_space<hbm>>
        tpu.enqueue_indirect_dma source(%dma_start3A_702 : memref<10000x128xf32, #tpu.memory_space<hbm>>) target(%dma_start3A_696 : memref<64x128xf32, #tpu.memory_space<vmem>>) offsets(%dma_start3A_699 : memref<64xi32, #tpu.memory_space<vmem>>) semaphore(%arg11 : memref<!tpu.dma_semaphore, #tpu.memory_space<semaphore_mem>>)
      } else {
      }
      %run_scoped3A_556 = arith.constant 2 : i32
      %run_scoped3A_557 = arith.constant 2 : i32
      "tpu.region"() ({
        %run_scoped3A_585 = tpu.sem_alloc : memref<!tpu.dma_semaphore, #tpu.memory_space<semaphore_mem>>
        %dma_start3A_586 = arith.constant 0 : i32
        %dma_start3A_587 = arith.constant 0 : i32
        %dma_start3A_588 = tpu.memref_slice %arg8[%run_scoped3A_556, %dma_start3A_586, %dma_start3A_587] : memref<4x64x128xf32, #tpu.memory_space<vmem>> -> memref<1x64x128xf32, #tpu.memory_space<vmem>>
        %dma_start3A_589 = tpu.memref_squeeze %dma_start3A_588 : memref<1x64x128xf32, #tpu.memory_space<vmem>> -> memref<64x128xf32, #tpu.memory_space<vmem>>
        %dma_start3A_590 = arith.constant 0 : i32
        %dma_start3A_591 = tpu.memref_slice %arg7[%run_scoped3A_557, %dma_start3A_590] : memref<4x64xi32, #tpu.memory_space<vmem>> -> memref<1x64xi32, #tpu.memory_space<vmem>>
        %dma_start3A_592 = tpu.memref_squeeze %dma_start3A_591 : memref<1x64xi32, #tpu.memory_space<vmem>> -> memref<64xi32, #tpu.memory_space<vmem>>
        %dma_start3A_593 = arith.constant 0 : i32
        %dma_start3A_594 = arith.constant 0 : i32
        %dma_start3A_595 = tpu.memref_slice %arg9[%dma_start3A_593, %dma_start3A_594] : memref<10112x128xf32, #tpu.memory_space<vmem_shared>> -> memref<10112x128xf32, #tpu.memory_space<vmem_shared>>
        tpu.enqueue_indirect_dma source(%dma_start3A_589 : memref<64x128xf32, #tpu.memory_space<vmem>>) target(%dma_start3A_595 : memref<10112x128xf32, #tpu.memory_space<vmem_shared>>) offsets(%dma_start3A_592 : memref<64xi32, #tpu.memory_space<vmem>>) semaphore(%run_scoped3A_585 : memref<!tpu.dma_semaphore, #tpu.memory_space<semaphore_mem>>) {add = true}
        %dma_wait3A_596 = arith.constant 0 : i32
        %dma_wait3A_597 = arith.constant 0 : i32
        %dma_wait3A_598 = tpu.memref_slice %arg8[%run_scoped3A_556, %dma_wait3A_596, %dma_wait3A_597] : memref<4x64x128xf32, #tpu.memory_space<vmem>> -> memref<1x64x128xf32, #tpu.memory_space<vmem>>
        %dma_wait3A_599 = tpu.memref_squeeze %dma_wait3A_598 : memref<1x64x128xf32, #tpu.memory_space<vmem>> -> memref<64x128xf32, #tpu.memory_space<vmem>>
        %dma_wait3A_600 = arith.constant 0 : i32
        %dma_wait3A_601 = tpu.memref_slice %arg7[%run_scoped3A_557, %dma_wait3A_600] : memref<4x64xi32, #tpu.memory_space<vmem>> -> memref<1x64xi32, #tpu.memory_space<vmem>>
        %dma_wait3A_602 = tpu.memref_squeeze %dma_wait3A_601 : memref<1x64xi32, #tpu.memory_space<vmem>> -> memref<64xi32, #tpu.memory_space<vmem>>
        %dma_wait3A_603 = arith.constant 0 : i32
        %dma_wait3A_604 = arith.constant 0 : i32
        %dma_wait3A_605 = tpu.memref_slice %arg9[%dma_wait3A_603, %dma_wait3A_604] : memref<10112x128xf32, #tpu.memory_space<vmem_shared>> -> memref<10112x128xf32, #tpu.memory_space<vmem_shared>>
        tpu.wait_indirect_dma semaphore(%run_scoped3A_585 : memref<!tpu.dma_semaphore, #tpu.memory_space<semaphore_mem>>) src(%dma_wait3A_599 : memref<64x128xf32, #tpu.memory_space<vmem>>) dst(%dma_wait3A_605 : memref<10112x128xf32, #tpu.memory_space<vmem_shared>>)
        tpu.yield
      }) : () -> ()
      %mul3A_558 = arith.constant 4 : i32
      %mul3A_559 = arith.muli %while3A_480, %mul3A_558 : i32
      %add3A_560 = arith.constant 3 : i32
      %add3A_561 = arith.addi %mul3A_559, %add3A_560 : i32
      %dma_wait3A_562 = arith.constant 3 : i32
      %dma_wait3A_563 = arith.constant 3 : i32
      %dma_wait3A_564 = arith.constant 0 : i32
      %dma_wait3A_565 = arith.constant 0 : i32
      %dma_wait3A_566 = tpu.memref_slice %arg8[%dma_wait3A_563, %dma_wait3A_564, %dma_wait3A_565] : memref<4x64x128xf32, #tpu.memory_space<vmem>> -> memref<1x64x128xf32, #tpu.memory_space<vmem>>
      %dma_wait3A_567 = tpu.memref_squeeze %dma_wait3A_566 : memref<1x64x128xf32, #tpu.memory_space<vmem>> -> memref<64x128xf32, #tpu.memory_space<vmem>>
      %dma_wait3A_568 = arith.constant 0 : i32
      %dma_wait3A_569 = tpu.memref_slice %arg6[%dma_wait3A_562, %dma_wait3A_568] : memref<4x64xi32, #tpu.memory_space<vmem>> -> memref<1x64xi32, #tpu.memory_space<vmem>>
      %dma_wait3A_570 = tpu.memref_squeeze %dma_wait3A_569 : memref<1x64xi32, #tpu.memory_space<vmem>> -> memref<64xi32, #tpu.memory_space<vmem>>
      %dma_wait3A_571 = arith.constant 0 : i32
      %dma_wait3A_572 = arith.constant 0 : i32
      %dma_wait3A_573 = tpu.memref_slice %arg2[%dma_wait3A_571, %dma_wait3A_572] : memref<10000x128xf32, #tpu.memory_space<hbm>> -> memref<10000x128xf32, #tpu.memory_space<hbm>>
      tpu.wait_indirect_dma semaphore(%arg13 : memref<!tpu.dma_semaphore, #tpu.memory_space<semaphore_mem>>) src(%dma_wait3A_573 : memref<10000x128xf32, #tpu.memory_space<hbm>>) dst(%dma_wait3A_567 : memref<64x128xf32, #tpu.memory_space<vmem>>)
      %add3A_574 = arith.constant 4 : i32
      %add3A_575 = arith.addi %add3A_561, %add3A_574 : i32
      %sub3A_576 = arith.constant 1 : i32
      %sub3A_577 = arith.subi %add3A_575, %sub3A_576 : i32
      %lt3A_578 = arith.cmpi slt, %sub3A_577, %select_n3A : i32
      %convert_element_type3A_579 = arith.extui %lt3A_578 : i1 to i32
      %cond3A_580 = arith.constant 0 : i32
      %cond3A_581 = arith.cmpi ne, %convert_element_type3A_579, %cond3A_580 : i32
      scf.if %cond3A_581 {
        %add3A_585 = arith.constant 4 : i32
        %add3A_586 = arith.addi %add3A_561, %add3A_585 : i32
        %sub3A_587 = arith.constant 1 : i32
        %sub3A_588 = arith.subi %add3A_586, %sub3A_587 : i32
        %shift_right_logical3A_589 = arith.constant 1 : i32
        %shift_right_logical3A_590 = arith.shrui %sub3A_588, %shift_right_logical3A_589 : i32
        %and3A_591 = arith.constant 1 : i32
        %and3A_592 = arith.andi %sub3A_588, %and3A_591 : i32
        %mul3A_593 = arith.constant 64 : i32
        %mul3A_594 = arith.muli %and3A_592, %mul3A_593 : i32
        %add3A_595 = arith.constant 0 : i32
        %add3A_596 = arith.addi %mul3A_594, %add3A_595 : i32
        %get3A_597 = arith.index_cast %shift_right_logical3A_590 : i32 to index
        %get3A_598 = arith.index_cast %add3A_596 : i32 to index
        %get3A_599 = tpu.vector_load %arg5[%get3A_597, %get3A_598] {strides = array<i32>} : memref<128x128xi32, #tpu.memory_space<vmem>>, vector<1x16xi32>,
        %get3A_600 = vector.shape_cast %get3A_599 : vector<1x16xi32> to vector<16xi32>
        %and3A_601 = arith.constant 16383 : i32
        %and3A_602 = vector.broadcast %and3A_601 : i32 to vector<16xi32>
        %and3A_603 = arith.andi %get3A_600, %and3A_602 : vector<16xi32>
        %swap3A_604 = arith.constant 2 : i32
        %swap3A_605 = arith.index_cast %swap3A_604 : i32 to index
        %swap3A_606 = arith.constant 0 : index
        %swap3A_607 = tpu.vector_load %arg6[%swap3A_605, %swap3A_606] {strides = array<i32>} : memref<4x64xi32, #tpu.memory_space<vmem>>, vector<1x16xi32>,
        %swap3A_608 = vector.shape_cast %swap3A_607 : vector<1x16xi32> to vector<16xi32>
        %swap3A_609 = vector.shape_cast %and3A_603 : vector<16xi32> to vector<1x16xi32>
        tpu.vector_store %arg6[%swap3A_605, %swap3A_606], %swap3A_609 {strides = array<i32>} : memref<4x64xi32, #tpu.memory_space<vmem>>, vector<1x16xi32>,
        %shift_right_logical3A_610 = arith.constant 14 : i32
        %shift_right_logical3A_611 = vector.broadcast %shift_right_logical3A_610 : i32 to vector<16xi32>
        %shift_right_logical3A_612 = arith.shrui %get3A_600, %shift_right_logical3A_611 : vector<16xi32>
        %swap3A_613 = arith.constant 2 : i32
        %swap3A_614 = arith.index_cast %swap3A_613 : i32 to index
        %swap3A_615 = arith.constant 0 : index
        %swap3A_616 = tpu.vector_load %arg7[%swap3A_614, %swap3A_615] {strides = array<i32>} : memref<4x64xi32, #tpu.memory_space<vmem>>, vector<1x16xi32>,
        %swap3A_617 = vector.shape_cast %swap3A_616 : vector<1x16xi32> to vector<16xi32>
        %swap3A_618 = vector.shape_cast %shift_right_logical3A_612 : vector<16xi32> to vector<1x16xi32>
        tpu.vector_store %arg7[%swap3A_614, %swap3A_615], %swap3A_618 {strides = array<i32>} : memref<4x64xi32, #tpu.memory_space<vmem>>, vector<1x16xi32>,
        %add3A_619 = arith.constant 16 : i32
        %add3A_620 = arith.addi %mul3A_594, %add3A_619 : i32
        %get3A_621 = arith.index_cast %shift_right_logical3A_590 : i32 to index
        %get3A_622 = arith.index_cast %add3A_620 : i32 to index
        %get3A_623 = tpu.vector_load %arg5[%get3A_621, %get3A_622] {strides = array<i32>} : memref<128x128xi32, #tpu.memory_space<vmem>>, vector<1x16xi32>,
        %get3A_624 = vector.shape_cast %get3A_623 : vector<1x16xi32> to vector<16xi32>
        %and3A_625 = arith.constant 16383 : i32
        %and3A_626 = vector.broadcast %and3A_625 : i32 to vector<16xi32>
        %and3A_627 = arith.andi %get3A_624, %and3A_626 : vector<16xi32>
        %swap3A_628 = arith.constant 2 : i32
        %swap3A_629 = arith.index_cast %swap3A_628 : i32 to index
        %swap3A_630 = arith.constant 16 : index
        %swap3A_631 = tpu.vector_load %arg6[%swap3A_629, %swap3A_630] {strides = array<i32>} : memref<4x64xi32, #tpu.memory_space<vmem>>, vector<1x16xi32>,
        %swap3A_632 = vector.shape_cast %swap3A_631 : vector<1x16xi32> to vector<16xi32>
        %swap3A_633 = vector.shape_cast %and3A_627 : vector<16xi32> to vector<1x16xi32>
        tpu.vector_store %arg6[%swap3A_629, %swap3A_630], %swap3A_633 {strides = array<i32>} : memref<4x64xi32, #tpu.memory_space<vmem>>, vector<1x16xi32>,
        %shift_right_logical3A_634 = arith.constant 14 : i32
        %shift_right_logical3A_635 = vector.broadcast %shift_right_logical3A_634 : i32 to vector<16xi32>
        %shift_right_logical3A_636 = arith.shrui %get3A_624, %shift_right_logical3A_635 : vector<16xi32>
        %swap3A_637 = arith.constant 2 : i32
        %swap3A_638 = arith.index_cast %swap3A_637 : i32 to index
        %swap3A_639 = arith.constant 16 : index
        %swap3A_640 = tpu.vector_load %arg7[%swap3A_638, %swap3A_639] {strides = array<i32>} : memref<4x64xi32, #tpu.memory_space<vmem>>, vector<1x16xi32>,
        %swap3A_641 = vector.shape_cast %swap3A_640 : vector<1x16xi32> to vector<16xi32>
        %swap3A_642 = vector.shape_cast %shift_right_logical3A_636 : vector<16xi32> to vector<1x16xi32>
        tpu.vector_store %arg7[%swap3A_638, %swap3A_639], %swap3A_642 {strides = array<i32>} : memref<4x64xi32, #tpu.memory_space<vmem>>, vector<1x16xi32>,
        %add3A_643 = arith.constant 32 : i32
        %add3A_644 = arith.addi %mul3A_594, %add3A_643 : i32
        %get3A_645 = arith.index_cast %shift_right_logical3A_590 : i32 to index
        %get3A_646 = arith.index_cast %add3A_644 : i32 to index
        %get3A_647 = tpu.vector_load %arg5[%get3A_645, %get3A_646] {strides = array<i32>} : memref<128x128xi32, #tpu.memory_space<vmem>>, vector<1x16xi32>,
        %get3A_648 = vector.shape_cast %get3A_647 : vector<1x16xi32> to vector<16xi32>
        %and3A_649 = arith.constant 16383 : i32
        %and3A_650 = vector.broadcast %and3A_649 : i32 to vector<16xi32>
        %and3A_651 = arith.andi %get3A_648, %and3A_650 : vector<16xi32>
        %swap3A_652 = arith.constant 2 : i32
        %swap3A_653 = arith.index_cast %swap3A_652 : i32 to index
        %swap3A_654 = arith.constant 32 : index
        %swap3A_655 = tpu.vector_load %arg6[%swap3A_653, %swap3A_654] {strides = array<i32>} : memref<4x64xi32, #tpu.memory_space<vmem>>, vector<1x16xi32>,
        %swap3A_656 = vector.shape_cast %swap3A_655 : vector<1x16xi32> to vector<16xi32>
        %swap3A_657 = vector.shape_cast %and3A_651 : vector<16xi32> to vector<1x16xi32>
        tpu.vector_store %arg6[%swap3A_653, %swap3A_654], %swap3A_657 {strides = array<i32>} : memref<4x64xi32, #tpu.memory_space<vmem>>, vector<1x16xi32>,
        %shift_right_logical3A_658 = arith.constant 14 : i32
        %shift_right_logical3A_659 = vector.broadcast %shift_right_logical3A_658 : i32 to vector<16xi32>
        %shift_right_logical3A_660 = arith.shrui %get3A_648, %shift_right_logical3A_659 : vector<16xi32>
        %swap3A_661 = arith.constant 2 : i32
        %swap3A_662 = arith.index_cast %swap3A_661 : i32 to index
        %swap3A_663 = arith.constant 32 : index
        %swap3A_664 = tpu.vector_load %arg7[%swap3A_662, %swap3A_663] {strides = array<i32>} : memref<4x64xi32, #tpu.memory_space<vmem>>, vector<1x16xi32>,
        %swap3A_665 = vector.shape_cast %swap3A_664 : vector<1x16xi32> to vector<16xi32>
        %swap3A_666 = vector.shape_cast %shift_right_logical3A_660 : vector<16xi32> to vector<1x16xi32>
        tpu.vector_store %arg7[%swap3A_662, %swap3A_663], %swap3A_666 {strides = array<i32>} : memref<4x64xi32, #tpu.memory_space<vmem>>, vector<1x16xi32>,
        %add3A_667 = arith.constant 48 : i32
        %add3A_668 = arith.addi %mul3A_594, %add3A_667 : i32
        %get3A_669 = arith.index_cast %shift_right_logical3A_590 : i32 to index
        %get3A_670 = arith.index_cast %add3A_668 : i32 to index
        %get3A_671 = tpu.vector_load %arg5[%get3A_669, %get3A_670] {strides = array<i32>} : memref<128x128xi32, #tpu.memory_space<vmem>>, vector<1x16xi32>,
        %get3A_672 = vector.shape_cast %get3A_671 : vector<1x16xi32> to vector<16xi32>
        %and3A_673 = arith.constant 16383 : i32
        %and3A_674 = vector.broadcast %and3A_673 : i32 to vector<16xi32>
        %and3A_675 = arith.andi %get3A_672, %and3A_674 : vector<16xi32>
        %swap3A_676 = arith.constant 2 : i32
        %swap3A_677 = arith.index_cast %swap3A_676 : i32 to index
        %swap3A_678 = arith.constant 48 : index
        %swap3A_679 = tpu.vector_load %arg6[%swap3A_677, %swap3A_678] {strides = array<i32>} : memref<4x64xi32, #tpu.memory_space<vmem>>, vector<1x16xi32>,
        %swap3A_680 = vector.shape_cast %swap3A_679 : vector<1x16xi32> to vector<16xi32>
        %swap3A_681 = vector.shape_cast %and3A_675 : vector<16xi32> to vector<1x16xi32>
        tpu.vector_store %arg6[%swap3A_677, %swap3A_678], %swap3A_681 {strides = array<i32>} : memref<4x64xi32, #tpu.memory_space<vmem>>, vector<1x16xi32>,
        %shift_right_logical3A_682 = arith.constant 14 : i32
        %shift_right_logical3A_683 = vector.broadcast %shift_right_logical3A_682 : i32 to vector<16xi32>
        %shift_right_logical3A_684 = arith.shrui %get3A_672, %shift_right_logical3A_683 : vector<16xi32>
        %swap3A_685 = arith.constant 2 : i32
        %swap3A_686 = arith.index_cast %swap3A_685 : i32 to index
        %swap3A_687 = arith.constant 48 : index
        %swap3A_688 = tpu.vector_load %arg7[%swap3A_686, %swap3A_687] {strides = array<i32>} : memref<4x64xi32, #tpu.memory_space<vmem>>, vector<1x16xi32>,
        %swap3A_689 = vector.shape_cast %swap3A_688 : vector<1x16xi32> to vector<16xi32>
        %swap3A_690 = vector.shape_cast %shift_right_logical3A_684 : vector<16xi32> to vector<1x16xi32>
        tpu.vector_store %arg7[%swap3A_686, %swap3A_687], %swap3A_690 {strides = array<i32>} : memref<4x64xi32, #tpu.memory_space<vmem>>, vector<1x16xi32>,
        %dma_start3A_691 = arith.constant 2 : i32
        %dma_start3A_692 = arith.constant 2 : i32
        %dma_start3A_693 = arith.constant 0 : i32
        %dma_start3A_694 = arith.constant 0 : i32
        %dma_start3A_695 = tpu.memref_slice %arg8[%dma_start3A_692, %dma_start3A_693, %dma_start3A_694] : memref<4x64x128xf32, #tpu.memory_space<vmem>> -> memref<1x64x128xf32, #tpu.memory_space<vmem>>
        %dma_start3A_696 = tpu.memref_squeeze %dma_start3A_695 : memref<1x64x128xf32, #tpu.memory_space<vmem>> -> memref<64x128xf32, #tpu.memory_space<vmem>>
        %dma_start3A_697 = arith.constant 0 : i32
        %dma_start3A_698 = tpu.memref_slice %arg6[%dma_start3A_691, %dma_start3A_697] : memref<4x64xi32, #tpu.memory_space<vmem>> -> memref<1x64xi32, #tpu.memory_space<vmem>>
        %dma_start3A_699 = tpu.memref_squeeze %dma_start3A_698 : memref<1x64xi32, #tpu.memory_space<vmem>> -> memref<64xi32, #tpu.memory_space<vmem>>
        %dma_start3A_700 = arith.constant 0 : i32
        %dma_start3A_701 = arith.constant 0 : i32
        %dma_start3A_702 = tpu.memref_slice %arg2[%dma_start3A_700, %dma_start3A_701] : memref<10000x128xf32, #tpu.memory_space<hbm>> -> memref<10000x128xf32, #tpu.memory_space<hbm>>
        tpu.enqueue_indirect_dma source(%dma_start3A_702 : memref<10000x128xf32, #tpu.memory_space<hbm>>) target(%dma_start3A_696 : memref<64x128xf32, #tpu.memory_space<vmem>>) offsets(%dma_start3A_699 : memref<64xi32, #tpu.memory_space<vmem>>) semaphore(%arg12 : memref<!tpu.dma_semaphore, #tpu.memory_space<semaphore_mem>>)
      } else {
      }
      %run_scoped3A_582 = arith.constant 3 : i32
      %run_scoped3A_583 = arith.constant 3 : i32
      "tpu.region"() ({
        %run_scoped3A_585 = tpu.sem_alloc : memref<!tpu.dma_semaphore, #tpu.memory_space<semaphore_mem>>
        %dma_start3A_586 = arith.constant 0 : i32
        %dma_start3A_587 = arith.constant 0 : i32
        %dma_start3A_588 = tpu.memref_slice %arg8[%run_scoped3A_582, %dma_start3A_586, %dma_start3A_587] : memref<4x64x128xf32, #tpu.memory_space<vmem>> -> memref<1x64x128xf32, #tpu.memory_space<vmem>>
        %dma_start3A_589 = tpu.memref_squeeze %dma_start3A_588 : memref<1x64x128xf32, #tpu.memory_space<vmem>> -> memref<64x128xf32, #tpu.memory_space<vmem>>
        %dma_start3A_590 = arith.constant 0 : i32
        %dma_start3A_591 = tpu.memref_slice %arg7[%run_scoped3A_583, %dma_start3A_590] : memref<4x64xi32, #tpu.memory_space<vmem>> -> memref<1x64xi32, #tpu.memory_space<vmem>>
        %dma_start3A_592 = tpu.memref_squeeze %dma_start3A_591 : memref<1x64xi32, #tpu.memory_space<vmem>> -> memref<64xi32, #tpu.memory_space<vmem>>
        %dma_start3A_593 = arith.constant 0 : i32
        %dma_start3A_594 = arith.constant 0 : i32
        %dma_start3A_595 = tpu.memref_slice %arg9[%dma_start3A_593, %dma_start3A_594] : memref<10112x128xf32, #tpu.memory_space<vmem_shared>> -> memref<10112x128xf32, #tpu.memory_space<vmem_shared>>
        tpu.enqueue_indirect_dma source(%dma_start3A_589 : memref<64x128xf32, #tpu.memory_space<vmem>>) target(%dma_start3A_595 : memref<10112x128xf32, #tpu.memory_space<vmem_shared>>) offsets(%dma_start3A_592 : memref<64xi32, #tpu.memory_space<vmem>>) semaphore(%run_scoped3A_585 : memref<!tpu.dma_semaphore, #tpu.memory_space<semaphore_mem>>) {add = true}
        %dma_wait3A_596 = arith.constant 0 : i32
        %dma_wait3A_597 = arith.constant 0 : i32
        %dma_wait3A_598 = tpu.memref_slice %arg8[%run_scoped3A_582, %dma_wait3A_596, %dma_wait3A_597] : memref<4x64x128xf32, #tpu.memory_space<vmem>> -> memref<1x64x128xf32, #tpu.memory_space<vmem>>
        %dma_wait3A_599 = tpu.memref_squeeze %dma_wait3A_598 : memref<1x64x128xf32, #tpu.memory_space<vmem>> -> memref<64x128xf32, #tpu.memory_space<vmem>>
        %dma_wait3A_600 = arith.constant 0 : i32
        %dma_wait3A_601 = tpu.memref_slice %arg7[%run_scoped3A_583, %dma_wait3A_600] : memref<4x64xi32, #tpu.memory_space<vmem>> -> memref<1x64xi32, #tpu.memory_space<vmem>>
        %dma_wait3A_602 = tpu.memref_squeeze %dma_wait3A_601 : memref<1x64xi32, #tpu.memory_space<vmem>> -> memref<64xi32, #tpu.memory_space<vmem>>
        %dma_wait3A_603 = arith.constant 0 : i32
        %dma_wait3A_604 = arith.constant 0 : i32
        %dma_wait3A_605 = tpu.memref_slice %arg9[%dma_wait3A_603, %dma_wait3A_604] : memref<10112x128xf32, #tpu.memory_space<vmem_shared>> -> memref<10112x128xf32, #tpu.memory_space<vmem_shared>>
        tpu.wait_indirect_dma semaphore(%run_scoped3A_585 : memref<!tpu.dma_semaphore, #tpu.memory_space<semaphore_mem>>) src(%dma_wait3A_599 : memref<64x128xf32, #tpu.memory_space<vmem>>) dst(%dma_wait3A_605 : memref<10112x128xf32, #tpu.memory_space<vmem_shared>>)
        tpu.yield
      }) : () -> ()
      %while3A_584 = arith.constant 0 : i32
      scf.yield %while3A_584 : i32
    }
    %while3A_437 = arith.constant 1 : i32
    %while3A_438 = scf.for %while3A_480 = %while3A_434 to %while3A_430 step %while3A_437 iter_args(%while3A_481 = %while3A_436) -> (i32)  : i32 {
      %mul3A_482 = arith.constant 4 : i32
      %mul3A_483 = arith.muli %while3A_480, %mul3A_482 : i32
      %add3A_484 = arith.constant 0 : i32
      %add3A_485 = arith.addi %mul3A_483, %add3A_484 : i32
      %dma_wait3A = arith.constant 0 : i32
      %dma_wait3A_486 = arith.constant 0 : i32
      %dma_wait3A_487 = arith.constant 0 : i32
      %dma_wait3A_488 = arith.constant 0 : i32
      %dma_wait3A_489 = tpu.memref_slice %arg8[%dma_wait3A_486, %dma_wait3A_487, %dma_wait3A_488] : memref<4x64x128xf32, #tpu.memory_space<vmem>> -> memref<1x64x128xf32, #tpu.memory_space<vmem>>
      %dma_wait3A_490 = tpu.memref_squeeze %dma_wait3A_489 : memref<1x64x128xf32, #tpu.memory_space<vmem>> -> memref<64x128xf32, #tpu.memory_space<vmem>>
      %dma_wait3A_491 = arith.constant 0 : i32
      %dma_wait3A_492 = tpu.memref_slice %arg6[%dma_wait3A, %dma_wait3A_491] : memref<4x64xi32, #tpu.memory_space<vmem>> -> memref<1x64xi32, #tpu.memory_space<vmem>>
      %dma_wait3A_493 = tpu.memref_squeeze %dma_wait3A_492 : memref<1x64xi32, #tpu.memory_space<vmem>> -> memref<64xi32, #tpu.memory_space<vmem>>
      %dma_wait3A_494 = arith.constant 0 : i32
      %dma_wait3A_495 = arith.constant 0 : i32
      %dma_wait3A_496 = tpu.memref_slice %arg2[%dma_wait3A_494, %dma_wait3A_495] : memref<10000x128xf32, #tpu.memory_space<hbm>> -> memref<10000x128xf32, #tpu.memory_space<hbm>>
      tpu.wait_indirect_dma semaphore(%arg10 : memref<!tpu.dma_semaphore, #tpu.memory_space<semaphore_mem>>) src(%dma_wait3A_496 : memref<10000x128xf32, #tpu.memory_space<hbm>>) dst(%dma_wait3A_490 : memref<64x128xf32, #tpu.memory_space<vmem>>)
      %add3A_497 = arith.constant 4 : i32
      %add3A_498 = arith.addi %add3A_485, %add3A_497 : i32
      %sub3A_499 = arith.constant 1 : i32
      %sub3A_500 = arith.subi %add3A_498, %sub3A_499 : i32
      %lt3A = arith.cmpi slt, %sub3A_500, %select_n3A : i32
      %convert_element_type3A_501 = arith.extui %lt3A : i1 to i32
      %cond3A_502 = arith.constant 0 : i32
      %cond3A_503 = arith.cmpi ne, %convert_element_type3A_501, %cond3A_502 : i32
      scf.if %cond3A_503 {
        %add3A_585 = arith.constant 4 : i32
        %add3A_586 = arith.addi %add3A_485, %add3A_585 : i32
        %sub3A_587 = arith.constant 1 : i32
        %sub3A_588 = arith.subi %add3A_586, %sub3A_587 : i32
        %shift_right_logical3A_589 = arith.constant 1 : i32
        %shift_right_logical3A_590 = arith.shrui %sub3A_588, %shift_right_logical3A_589 : i32
        %and3A_591 = arith.constant 1 : i32
        %and3A_592 = arith.andi %sub3A_588, %and3A_591 : i32
        %mul3A_593 = arith.constant 64 : i32
        %mul3A_594 = arith.muli %and3A_592, %mul3A_593 : i32
        %add3A_595 = arith.constant 0 : i32
        %add3A_596 = arith.addi %mul3A_594, %add3A_595 : i32
        %get3A_597 = arith.index_cast %shift_right_logical3A_590 : i32 to index
        %get3A_598 = arith.index_cast %add3A_596 : i32 to index
        %get3A_599 = tpu.vector_load %arg5[%get3A_597, %get3A_598] {strides = array<i32>} : memref<128x128xi32, #tpu.memory_space<vmem>>, vector<1x16xi32>,
        %get3A_600 = vector.shape_cast %get3A_599 : vector<1x16xi32> to vector<16xi32>
        %and3A_601 = arith.constant 16383 : i32
        %and3A_602 = vector.broadcast %and3A_601 : i32 to vector<16xi32>
        %and3A_603 = arith.andi %get3A_600, %and3A_602 : vector<16xi32>
        %swap3A_604 = arith.constant 3 : i32
        %swap3A_605 = arith.index_cast %swap3A_604 : i32 to index
        %swap3A_606 = arith.constant 0 : index
        %swap3A_607 = tpu.vector_load %arg6[%swap3A_605, %swap3A_606] {strides = array<i32>} : memref<4x64xi32, #tpu.memory_space<vmem>>, vector<1x16xi32>,
        %swap3A_608 = vector.shape_cast %swap3A_607 : vector<1x16xi32> to vector<16xi32>
        %swap3A_609 = vector.shape_cast %and3A_603 : vector<16xi32> to vector<1x16xi32>
        tpu.vector_store %arg6[%swap3A_605, %swap3A_606], %swap3A_609 {strides = array<i32>} : memref<4x64xi32, #tpu.memory_space<vmem>>, vector<1x16xi32>,
        %shift_right_logical3A_610 = arith.constant 14 : i32
        %shift_right_logical3A_611 = vector.broadcast %shift_right_logical3A_610 : i32 to vector<16xi32>
        %shift_right_logical3A_612 = arith.shrui %get3A_600, %shift_right_logical3A_611 : vector<16xi32>
        %swap3A_613 = arith.constant 3 : i32
        %swap3A_614 = arith.index_cast %swap3A_613 : i32 to index
        %swap3A_615 = arith.constant 0 : index
        %swap3A_616 = tpu.vector_load %arg7[%swap3A_614, %swap3A_615] {strides = array<i32>} : memref<4x64xi32, #tpu.memory_space<vmem>>, vector<1x16xi32>,
        %swap3A_617 = vector.shape_cast %swap3A_616 : vector<1x16xi32> to vector<16xi32>
        %swap3A_618 = vector.shape_cast %shift_right_logical3A_612 : vector<16xi32> to vector<1x16xi32>
        tpu.vector_store %arg7[%swap3A_614, %swap3A_615], %swap3A_618 {strides = array<i32>} : memref<4x64xi32, #tpu.memory_space<vmem>>, vector<1x16xi32>,
        %add3A_619 = arith.constant 16 : i32
        %add3A_620 = arith.addi %mul3A_594, %add3A_619 : i32
        %get3A_621 = arith.index_cast %shift_right_logical3A_590 : i32 to index
        %get3A_622 = arith.index_cast %add3A_620 : i32 to index
        %get3A_623 = tpu.vector_load %arg5[%get3A_621, %get3A_622] {strides = array<i32>} : memref<128x128xi32, #tpu.memory_space<vmem>>, vector<1x16xi32>,
        %get3A_624 = vector.shape_cast %get3A_623 : vector<1x16xi32> to vector<16xi32>
        %and3A_625 = arith.constant 16383 : i32
        %and3A_626 = vector.broadcast %and3A_625 : i32 to vector<16xi32>
        %and3A_627 = arith.andi %get3A_624, %and3A_626 : vector<16xi32>
        %swap3A_628 = arith.constant 3 : i32
        %swap3A_629 = arith.index_cast %swap3A_628 : i32 to index
        %swap3A_630 = arith.constant 16 : index
        %swap3A_631 = tpu.vector_load %arg6[%swap3A_629, %swap3A_630] {strides = array<i32>} : memref<4x64xi32, #tpu.memory_space<vmem>>, vector<1x16xi32>,
        %swap3A_632 = vector.shape_cast %swap3A_631 : vector<1x16xi32> to vector<16xi32>
        %swap3A_633 = vector.shape_cast %and3A_627 : vector<16xi32> to vector<1x16xi32>
        tpu.vector_store %arg6[%swap3A_629, %swap3A_630], %swap3A_633 {strides = array<i32>} : memref<4x64xi32, #tpu.memory_space<vmem>>, vector<1x16xi32>,
        %shift_right_logical3A_634 = arith.constant 14 : i32
        %shift_right_logical3A_635 = vector.broadcast %shift_right_logical3A_634 : i32 to vector<16xi32>
        %shift_right_logical3A_636 = arith.shrui %get3A_624, %shift_right_logical3A_635 : vector<16xi32>
        %swap3A_637 = arith.constant 3 : i32
        %swap3A_638 = arith.index_cast %swap3A_637 : i32 to index
        %swap3A_639 = arith.constant 16 : index
        %swap3A_640 = tpu.vector_load %arg7[%swap3A_638, %swap3A_639] {strides = array<i32>} : memref<4x64xi32, #tpu.memory_space<vmem>>, vector<1x16xi32>,
        %swap3A_641 = vector.shape_cast %swap3A_640 : vector<1x16xi32> to vector<16xi32>
        %swap3A_642 = vector.shape_cast %shift_right_logical3A_636 : vector<16xi32> to vector<1x16xi32>
        tpu.vector_store %arg7[%swap3A_638, %swap3A_639], %swap3A_642 {strides = array<i32>} : memref<4x64xi32, #tpu.memory_space<vmem>>, vector<1x16xi32>,
        %add3A_643 = arith.constant 32 : i32
        %add3A_644 = arith.addi %mul3A_594, %add3A_643 : i32
        %get3A_645 = arith.index_cast %shift_right_logical3A_590 : i32 to index
        %get3A_646 = arith.index_cast %add3A_644 : i32 to index
        %get3A_647 = tpu.vector_load %arg5[%get3A_645, %get3A_646] {strides = array<i32>} : memref<128x128xi32, #tpu.memory_space<vmem>>, vector<1x16xi32>,
        %get3A_648 = vector.shape_cast %get3A_647 : vector<1x16xi32> to vector<16xi32>
        %and3A_649 = arith.constant 16383 : i32
        %and3A_650 = vector.broadcast %and3A_649 : i32 to vector<16xi32>
        %and3A_651 = arith.andi %get3A_648, %and3A_650 : vector<16xi32>
        %swap3A_652 = arith.constant 3 : i32
        %swap3A_653 = arith.index_cast %swap3A_652 : i32 to index
        %swap3A_654 = arith.constant 32 : index
        %swap3A_655 = tpu.vector_load %arg6[%swap3A_653, %swap3A_654] {strides = array<i32>} : memref<4x64xi32, #tpu.memory_space<vmem>>, vector<1x16xi32>,
        %swap3A_656 = vector.shape_cast %swap3A_655 : vector<1x16xi32> to vector<16xi32>
        %swap3A_657 = vector.shape_cast %and3A_651 : vector<16xi32> to vector<1x16xi32>
        tpu.vector_store %arg6[%swap3A_653, %swap3A_654], %swap3A_657 {strides = array<i32>} : memref<4x64xi32, #tpu.memory_space<vmem>>, vector<1x16xi32>,
        %shift_right_logical3A_658 = arith.constant 14 : i32
        %shift_right_logical3A_659 = vector.broadcast %shift_right_logical3A_658 : i32 to vector<16xi32>
        %shift_right_logical3A_660 = arith.shrui %get3A_648, %shift_right_logical3A_659 : vector<16xi32>
        %swap3A_661 = arith.constant 3 : i32
        %swap3A_662 = arith.index_cast %swap3A_661 : i32 to index
        %swap3A_663 = arith.constant 32 : index
        %swap3A_664 = tpu.vector_load %arg7[%swap3A_662, %swap3A_663] {strides = array<i32>} : memref<4x64xi32, #tpu.memory_space<vmem>>, vector<1x16xi32>,
        %swap3A_665 = vector.shape_cast %swap3A_664 : vector<1x16xi32> to vector<16xi32>
        %swap3A_666 = vector.shape_cast %shift_right_logical3A_660 : vector<16xi32> to vector<1x16xi32>
        tpu.vector_store %arg7[%swap3A_662, %swap3A_663], %swap3A_666 {strides = array<i32>} : memref<4x64xi32, #tpu.memory_space<vmem>>, vector<1x16xi32>,
        %add3A_667 = arith.constant 48 : i32
        %add3A_668 = arith.addi %mul3A_594, %add3A_667 : i32
        %get3A_669 = arith.index_cast %shift_right_logical3A_590 : i32 to index
        %get3A_670 = arith.index_cast %add3A_668 : i32 to index
        %get3A_671 = tpu.vector_load %arg5[%get3A_669, %get3A_670] {strides = array<i32>} : memref<128x128xi32, #tpu.memory_space<vmem>>, vector<1x16xi32>,
        %get3A_672 = vector.shape_cast %get3A_671 : vector<1x16xi32> to vector<16xi32>
        %and3A_673 = arith.constant 16383 : i32
        %and3A_674 = vector.broadcast %and3A_673 : i32 to vector<16xi32>
        %and3A_675 = arith.andi %get3A_672, %and3A_674 : vector<16xi32>
        %swap3A_676 = arith.constant 3 : i32
        %swap3A_677 = arith.index_cast %swap3A_676 : i32 to index
        %swap3A_678 = arith.constant 48 : index
        %swap3A_679 = tpu.vector_load %arg6[%swap3A_677, %swap3A_678] {strides = array<i32>} : memref<4x64xi32, #tpu.memory_space<vmem>>, vector<1x16xi32>,
        %swap3A_680 = vector.shape_cast %swap3A_679 : vector<1x16xi32> to vector<16xi32>
        %swap3A_681 = vector.shape_cast %and3A_675 : vector<16xi32> to vector<1x16xi32>
        tpu.vector_store %arg6[%swap3A_677, %swap3A_678], %swap3A_681 {strides = array<i32>} : memref<4x64xi32, #tpu.memory_space<vmem>>, vector<1x16xi32>,
        %shift_right_logical3A_682 = arith.constant 14 : i32
        %shift_right_logical3A_683 = vector.broadcast %shift_right_logical3A_682 : i32 to vector<16xi32>
        %shift_right_logical3A_684 = arith.shrui %get3A_672, %shift_right_logical3A_683 : vector<16xi32>
        %swap3A_685 = arith.constant 3 : i32
        %swap3A_686 = arith.index_cast %swap3A_685 : i32 to index
        %swap3A_687 = arith.constant 48 : index
        %swap3A_688 = tpu.vector_load %arg7[%swap3A_686, %swap3A_687] {strides = array<i32>} : memref<4x64xi32, #tpu.memory_space<vmem>>, vector<1x16xi32>,
        %swap3A_689 = vector.shape_cast %swap3A_688 : vector<1x16xi32> to vector<16xi32>
        %swap3A_690 = vector.shape_cast %shift_right_logical3A_684 : vector<16xi32> to vector<1x16xi32>
        tpu.vector_store %arg7[%swap3A_686, %swap3A_687], %swap3A_690 {strides = array<i32>} : memref<4x64xi32, #tpu.memory_space<vmem>>, vector<1x16xi32>,
        %dma_start3A_691 = arith.constant 3 : i32
        %dma_start3A_692 = arith.constant 3 : i32
        %dma_start3A_693 = arith.constant 0 : i32
        %dma_start3A_694 = arith.constant 0 : i32
        %dma_start3A_695 = tpu.memref_slice %arg8[%dma_start3A_692, %dma_start3A_693, %dma_start3A_694] : memref<4x64x128xf32, #tpu.memory_space<vmem>> -> memref<1x64x128xf32, #tpu.memory_space<vmem>>
        %dma_start3A_696 = tpu.memref_squeeze %dma_start3A_695 : memref<1x64x128xf32, #tpu.memory_space<vmem>> -> memref<64x128xf32, #tpu.memory_space<vmem>>
        %dma_start3A_697 = arith.constant 0 : i32
        %dma_start3A_698 = tpu.memref_slice %arg6[%dma_start3A_691, %dma_start3A_697] : memref<4x64xi32, #tpu.memory_space<vmem>> -> memref<1x64xi32, #tpu.memory_space<vmem>>
        %dma_start3A_699 = tpu.memref_squeeze %dma_start3A_698 : memref<1x64xi32, #tpu.memory_space<vmem>> -> memref<64xi32, #tpu.memory_space<vmem>>
        %dma_start3A_700 = arith.constant 0 : i32
        %dma_start3A_701 = arith.constant 0 : i32
        %dma_start3A_702 = tpu.memref_slice %arg2[%dma_start3A_700, %dma_start3A_701] : memref<10000x128xf32, #tpu.memory_space<hbm>> -> memref<10000x128xf32, #tpu.memory_space<hbm>>
        tpu.enqueue_indirect_dma source(%dma_start3A_702 : memref<10000x128xf32, #tpu.memory_space<hbm>>) target(%dma_start3A_696 : memref<64x128xf32, #tpu.memory_space<vmem>>) offsets(%dma_start3A_699 : memref<64xi32, #tpu.memory_space<vmem>>) semaphore(%arg13 : memref<!tpu.dma_semaphore, #tpu.memory_space<semaphore_mem>>)
      } else {
      }
      %run_scoped3A_504 = arith.constant 0 : i32
      %run_scoped3A_505 = arith.constant 0 : i32
      "tpu.region"() ({
        %run_scoped3A_585 = tpu.sem_alloc : memref<!tpu.dma_semaphore, #tpu.memory_space<semaphore_mem>>
        %dma_start3A_586 = arith.constant 0 : i32
        %dma_start3A_587 = arith.constant 0 : i32
        %dma_start3A_588 = tpu.memref_slice %arg8[%run_scoped3A_504, %dma_start3A_586, %dma_start3A_587] : memref<4x64x128xf32, #tpu.memory_space<vmem>> -> memref<1x64x128xf32, #tpu.memory_space<vmem>>
        %dma_start3A_589 = tpu.memref_squeeze %dma_start3A_588 : memref<1x64x128xf32, #tpu.memory_space<vmem>> -> memref<64x128xf32, #tpu.memory_space<vmem>>
        %dma_start3A_590 = arith.constant 0 : i32
        %dma_start3A_591 = tpu.memref_slice %arg7[%run_scoped3A_505, %dma_start3A_590] : memref<4x64xi32, #tpu.memory_space<vmem>> -> memref<1x64xi32, #tpu.memory_space<vmem>>
        %dma_start3A_592 = tpu.memref_squeeze %dma_start3A_591 : memref<1x64xi32, #tpu.memory_space<vmem>> -> memref<64xi32, #tpu.memory_space<vmem>>
        %dma_start3A_593 = arith.constant 0 : i32
        %dma_start3A_594 = arith.constant 0 : i32
        %dma_start3A_595 = tpu.memref_slice %arg9[%dma_start3A_593, %dma_start3A_594] : memref<10112x128xf32, #tpu.memory_space<vmem_shared>> -> memref<10112x128xf32, #tpu.memory_space<vmem_shared>>
        tpu.enqueue_indirect_dma source(%dma_start3A_589 : memref<64x128xf32, #tpu.memory_space<vmem>>) target(%dma_start3A_595 : memref<10112x128xf32, #tpu.memory_space<vmem_shared>>) offsets(%dma_start3A_592 : memref<64xi32, #tpu.memory_space<vmem>>) semaphore(%run_scoped3A_585 : memref<!tpu.dma_semaphore, #tpu.memory_space<semaphore_mem>>) {add = true}
        %dma_wait3A_596 = arith.constant 0 : i32
        %dma_wait3A_597 = arith.constant 0 : i32
        %dma_wait3A_598 = tpu.memref_slice %arg8[%run_scoped3A_504, %dma_wait3A_596, %dma_wait3A_597] : memref<4x64x128xf32, #tpu.memory_space<vmem>> -> memref<1x64x128xf32, #tpu.memory_space<vmem>>
        %dma_wait3A_599 = tpu.memref_squeeze %dma_wait3A_598 : memref<1x64x128xf32, #tpu.memory_space<vmem>> -> memref<64x128xf32, #tpu.memory_space<vmem>>
        %dma_wait3A_600 = arith.constant 0 : i32
        %dma_wait3A_601 = tpu.memref_slice %arg7[%run_scoped3A_505, %dma_wait3A_600] : memref<4x64xi32, #tpu.memory_space<vmem>> -> memref<1x64xi32, #tpu.memory_space<vmem>>
        %dma_wait3A_602 = tpu.memref_squeeze %dma_wait3A_601 : memref<1x64xi32, #tpu.memory_space<vmem>> -> memref<64xi32, #tpu.memory_space<vmem>>
        %dma_wait3A_603 = arith.constant 0 : i32
        %dma_wait3A_604 = arith.constant 0 : i32
        %dma_wait3A_605 = tpu.memref_slice %arg9[%dma_wait3A_603, %dma_wait3A_604] : memref<10112x128xf32, #tpu.memory_space<vmem_shared>> -> memref<10112x128xf32, #tpu.memory_space<vmem_shared>>
        tpu.wait_indirect_dma semaphore(%run_scoped3A_585 : memref<!tpu.dma_semaphore, #tpu.memory_space<semaphore_mem>>) src(%dma_wait3A_599 : memref<64x128xf32, #tpu.memory_space<vmem>>) dst(%dma_wait3A_605 : memref<10112x128xf32, #tpu.memory_space<vmem_shared>>)
        tpu.yield
      }) : () -> ()
      %mul3A_506 = arith.constant 4 : i32
      %mul3A_507 = arith.muli %while3A_480, %mul3A_506 : i32
      %add3A_508 = arith.constant 1 : i32
      %add3A_509 = arith.addi %mul3A_507, %add3A_508 : i32
      %dma_wait3A_510 = arith.constant 1 : i32
      %dma_wait3A_511 = arith.constant 1 : i32
      %dma_wait3A_512 = arith.constant 0 : i32
      %dma_wait3A_513 = arith.constant 0 : i32
      %dma_wait3A_514 = tpu.memref_slice %arg8[%dma_wait3A_511, %dma_wait3A_512, %dma_wait3A_513] : memref<4x64x128xf32, #tpu.memory_space<vmem>> -> memref<1x64x128xf32, #tpu.memory_space<vmem>>
      %dma_wait3A_515 = tpu.memref_squeeze %dma_wait3A_514 : memref<1x64x128xf32, #tpu.memory_space<vmem>> -> memref<64x128xf32, #tpu.memory_space<vmem>>
      %dma_wait3A_516 = arith.constant 0 : i32
      %dma_wait3A_517 = tpu.memref_slice %arg6[%dma_wait3A_510, %dma_wait3A_516] : memref<4x64xi32, #tpu.memory_space<vmem>> -> memref<1x64xi32, #tpu.memory_space<vmem>>
      %dma_wait3A_518 = tpu.memref_squeeze %dma_wait3A_517 : memref<1x64xi32, #tpu.memory_space<vmem>> -> memref<64xi32, #tpu.memory_space<vmem>>
      %dma_wait3A_519 = arith.constant 0 : i32
      %dma_wait3A_520 = arith.constant 0 : i32
      %dma_wait3A_521 = tpu.memref_slice %arg2[%dma_wait3A_519, %dma_wait3A_520] : memref<10000x128xf32, #tpu.memory_space<hbm>> -> memref<10000x128xf32, #tpu.memory_space<hbm>>
      tpu.wait_indirect_dma semaphore(%arg11 : memref<!tpu.dma_semaphore, #tpu.memory_space<semaphore_mem>>) src(%dma_wait3A_521 : memref<10000x128xf32, #tpu.memory_space<hbm>>) dst(%dma_wait3A_515 : memref<64x128xf32, #tpu.memory_space<vmem>>)
      %add3A_522 = arith.constant 4 : i32
      %add3A_523 = arith.addi %add3A_509, %add3A_522 : i32
      %sub3A_524 = arith.constant 1 : i32
      %sub3A_525 = arith.subi %add3A_523, %sub3A_524 : i32
      %lt3A_526 = arith.cmpi slt, %sub3A_525, %select_n3A : i32
      %convert_element_type3A_527 = arith.extui %lt3A_526 : i1 to i32
      %cond3A_528 = arith.constant 0 : i32
      %cond3A_529 = arith.cmpi ne, %convert_element_type3A_527, %cond3A_528 : i32
      scf.if %cond3A_529 {
        %add3A_585 = arith.constant 4 : i32
        %add3A_586 = arith.addi %add3A_509, %add3A_585 : i32
        %sub3A_587 = arith.constant 1 : i32
        %sub3A_588 = arith.subi %add3A_586, %sub3A_587 : i32
        %shift_right_logical3A_589 = arith.constant 1 : i32
        %shift_right_logical3A_590 = arith.shrui %sub3A_588, %shift_right_logical3A_589 : i32
        %and3A_591 = arith.constant 1 : i32
        %and3A_592 = arith.andi %sub3A_588, %and3A_591 : i32
        %mul3A_593 = arith.constant 64 : i32
        %mul3A_594 = arith.muli %and3A_592, %mul3A_593 : i32
        %add3A_595 = arith.constant 0 : i32
        %add3A_596 = arith.addi %mul3A_594, %add3A_595 : i32
        %get3A_597 = arith.index_cast %shift_right_logical3A_590 : i32 to index
        %get3A_598 = arith.index_cast %add3A_596 : i32 to index
        %get3A_599 = tpu.vector_load %arg5[%get3A_597, %get3A_598] {strides = array<i32>} : memref<128x128xi32, #tpu.memory_space<vmem>>, vector<1x16xi32>,
        %get3A_600 = vector.shape_cast %get3A_599 : vector<1x16xi32> to vector<16xi32>
        %and3A_601 = arith.constant 16383 : i32
        %and3A_602 = vector.broadcast %and3A_601 : i32 to vector<16xi32>
        %and3A_603 = arith.andi %get3A_600, %and3A_602 : vector<16xi32>
        %swap3A_604 = arith.constant 0 : i32
        %swap3A_605 = arith.index_cast %swap3A_604 : i32 to index
        %swap3A_606 = arith.constant 0 : index
        %swap3A_607 = tpu.vector_load %arg6[%swap3A_605, %swap3A_606] {strides = array<i32>} : memref<4x64xi32, #tpu.memory_space<vmem>>, vector<1x16xi32>,
        %swap3A_608 = vector.shape_cast %swap3A_607 : vector<1x16xi32> to vector<16xi32>
        %swap3A_609 = vector.shape_cast %and3A_603 : vector<16xi32> to vector<1x16xi32>
        tpu.vector_store %arg6[%swap3A_605, %swap3A_606], %swap3A_609 {strides = array<i32>} : memref<4x64xi32, #tpu.memory_space<vmem>>, vector<1x16xi32>,
        %shift_right_logical3A_610 = arith.constant 14 : i32
        %shift_right_logical3A_611 = vector.broadcast %shift_right_logical3A_610 : i32 to vector<16xi32>
        %shift_right_logical3A_612 = arith.shrui %get3A_600, %shift_right_logical3A_611 : vector<16xi32>
        %swap3A_613 = arith.constant 0 : i32
        %swap3A_614 = arith.index_cast %swap3A_613 : i32 to index
        %swap3A_615 = arith.constant 0 : index
        %swap3A_616 = tpu.vector_load %arg7[%swap3A_614, %swap3A_615] {strides = array<i32>} : memref<4x64xi32, #tpu.memory_space<vmem>>, vector<1x16xi32>,
        %swap3A_617 = vector.shape_cast %swap3A_616 : vector<1x16xi32> to vector<16xi32>
        %swap3A_618 = vector.shape_cast %shift_right_logical3A_612 : vector<16xi32> to vector<1x16xi32>
        tpu.vector_store %arg7[%swap3A_614, %swap3A_615], %swap3A_618 {strides = array<i32>} : memref<4x64xi32, #tpu.memory_space<vmem>>, vector<1x16xi32>,
        %add3A_619 = arith.constant 16 : i32
        %add3A_620 = arith.addi %mul3A_594, %add3A_619 : i32
        %get3A_621 = arith.index_cast %shift_right_logical3A_590 : i32 to index
        %get3A_622 = arith.index_cast %add3A_620 : i32 to index
        %get3A_623 = tpu.vector_load %arg5[%get3A_621, %get3A_622] {strides = array<i32>} : memref<128x128xi32, #tpu.memory_space<vmem>>, vector<1x16xi32>,
        %get3A_624 = vector.shape_cast %get3A_623 : vector<1x16xi32> to vector<16xi32>
        %and3A_625 = arith.constant 16383 : i32
        %and3A_626 = vector.broadcast %and3A_625 : i32 to vector<16xi32>
        %and3A_627 = arith.andi %get3A_624, %and3A_626 : vector<16xi32>
        %swap3A_628 = arith.constant 0 : i32
        %swap3A_629 = arith.index_cast %swap3A_628 : i32 to index
        %swap3A_630 = arith.constant 16 : index
        %swap3A_631 = tpu.vector_load %arg6[%swap3A_629, %swap3A_630] {strides = array<i32>} : memref<4x64xi32, #tpu.memory_space<vmem>>, vector<1x16xi32>,
        %swap3A_632 = vector.shape_cast %swap3A_631 : vector<1x16xi32> to vector<16xi32>
        %swap3A_633 = vector.shape_cast %and3A_627 : vector<16xi32> to vector<1x16xi32>
        tpu.vector_store %arg6[%swap3A_629, %swap3A_630], %swap3A_633 {strides = array<i32>} : memref<4x64xi32, #tpu.memory_space<vmem>>, vector<1x16xi32>,
        %shift_right_logical3A_634 = arith.constant 14 : i32
        %shift_right_logical3A_635 = vector.broadcast %shift_right_logical3A_634 : i32 to vector<16xi32>
        %shift_right_logical3A_636 = arith.shrui %get3A_624, %shift_right_logical3A_635 : vector<16xi32>
        %swap3A_637 = arith.constant 0 : i32
        %swap3A_638 = arith.index_cast %swap3A_637 : i32 to index
        %swap3A_639 = arith.constant 16 : index
        %swap3A_640 = tpu.vector_load %arg7[%swap3A_638, %swap3A_639] {strides = array<i32>} : memref<4x64xi32, #tpu.memory_space<vmem>>, vector<1x16xi32>,
        %swap3A_641 = vector.shape_cast %swap3A_640 : vector<1x16xi32> to vector<16xi32>
        %swap3A_642 = vector.shape_cast %shift_right_logical3A_636 : vector<16xi32> to vector<1x16xi32>
        tpu.vector_store %arg7[%swap3A_638, %swap3A_639], %swap3A_642 {strides = array<i32>} : memref<4x64xi32, #tpu.memory_space<vmem>>, vector<1x16xi32>,
        %add3A_643 = arith.constant 32 : i32
        %add3A_644 = arith.addi %mul3A_594, %add3A_643 : i32
        %get3A_645 = arith.index_cast %shift_right_logical3A_590 : i32 to index
        %get3A_646 = arith.index_cast %add3A_644 : i32 to index
        %get3A_647 = tpu.vector_load %arg5[%get3A_645, %get3A_646] {strides = array<i32>} : memref<128x128xi32, #tpu.memory_space<vmem>>, vector<1x16xi32>,
        %get3A_648 = vector.shape_cast %get3A_647 : vector<1x16xi32> to vector<16xi32>
        %and3A_649 = arith.constant 16383 : i32
        %and3A_650 = vector.broadcast %and3A_649 : i32 to vector<16xi32>
        %and3A_651 = arith.andi %get3A_648, %and3A_650 : vector<16xi32>
        %swap3A_652 = arith.constant 0 : i32
        %swap3A_653 = arith.index_cast %swap3A_652 : i32 to index
        %swap3A_654 = arith.constant 32 : index
        %swap3A_655 = tpu.vector_load %arg6[%swap3A_653, %swap3A_654] {strides = array<i32>} : memref<4x64xi32, #tpu.memory_space<vmem>>, vector<1x16xi32>,
        %swap3A_656 = vector.shape_cast %swap3A_655 : vector<1x16xi32> to vector<16xi32>
        %swap3A_657 = vector.shape_cast %and3A_651 : vector<16xi32> to vector<1x16xi32>
        tpu.vector_store %arg6[%swap3A_653, %swap3A_654], %swap3A_657 {strides = array<i32>} : memref<4x64xi32, #tpu.memory_space<vmem>>, vector<1x16xi32>,
        %shift_right_logical3A_658 = arith.constant 14 : i32
        %shift_right_logical3A_659 = vector.broadcast %shift_right_logical3A_658 : i32 to vector<16xi32>
        %shift_right_logical3A_660 = arith.shrui %get3A_648, %shift_right_logical3A_659 : vector<16xi32>
        %swap3A_661 = arith.constant 0 : i32
        %swap3A_662 = arith.index_cast %swap3A_661 : i32 to index
        %swap3A_663 = arith.constant 32 : index
        %swap3A_664 = tpu.vector_load %arg7[%swap3A_662, %swap3A_663] {strides = array<i32>} : memref<4x64xi32, #tpu.memory_space<vmem>>, vector<1x16xi32>,
        %swap3A_665 = vector.shape_cast %swap3A_664 : vector<1x16xi32> to vector<16xi32>
        %swap3A_666 = vector.shape_cast %shift_right_logical3A_660 : vector<16xi32> to vector<1x16xi32>
        tpu.vector_store %arg7[%swap3A_662, %swap3A_663], %swap3A_666 {strides = array<i32>} : memref<4x64xi32, #tpu.memory_space<vmem>>, vector<1x16xi32>,
        %add3A_667 = arith.constant 48 : i32
        %add3A_668 = arith.addi %mul3A_594, %add3A_667 : i32
        %get3A_669 = arith.index_cast %shift_right_logical3A_590 : i32 to index
        %get3A_670 = arith.index_cast %add3A_668 : i32 to index
        %get3A_671 = tpu.vector_load %arg5[%get3A_669, %get3A_670] {strides = array<i32>} : memref<128x128xi32, #tpu.memory_space<vmem>>, vector<1x16xi32>,
        %get3A_672 = vector.shape_cast %get3A_671 : vector<1x16xi32> to vector<16xi32>
        %and3A_673 = arith.constant 16383 : i32
        %and3A_674 = vector.broadcast %and3A_673 : i32 to vector<16xi32>
        %and3A_675 = arith.andi %get3A_672, %and3A_674 : vector<16xi32>
        %swap3A_676 = arith.constant 0 : i32
        %swap3A_677 = arith.index_cast %swap3A_676 : i32 to index
        %swap3A_678 = arith.constant 48 : index
        %swap3A_679 = tpu.vector_load %arg6[%swap3A_677, %swap3A_678] {strides = array<i32>} : memref<4x64xi32, #tpu.memory_space<vmem>>, vector<1x16xi32>,
        %swap3A_680 = vector.shape_cast %swap3A_679 : vector<1x16xi32> to vector<16xi32>
        %swap3A_681 = vector.shape_cast %and3A_675 : vector<16xi32> to vector<1x16xi32>
        tpu.vector_store %arg6[%swap3A_677, %swap3A_678], %swap3A_681 {strides = array<i32>} : memref<4x64xi32, #tpu.memory_space<vmem>>, vector<1x16xi32>,
        %shift_right_logical3A_682 = arith.constant 14 : i32
        %shift_right_logical3A_683 = vector.broadcast %shift_right_logical3A_682 : i32 to vector<16xi32>
        %shift_right_logical3A_684 = arith.shrui %get3A_672, %shift_right_logical3A_683 : vector<16xi32>
        %swap3A_685 = arith.constant 0 : i32
        %swap3A_686 = arith.index_cast %swap3A_685 : i32 to index
        %swap3A_687 = arith.constant 48 : index
        %swap3A_688 = tpu.vector_load %arg7[%swap3A_686, %swap3A_687] {strides = array<i32>} : memref<4x64xi32, #tpu.memory_space<vmem>>, vector<1x16xi32>,
        %swap3A_689 = vector.shape_cast %swap3A_688 : vector<1x16xi32> to vector<16xi32>
        %swap3A_690 = vector.shape_cast %shift_right_logical3A_684 : vector<16xi32> to vector<1x16xi32>
        tpu.vector_store %arg7[%swap3A_686, %swap3A_687], %swap3A_690 {strides = array<i32>} : memref<4x64xi32, #tpu.memory_space<vmem>>, vector<1x16xi32>,
        %dma_start3A_691 = arith.constant 0 : i32
        %dma_start3A_692 = arith.constant 0 : i32
        %dma_start3A_693 = arith.constant 0 : i32
        %dma_start3A_694 = arith.constant 0 : i32
        %dma_start3A_695 = tpu.memref_slice %arg8[%dma_start3A_692, %dma_start3A_693, %dma_start3A_694] : memref<4x64x128xf32, #tpu.memory_space<vmem>> -> memref<1x64x128xf32, #tpu.memory_space<vmem>>
        %dma_start3A_696 = tpu.memref_squeeze %dma_start3A_695 : memref<1x64x128xf32, #tpu.memory_space<vmem>> -> memref<64x128xf32, #tpu.memory_space<vmem>>
        %dma_start3A_697 = arith.constant 0 : i32
        %dma_start3A_698 = tpu.memref_slice %arg6[%dma_start3A_691, %dma_start3A_697] : memref<4x64xi32, #tpu.memory_space<vmem>> -> memref<1x64xi32, #tpu.memory_space<vmem>>
        %dma_start3A_699 = tpu.memref_squeeze %dma_start3A_698 : memref<1x64xi32, #tpu.memory_space<vmem>> -> memref<64xi32, #tpu.memory_space<vmem>>
        %dma_start3A_700 = arith.constant 0 : i32
        %dma_start3A_701 = arith.constant 0 : i32
        %dma_start3A_702 = tpu.memref_slice %arg2[%dma_start3A_700, %dma_start3A_701] : memref<10000x128xf32, #tpu.memory_space<hbm>> -> memref<10000x128xf32, #tpu.memory_space<hbm>>
        tpu.enqueue_indirect_dma source(%dma_start3A_702 : memref<10000x128xf32, #tpu.memory_space<hbm>>) target(%dma_start3A_696 : memref<64x128xf32, #tpu.memory_space<vmem>>) offsets(%dma_start3A_699 : memref<64xi32, #tpu.memory_space<vmem>>) semaphore(%arg10 : memref<!tpu.dma_semaphore, #tpu.memory_space<semaphore_mem>>)
      } else {
      }
      %run_scoped3A_530 = arith.constant 1 : i32
      %run_scoped3A_531 = arith.constant 1 : i32
      "tpu.region"() ({
        %run_scoped3A_585 = tpu.sem_alloc : memref<!tpu.dma_semaphore, #tpu.memory_space<semaphore_mem>>
        %dma_start3A_586 = arith.constant 0 : i32
        %dma_start3A_587 = arith.constant 0 : i32
        %dma_start3A_588 = tpu.memref_slice %arg8[%run_scoped3A_530, %dma_start3A_586, %dma_start3A_587] : memref<4x64x128xf32, #tpu.memory_space<vmem>> -> memref<1x64x128xf32, #tpu.memory_space<vmem>>
        %dma_start3A_589 = tpu.memref_squeeze %dma_start3A_588 : memref<1x64x128xf32, #tpu.memory_space<vmem>> -> memref<64x128xf32, #tpu.memory_space<vmem>>
        %dma_start3A_590 = arith.constant 0 : i32
        %dma_start3A_591 = tpu.memref_slice %arg7[%run_scoped3A_531, %dma_start3A_590] : memref<4x64xi32, #tpu.memory_space<vmem>> -> memref<1x64xi32, #tpu.memory_space<vmem>>
        %dma_start3A_592 = tpu.memref_squeeze %dma_start3A_591 : memref<1x64xi32, #tpu.memory_space<vmem>> -> memref<64xi32, #tpu.memory_space<vmem>>
        %dma_start3A_593 = arith.constant 0 : i32
        %dma_start3A_594 = arith.constant 0 : i32
        %dma_start3A_595 = tpu.memref_slice %arg9[%dma_start3A_593, %dma_start3A_594] : memref<10112x128xf32, #tpu.memory_space<vmem_shared>> -> memref<10112x128xf32, #tpu.memory_space<vmem_shared>>
        tpu.enqueue_indirect_dma source(%dma_start3A_589 : memref<64x128xf32, #tpu.memory_space<vmem>>) target(%dma_start3A_595 : memref<10112x128xf32, #tpu.memory_space<vmem_shared>>) offsets(%dma_start3A_592 : memref<64xi32, #tpu.memory_space<vmem>>) semaphore(%run_scoped3A_585 : memref<!tpu.dma_semaphore, #tpu.memory_space<semaphore_mem>>) {add = true}
        %dma_wait3A_596 = arith.constant 0 : i32
        %dma_wait3A_597 = arith.constant 0 : i32
        %dma_wait3A_598 = tpu.memref_slice %arg8[%run_scoped3A_530, %dma_wait3A_596, %dma_wait3A_597] : memref<4x64x128xf32, #tpu.memory_space<vmem>> -> memref<1x64x128xf32, #tpu.memory_space<vmem>>
        %dma_wait3A_599 = tpu.memref_squeeze %dma_wait3A_598 : memref<1x64x128xf32, #tpu.memory_space<vmem>> -> memref<64x128xf32, #tpu.memory_space<vmem>>
        %dma_wait3A_600 = arith.constant 0 : i32
        %dma_wait3A_601 = tpu.memref_slice %arg7[%run_scoped3A_531, %dma_wait3A_600] : memref<4x64xi32, #tpu.memory_space<vmem>> -> memref<1x64xi32, #tpu.memory_space<vmem>>
        %dma_wait3A_602 = tpu.memref_squeeze %dma_wait3A_601 : memref<1x64xi32, #tpu.memory_space<vmem>> -> memref<64xi32, #tpu.memory_space<vmem>>
        %dma_wait3A_603 = arith.constant 0 : i32
        %dma_wait3A_604 = arith.constant 0 : i32
        %dma_wait3A_605 = tpu.memref_slice %arg9[%dma_wait3A_603, %dma_wait3A_604] : memref<10112x128xf32, #tpu.memory_space<vmem_shared>> -> memref<10112x128xf32, #tpu.memory_space<vmem_shared>>
        tpu.wait_indirect_dma semaphore(%run_scoped3A_585 : memref<!tpu.dma_semaphore, #tpu.memory_space<semaphore_mem>>) src(%dma_wait3A_599 : memref<64x128xf32, #tpu.memory_space<vmem>>) dst(%dma_wait3A_605 : memref<10112x128xf32, #tpu.memory_space<vmem_shared>>)
        tpu.yield
      }) : () -> ()
      %mul3A_532 = arith.constant 4 : i32
      %mul3A_533 = arith.muli %while3A_480, %mul3A_532 : i32
      %add3A_534 = arith.constant 2 : i32
      %add3A_535 = arith.addi %mul3A_533, %add3A_534 : i32
      %dma_wait3A_536 = arith.constant 2 : i32
      %dma_wait3A_537 = arith.constant 2 : i32
      %dma_wait3A_538 = arith.constant 0 : i32
      %dma_wait3A_539 = arith.constant 0 : i32
      %dma_wait3A_540 = tpu.memref_slice %arg8[%dma_wait3A_537, %dma_wait3A_538, %dma_wait3A_539] : memref<4x64x128xf32, #tpu.memory_space<vmem>> -> memref<1x64x128xf32, #tpu.memory_space<vmem>>
      %dma_wait3A_541 = tpu.memref_squeeze %dma_wait3A_540 : memref<1x64x128xf32, #tpu.memory_space<vmem>> -> memref<64x128xf32, #tpu.memory_space<vmem>>
      %dma_wait3A_542 = arith.constant 0 : i32
      %dma_wait3A_543 = tpu.memref_slice %arg6[%dma_wait3A_536, %dma_wait3A_542] : memref<4x64xi32, #tpu.memory_space<vmem>> -> memref<1x64xi32, #tpu.memory_space<vmem>>
      %dma_wait3A_544 = tpu.memref_squeeze %dma_wait3A_543 : memref<1x64xi32, #tpu.memory_space<vmem>> -> memref<64xi32, #tpu.memory_space<vmem>>
      %dma_wait3A_545 = arith.constant 0 : i32
      %dma_wait3A_546 = arith.constant 0 : i32
      %dma_wait3A_547 = tpu.memref_slice %arg2[%dma_wait3A_545, %dma_wait3A_546] : memref<10000x128xf32, #tpu.memory_space<hbm>> -> memref<10000x128xf32, #tpu.memory_space<hbm>>
      tpu.wait_indirect_dma semaphore(%arg12 : memref<!tpu.dma_semaphore, #tpu.memory_space<semaphore_mem>>) src(%dma_wait3A_547 : memref<10000x128xf32, #tpu.memory_space<hbm>>) dst(%dma_wait3A_541 : memref<64x128xf32, #tpu.memory_space<vmem>>)
      %add3A_548 = arith.constant 4 : i32
      %add3A_549 = arith.addi %add3A_535, %add3A_548 : i32
      %sub3A_550 = arith.constant 1 : i32
      %sub3A_551 = arith.subi %add3A_549, %sub3A_550 : i32
      %lt3A_552 = arith.cmpi slt, %sub3A_551, %select_n3A : i32
      %convert_element_type3A_553 = arith.extui %lt3A_552 : i1 to i32
      %cond3A_554 = arith.constant 0 : i32
      %cond3A_555 = arith.cmpi ne, %convert_element_type3A_553, %cond3A_554 : i32
      scf.if %cond3A_555 {
        %add3A_585 = arith.constant 4 : i32
        %add3A_586 = arith.addi %add3A_535, %add3A_585 : i32
        %sub3A_587 = arith.constant 1 : i32
        %sub3A_588 = arith.subi %add3A_586, %sub3A_587 : i32
        %shift_right_logical3A_589 = arith.constant 1 : i32
        %shift_right_logical3A_590 = arith.shrui %sub3A_588, %shift_right_logical3A_589 : i32
        %and3A_591 = arith.constant 1 : i32
        %and3A_592 = arith.andi %sub3A_588, %and3A_591 : i32
        %mul3A_593 = arith.constant 64 : i32
        %mul3A_594 = arith.muli %and3A_592, %mul3A_593 : i32
        %add3A_595 = arith.constant 0 : i32
        %add3A_596 = arith.addi %mul3A_594, %add3A_595 : i32
        %get3A_597 = arith.index_cast %shift_right_logical3A_590 : i32 to index
        %get3A_598 = arith.index_cast %add3A_596 : i32 to index
        %get3A_599 = tpu.vector_load %arg5[%get3A_597, %get3A_598] {strides = array<i32>} : memref<128x128xi32, #tpu.memory_space<vmem>>, vector<1x16xi32>,
        %get3A_600 = vector.shape_cast %get3A_599 : vector<1x16xi32> to vector<16xi32>
        %and3A_601 = arith.constant 16383 : i32
        %and3A_602 = vector.broadcast %and3A_601 : i32 to vector<16xi32>
        %and3A_603 = arith.andi %get3A_600, %and3A_602 : vector<16xi32>
        %swap3A_604 = arith.constant 1 : i32
        %swap3A_605 = arith.index_cast %swap3A_604 : i32 to index
        %swap3A_606 = arith.constant 0 : index
        %swap3A_607 = tpu.vector_load %arg6[%swap3A_605, %swap3A_606] {strides = array<i32>} : memref<4x64xi32, #tpu.memory_space<vmem>>, vector<1x16xi32>,
        %swap3A_608 = vector.shape_cast %swap3A_607 : vector<1x16xi32> to vector<16xi32>
        %swap3A_609 = vector.shape_cast %and3A_603 : vector<16xi32> to vector<1x16xi32>
        tpu.vector_store %arg6[%swap3A_605, %swap3A_606], %swap3A_609 {strides = array<i32>} : memref<4x64xi32, #tpu.memory_space<vmem>>, vector<1x16xi32>,
        %shift_right_logical3A_610 = arith.constant 14 : i32
        %shift_right_logical3A_611 = vector.broadcast %shift_right_logical3A_610 : i32 to vector<16xi32>
        %shift_right_logical3A_612 = arith.shrui %get3A_600, %shift_right_logical3A_611 : vector<16xi32>
        %swap3A_613 = arith.constant 1 : i32
        %swap3A_614 = arith.index_cast %swap3A_613 : i32 to index
        %swap3A_615 = arith.constant 0 : index
        %swap3A_616 = tpu.vector_load %arg7[%swap3A_614, %swap3A_615] {strides = array<i32>} : memref<4x64xi32, #tpu.memory_space<vmem>>, vector<1x16xi32>,
        %swap3A_617 = vector.shape_cast %swap3A_616 : vector<1x16xi32> to vector<16xi32>
        %swap3A_618 = vector.shape_cast %shift_right_logical3A_612 : vector<16xi32> to vector<1x16xi32>
        tpu.vector_store %arg7[%swap3A_614, %swap3A_615], %swap3A_618 {strides = array<i32>} : memref<4x64xi32, #tpu.memory_space<vmem>>, vector<1x16xi32>,
        %add3A_619 = arith.constant 16 : i32
        %add3A_620 = arith.addi %mul3A_594, %add3A_619 : i32
        %get3A_621 = arith.index_cast %shift_right_logical3A_590 : i32 to index
        %get3A_622 = arith.index_cast %add3A_620 : i32 to index
        %get3A_623 = tpu.vector_load %arg5[%get3A_621, %get3A_622] {strides = array<i32>} : memref<128x128xi32, #tpu.memory_space<vmem>>, vector<1x16xi32>,
        %get3A_624 = vector.shape_cast %get3A_623 : vector<1x16xi32> to vector<16xi32>
        %and3A_625 = arith.constant 16383 : i32
        %and3A_626 = vector.broadcast %and3A_625 : i32 to vector<16xi32>
        %and3A_627 = arith.andi %get3A_624, %and3A_626 : vector<16xi32>
        %swap3A_628 = arith.constant 1 : i32
        %swap3A_629 = arith.index_cast %swap3A_628 : i32 to index
        %swap3A_630 = arith.constant 16 : index
        %swap3A_631 = tpu.vector_load %arg6[%swap3A_629, %swap3A_630] {strides = array<i32>} : memref<4x64xi32, #tpu.memory_space<vmem>>, vector<1x16xi32>,
        %swap3A_632 = vector.shape_cast %swap3A_631 : vector<1x16xi32> to vector<16xi32>
        %swap3A_633 = vector.shape_cast %and3A_627 : vector<16xi32> to vector<1x16xi32>
        tpu.vector_store %arg6[%swap3A_629, %swap3A_630], %swap3A_633 {strides = array<i32>} : memref<4x64xi32, #tpu.memory_space<vmem>>, vector<1x16xi32>,
        %shift_right_logical3A_634 = arith.constant 14 : i32
        %shift_right_logical3A_635 = vector.broadcast %shift_right_logical3A_634 : i32 to vector<16xi32>
        %shift_right_logical3A_636 = arith.shrui %get3A_624, %shift_right_logical3A_635 : vector<16xi32>
        %swap3A_637 = arith.constant 1 : i32
        %swap3A_638 = arith.index_cast %swap3A_637 : i32 to index
        %swap3A_639 = arith.constant 16 : index
        %swap3A_640 = tpu.vector_load %arg7[%swap3A_638, %swap3A_639] {strides = array<i32>} : memref<4x64xi32, #tpu.memory_space<vmem>>, vector<1x16xi32>,
        %swap3A_641 = vector.shape_cast %swap3A_640 : vector<1x16xi32> to vector<16xi32>
        %swap3A_642 = vector.shape_cast %shift_right_logical3A_636 : vector<16xi32> to vector<1x16xi32>
        tpu.vector_store %arg7[%swap3A_638, %swap3A_639], %swap3A_642 {strides = array<i32>} : memref<4x64xi32, #tpu.memory_space<vmem>>, vector<1x16xi32>,
        %add3A_643 = arith.constant 32 : i32
        %add3A_644 = arith.addi %mul3A_594, %add3A_643 : i32
        %get3A_645 = arith.index_cast %shift_right_logical3A_590 : i32 to index
        %get3A_646 = arith.index_cast %add3A_644 : i32 to index
        %get3A_647 = tpu.vector_load %arg5[%get3A_645, %get3A_646] {strides = array<i32>} : memref<128x128xi32, #tpu.memory_space<vmem>>, vector<1x16xi32>,
        %get3A_648 = vector.shape_cast %get3A_647 : vector<1x16xi32> to vector<16xi32>
        %and3A_649 = arith.constant 16383 : i32
        %and3A_650 = vector.broadcast %and3A_649 : i32 to vector<16xi32>
        %and3A_651 = arith.andi %get3A_648, %and3A_650 : vector<16xi32>
        %swap3A_652 = arith.constant 1 : i32
        %swap3A_653 = arith.index_cast %swap3A_652 : i32 to index
        %swap3A_654 = arith.constant 32 : index
        %swap3A_655 = tpu.vector_load %arg6[%swap3A_653, %swap3A_654] {strides = array<i32>} : memref<4x64xi32, #tpu.memory_space<vmem>>, vector<1x16xi32>,
        %swap3A_656 = vector.shape_cast %swap3A_655 : vector<1x16xi32> to vector<16xi32>
        %swap3A_657 = vector.shape_cast %and3A_651 : vector<16xi32> to vector<1x16xi32>
        tpu.vector_store %arg6[%swap3A_653, %swap3A_654], %swap3A_657 {strides = array<i32>} : memref<4x64xi32, #tpu.memory_space<vmem>>, vector<1x16xi32>,
        %shift_right_logical3A_658 = arith.constant 14 : i32
        %shift_right_logical3A_659 = vector.broadcast %shift_right_logical3A_658 : i32 to vector<16xi32>
        %shift_right_logical3A_660 = arith.shrui %get3A_648, %shift_right_logical3A_659 : vector<16xi32>
        %swap3A_661 = arith.constant 1 : i32
        %swap3A_662 = arith.index_cast %swap3A_661 : i32 to index
        %swap3A_663 = arith.constant 32 : index
        %swap3A_664 = tpu.vector_load %arg7[%swap3A_662, %swap3A_663] {strides = array<i32>} : memref<4x64xi32, #tpu.memory_space<vmem>>, vector<1x16xi32>,
        %swap3A_665 = vector.shape_cast %swap3A_664 : vector<1x16xi32> to vector<16xi32>
        %swap3A_666 = vector.shape_cast %shift_right_logical3A_660 : vector<16xi32> to vector<1x16xi32>
        tpu.vector_store %arg7[%swap3A_662, %swap3A_663], %swap3A_666 {strides = array<i32>} : memref<4x64xi32, #tpu.memory_space<vmem>>, vector<1x16xi32>,
        %add3A_667 = arith.constant 48 : i32
        %add3A_668 = arith.addi %mul3A_594, %add3A_667 : i32
        %get3A_669 = arith.index_cast %shift_right_logical3A_590 : i32 to index
        %get3A_670 = arith.index_cast %add3A_668 : i32 to index
        %get3A_671 = tpu.vector_load %arg5[%get3A_669, %get3A_670] {strides = array<i32>} : memref<128x128xi32, #tpu.memory_space<vmem>>, vector<1x16xi32>,
        %get3A_672 = vector.shape_cast %get3A_671 : vector<1x16xi32> to vector<16xi32>
        %and3A_673 = arith.constant 16383 : i32
        %and3A_674 = vector.broadcast %and3A_673 : i32 to vector<16xi32>
        %and3A_675 = arith.andi %get3A_672, %and3A_674 : vector<16xi32>
        %swap3A_676 = arith.constant 1 : i32
        %swap3A_677 = arith.index_cast %swap3A_676 : i32 to index
        %swap3A_678 = arith.constant 48 : index
        %swap3A_679 = tpu.vector_load %arg6[%swap3A_677, %swap3A_678] {strides = array<i32>} : memref<4x64xi32, #tpu.memory_space<vmem>>, vector<1x16xi32>,
        %swap3A_680 = vector.shape_cast %swap3A_679 : vector<1x16xi32> to vector<16xi32>
        %swap3A_681 = vector.shape_cast %and3A_675 : vector<16xi32> to vector<1x16xi32>
        tpu.vector_store %arg6[%swap3A_677, %swap3A_678], %swap3A_681 {strides = array<i32>} : memref<4x64xi32, #tpu.memory_space<vmem>>, vector<1x16xi32>,
        %shift_right_logical3A_682 = arith.constant 14 : i32
        %shift_right_logical3A_683 = vector.broadcast %shift_right_logical3A_682 : i32 to vector<16xi32>
        %shift_right_logical3A_684 = arith.shrui %get3A_672, %shift_right_logical3A_683 : vector<16xi32>
        %swap3A_685 = arith.constant 1 : i32
        %swap3A_686 = arith.index_cast %swap3A_685 : i32 to index
        %swap3A_687 = arith.constant 48 : index
        %swap3A_688 = tpu.vector_load %arg7[%swap3A_686, %swap3A_687] {strides = array<i32>} : memref<4x64xi32, #tpu.memory_space<vmem>>, vector<1x16xi32>,
        %swap3A_689 = vector.shape_cast %swap3A_688 : vector<1x16xi32> to vector<16xi32>
        %swap3A_690 = vector.shape_cast %shift_right_logical3A_684 : vector<16xi32> to vector<1x16xi32>
        tpu.vector_store %arg7[%swap3A_686, %swap3A_687], %swap3A_690 {strides = array<i32>} : memref<4x64xi32, #tpu.memory_space<vmem>>, vector<1x16xi32>,
        %dma_start3A_691 = arith.constant 1 : i32
        %dma_start3A_692 = arith.constant 1 : i32
        %dma_start3A_693 = arith.constant 0 : i32
        %dma_start3A_694 = arith.constant 0 : i32
        %dma_start3A_695 = tpu.memref_slice %arg8[%dma_start3A_692, %dma_start3A_693, %dma_start3A_694] : memref<4x64x128xf32, #tpu.memory_space<vmem>> -> memref<1x64x128xf32, #tpu.memory_space<vmem>>
        %dma_start3A_696 = tpu.memref_squeeze %dma_start3A_695 : memref<1x64x128xf32, #tpu.memory_space<vmem>> -> memref<64x128xf32, #tpu.memory_space<vmem>>
        %dma_start3A_697 = arith.constant 0 : i32
        %dma_start3A_698 = tpu.memref_slice %arg6[%dma_start3A_691, %dma_start3A_697] : memref<4x64xi32, #tpu.memory_space<vmem>> -> memref<1x64xi32, #tpu.memory_space<vmem>>
        %dma_start3A_699 = tpu.memref_squeeze %dma_start3A_698 : memref<1x64xi32, #tpu.memory_space<vmem>> -> memref<64xi32, #tpu.memory_space<vmem>>
        %dma_start3A_700 = arith.constant 0 : i32
        %dma_start3A_701 = arith.constant 0 : i32
        %dma_start3A_702 = tpu.memref_slice %arg2[%dma_start3A_700, %dma_start3A_701] : memref<10000x128xf32, #tpu.memory_space<hbm>> -> memref<10000x128xf32, #tpu.memory_space<hbm>>
        tpu.enqueue_indirect_dma source(%dma_start3A_702 : memref<10000x128xf32, #tpu.memory_space<hbm>>) target(%dma_start3A_696 : memref<64x128xf32, #tpu.memory_space<vmem>>) offsets(%dma_start3A_699 : memref<64xi32, #tpu.memory_space<vmem>>) semaphore(%arg11 : memref<!tpu.dma_semaphore, #tpu.memory_space<semaphore_mem>>)
      } else {
      }
      %run_scoped3A_556 = arith.constant 2 : i32
      %run_scoped3A_557 = arith.constant 2 : i32
      "tpu.region"() ({
        %run_scoped3A_585 = tpu.sem_alloc : memref<!tpu.dma_semaphore, #tpu.memory_space<semaphore_mem>>
        %dma_start3A_586 = arith.constant 0 : i32
        %dma_start3A_587 = arith.constant 0 : i32
        %dma_start3A_588 = tpu.memref_slice %arg8[%run_scoped3A_556, %dma_start3A_586, %dma_start3A_587] : memref<4x64x128xf32, #tpu.memory_space<vmem>> -> memref<1x64x128xf32, #tpu.memory_space<vmem>>
        %dma_start3A_589 = tpu.memref_squeeze %dma_start3A_588 : memref<1x64x128xf32, #tpu.memory_space<vmem>> -> memref<64x128xf32, #tpu.memory_space<vmem>>
        %dma_start3A_590 = arith.constant 0 : i32
        %dma_start3A_591 = tpu.memref_slice %arg7[%run_scoped3A_557, %dma_start3A_590] : memref<4x64xi32, #tpu.memory_space<vmem>> -> memref<1x64xi32, #tpu.memory_space<vmem>>
        %dma_start3A_592 = tpu.memref_squeeze %dma_start3A_591 : memref<1x64xi32, #tpu.memory_space<vmem>> -> memref<64xi32, #tpu.memory_space<vmem>>
        %dma_start3A_593 = arith.constant 0 : i32
        %dma_start3A_594 = arith.constant 0 : i32
        %dma_start3A_595 = tpu.memref_slice %arg9[%dma_start3A_593, %dma_start3A_594] : memref<10112x128xf32, #tpu.memory_space<vmem_shared>> -> memref<10112x128xf32, #tpu.memory_space<vmem_shared>>
        tpu.enqueue_indirect_dma source(%dma_start3A_589 : memref<64x128xf32, #tpu.memory_space<vmem>>) target(%dma_start3A_595 : memref<10112x128xf32, #tpu.memory_space<vmem_shared>>) offsets(%dma_start3A_592 : memref<64xi32, #tpu.memory_space<vmem>>) semaphore(%run_scoped3A_585 : memref<!tpu.dma_semaphore, #tpu.memory_space<semaphore_mem>>) {add = true}
        %dma_wait3A_596 = arith.constant 0 : i32
        %dma_wait3A_597 = arith.constant 0 : i32
        %dma_wait3A_598 = tpu.memref_slice %arg8[%run_scoped3A_556, %dma_wait3A_596, %dma_wait3A_597] : memref<4x64x128xf32, #tpu.memory_space<vmem>> -> memref<1x64x128xf32, #tpu.memory_space<vmem>>
        %dma_wait3A_599 = tpu.memref_squeeze %dma_wait3A_598 : memref<1x64x128xf32, #tpu.memory_space<vmem>> -> memref<64x128xf32, #tpu.memory_space<vmem>>
        %dma_wait3A_600 = arith.constant 0 : i32
        %dma_wait3A_601 = tpu.memref_slice %arg7[%run_scoped3A_557, %dma_wait3A_600] : memref<4x64xi32, #tpu.memory_space<vmem>> -> memref<1x64xi32, #tpu.memory_space<vmem>>
        %dma_wait3A_602 = tpu.memref_squeeze %dma_wait3A_601 : memref<1x64xi32, #tpu.memory_space<vmem>> -> memref<64xi32, #tpu.memory_space<vmem>>
        %dma_wait3A_603 = arith.constant 0 : i32
        %dma_wait3A_604 = arith.constant 0 : i32
        %dma_wait3A_605 = tpu.memref_slice %arg9[%dma_wait3A_603, %dma_wait3A_604] : memref<10112x128xf32, #tpu.memory_space<vmem_shared>> -> memref<10112x128xf32, #tpu.memory_space<vmem_shared>>
        tpu.wait_indirect_dma semaphore(%run_scoped3A_585 : memref<!tpu.dma_semaphore, #tpu.memory_space<semaphore_mem>>) src(%dma_wait3A_599 : memref<64x128xf32, #tpu.memory_space<vmem>>) dst(%dma_wait3A_605 : memref<10112x128xf32, #tpu.memory_space<vmem_shared>>)
        tpu.yield
      }) : () -> ()
      %mul3A_558 = arith.constant 4 : i32
      %mul3A_559 = arith.muli %while3A_480, %mul3A_558 : i32
      %add3A_560 = arith.constant 3 : i32
      %add3A_561 = arith.addi %mul3A_559, %add3A_560 : i32
      %dma_wait3A_562 = arith.constant 3 : i32
      %dma_wait3A_563 = arith.constant 3 : i32
      %dma_wait3A_564 = arith.constant 0 : i32
      %dma_wait3A_565 = arith.constant 0 : i32
      %dma_wait3A_566 = tpu.memref_slice %arg8[%dma_wait3A_563, %dma_wait3A_564, %dma_wait3A_565] : memref<4x64x128xf32, #tpu.memory_space<vmem>> -> memref<1x64x128xf32, #tpu.memory_space<vmem>>
      %dma_wait3A_567 = tpu.memref_squeeze %dma_wait3A_566 : memref<1x64x128xf32, #tpu.memory_space<vmem>> -> memref<64x128xf32, #tpu.memory_space<vmem>>
      %dma_wait3A_568 = arith.constant 0 : i32
      %dma_wait3A_569 = tpu.memref_slice %arg6[%dma_wait3A_562, %dma_wait3A_568] : memref<4x64xi32, #tpu.memory_space<vmem>> -> memref<1x64xi32, #tpu.memory_space<vmem>>
      %dma_wait3A_570 = tpu.memref_squeeze %dma_wait3A_569 : memref<1x64xi32, #tpu.memory_space<vmem>> -> memref<64xi32, #tpu.memory_space<vmem>>
      %dma_wait3A_571 = arith.constant 0 : i32
      %dma_wait3A_572 = arith.constant 0 : i32
      %dma_wait3A_573 = tpu.memref_slice %arg2[%dma_wait3A_571, %dma_wait3A_572] : memref<10000x128xf32, #tpu.memory_space<hbm>> -> memref<10000x128xf32, #tpu.memory_space<hbm>>
      tpu.wait_indirect_dma semaphore(%arg13 : memref<!tpu.dma_semaphore, #tpu.memory_space<semaphore_mem>>) src(%dma_wait3A_573 : memref<10000x128xf32, #tpu.memory_space<hbm>>) dst(%dma_wait3A_567 : memref<64x128xf32, #tpu.memory_space<vmem>>)
      %add3A_574 = arith.constant 4 : i32
      %add3A_575 = arith.addi %add3A_561, %add3A_574 : i32
      %sub3A_576 = arith.constant 1 : i32
      %sub3A_577 = arith.subi %add3A_575, %sub3A_576 : i32
      %lt3A_578 = arith.cmpi slt, %sub3A_577, %select_n3A : i32
      %convert_element_type3A_579 = arith.extui %lt3A_578 : i1 to i32
      %cond3A_580 = arith.constant 0 : i32
      %cond3A_581 = arith.cmpi ne, %convert_element_type3A_579, %cond3A_580 : i32
      scf.if %cond3A_581 {
        %add3A_585 = arith.constant 4 : i32
        %add3A_586 = arith.addi %add3A_561, %add3A_585 : i32
        %sub3A_587 = arith.constant 1 : i32
        %sub3A_588 = arith.subi %add3A_586, %sub3A_587 : i32
        %shift_right_logical3A_589 = arith.constant 1 : i32
        %shift_right_logical3A_590 = arith.shrui %sub3A_588, %shift_right_logical3A_589 : i32
        %and3A_591 = arith.constant 1 : i32
        %and3A_592 = arith.andi %sub3A_588, %and3A_591 : i32
        %mul3A_593 = arith.constant 64 : i32
        %mul3A_594 = arith.muli %and3A_592, %mul3A_593 : i32
        %add3A_595 = arith.constant 0 : i32
        %add3A_596 = arith.addi %mul3A_594, %add3A_595 : i32
        %get3A_597 = arith.index_cast %shift_right_logical3A_590 : i32 to index
        %get3A_598 = arith.index_cast %add3A_596 : i32 to index
        %get3A_599 = tpu.vector_load %arg5[%get3A_597, %get3A_598] {strides = array<i32>} : memref<128x128xi32, #tpu.memory_space<vmem>>, vector<1x16xi32>,
        %get3A_600 = vector.shape_cast %get3A_599 : vector<1x16xi32> to vector<16xi32>
        %and3A_601 = arith.constant 16383 : i32
        %and3A_602 = vector.broadcast %and3A_601 : i32 to vector<16xi32>
        %and3A_603 = arith.andi %get3A_600, %and3A_602 : vector<16xi32>
        %swap3A_604 = arith.constant 2 : i32
        %swap3A_605 = arith.index_cast %swap3A_604 : i32 to index
        %swap3A_606 = arith.constant 0 : index
        %swap3A_607 = tpu.vector_load %arg6[%swap3A_605, %swap3A_606] {strides = array<i32>} : memref<4x64xi32, #tpu.memory_space<vmem>>, vector<1x16xi32>,
        %swap3A_608 = vector.shape_cast %swap3A_607 : vector<1x16xi32> to vector<16xi32>
        %swap3A_609 = vector.shape_cast %and3A_603 : vector<16xi32> to vector<1x16xi32>
        tpu.vector_store %arg6[%swap3A_605, %swap3A_606], %swap3A_609 {strides = array<i32>} : memref<4x64xi32, #tpu.memory_space<vmem>>, vector<1x16xi32>,
        %shift_right_logical3A_610 = arith.constant 14 : i32
        %shift_right_logical3A_611 = vector.broadcast %shift_right_logical3A_610 : i32 to vector<16xi32>
        %shift_right_logical3A_612 = arith.shrui %get3A_600, %shift_right_logical3A_611 : vector<16xi32>
        %swap3A_613 = arith.constant 2 : i32
        %swap3A_614 = arith.index_cast %swap3A_613 : i32 to index
        %swap3A_615 = arith.constant 0 : index
        %swap3A_616 = tpu.vector_load %arg7[%swap3A_614, %swap3A_615] {strides = array<i32>} : memref<4x64xi32, #tpu.memory_space<vmem>>, vector<1x16xi32>,
        %swap3A_617 = vector.shape_cast %swap3A_616 : vector<1x16xi32> to vector<16xi32>
        %swap3A_618 = vector.shape_cast %shift_right_logical3A_612 : vector<16xi32> to vector<1x16xi32>
        tpu.vector_store %arg7[%swap3A_614, %swap3A_615], %swap3A_618 {strides = array<i32>} : memref<4x64xi32, #tpu.memory_space<vmem>>, vector<1x16xi32>,
        %add3A_619 = arith.constant 16 : i32
        %add3A_620 = arith.addi %mul3A_594, %add3A_619 : i32
        %get3A_621 = arith.index_cast %shift_right_logical3A_590 : i32 to index
        %get3A_622 = arith.index_cast %add3A_620 : i32 to index
        %get3A_623 = tpu.vector_load %arg5[%get3A_621, %get3A_622] {strides = array<i32>} : memref<128x128xi32, #tpu.memory_space<vmem>>, vector<1x16xi32>,
        %get3A_624 = vector.shape_cast %get3A_623 : vector<1x16xi32> to vector<16xi32>
        %and3A_625 = arith.constant 16383 : i32
        %and3A_626 = vector.broadcast %and3A_625 : i32 to vector<16xi32>
        %and3A_627 = arith.andi %get3A_624, %and3A_626 : vector<16xi32>
        %swap3A_628 = arith.constant 2 : i32
        %swap3A_629 = arith.index_cast %swap3A_628 : i32 to index
        %swap3A_630 = arith.constant 16 : index
        %swap3A_631 = tpu.vector_load %arg6[%swap3A_629, %swap3A_630] {strides = array<i32>} : memref<4x64xi32, #tpu.memory_space<vmem>>, vector<1x16xi32>,
        %swap3A_632 = vector.shape_cast %swap3A_631 : vector<1x16xi32> to vector<16xi32>
        %swap3A_633 = vector.shape_cast %and3A_627 : vector<16xi32> to vector<1x16xi32>
        tpu.vector_store %arg6[%swap3A_629, %swap3A_630], %swap3A_633 {strides = array<i32>} : memref<4x64xi32, #tpu.memory_space<vmem>>, vector<1x16xi32>,
        %shift_right_logical3A_634 = arith.constant 14 : i32
        %shift_right_logical3A_635 = vector.broadcast %shift_right_logical3A_634 : i32 to vector<16xi32>
        %shift_right_logical3A_636 = arith.shrui %get3A_624, %shift_right_logical3A_635 : vector<16xi32>
        %swap3A_637 = arith.constant 2 : i32
        %swap3A_638 = arith.index_cast %swap3A_637 : i32 to index
        %swap3A_639 = arith.constant 16 : index
        %swap3A_640 = tpu.vector_load %arg7[%swap3A_638, %swap3A_639] {strides = array<i32>} : memref<4x64xi32, #tpu.memory_space<vmem>>, vector<1x16xi32>,
        %swap3A_641 = vector.shape_cast %swap3A_640 : vector<1x16xi32> to vector<16xi32>
        %swap3A_642 = vector.shape_cast %shift_right_logical3A_636 : vector<16xi32> to vector<1x16xi32>
        tpu.vector_store %arg7[%swap3A_638, %swap3A_639], %swap3A_642 {strides = array<i32>} : memref<4x64xi32, #tpu.memory_space<vmem>>, vector<1x16xi32>,
        %add3A_643 = arith.constant 32 : i32
        %add3A_644 = arith.addi %mul3A_594, %add3A_643 : i32
        %get3A_645 = arith.index_cast %shift_right_logical3A_590 : i32 to index
        %get3A_646 = arith.index_cast %add3A_644 : i32 to index
        %get3A_647 = tpu.vector_load %arg5[%get3A_645, %get3A_646] {strides = array<i32>} : memref<128x128xi32, #tpu.memory_space<vmem>>, vector<1x16xi32>,
        %get3A_648 = vector.shape_cast %get3A_647 : vector<1x16xi32> to vector<16xi32>
        %and3A_649 = arith.constant 16383 : i32
        %and3A_650 = vector.broadcast %and3A_649 : i32 to vector<16xi32>
        %and3A_651 = arith.andi %get3A_648, %and3A_650 : vector<16xi32>
        %swap3A_652 = arith.constant 2 : i32
        %swap3A_653 = arith.index_cast %swap3A_652 : i32 to index
        %swap3A_654 = arith.constant 32 : index
        %swap3A_655 = tpu.vector_load %arg6[%swap3A_653, %swap3A_654] {strides = array<i32>} : memref<4x64xi32, #tpu.memory_space<vmem>>, vector<1x16xi32>,
        %swap3A_656 = vector.shape_cast %swap3A_655 : vector<1x16xi32> to vector<16xi32>
        %swap3A_657 = vector.shape_cast %and3A_651 : vector<16xi32> to vector<1x16xi32>
        tpu.vector_store %arg6[%swap3A_653, %swap3A_654], %swap3A_657 {strides = array<i32>} : memref<4x64xi32, #tpu.memory_space<vmem>>, vector<1x16xi32>,
        %shift_right_logical3A_658 = arith.constant 14 : i32
        %shift_right_logical3A_659 = vector.broadcast %shift_right_logical3A_658 : i32 to vector<16xi32>
        %shift_right_logical3A_660 = arith.shrui %get3A_648, %shift_right_logical3A_659 : vector<16xi32>
        %swap3A_661 = arith.constant 2 : i32
        %swap3A_662 = arith.index_cast %swap3A_661 : i32 to index
        %swap3A_663 = arith.constant 32 : index
        %swap3A_664 = tpu.vector_load %arg7[%swap3A_662, %swap3A_663] {strides = array<i32>} : memref<4x64xi32, #tpu.memory_space<vmem>>, vector<1x16xi32>,
        %swap3A_665 = vector.shape_cast %swap3A_664 : vector<1x16xi32> to vector<16xi32>
        %swap3A_666 = vector.shape_cast %shift_right_logical3A_660 : vector<16xi32> to vector<1x16xi32>
        tpu.vector_store %arg7[%swap3A_662, %swap3A_663], %swap3A_666 {strides = array<i32>} : memref<4x64xi32, #tpu.memory_space<vmem>>, vector<1x16xi32>,
        %add3A_667 = arith.constant 48 : i32
        %add3A_668 = arith.addi %mul3A_594, %add3A_667 : i32
        %get3A_669 = arith.index_cast %shift_right_logical3A_590 : i32 to index
        %get3A_670 = arith.index_cast %add3A_668 : i32 to index
        %get3A_671 = tpu.vector_load %arg5[%get3A_669, %get3A_670] {strides = array<i32>} : memref<128x128xi32, #tpu.memory_space<vmem>>, vector<1x16xi32>,
        %get3A_672 = vector.shape_cast %get3A_671 : vector<1x16xi32> to vector<16xi32>
        %and3A_673 = arith.constant 16383 : i32
        %and3A_674 = vector.broadcast %and3A_673 : i32 to vector<16xi32>
        %and3A_675 = arith.andi %get3A_672, %and3A_674 : vector<16xi32>
        %swap3A_676 = arith.constant 2 : i32
        %swap3A_677 = arith.index_cast %swap3A_676 : i32 to index
        %swap3A_678 = arith.constant 48 : index
        %swap3A_679 = tpu.vector_load %arg6[%swap3A_677, %swap3A_678] {strides = array<i32>} : memref<4x64xi32, #tpu.memory_space<vmem>>, vector<1x16xi32>,
        %swap3A_680 = vector.shape_cast %swap3A_679 : vector<1x16xi32> to vector<16xi32>
        %swap3A_681 = vector.shape_cast %and3A_675 : vector<16xi32> to vector<1x16xi32>
        tpu.vector_store %arg6[%swap3A_677, %swap3A_678], %swap3A_681 {strides = array<i32>} : memref<4x64xi32, #tpu.memory_space<vmem>>, vector<1x16xi32>,
        %shift_right_logical3A_682 = arith.constant 14 : i32
        %shift_right_logical3A_683 = vector.broadcast %shift_right_logical3A_682 : i32 to vector<16xi32>
        %shift_right_logical3A_684 = arith.shrui %get3A_672, %shift_right_logical3A_683 : vector<16xi32>
        %swap3A_685 = arith.constant 2 : i32
        %swap3A_686 = arith.index_cast %swap3A_685 : i32 to index
        %swap3A_687 = arith.constant 48 : index
        %swap3A_688 = tpu.vector_load %arg7[%swap3A_686, %swap3A_687] {strides = array<i32>} : memref<4x64xi32, #tpu.memory_space<vmem>>, vector<1x16xi32>,
        %swap3A_689 = vector.shape_cast %swap3A_688 : vector<1x16xi32> to vector<16xi32>
        %swap3A_690 = vector.shape_cast %shift_right_logical3A_684 : vector<16xi32> to vector<1x16xi32>
        tpu.vector_store %arg7[%swap3A_686, %swap3A_687], %swap3A_690 {strides = array<i32>} : memref<4x64xi32, #tpu.memory_space<vmem>>, vector<1x16xi32>,
        %dma_start3A_691 = arith.constant 2 : i32
        %dma_start3A_692 = arith.constant 2 : i32
        %dma_start3A_693 = arith.constant 0 : i32
        %dma_start3A_694 = arith.constant 0 : i32
        %dma_start3A_695 = tpu.memref_slice %arg8[%dma_start3A_692, %dma_start3A_693, %dma_start3A_694] : memref<4x64x128xf32, #tpu.memory_space<vmem>> -> memref<1x64x128xf32, #tpu.memory_space<vmem>>
        %dma_start3A_696 = tpu.memref_squeeze %dma_start3A_695 : memref<1x64x128xf32, #tpu.memory_space<vmem>> -> memref<64x128xf32, #tpu.memory_space<vmem>>
        %dma_start3A_697 = arith.constant 0 : i32
        %dma_start3A_698 = tpu.memref_slice %arg6[%dma_start3A_691, %dma_start3A_697] : memref<4x64xi32, #tpu.memory_space<vmem>> -> memref<1x64xi32, #tpu.memory_space<vmem>>
        %dma_start3A_699 = tpu.memref_squeeze %dma_start3A_698 : memref<1x64xi32, #tpu.memory_space<vmem>> -> memref<64xi32, #tpu.memory_space<vmem>>
        %dma_start3A_700 = arith.constant 0 : i32
        %dma_start3A_701 = arith.constant 0 : i32
        %dma_start3A_702 = tpu.memref_slice %arg2[%dma_start3A_700, %dma_start3A_701] : memref<10000x128xf32, #tpu.memory_space<hbm>> -> memref<10000x128xf32, #tpu.memory_space<hbm>>
        tpu.enqueue_indirect_dma source(%dma_start3A_702 : memref<10000x128xf32, #tpu.memory_space<hbm>>) target(%dma_start3A_696 : memref<64x128xf32, #tpu.memory_space<vmem>>) offsets(%dma_start3A_699 : memref<64xi32, #tpu.memory_space<vmem>>) semaphore(%arg12 : memref<!tpu.dma_semaphore, #tpu.memory_space<semaphore_mem>>)
      } else {
      }
      %run_scoped3A_582 = arith.constant 3 : i32
      %run_scoped3A_583 = arith.constant 3 : i32
      "tpu.region"() ({
        %run_scoped3A_585 = tpu.sem_alloc : memref<!tpu.dma_semaphore, #tpu.memory_space<semaphore_mem>>
        %dma_start3A_586 = arith.constant 0 : i32
        %dma_start3A_587 = arith.constant 0 : i32
        %dma_start3A_588 = tpu.memref_slice %arg8[%run_scoped3A_582, %dma_start3A_586, %dma_start3A_587] : memref<4x64x128xf32, #tpu.memory_space<vmem>> -> memref<1x64x128xf32, #tpu.memory_space<vmem>>
        %dma_start3A_589 = tpu.memref_squeeze %dma_start3A_588 : memref<1x64x128xf32, #tpu.memory_space<vmem>> -> memref<64x128xf32, #tpu.memory_space<vmem>>
        %dma_start3A_590 = arith.constant 0 : i32
        %dma_start3A_591 = tpu.memref_slice %arg7[%run_scoped3A_583, %dma_start3A_590] : memref<4x64xi32, #tpu.memory_space<vmem>> -> memref<1x64xi32, #tpu.memory_space<vmem>>
        %dma_start3A_592 = tpu.memref_squeeze %dma_start3A_591 : memref<1x64xi32, #tpu.memory_space<vmem>> -> memref<64xi32, #tpu.memory_space<vmem>>
        %dma_start3A_593 = arith.constant 0 : i32
        %dma_start3A_594 = arith.constant 0 : i32
        %dma_start3A_595 = tpu.memref_slice %arg9[%dma_start3A_593, %dma_start3A_594] : memref<10112x128xf32, #tpu.memory_space<vmem_shared>> -> memref<10112x128xf32, #tpu.memory_space<vmem_shared>>
        tpu.enqueue_indirect_dma source(%dma_start3A_589 : memref<64x128xf32, #tpu.memory_space<vmem>>) target(%dma_start3A_595 : memref<10112x128xf32, #tpu.memory_space<vmem_shared>>) offsets(%dma_start3A_592 : memref<64xi32, #tpu.memory_space<vmem>>) semaphore(%run_scoped3A_585 : memref<!tpu.dma_semaphore, #tpu.memory_space<semaphore_mem>>) {add = true}
        %dma_wait3A_596 = arith.constant 0 : i32
        %dma_wait3A_597 = arith.constant 0 : i32
        %dma_wait3A_598 = tpu.memref_slice %arg8[%run_scoped3A_582, %dma_wait3A_596, %dma_wait3A_597] : memref<4x64x128xf32, #tpu.memory_space<vmem>> -> memref<1x64x128xf32, #tpu.memory_space<vmem>>
        %dma_wait3A_599 = tpu.memref_squeeze %dma_wait3A_598 : memref<1x64x128xf32, #tpu.memory_space<vmem>> -> memref<64x128xf32, #tpu.memory_space<vmem>>
        %dma_wait3A_600 = arith.constant 0 : i32
        %dma_wait3A_601 = tpu.memref_slice %arg7[%run_scoped3A_583, %dma_wait3A_600] : memref<4x64xi32, #tpu.memory_space<vmem>> -> memref<1x64xi32, #tpu.memory_space<vmem>>
        %dma_wait3A_602 = tpu.memref_squeeze %dma_wait3A_601 : memref<1x64xi32, #tpu.memory_space<vmem>> -> memref<64xi32, #tpu.memory_space<vmem>>
        %dma_wait3A_603 = arith.constant 0 : i32
        %dma_wait3A_604 = arith.constant 0 : i32
        %dma_wait3A_605 = tpu.memref_slice %arg9[%dma_wait3A_603, %dma_wait3A_604] : memref<10112x128xf32, #tpu.memory_space<vmem_shared>> -> memref<10112x128xf32, #tpu.memory_space<vmem_shared>>
        tpu.wait_indirect_dma semaphore(%run_scoped3A_585 : memref<!tpu.dma_semaphore, #tpu.memory_space<semaphore_mem>>) src(%dma_wait3A_599 : memref<64x128xf32, #tpu.memory_space<vmem>>) dst(%dma_wait3A_605 : memref<10112x128xf32, #tpu.memory_space<vmem_shared>>)
        tpu.yield
      }) : () -> ()
      %while3A_584 = arith.constant 0 : i32
      scf.yield %while3A_584 : i32
    }
    %barrier3A_439 = arith.constant 0 : index
    tpu.barrier barrier_id(%barrier3A_439)
    %add3A_440 = arith.constant 0 : i32
    %add3A_441 = arith.addi %mul3A_35, %add3A_440 : i32
    %run_scoped3A_442 = arith.constant 0 : i32
    "tpu.region"() ({
      %run_scoped3A_480 = tpu.sem_alloc : memref<!tpu.dma_semaphore, #tpu.memory_space<semaphore_mem>>
      %dma_start3A_481 = arith.constant 0 : i32
      %dma_start3A_482 = arith.constant 0 : i32
      %dma_start3A_483 = tpu.memref_slice %arg8[%run_scoped3A_442, %dma_start3A_481, %dma_start3A_482] : memref<4x64x128xf32, #tpu.memory_space<vmem>> -> memref<1x64x128xf32, #tpu.memory_space<vmem>>
      %dma_start3A_484 = tpu.memref_squeeze %dma_start3A_483 : memref<1x64x128xf32, #tpu.memory_space<vmem>> -> memref<64x128xf32, #tpu.memory_space<vmem>>
      %dma_start3A_485 = arith.constant 0 : i32
      %dma_start3A_486 = arith.constant 0 : i32
      %dma_start3A_487 = tpu.memref_slice %dma_start3A_484[%dma_start3A_485, %dma_start3A_486] : memref<64x128xf32, #tpu.memory_space<vmem>> -> memref<64x128xf32, #tpu.memory_space<vmem>>
      %dma_start3A_488 = arith.constant 0 : i32
      %dma_start3A_489 = tpu.memref_slice %arg9[%add3A_441, %dma_start3A_488] : memref<10112x128xf32, #tpu.memory_space<vmem_shared>> -> memref<64x128xf32, #tpu.memory_space<vmem_shared>>
      %dma_start3A_490 = arith.constant 0 : i32
      %dma_start3A_491 = arith.constant 0 : i32
      %dma_start3A_492 = tpu.memref_slice %arg8[%run_scoped3A_442, %dma_start3A_490, %dma_start3A_491] : memref<4x64x128xf32, #tpu.memory_space<vmem>> -> memref<1x64x128xf32, #tpu.memory_space<vmem>>
      %dma_start3A_493 = tpu.memref_squeeze %dma_start3A_492 : memref<1x64x128xf32, #tpu.memory_space<vmem>> -> memref<64x128xf32, #tpu.memory_space<vmem>>
      %dma_start3A_494 = arith.constant 0 : i32
      %dma_start3A_495 = arith.constant 0 : i32
      %dma_start3A_496 = tpu.memref_slice %dma_start3A_493[%dma_start3A_494, %dma_start3A_495] : memref<64x128xf32, #tpu.memory_space<vmem>> -> memref<64x128xf32, #tpu.memory_space<vmem>>
      %dma_start3A_497 = arith.constant 0 : i32
      %dma_start3A_498 = tpu.memref_slice %arg9[%add3A_441, %dma_start3A_497] : memref<10112x128xf32, #tpu.memory_space<vmem_shared>> -> memref<64x128xf32, #tpu.memory_space<vmem_shared>>
      tpu.enqueue_dma source(%dma_start3A_498 : memref<64x128xf32, #tpu.memory_space<vmem_shared>>) target(%dma_start3A_496 : memref<64x128xf32, #tpu.memory_space<vmem>>) target_semaphore(%run_scoped3A_480 : memref<!tpu.dma_semaphore, #tpu.memory_space<semaphore_mem>>)
      %dma_wait3A = arith.constant 0 : i32
      %dma_wait3A_499 = arith.constant 0 : i32
      %dma_wait3A_500 = tpu.memref_slice %arg8[%run_scoped3A_442, %dma_wait3A, %dma_wait3A_499] : memref<4x64x128xf32, #tpu.memory_space<vmem>> -> memref<1x64x128xf32, #tpu.memory_space<vmem>>
      %dma_wait3A_501 = tpu.memref_squeeze %dma_wait3A_500 : memref<1x64x128xf32, #tpu.memory_space<vmem>> -> memref<64x128xf32, #tpu.memory_space<vmem>>
      %dma_wait3A_502 = arith.constant 0 : i32
      %dma_wait3A_503 = arith.constant 0 : i32
      %dma_wait3A_504 = tpu.memref_slice %dma_wait3A_501[%dma_wait3A_502, %dma_wait3A_503] : memref<64x128xf32, #tpu.memory_space<vmem>> -> memref<64x128xf32, #tpu.memory_space<vmem>>
      %dma_wait3A_505 = arith.constant 0 : i32
      %dma_wait3A_506 = tpu.memref_slice %arg9[%add3A_441, %dma_wait3A_505] : memref<10112x128xf32, #tpu.memory_space<vmem_shared>> -> memref<64x128xf32, #tpu.memory_space<vmem_shared>>
      %dma_wait3A_507 = arith.constant 0 : i32
      %dma_wait3A_508 = arith.constant 0 : i32
      %dma_wait3A_509 = tpu.memref_slice %arg8[%run_scoped3A_442, %dma_wait3A_507, %dma_wait3A_508] : memref<4x64x128xf32, #tpu.memory_space<vmem>> -> memref<1x64x128xf32, #tpu.memory_space<vmem>>
      %dma_wait3A_510 = tpu.memref_squeeze %dma_wait3A_509 : memref<1x64x128xf32, #tpu.memory_space<vmem>> -> memref<64x128xf32, #tpu.memory_space<vmem>>
      %dma_wait3A_511 = arith.constant 0 : i32
      %dma_wait3A_512 = arith.constant 0 : i32
      %dma_wait3A_513 = tpu.memref_slice %dma_wait3A_510[%dma_wait3A_511, %dma_wait3A_512] : memref<64x128xf32, #tpu.memory_space<vmem>> -> memref<64x128xf32, #tpu.memory_space<vmem>>
      %dma_wait3A_514 = arith.constant 0 : i32
      %dma_wait3A_515 = tpu.memref_slice %arg9[%add3A_441, %dma_wait3A_514] : memref<10112x128xf32, #tpu.memory_space<vmem_shared>> -> memref<64x128xf32, #tpu.memory_space<vmem_shared>>
      tpu.wait_dma2 semaphore(%run_scoped3A_480 : memref<!tpu.dma_semaphore, #tpu.memory_space<semaphore_mem>>) src(%dma_wait3A_515 : memref<64x128xf32, #tpu.memory_space<vmem_shared>>) dst(%dma_wait3A_513 : memref<64x128xf32, #tpu.memory_space<vmem>>)
      tpu.yield
    }) : () -> ()
    %run_scoped3A_443 = arith.constant 0 : i32
    "tpu.region"() ({
      %run_scoped3A_480 = tpu.sem_alloc : memref<!tpu.dma_semaphore, #tpu.memory_space<semaphore_mem>>
      %dma_start3A_481 = arith.constant 0 : i32
      %dma_start3A_482 = arith.constant 0 : i32
      %dma_start3A_483 = tpu.memref_slice %arg8[%run_scoped3A_443, %dma_start3A_481, %dma_start3A_482] : memref<4x64x128xf32, #tpu.memory_space<vmem>> -> memref<1x64x128xf32, #tpu.memory_space<vmem>>
      %dma_start3A_484 = tpu.memref_squeeze %dma_start3A_483 : memref<1x64x128xf32, #tpu.memory_space<vmem>> -> memref<64x128xf32, #tpu.memory_space<vmem>>
      %dma_start3A_485 = arith.constant 0 : i32
      %dma_start3A_486 = arith.constant 0 : i32
      %dma_start3A_487 = tpu.memref_slice %dma_start3A_484[%dma_start3A_485, %dma_start3A_486] : memref<64x128xf32, #tpu.memory_space<vmem>> -> memref<64x128xf32, #tpu.memory_space<vmem>>
      %dma_start3A_488 = arith.constant 0 : i32
      %dma_start3A_489 = tpu.memref_slice %arg4[%arg0, %add3A_441, %dma_start3A_488] : memref<2x10112x128xf32, #tpu.memory_space<hbm>> -> memref<1x64x128xf32, #tpu.memory_space<hbm>>
      %dma_start3A_490 = tpu.memref_squeeze %dma_start3A_489 : memref<1x64x128xf32, #tpu.memory_space<hbm>> -> memref<64x128xf32, #tpu.memory_space<hbm>>
      %dma_start3A_491 = arith.constant 0 : i32
      %dma_start3A_492 = tpu.memref_slice %arg4[%arg0, %add3A_441, %dma_start3A_491] : memref<2x10112x128xf32, #tpu.memory_space<hbm>> -> memref<1x64x128xf32, #tpu.memory_space<hbm>>
      %dma_start3A_493 = tpu.memref_squeeze %dma_start3A_492 : memref<1x64x128xf32, #tpu.memory_space<hbm>> -> memref<64x128xf32, #tpu.memory_space<hbm>>
      %dma_start3A_494 = arith.constant 0 : i32
      %dma_start3A_495 = arith.constant 0 : i32
      %dma_start3A_496 = tpu.memref_slice %arg8[%run_scoped3A_443, %dma_start3A_494, %dma_start3A_495] : memref<4x64x128xf32, #tpu.memory_space<vmem>> -> memref<1x64x128xf32, #tpu.memory_space<vmem>>
      %dma_start3A_497 = tpu.memref_squeeze %dma_start3A_496 : memref<1x64x128xf32, #tpu.memory_space<vmem>> -> memref<64x128xf32, #tpu.memory_space<vmem>>
      %dma_start3A_498 = arith.constant 0 : i32
      %dma_start3A_499 = arith.constant 0 : i32
      %dma_start3A_500 = tpu.memref_slice %dma_start3A_497[%dma_start3A_498, %dma_start3A_499] : memref<64x128xf32, #tpu.memory_space<vmem>> -> memref<64x128xf32, #tpu.memory_space<vmem>>
      tpu.enqueue_dma source(%dma_start3A_500 : memref<64x128xf32, #tpu.memory_space<vmem>>) target(%dma_start3A_493 : memref<64x128xf32, #tpu.memory_space<hbm>>) target_semaphore(%run_scoped3A_480 : memref<!tpu.dma_semaphore, #tpu.memory_space<semaphore_mem>>)
      %dma_wait3A = arith.constant 0 : i32
      %dma_wait3A_501 = arith.constant 0 : i32
      %dma_wait3A_502 = tpu.memref_slice %arg8[%run_scoped3A_443, %dma_wait3A, %dma_wait3A_501] : memref<4x64x128xf32, #tpu.memory_space<vmem>> -> memref<1x64x128xf32, #tpu.memory_space<vmem>>
      %dma_wait3A_503 = tpu.memref_squeeze %dma_wait3A_502 : memref<1x64x128xf32, #tpu.memory_space<vmem>> -> memref<64x128xf32, #tpu.memory_space<vmem>>
      %dma_wait3A_504 = arith.constant 0 : i32
      %dma_wait3A_505 = arith.constant 0 : i32
      %dma_wait3A_506 = tpu.memref_slice %dma_wait3A_503[%dma_wait3A_504, %dma_wait3A_505] : memref<64x128xf32, #tpu.memory_space<vmem>> -> memref<64x128xf32, #tpu.memory_space<vmem>>
      %dma_wait3A_507 = arith.constant 0 : i32
      %dma_wait3A_508 = tpu.memref_slice %arg4[%arg0, %add3A_441, %dma_wait3A_507] : memref<2x10112x128xf32, #tpu.memory_space<hbm>> -> memref<1x64x128xf32, #tpu.memory_space<hbm>>
      %dma_wait3A_509 = tpu.memref_squeeze %dma_wait3A_508 : memref<1x64x128xf32, #tpu.memory_space<hbm>> -> memref<64x128xf32, #tpu.memory_space<hbm>>
      %dma_wait3A_510 = arith.constant 0 : i32
      %dma_wait3A_511 = tpu.memref_slice %arg4[%arg0, %add3A_441, %dma_wait3A_510] : memref<2x10112x128xf32, #tpu.memory_space<hbm>> -> memref<1x64x128xf32, #tpu.memory_space<hbm>>
      %dma_wait3A_512 = tpu.memref_squeeze %dma_wait3A_511 : memref<1x64x128xf32, #tpu.memory_space<hbm>> -> memref<64x128xf32, #tpu.memory_space<hbm>>
      %dma_wait3A_513 = arith.constant 0 : i32
      %dma_wait3A_514 = arith.constant 0 : i32
      %dma_wait3A_515 = tpu.memref_slice %arg8[%run_scoped3A_443, %dma_wait3A_513, %dma_wait3A_514] : memref<4x64x128xf32, #tpu.memory_space<vmem>> -> memref<1x64x128xf32, #tpu.memory_space<vmem>>
      %dma_wait3A_516 = tpu.memref_squeeze %dma_wait3A_515 : memref<1x64x128xf32, #tpu.memory_space<vmem>> -> memref<64x128xf32, #tpu.memory_space<vmem>>
      %dma_wait3A_517 = arith.constant 0 : i32
      %dma_wait3A_518 = arith.constant 0 : i32
      %dma_wait3A_519 = tpu.memref_slice %dma_wait3A_516[%dma_wait3A_517, %dma_wait3A_518] : memref<64x128xf32, #tpu.memory_space<vmem>> -> memref<64x128xf32, #tpu.memory_space<vmem>>
      tpu.wait_dma2 semaphore(%run_scoped3A_480 : memref<!tpu.dma_semaphore, #tpu.memory_space<semaphore_mem>>) src(%dma_wait3A_519 : memref<64x128xf32, #tpu.memory_space<vmem>>) dst(%dma_wait3A_512 : memref<64x128xf32, #tpu.memory_space<hbm>>)
      tpu.yield
    }) : () -> ()
    %add3A_444 = arith.constant 64 : i32
    %add3A_445 = arith.addi %mul3A_35, %add3A_444 : i32
    %run_scoped3A_446 = arith.constant 1 : i32
    "tpu.region"() ({
      %run_scoped3A_480 = tpu.sem_alloc : memref<!tpu.dma_semaphore, #tpu.memory_space<semaphore_mem>>
      %dma_start3A_481 = arith.constant 0 : i32
      %dma_start3A_482 = arith.constant 0 : i32
      %dma_start3A_483 = tpu.memref_slice %arg8[%run_scoped3A_446, %dma_start3A_481, %dma_start3A_482] : memref<4x64x128xf32, #tpu.memory_space<vmem>> -> memref<1x64x128xf32, #tpu.memory_space<vmem>>
      %dma_start3A_484 = tpu.memref_squeeze %dma_start3A_483 : memref<1x64x128xf32, #tpu.memory_space<vmem>> -> memref<64x128xf32, #tpu.memory_space<vmem>>
      %dma_start3A_485 = arith.constant 0 : i32
      %dma_start3A_486 = arith.constant 0 : i32
      %dma_start3A_487 = tpu.memref_slice %dma_start3A_484[%dma_start3A_485, %dma_start3A_486] : memref<64x128xf32, #tpu.memory_space<vmem>> -> memref<64x128xf32, #tpu.memory_space<vmem>>
      %dma_start3A_488 = arith.constant 0 : i32
      %dma_start3A_489 = tpu.memref_slice %arg9[%add3A_445, %dma_start3A_488] : memref<10112x128xf32, #tpu.memory_space<vmem_shared>> -> memref<64x128xf32, #tpu.memory_space<vmem_shared>>
      %dma_start3A_490 = arith.constant 0 : i32
      %dma_start3A_491 = arith.constant 0 : i32
      %dma_start3A_492 = tpu.memref_slice %arg8[%run_scoped3A_446, %dma_start3A_490, %dma_start3A_491] : memref<4x64x128xf32, #tpu.memory_space<vmem>> -> memref<1x64x128xf32, #tpu.memory_space<vmem>>
      %dma_start3A_493 = tpu.memref_squeeze %dma_start3A_492 : memref<1x64x128xf32, #tpu.memory_space<vmem>> -> memref<64x128xf32, #tpu.memory_space<vmem>>
      %dma_start3A_494 = arith.constant 0 : i32
      %dma_start3A_495 = arith.constant 0 : i32
      %dma_start3A_496 = tpu.memref_slice %dma_start3A_493[%dma_start3A_494, %dma_start3A_495] : memref<64x128xf32, #tpu.memory_space<vmem>> -> memref<64x128xf32, #tpu.memory_space<vmem>>
      %dma_start3A_497 = arith.constant 0 : i32
      %dma_start3A_498 = tpu.memref_slice %arg9[%add3A_445, %dma_start3A_497] : memref<10112x128xf32, #tpu.memory_space<vmem_shared>> -> memref<64x128xf32, #tpu.memory_space<vmem_shared>>
      tpu.enqueue_dma source(%dma_start3A_498 : memref<64x128xf32, #tpu.memory_space<vmem_shared>>) target(%dma_start3A_496 : memref<64x128xf32, #tpu.memory_space<vmem>>) target_semaphore(%run_scoped3A_480 : memref<!tpu.dma_semaphore, #tpu.memory_space<semaphore_mem>>)
      %dma_wait3A = arith.constant 0 : i32
      %dma_wait3A_499 = arith.constant 0 : i32
      %dma_wait3A_500 = tpu.memref_slice %arg8[%run_scoped3A_446, %dma_wait3A, %dma_wait3A_499] : memref<4x64x128xf32, #tpu.memory_space<vmem>> -> memref<1x64x128xf32, #tpu.memory_space<vmem>>
      %dma_wait3A_501 = tpu.memref_squeeze %dma_wait3A_500 : memref<1x64x128xf32, #tpu.memory_space<vmem>> -> memref<64x128xf32, #tpu.memory_space<vmem>>
      %dma_wait3A_502 = arith.constant 0 : i32
      %dma_wait3A_503 = arith.constant 0 : i32
      %dma_wait3A_504 = tpu.memref_slice %dma_wait3A_501[%dma_wait3A_502, %dma_wait3A_503] : memref<64x128xf32, #tpu.memory_space<vmem>> -> memref<64x128xf32, #tpu.memory_space<vmem>>
      %dma_wait3A_505 = arith.constant 0 : i32
      %dma_wait3A_506 = tpu.memref_slice %arg9[%add3A_445, %dma_wait3A_505] : memref<10112x128xf32, #tpu.memory_space<vmem_shared>> -> memref<64x128xf32, #tpu.memory_space<vmem_shared>>
      %dma_wait3A_507 = arith.constant 0 : i32
      %dma_wait3A_508 = arith.constant 0 : i32
      %dma_wait3A_509 = tpu.memref_slice %arg8[%run_scoped3A_446, %dma_wait3A_507, %dma_wait3A_508] : memref<4x64x128xf32, #tpu.memory_space<vmem>> -> memref<1x64x128xf32, #tpu.memory_space<vmem>>
      %dma_wait3A_510 = tpu.memref_squeeze %dma_wait3A_509 : memref<1x64x128xf32, #tpu.memory_space<vmem>> -> memref<64x128xf32, #tpu.memory_space<vmem>>
      %dma_wait3A_511 = arith.constant 0 : i32
      %dma_wait3A_512 = arith.constant 0 : i32
      %dma_wait3A_513 = tpu.memref_slice %dma_wait3A_510[%dma_wait3A_511, %dma_wait3A_512] : memref<64x128xf32, #tpu.memory_space<vmem>> -> memref<64x128xf32, #tpu.memory_space<vmem>>
      %dma_wait3A_514 = arith.constant 0 : i32
      %dma_wait3A_515 = tpu.memref_slice %arg9[%add3A_445, %dma_wait3A_514] : memref<10112x128xf32, #tpu.memory_space<vmem_shared>> -> memref<64x128xf32, #tpu.memory_space<vmem_shared>>
      tpu.wait_dma2 semaphore(%run_scoped3A_480 : memref<!tpu.dma_semaphore, #tpu.memory_space<semaphore_mem>>) src(%dma_wait3A_515 : memref<64x128xf32, #tpu.memory_space<vmem_shared>>) dst(%dma_wait3A_513 : memref<64x128xf32, #tpu.memory_space<vmem>>)
      tpu.yield
    }) : () -> ()
    %run_scoped3A_447 = arith.constant 1 : i32
    "tpu.region"() ({
      %run_scoped3A_480 = tpu.sem_alloc : memref<!tpu.dma_semaphore, #tpu.memory_space<semaphore_mem>>
      %dma_start3A_481 = arith.constant 0 : i32
      %dma_start3A_482 = arith.constant 0 : i32
      %dma_start3A_483 = tpu.memref_slice %arg8[%run_scoped3A_447, %dma_start3A_481, %dma_start3A_482] : memref<4x64x128xf32, #tpu.memory_space<vmem>> -> memref<1x64x128xf32, #tpu.memory_space<vmem>>
      %dma_start3A_484 = tpu.memref_squeeze %dma_start3A_483 : memref<1x64x128xf32, #tpu.memory_space<vmem>> -> memref<64x128xf32, #tpu.memory_space<vmem>>
      %dma_start3A_485 = arith.constant 0 : i32
      %dma_start3A_486 = arith.constant 0 : i32
      %dma_start3A_487 = tpu.memref_slice %dma_start3A_484[%dma_start3A_485, %dma_start3A_486] : memref<64x128xf32, #tpu.memory_space<vmem>> -> memref<64x128xf32, #tpu.memory_space<vmem>>
      %dma_start3A_488 = arith.constant 0 : i32
      %dma_start3A_489 = tpu.memref_slice %arg4[%arg0, %add3A_445, %dma_start3A_488] : memref<2x10112x128xf32, #tpu.memory_space<hbm>> -> memref<1x64x128xf32, #tpu.memory_space<hbm>>
      %dma_start3A_490 = tpu.memref_squeeze %dma_start3A_489 : memref<1x64x128xf32, #tpu.memory_space<hbm>> -> memref<64x128xf32, #tpu.memory_space<hbm>>
      %dma_start3A_491 = arith.constant 0 : i32
      %dma_start3A_492 = tpu.memref_slice %arg4[%arg0, %add3A_445, %dma_start3A_491] : memref<2x10112x128xf32, #tpu.memory_space<hbm>> -> memref<1x64x128xf32, #tpu.memory_space<hbm>>
      %dma_start3A_493 = tpu.memref_squeeze %dma_start3A_492 : memref<1x64x128xf32, #tpu.memory_space<hbm>> -> memref<64x128xf32, #tpu.memory_space<hbm>>
      %dma_start3A_494 = arith.constant 0 : i32
      %dma_start3A_495 = arith.constant 0 : i32
      %dma_start3A_496 = tpu.memref_slice %arg8[%run_scoped3A_447, %dma_start3A_494, %dma_start3A_495] : memref<4x64x128xf32, #tpu.memory_space<vmem>> -> memref<1x64x128xf32, #tpu.memory_space<vmem>>
      %dma_start3A_497 = tpu.memref_squeeze %dma_start3A_496 : memref<1x64x128xf32, #tpu.memory_space<vmem>> -> memref<64x128xf32, #tpu.memory_space<vmem>>
      %dma_start3A_498 = arith.constant 0 : i32
      %dma_start3A_499 = arith.constant 0 : i32
      %dma_start3A_500 = tpu.memref_slice %dma_start3A_497[%dma_start3A_498, %dma_start3A_499] : memref<64x128xf32, #tpu.memory_space<vmem>> -> memref<64x128xf32, #tpu.memory_space<vmem>>
      tpu.enqueue_dma source(%dma_start3A_500 : memref<64x128xf32, #tpu.memory_space<vmem>>) target(%dma_start3A_493 : memref<64x128xf32, #tpu.memory_space<hbm>>) target_semaphore(%run_scoped3A_480 : memref<!tpu.dma_semaphore, #tpu.memory_space<semaphore_mem>>)
      %dma_wait3A = arith.constant 0 : i32
      %dma_wait3A_501 = arith.constant 0 : i32
      %dma_wait3A_502 = tpu.memref_slice %arg8[%run_scoped3A_447, %dma_wait3A, %dma_wait3A_501] : memref<4x64x128xf32, #tpu.memory_space<vmem>> -> memref<1x64x128xf32, #tpu.memory_space<vmem>>
      %dma_wait3A_503 = tpu.memref_squeeze %dma_wait3A_502 : memref<1x64x128xf32, #tpu.memory_space<vmem>> -> memref<64x128xf32, #tpu.memory_space<vmem>>
      %dma_wait3A_504 = arith.constant 0 : i32
      %dma_wait3A_505 = arith.constant 0 : i32
      %dma_wait3A_506 = tpu.memref_slice %dma_wait3A_503[%dma_wait3A_504, %dma_wait3A_505] : memref<64x128xf32, #tpu.memory_space<vmem>> -> memref<64x128xf32, #tpu.memory_space<vmem>>
      %dma_wait3A_507 = arith.constant 0 : i32
      %dma_wait3A_508 = tpu.memref_slice %arg4[%arg0, %add3A_445, %dma_wait3A_507] : memref<2x10112x128xf32, #tpu.memory_space<hbm>> -> memref<1x64x128xf32, #tpu.memory_space<hbm>>
      %dma_wait3A_509 = tpu.memref_squeeze %dma_wait3A_508 : memref<1x64x128xf32, #tpu.memory_space<hbm>> -> memref<64x128xf32, #tpu.memory_space<hbm>>
      %dma_wait3A_510 = arith.constant 0 : i32
      %dma_wait3A_511 = tpu.memref_slice %arg4[%arg0, %add3A_445, %dma_wait3A_510] : memref<2x10112x128xf32, #tpu.memory_space<hbm>> -> memref<1x64x128xf32, #tpu.memory_space<hbm>>
      %dma_wait3A_512 = tpu.memref_squeeze %dma_wait3A_511 : memref<1x64x128xf32, #tpu.memory_space<hbm>> -> memref<64x128xf32, #tpu.memory_space<hbm>>
      %dma_wait3A_513 = arith.constant 0 : i32
      %dma_wait3A_514 = arith.constant 0 : i32
      %dma_wait3A_515 = tpu.memref_slice %arg8[%run_scoped3A_447, %dma_wait3A_513, %dma_wait3A_514] : memref<4x64x128xf32, #tpu.memory_space<vmem>> -> memref<1x64x128xf32, #tpu.memory_space<vmem>>
      %dma_wait3A_516 = tpu.memref_squeeze %dma_wait3A_515 : memref<1x64x128xf32, #tpu.memory_space<vmem>> -> memref<64x128xf32, #tpu.memory_space<vmem>>
      %dma_wait3A_517 = arith.constant 0 : i32
      %dma_wait3A_518 = arith.constant 0 : i32
      %dma_wait3A_519 = tpu.memref_slice %dma_wait3A_516[%dma_wait3A_517, %dma_wait3A_518] : memref<64x128xf32, #tpu.memory_space<vmem>> -> memref<64x128xf32, #tpu.memory_space<vmem>>
      tpu.wait_dma2 semaphore(%run_scoped3A_480 : memref<!tpu.dma_semaphore, #tpu.memory_space<semaphore_mem>>) src(%dma_wait3A_519 : memref<64x128xf32, #tpu.memory_space<vmem>>) dst(%dma_wait3A_512 : memref<64x128xf32, #tpu.memory_space<hbm>>)
      tpu.yield
    }) : () -> ()
    %add3A_448 = arith.constant 128 : i32
    %add3A_449 = arith.addi %mul3A_35, %add3A_448 : i32
    %run_scoped3A_450 = arith.constant 2 : i32
    "tpu.region"() ({
      %run_scoped3A_480 = tpu.sem_alloc : memref<!tpu.dma_semaphore, #tpu.memory_space<semaphore_mem>>
      %dma_start3A_481 = arith.constant 0 : i32
      %dma_start3A_482 = arith.constant 0 : i32
      %dma_start3A_483 = tpu.memref_slice %arg8[%run_scoped3A_450, %dma_start3A_481, %dma_start3A_482] : memref<4x64x128xf32, #tpu.memory_space<vmem>> -> memref<1x64x128xf32, #tpu.memory_space<vmem>>
      %dma_start3A_484 = tpu.memref_squeeze %dma_start3A_483 : memref<1x64x128xf32, #tpu.memory_space<vmem>> -> memref<64x128xf32, #tpu.memory_space<vmem>>
      %dma_start3A_485 = arith.constant 0 : i32
      %dma_start3A_486 = arith.constant 0 : i32
      %dma_start3A_487 = tpu.memref_slice %dma_start3A_484[%dma_start3A_485, %dma_start3A_486] : memref<64x128xf32, #tpu.memory_space<vmem>> -> memref<64x128xf32, #tpu.memory_space<vmem>>
      %dma_start3A_488 = arith.constant 0 : i32
      %dma_start3A_489 = tpu.memref_slice %arg9[%add3A_449, %dma_start3A_488] : memref<10112x128xf32, #tpu.memory_space<vmem_shared>> -> memref<64x128xf32, #tpu.memory_space<vmem_shared>>
      %dma_start3A_490 = arith.constant 0 : i32
      %dma_start3A_491 = arith.constant 0 : i32
      %dma_start3A_492 = tpu.memref_slice %arg8[%run_scoped3A_450, %dma_start3A_490, %dma_start3A_491] : memref<4x64x128xf32, #tpu.memory_space<vmem>> -> memref<1x64x128xf32, #tpu.memory_space<vmem>>
      %dma_start3A_493 = tpu.memref_squeeze %dma_start3A_492 : memref<1x64x128xf32, #tpu.memory_space<vmem>> -> memref<64x128xf32, #tpu.memory_space<vmem>>
      %dma_start3A_494 = arith.constant 0 : i32
      %dma_start3A_495 = arith.constant 0 : i32
      %dma_start3A_496 = tpu.memref_slice %dma_start3A_493[%dma_start3A_494, %dma_start3A_495] : memref<64x128xf32, #tpu.memory_space<vmem>> -> memref<64x128xf32, #tpu.memory_space<vmem>>
      %dma_start3A_497 = arith.constant 0 : i32
      %dma_start3A_498 = tpu.memref_slice %arg9[%add3A_449, %dma_start3A_497] : memref<10112x128xf32, #tpu.memory_space<vmem_shared>> -> memref<64x128xf32, #tpu.memory_space<vmem_shared>>
      tpu.enqueue_dma source(%dma_start3A_498 : memref<64x128xf32, #tpu.memory_space<vmem_shared>>) target(%dma_start3A_496 : memref<64x128xf32, #tpu.memory_space<vmem>>) target_semaphore(%run_scoped3A_480 : memref<!tpu.dma_semaphore, #tpu.memory_space<semaphore_mem>>)
      %dma_wait3A = arith.constant 0 : i32
      %dma_wait3A_499 = arith.constant 0 : i32
      %dma_wait3A_500 = tpu.memref_slice %arg8[%run_scoped3A_450, %dma_wait3A, %dma_wait3A_499] : memref<4x64x128xf32, #tpu.memory_space<vmem>> -> memref<1x64x128xf32, #tpu.memory_space<vmem>>
      %dma_wait3A_501 = tpu.memref_squeeze %dma_wait3A_500 : memref<1x64x128xf32, #tpu.memory_space<vmem>> -> memref<64x128xf32, #tpu.memory_space<vmem>>
      %dma_wait3A_502 = arith.constant 0 : i32
      %dma_wait3A_503 = arith.constant 0 : i32
      %dma_wait3A_504 = tpu.memref_slice %dma_wait3A_501[%dma_wait3A_502, %dma_wait3A_503] : memref<64x128xf32, #tpu.memory_space<vmem>> -> memref<64x128xf32, #tpu.memory_space<vmem>>
      %dma_wait3A_505 = arith.constant 0 : i32
      %dma_wait3A_506 = tpu.memref_slice %arg9[%add3A_449, %dma_wait3A_505] : memref<10112x128xf32, #tpu.memory_space<vmem_shared>> -> memref<64x128xf32, #tpu.memory_space<vmem_shared>>
      %dma_wait3A_507 = arith.constant 0 : i32
      %dma_wait3A_508 = arith.constant 0 : i32
      %dma_wait3A_509 = tpu.memref_slice %arg8[%run_scoped3A_450, %dma_wait3A_507, %dma_wait3A_508] : memref<4x64x128xf32, #tpu.memory_space<vmem>> -> memref<1x64x128xf32, #tpu.memory_space<vmem>>
      %dma_wait3A_510 = tpu.memref_squeeze %dma_wait3A_509 : memref<1x64x128xf32, #tpu.memory_space<vmem>> -> memref<64x128xf32, #tpu.memory_space<vmem>>
      %dma_wait3A_511 = arith.constant 0 : i32
      %dma_wait3A_512 = arith.constant 0 : i32
      %dma_wait3A_513 = tpu.memref_slice %dma_wait3A_510[%dma_wait3A_511, %dma_wait3A_512] : memref<64x128xf32, #tpu.memory_space<vmem>> -> memref<64x128xf32, #tpu.memory_space<vmem>>
      %dma_wait3A_514 = arith.constant 0 : i32
      %dma_wait3A_515 = tpu.memref_slice %arg9[%add3A_449, %dma_wait3A_514] : memref<10112x128xf32, #tpu.memory_space<vmem_shared>> -> memref<64x128xf32, #tpu.memory_space<vmem_shared>>
      tpu.wait_dma2 semaphore(%run_scoped3A_480 : memref<!tpu.dma_semaphore, #tpu.memory_space<semaphore_mem>>) src(%dma_wait3A_515 : memref<64x128xf32, #tpu.memory_space<vmem_shared>>) dst(%dma_wait3A_513 : memref<64x128xf32, #tpu.memory_space<vmem>>)
      tpu.yield
    }) : () -> ()
    %run_scoped3A_451 = arith.constant 2 : i32
    "tpu.region"() ({
      %run_scoped3A_480 = tpu.sem_alloc : memref<!tpu.dma_semaphore, #tpu.memory_space<semaphore_mem>>
      %dma_start3A_481 = arith.constant 0 : i32
      %dma_start3A_482 = arith.constant 0 : i32
      %dma_start3A_483 = tpu.memref_slice %arg8[%run_scoped3A_451, %dma_start3A_481, %dma_start3A_482] : memref<4x64x128xf32, #tpu.memory_space<vmem>> -> memref<1x64x128xf32, #tpu.memory_space<vmem>>
      %dma_start3A_484 = tpu.memref_squeeze %dma_start3A_483 : memref<1x64x128xf32, #tpu.memory_space<vmem>> -> memref<64x128xf32, #tpu.memory_space<vmem>>
      %dma_start3A_485 = arith.constant 0 : i32
      %dma_start3A_486 = arith.constant 0 : i32
      %dma_start3A_487 = tpu.memref_slice %dma_start3A_484[%dma_start3A_485, %dma_start3A_486] : memref<64x128xf32, #tpu.memory_space<vmem>> -> memref<64x128xf32, #tpu.memory_space<vmem>>
      %dma_start3A_488 = arith.constant 0 : i32
      %dma_start3A_489 = tpu.memref_slice %arg4[%arg0, %add3A_449, %dma_start3A_488] : memref<2x10112x128xf32, #tpu.memory_space<hbm>> -> memref<1x64x128xf32, #tpu.memory_space<hbm>>
      %dma_start3A_490 = tpu.memref_squeeze %dma_start3A_489 : memref<1x64x128xf32, #tpu.memory_space<hbm>> -> memref<64x128xf32, #tpu.memory_space<hbm>>
      %dma_start3A_491 = arith.constant 0 : i32
      %dma_start3A_492 = tpu.memref_slice %arg4[%arg0, %add3A_449, %dma_start3A_491] : memref<2x10112x128xf32, #tpu.memory_space<hbm>> -> memref<1x64x128xf32, #tpu.memory_space<hbm>>
      %dma_start3A_493 = tpu.memref_squeeze %dma_start3A_492 : memref<1x64x128xf32, #tpu.memory_space<hbm>> -> memref<64x128xf32, #tpu.memory_space<hbm>>
      %dma_start3A_494 = arith.constant 0 : i32
      %dma_start3A_495 = arith.constant 0 : i32
      %dma_start3A_496 = tpu.memref_slice %arg8[%run_scoped3A_451, %dma_start3A_494, %dma_start3A_495] : memref<4x64x128xf32, #tpu.memory_space<vmem>> -> memref<1x64x128xf32, #tpu.memory_space<vmem>>
      %dma_start3A_497 = tpu.memref_squeeze %dma_start3A_496 : memref<1x64x128xf32, #tpu.memory_space<vmem>> -> memref<64x128xf32, #tpu.memory_space<vmem>>
      %dma_start3A_498 = arith.constant 0 : i32
      %dma_start3A_499 = arith.constant 0 : i32
      %dma_start3A_500 = tpu.memref_slice %dma_start3A_497[%dma_start3A_498, %dma_start3A_499] : memref<64x128xf32, #tpu.memory_space<vmem>> -> memref<64x128xf32, #tpu.memory_space<vmem>>
      tpu.enqueue_dma source(%dma_start3A_500 : memref<64x128xf32, #tpu.memory_space<vmem>>) target(%dma_start3A_493 : memref<64x128xf32, #tpu.memory_space<hbm>>) target_semaphore(%run_scoped3A_480 : memref<!tpu.dma_semaphore, #tpu.memory_space<semaphore_mem>>)
      %dma_wait3A = arith.constant 0 : i32
      %dma_wait3A_501 = arith.constant 0 : i32
      %dma_wait3A_502 = tpu.memref_slice %arg8[%run_scoped3A_451, %dma_wait3A, %dma_wait3A_501] : memref<4x64x128xf32, #tpu.memory_space<vmem>> -> memref<1x64x128xf32, #tpu.memory_space<vmem>>
      %dma_wait3A_503 = tpu.memref_squeeze %dma_wait3A_502 : memref<1x64x128xf32, #tpu.memory_space<vmem>> -> memref<64x128xf32, #tpu.memory_space<vmem>>
      %dma_wait3A_504 = arith.constant 0 : i32
      %dma_wait3A_505 = arith.constant 0 : i32
      %dma_wait3A_506 = tpu.memref_slice %dma_wait3A_503[%dma_wait3A_504, %dma_wait3A_505] : memref<64x128xf32, #tpu.memory_space<vmem>> -> memref<64x128xf32, #tpu.memory_space<vmem>>
      %dma_wait3A_507 = arith.constant 0 : i32
      %dma_wait3A_508 = tpu.memref_slice %arg4[%arg0, %add3A_449, %dma_wait3A_507] : memref<2x10112x128xf32, #tpu.memory_space<hbm>> -> memref<1x64x128xf32, #tpu.memory_space<hbm>>
      %dma_wait3A_509 = tpu.memref_squeeze %dma_wait3A_508 : memref<1x64x128xf32, #tpu.memory_space<hbm>> -> memref<64x128xf32, #tpu.memory_space<hbm>>
      %dma_wait3A_510 = arith.constant 0 : i32
      %dma_wait3A_511 = tpu.memref_slice %arg4[%arg0, %add3A_449, %dma_wait3A_510] : memref<2x10112x128xf32, #tpu.memory_space<hbm>> -> memref<1x64x128xf32, #tpu.memory_space<hbm>>
      %dma_wait3A_512 = tpu.memref_squeeze %dma_wait3A_511 : memref<1x64x128xf32, #tpu.memory_space<hbm>> -> memref<64x128xf32, #tpu.memory_space<hbm>>
      %dma_wait3A_513 = arith.constant 0 : i32
      %dma_wait3A_514 = arith.constant 0 : i32
      %dma_wait3A_515 = tpu.memref_slice %arg8[%run_scoped3A_451, %dma_wait3A_513, %dma_wait3A_514] : memref<4x64x128xf32, #tpu.memory_space<vmem>> -> memref<1x64x128xf32, #tpu.memory_space<vmem>>
      %dma_wait3A_516 = tpu.memref_squeeze %dma_wait3A_515 : memref<1x64x128xf32, #tpu.memory_space<vmem>> -> memref<64x128xf32, #tpu.memory_space<vmem>>
      %dma_wait3A_517 = arith.constant 0 : i32
      %dma_wait3A_518 = arith.constant 0 : i32
      %dma_wait3A_519 = tpu.memref_slice %dma_wait3A_516[%dma_wait3A_517, %dma_wait3A_518] : memref<64x128xf32, #tpu.memory_space<vmem>> -> memref<64x128xf32, #tpu.memory_space<vmem>>
      tpu.wait_dma2 semaphore(%run_scoped3A_480 : memref<!tpu.dma_semaphore, #tpu.memory_space<semaphore_mem>>) src(%dma_wait3A_519 : memref<64x128xf32, #tpu.memory_space<vmem>>) dst(%dma_wait3A_512 : memref<64x128xf32, #tpu.memory_space<hbm>>)
      tpu.yield
    }) : () -> ()
    %add3A_452 = arith.constant 192 : i32
    %add3A_453 = arith.addi %mul3A_35, %add3A_452 : i32
    %run_scoped3A_454 = arith.constant 3 : i32
    "tpu.region"() ({
      %run_scoped3A_480 = tpu.sem_alloc : memref<!tpu.dma_semaphore, #tpu.memory_space<semaphore_mem>>
      %dma_start3A_481 = arith.constant 0 : i32
      %dma_start3A_482 = arith.constant 0 : i32
      %dma_start3A_483 = tpu.memref_slice %arg8[%run_scoped3A_454, %dma_start3A_481, %dma_start3A_482] : memref<4x64x128xf32, #tpu.memory_space<vmem>> -> memref<1x64x128xf32, #tpu.memory_space<vmem>>
      %dma_start3A_484 = tpu.memref_squeeze %dma_start3A_483 : memref<1x64x128xf32, #tpu.memory_space<vmem>> -> memref<64x128xf32, #tpu.memory_space<vmem>>
      %dma_start3A_485 = arith.constant 0 : i32
      %dma_start3A_486 = arith.constant 0 : i32
      %dma_start3A_487 = tpu.memref_slice %dma_start3A_484[%dma_start3A_485, %dma_start3A_486] : memref<64x128xf32, #tpu.memory_space<vmem>> -> memref<64x128xf32, #tpu.memory_space<vmem>>
      %dma_start3A_488 = arith.constant 0 : i32
      %dma_start3A_489 = tpu.memref_slice %arg9[%add3A_453, %dma_start3A_488] : memref<10112x128xf32, #tpu.memory_space<vmem_shared>> -> memref<64x128xf32, #tpu.memory_space<vmem_shared>>
      %dma_start3A_490 = arith.constant 0 : i32
      %dma_start3A_491 = arith.constant 0 : i32
      %dma_start3A_492 = tpu.memref_slice %arg8[%run_scoped3A_454, %dma_start3A_490, %dma_start3A_491] : memref<4x64x128xf32, #tpu.memory_space<vmem>> -> memref<1x64x128xf32, #tpu.memory_space<vmem>>
      %dma_start3A_493 = tpu.memref_squeeze %dma_start3A_492 : memref<1x64x128xf32, #tpu.memory_space<vmem>> -> memref<64x128xf32, #tpu.memory_space<vmem>>
      %dma_start3A_494 = arith.constant 0 : i32
      %dma_start3A_495 = arith.constant 0 : i32
      %dma_start3A_496 = tpu.memref_slice %dma_start3A_493[%dma_start3A_494, %dma_start3A_495] : memref<64x128xf32, #tpu.memory_space<vmem>> -> memref<64x128xf32, #tpu.memory_space<vmem>>
      %dma_start3A_497 = arith.constant 0 : i32
      %dma_start3A_498 = tpu.memref_slice %arg9[%add3A_453, %dma_start3A_497] : memref<10112x128xf32, #tpu.memory_space<vmem_shared>> -> memref<64x128xf32, #tpu.memory_space<vmem_shared>>
      tpu.enqueue_dma source(%dma_start3A_498 : memref<64x128xf32, #tpu.memory_space<vmem_shared>>) target(%dma_start3A_496 : memref<64x128xf32, #tpu.memory_space<vmem>>) target_semaphore(%run_scoped3A_480 : memref<!tpu.dma_semaphore, #tpu.memory_space<semaphore_mem>>)
      %dma_wait3A = arith.constant 0 : i32
      %dma_wait3A_499 = arith.constant 0 : i32
      %dma_wait3A_500 = tpu.memref_slice %arg8[%run_scoped3A_454, %dma_wait3A, %dma_wait3A_499] : memref<4x64x128xf32, #tpu.memory_space<vmem>> -> memref<1x64x128xf32, #tpu.memory_space<vmem>>
      %dma_wait3A_501 = tpu.memref_squeeze %dma_wait3A_500 : memref<1x64x128xf32, #tpu.memory_space<vmem>> -> memref<64x128xf32, #tpu.memory_space<vmem>>
      %dma_wait3A_502 = arith.constant 0 : i32
      %dma_wait3A_503 = arith.constant 0 : i32
      %dma_wait3A_504 = tpu.memref_slice %dma_wait3A_501[%dma_wait3A_502, %dma_wait3A_503] : memref<64x128xf32, #tpu.memory_space<vmem>> -> memref<64x128xf32, #tpu.memory_space<vmem>>
      %dma_wait3A_505 = arith.constant 0 : i32
      %dma_wait3A_506 = tpu.memref_slice %arg9[%add3A_453, %dma_wait3A_505] : memref<10112x128xf32, #tpu.memory_space<vmem_shared>> -> memref<64x128xf32, #tpu.memory_space<vmem_shared>>
      %dma_wait3A_507 = arith.constant 0 : i32
      %dma_wait3A_508 = arith.constant 0 : i32
      %dma_wait3A_509 = tpu.memref_slice %arg8[%run_scoped3A_454, %dma_wait3A_507, %dma_wait3A_508] : memref<4x64x128xf32, #tpu.memory_space<vmem>> -> memref<1x64x128xf32, #tpu.memory_space<vmem>>
      %dma_wait3A_510 = tpu.memref_squeeze %dma_wait3A_509 : memref<1x64x128xf32, #tpu.memory_space<vmem>> -> memref<64x128xf32, #tpu.memory_space<vmem>>
      %dma_wait3A_511 = arith.constant 0 : i32
      %dma_wait3A_512 = arith.constant 0 : i32
      %dma_wait3A_513 = tpu.memref_slice %dma_wait3A_510[%dma_wait3A_511, %dma_wait3A_512] : memref<64x128xf32, #tpu.memory_space<vmem>> -> memref<64x128xf32, #tpu.memory_space<vmem>>
      %dma_wait3A_514 = arith.constant 0 : i32
      %dma_wait3A_515 = tpu.memref_slice %arg9[%add3A_453, %dma_wait3A_514] : memref<10112x128xf32, #tpu.memory_space<vmem_shared>> -> memref<64x128xf32, #tpu.memory_space<vmem_shared>>
      tpu.wait_dma2 semaphore(%run_scoped3A_480 : memref<!tpu.dma_semaphore, #tpu.memory_space<semaphore_mem>>) src(%dma_wait3A_515 : memref<64x128xf32, #tpu.memory_space<vmem_shared>>) dst(%dma_wait3A_513 : memref<64x128xf32, #tpu.memory_space<vmem>>)
      tpu.yield
    }) : () -> ()
    %run_scoped3A_455 = arith.constant 3 : i32
    "tpu.region"() ({
      %run_scoped3A_480 = tpu.sem_alloc : memref<!tpu.dma_semaphore, #tpu.memory_space<semaphore_mem>>
      %dma_start3A_481 = arith.constant 0 : i32
      %dma_start3A_482 = arith.constant 0 : i32
      %dma_start3A_483 = tpu.memref_slice %arg8[%run_scoped3A_455, %dma_start3A_481, %dma_start3A_482] : memref<4x64x128xf32, #tpu.memory_space<vmem>> -> memref<1x64x128xf32, #tpu.memory_space<vmem>>
      %dma_start3A_484 = tpu.memref_squeeze %dma_start3A_483 : memref<1x64x128xf32, #tpu.memory_space<vmem>> -> memref<64x128xf32, #tpu.memory_space<vmem>>
      %dma_start3A_485 = arith.constant 0 : i32
      %dma_start3A_486 = arith.constant 0 : i32
      %dma_start3A_487 = tpu.memref_slice %dma_start3A_484[%dma_start3A_485, %dma_start3A_486] : memref<64x128xf32, #tpu.memory_space<vmem>> -> memref<64x128xf32, #tpu.memory_space<vmem>>
      %dma_start3A_488 = arith.constant 0 : i32
      %dma_start3A_489 = tpu.memref_slice %arg4[%arg0, %add3A_453, %dma_start3A_488] : memref<2x10112x128xf32, #tpu.memory_space<hbm>> -> memref<1x64x128xf32, #tpu.memory_space<hbm>>
      %dma_start3A_490 = tpu.memref_squeeze %dma_start3A_489 : memref<1x64x128xf32, #tpu.memory_space<hbm>> -> memref<64x128xf32, #tpu.memory_space<hbm>>
      %dma_start3A_491 = arith.constant 0 : i32
      %dma_start3A_492 = tpu.memref_slice %arg4[%arg0, %add3A_453, %dma_start3A_491] : memref<2x10112x128xf32, #tpu.memory_space<hbm>> -> memref<1x64x128xf32, #tpu.memory_space<hbm>>
      %dma_start3A_493 = tpu.memref_squeeze %dma_start3A_492 : memref<1x64x128xf32, #tpu.memory_space<hbm>> -> memref<64x128xf32, #tpu.memory_space<hbm>>
      %dma_start3A_494 = arith.constant 0 : i32
      %dma_start3A_495 = arith.constant 0 : i32
      %dma_start3A_496 = tpu.memref_slice %arg8[%run_scoped3A_455, %dma_start3A_494, %dma_start3A_495] : memref<4x64x128xf32, #tpu.memory_space<vmem>> -> memref<1x64x128xf32, #tpu.memory_space<vmem>>
      %dma_start3A_497 = tpu.memref_squeeze %dma_start3A_496 : memref<1x64x128xf32, #tpu.memory_space<vmem>> -> memref<64x128xf32, #tpu.memory_space<vmem>>
      %dma_start3A_498 = arith.constant 0 : i32
      %dma_start3A_499 = arith.constant 0 : i32
      %dma_start3A_500 = tpu.memref_slice %dma_start3A_497[%dma_start3A_498, %dma_start3A_499] : memref<64x128xf32, #tpu.memory_space<vmem>> -> memref<64x128xf32, #tpu.memory_space<vmem>>
      tpu.enqueue_dma source(%dma_start3A_500 : memref<64x128xf32, #tpu.memory_space<vmem>>) target(%dma_start3A_493 : memref<64x128xf32, #tpu.memory_space<hbm>>) target_semaphore(%run_scoped3A_480 : memref<!tpu.dma_semaphore, #tpu.memory_space<semaphore_mem>>)
      %dma_wait3A = arith.constant 0 : i32
      %dma_wait3A_501 = arith.constant 0 : i32
      %dma_wait3A_502 = tpu.memref_slice %arg8[%run_scoped3A_455, %dma_wait3A, %dma_wait3A_501] : memref<4x64x128xf32, #tpu.memory_space<vmem>> -> memref<1x64x128xf32, #tpu.memory_space<vmem>>
      %dma_wait3A_503 = tpu.memref_squeeze %dma_wait3A_502 : memref<1x64x128xf32, #tpu.memory_space<vmem>> -> memref<64x128xf32, #tpu.memory_space<vmem>>
      %dma_wait3A_504 = arith.constant 0 : i32
      %dma_wait3A_505 = arith.constant 0 : i32
      %dma_wait3A_506 = tpu.memref_slice %dma_wait3A_503[%dma_wait3A_504, %dma_wait3A_505] : memref<64x128xf32, #tpu.memory_space<vmem>> -> memref<64x128xf32, #tpu.memory_space<vmem>>
      %dma_wait3A_507 = arith.constant 0 : i32
      %dma_wait3A_508 = tpu.memref_slice %arg4[%arg0, %add3A_453, %dma_wait3A_507] : memref<2x10112x128xf32, #tpu.memory_space<hbm>> -> memref<1x64x128xf32, #tpu.memory_space<hbm>>
      %dma_wait3A_509 = tpu.memref_squeeze %dma_wait3A_508 : memref<1x64x128xf32, #tpu.memory_space<hbm>> -> memref<64x128xf32, #tpu.memory_space<hbm>>
      %dma_wait3A_510 = arith.constant 0 : i32
      %dma_wait3A_511 = tpu.memref_slice %arg4[%arg0, %add3A_453, %dma_wait3A_510] : memref<2x10112x128xf32, #tpu.memory_space<hbm>> -> memref<1x64x128xf32, #tpu.memory_space<hbm>>
      %dma_wait3A_512 = tpu.memref_squeeze %dma_wait3A_511 : memref<1x64x128xf32, #tpu.memory_space<hbm>> -> memref<64x128xf32, #tpu.memory_space<hbm>>
      %dma_wait3A_513 = arith.constant 0 : i32
      %dma_wait3A_514 = arith.constant 0 : i32
      %dma_wait3A_515 = tpu.memref_slice %arg8[%run_scoped3A_455, %dma_wait3A_513, %dma_wait3A_514] : memref<4x64x128xf32, #tpu.memory_space<vmem>> -> memref<1x64x128xf32, #tpu.memory_space<vmem>>
      %dma_wait3A_516 = tpu.memref_squeeze %dma_wait3A_515 : memref<1x64x128xf32, #tpu.memory_space<vmem>> -> memref<64x128xf32, #tpu.memory_space<vmem>>
      %dma_wait3A_517 = arith.constant 0 : i32
      %dma_wait3A_518 = arith.constant 0 : i32
      %dma_wait3A_519 = tpu.memref_slice %dma_wait3A_516[%dma_wait3A_517, %dma_wait3A_518] : memref<64x128xf32, #tpu.memory_space<vmem>> -> memref<64x128xf32, #tpu.memory_space<vmem>>
      tpu.wait_dma2 semaphore(%run_scoped3A_480 : memref<!tpu.dma_semaphore, #tpu.memory_space<semaphore_mem>>) src(%dma_wait3A_519 : memref<64x128xf32, #tpu.memory_space<vmem>>) dst(%dma_wait3A_512 : memref<64x128xf32, #tpu.memory_space<hbm>>)
      tpu.yield
    }) : () -> ()
    %add3A_456 = arith.constant 256 : i32
    %add3A_457 = arith.addi %mul3A_35, %add3A_456 : i32
    %run_scoped3A_458 = arith.constant 0 : i32
    "tpu.region"() ({
      %run_scoped3A_480 = tpu.sem_alloc : memref<!tpu.dma_semaphore, #tpu.memory_space<semaphore_mem>>
      %dma_start3A_481 = arith.constant 0 : i32
      %dma_start3A_482 = arith.constant 0 : i32
      %dma_start3A_483 = tpu.memref_slice %arg8[%run_scoped3A_458, %dma_start3A_481, %dma_start3A_482] : memref<4x64x128xf32, #tpu.memory_space<vmem>> -> memref<1x64x128xf32, #tpu.memory_space<vmem>>
      %dma_start3A_484 = tpu.memref_squeeze %dma_start3A_483 : memref<1x64x128xf32, #tpu.memory_space<vmem>> -> memref<64x128xf32, #tpu.memory_space<vmem>>
      %dma_start3A_485 = arith.constant 0 : i32
      %dma_start3A_486 = arith.constant 0 : i32
      %dma_start3A_487 = tpu.memref_slice %dma_start3A_484[%dma_start3A_485, %dma_start3A_486] : memref<64x128xf32, #tpu.memory_space<vmem>> -> memref<64x128xf32, #tpu.memory_space<vmem>>
      %dma_start3A_488 = arith.constant 0 : i32
      %dma_start3A_489 = tpu.memref_slice %arg9[%add3A_457, %dma_start3A_488] : memref<10112x128xf32, #tpu.memory_space<vmem_shared>> -> memref<64x128xf32, #tpu.memory_space<vmem_shared>>
      %dma_start3A_490 = arith.constant 0 : i32
      %dma_start3A_491 = arith.constant 0 : i32
      %dma_start3A_492 = tpu.memref_slice %arg8[%run_scoped3A_458, %dma_start3A_490, %dma_start3A_491] : memref<4x64x128xf32, #tpu.memory_space<vmem>> -> memref<1x64x128xf32, #tpu.memory_space<vmem>>
      %dma_start3A_493 = tpu.memref_squeeze %dma_start3A_492 : memref<1x64x128xf32, #tpu.memory_space<vmem>> -> memref<64x128xf32, #tpu.memory_space<vmem>>
      %dma_start3A_494 = arith.constant 0 : i32
      %dma_start3A_495 = arith.constant 0 : i32
      %dma_start3A_496 = tpu.memref_slice %dma_start3A_493[%dma_start3A_494, %dma_start3A_495] : memref<64x128xf32, #tpu.memory_space<vmem>> -> memref<64x128xf32, #tpu.memory_space<vmem>>
      %dma_start3A_497 = arith.constant 0 : i32
      %dma_start3A_498 = tpu.memref_slice %arg9[%add3A_457, %dma_start3A_497] : memref<10112x128xf32, #tpu.memory_space<vmem_shared>> -> memref<64x128xf32, #tpu.memory_space<vmem_shared>>
      tpu.enqueue_dma source(%dma_start3A_498 : memref<64x128xf32, #tpu.memory_space<vmem_shared>>) target(%dma_start3A_496 : memref<64x128xf32, #tpu.memory_space<vmem>>) target_semaphore(%run_scoped3A_480 : memref<!tpu.dma_semaphore, #tpu.memory_space<semaphore_mem>>)
      %dma_wait3A = arith.constant 0 : i32
      %dma_wait3A_499 = arith.constant 0 : i32
      %dma_wait3A_500 = tpu.memref_slice %arg8[%run_scoped3A_458, %dma_wait3A, %dma_wait3A_499] : memref<4x64x128xf32, #tpu.memory_space<vmem>> -> memref<1x64x128xf32, #tpu.memory_space<vmem>>
      %dma_wait3A_501 = tpu.memref_squeeze %dma_wait3A_500 : memref<1x64x128xf32, #tpu.memory_space<vmem>> -> memref<64x128xf32, #tpu.memory_space<vmem>>
      %dma_wait3A_502 = arith.constant 0 : i32
      %dma_wait3A_503 = arith.constant 0 : i32
      %dma_wait3A_504 = tpu.memref_slice %dma_wait3A_501[%dma_wait3A_502, %dma_wait3A_503] : memref<64x128xf32, #tpu.memory_space<vmem>> -> memref<64x128xf32, #tpu.memory_space<vmem>>
      %dma_wait3A_505 = arith.constant 0 : i32
      %dma_wait3A_506 = tpu.memref_slice %arg9[%add3A_457, %dma_wait3A_505] : memref<10112x128xf32, #tpu.memory_space<vmem_shared>> -> memref<64x128xf32, #tpu.memory_space<vmem_shared>>
      %dma_wait3A_507 = arith.constant 0 : i32
      %dma_wait3A_508 = arith.constant 0 : i32
      %dma_wait3A_509 = tpu.memref_slice %arg8[%run_scoped3A_458, %dma_wait3A_507, %dma_wait3A_508] : memref<4x64x128xf32, #tpu.memory_space<vmem>> -> memref<1x64x128xf32, #tpu.memory_space<vmem>>
      %dma_wait3A_510 = tpu.memref_squeeze %dma_wait3A_509 : memref<1x64x128xf32, #tpu.memory_space<vmem>> -> memref<64x128xf32, #tpu.memory_space<vmem>>
      %dma_wait3A_511 = arith.constant 0 : i32
      %dma_wait3A_512 = arith.constant 0 : i32
      %dma_wait3A_513 = tpu.memref_slice %dma_wait3A_510[%dma_wait3A_511, %dma_wait3A_512] : memref<64x128xf32, #tpu.memory_space<vmem>> -> memref<64x128xf32, #tpu.memory_space<vmem>>
      %dma_wait3A_514 = arith.constant 0 : i32
      %dma_wait3A_515 = tpu.memref_slice %arg9[%add3A_457, %dma_wait3A_514] : memref<10112x128xf32, #tpu.memory_space<vmem_shared>> -> memref<64x128xf32, #tpu.memory_space<vmem_shared>>
      tpu.wait_dma2 semaphore(%run_scoped3A_480 : memref<!tpu.dma_semaphore, #tpu.memory_space<semaphore_mem>>) src(%dma_wait3A_515 : memref<64x128xf32, #tpu.memory_space<vmem_shared>>) dst(%dma_wait3A_513 : memref<64x128xf32, #tpu.memory_space<vmem>>)
      tpu.yield
    }) : () -> ()
    %run_scoped3A_459 = arith.constant 0 : i32
    "tpu.region"() ({
      %run_scoped3A_480 = tpu.sem_alloc : memref<!tpu.dma_semaphore, #tpu.memory_space<semaphore_mem>>
      %dma_start3A_481 = arith.constant 0 : i32
      %dma_start3A_482 = arith.constant 0 : i32
      %dma_start3A_483 = tpu.memref_slice %arg8[%run_scoped3A_459, %dma_start3A_481, %dma_start3A_482] : memref<4x64x128xf32, #tpu.memory_space<vmem>> -> memref<1x64x128xf32, #tpu.memory_space<vmem>>
      %dma_start3A_484 = tpu.memref_squeeze %dma_start3A_483 : memref<1x64x128xf32, #tpu.memory_space<vmem>> -> memref<64x128xf32, #tpu.memory_space<vmem>>
      %dma_start3A_485 = arith.constant 0 : i32
      %dma_start3A_486 = arith.constant 0 : i32
      %dma_start3A_487 = tpu.memref_slice %dma_start3A_484[%dma_start3A_485, %dma_start3A_486] : memref<64x128xf32, #tpu.memory_space<vmem>> -> memref<64x128xf32, #tpu.memory_space<vmem>>
      %dma_start3A_488 = arith.constant 0 : i32
      %dma_start3A_489 = tpu.memref_slice %arg4[%arg0, %add3A_457, %dma_start3A_488] : memref<2x10112x128xf32, #tpu.memory_space<hbm>> -> memref<1x64x128xf32, #tpu.memory_space<hbm>>
      %dma_start3A_490 = tpu.memref_squeeze %dma_start3A_489 : memref<1x64x128xf32, #tpu.memory_space<hbm>> -> memref<64x128xf32, #tpu.memory_space<hbm>>
      %dma_start3A_491 = arith.constant 0 : i32
      %dma_start3A_492 = tpu.memref_slice %arg4[%arg0, %add3A_457, %dma_start3A_491] : memref<2x10112x128xf32, #tpu.memory_space<hbm>> -> memref<1x64x128xf32, #tpu.memory_space<hbm>>
      %dma_start3A_493 = tpu.memref_squeeze %dma_start3A_492 : memref<1x64x128xf32, #tpu.memory_space<hbm>> -> memref<64x128xf32, #tpu.memory_space<hbm>>
      %dma_start3A_494 = arith.constant 0 : i32
      %dma_start3A_495 = arith.constant 0 : i32
      %dma_start3A_496 = tpu.memref_slice %arg8[%run_scoped3A_459, %dma_start3A_494, %dma_start3A_495] : memref<4x64x128xf32, #tpu.memory_space<vmem>> -> memref<1x64x128xf32, #tpu.memory_space<vmem>>
      %dma_start3A_497 = tpu.memref_squeeze %dma_start3A_496 : memref<1x64x128xf32, #tpu.memory_space<vmem>> -> memref<64x128xf32, #tpu.memory_space<vmem>>
      %dma_start3A_498 = arith.constant 0 : i32
      %dma_start3A_499 = arith.constant 0 : i32
      %dma_start3A_500 = tpu.memref_slice %dma_start3A_497[%dma_start3A_498, %dma_start3A_499] : memref<64x128xf32, #tpu.memory_space<vmem>> -> memref<64x128xf32, #tpu.memory_space<vmem>>
      tpu.enqueue_dma source(%dma_start3A_500 : memref<64x128xf32, #tpu.memory_space<vmem>>) target(%dma_start3A_493 : memref<64x128xf32, #tpu.memory_space<hbm>>) target_semaphore(%run_scoped3A_480 : memref<!tpu.dma_semaphore, #tpu.memory_space<semaphore_mem>>)
      %dma_wait3A = arith.constant 0 : i32
      %dma_wait3A_501 = arith.constant 0 : i32
      %dma_wait3A_502 = tpu.memref_slice %arg8[%run_scoped3A_459, %dma_wait3A, %dma_wait3A_501] : memref<4x64x128xf32, #tpu.memory_space<vmem>> -> memref<1x64x128xf32, #tpu.memory_space<vmem>>
      %dma_wait3A_503 = tpu.memref_squeeze %dma_wait3A_502 : memref<1x64x128xf32, #tpu.memory_space<vmem>> -> memref<64x128xf32, #tpu.memory_space<vmem>>
      %dma_wait3A_504 = arith.constant 0 : i32
      %dma_wait3A_505 = arith.constant 0 : i32
      %dma_wait3A_506 = tpu.memref_slice %dma_wait3A_503[%dma_wait3A_504, %dma_wait3A_505] : memref<64x128xf32, #tpu.memory_space<vmem>> -> memref<64x128xf32, #tpu.memory_space<vmem>>
      %dma_wait3A_507 = arith.constant 0 : i32
      %dma_wait3A_508 = tpu.memref_slice %arg4[%arg0, %add3A_457, %dma_wait3A_507] : memref<2x10112x128xf32, #tpu.memory_space<hbm>> -> memref<1x64x128xf32, #tpu.memory_space<hbm>>
      %dma_wait3A_509 = tpu.memref_squeeze %dma_wait3A_508 : memref<1x64x128xf32, #tpu.memory_space<hbm>> -> memref<64x128xf32, #tpu.memory_space<hbm>>
      %dma_wait3A_510 = arith.constant 0 : i32
      %dma_wait3A_511 = tpu.memref_slice %arg4[%arg0, %add3A_457, %dma_wait3A_510] : memref<2x10112x128xf32, #tpu.memory_space<hbm>> -> memref<1x64x128xf32, #tpu.memory_space<hbm>>
      %dma_wait3A_512 = tpu.memref_squeeze %dma_wait3A_511 : memref<1x64x128xf32, #tpu.memory_space<hbm>> -> memref<64x128xf32, #tpu.memory_space<hbm>>
      %dma_wait3A_513 = arith.constant 0 : i32
      %dma_wait3A_514 = arith.constant 0 : i32
      %dma_wait3A_515 = tpu.memref_slice %arg8[%run_scoped3A_459, %dma_wait3A_513, %dma_wait3A_514] : memref<4x64x128xf32, #tpu.memory_space<vmem>> -> memref<1x64x128xf32, #tpu.memory_space<vmem>>
      %dma_wait3A_516 = tpu.memref_squeeze %dma_wait3A_515 : memref<1x64x128xf32, #tpu.memory_space<vmem>> -> memref<64x128xf32, #tpu.memory_space<vmem>>
      %dma_wait3A_517 = arith.constant 0 : i32
      %dma_wait3A_518 = arith.constant 0 : i32
      %dma_wait3A_519 = tpu.memref_slice %dma_wait3A_516[%dma_wait3A_517, %dma_wait3A_518] : memref<64x128xf32, #tpu.memory_space<vmem>> -> memref<64x128xf32, #tpu.memory_space<vmem>>
      tpu.wait_dma2 semaphore(%run_scoped3A_480 : memref<!tpu.dma_semaphore, #tpu.memory_space<semaphore_mem>>) src(%dma_wait3A_519 : memref<64x128xf32, #tpu.memory_space<vmem>>) dst(%dma_wait3A_512 : memref<64x128xf32, #tpu.memory_space<hbm>>)
      tpu.yield
    }) : () -> ()
    %add3A_460 = arith.constant 320 : i32
    %add3A_461 = arith.addi %mul3A_35, %add3A_460 : i32
    %run_scoped3A_462 = arith.constant 1 : i32
    "tpu.region"() ({
      %run_scoped3A_480 = tpu.sem_alloc : memref<!tpu.dma_semaphore, #tpu.memory_space<semaphore_mem>>
      %dma_start3A_481 = arith.constant 0 : i32
      %dma_start3A_482 = arith.constant 0 : i32
      %dma_start3A_483 = tpu.memref_slice %arg8[%run_scoped3A_462, %dma_start3A_481, %dma_start3A_482] : memref<4x64x128xf32, #tpu.memory_space<vmem>> -> memref<1x64x128xf32, #tpu.memory_space<vmem>>
      %dma_start3A_484 = tpu.memref_squeeze %dma_start3A_483 : memref<1x64x128xf32, #tpu.memory_space<vmem>> -> memref<64x128xf32, #tpu.memory_space<vmem>>
      %dma_start3A_485 = arith.constant 0 : i32
      %dma_start3A_486 = arith.constant 0 : i32
      %dma_start3A_487 = tpu.memref_slice %dma_start3A_484[%dma_start3A_485, %dma_start3A_486] : memref<64x128xf32, #tpu.memory_space<vmem>> -> memref<64x128xf32, #tpu.memory_space<vmem>>
      %dma_start3A_488 = arith.constant 0 : i32
      %dma_start3A_489 = tpu.memref_slice %arg9[%add3A_461, %dma_start3A_488] : memref<10112x128xf32, #tpu.memory_space<vmem_shared>> -> memref<64x128xf32, #tpu.memory_space<vmem_shared>>
      %dma_start3A_490 = arith.constant 0 : i32
      %dma_start3A_491 = arith.constant 0 : i32
      %dma_start3A_492 = tpu.memref_slice %arg8[%run_scoped3A_462, %dma_start3A_490, %dma_start3A_491] : memref<4x64x128xf32, #tpu.memory_space<vmem>> -> memref<1x64x128xf32, #tpu.memory_space<vmem>>
      %dma_start3A_493 = tpu.memref_squeeze %dma_start3A_492 : memref<1x64x128xf32, #tpu.memory_space<vmem>> -> memref<64x128xf32, #tpu.memory_space<vmem>>
      %dma_start3A_494 = arith.constant 0 : i32
      %dma_start3A_495 = arith.constant 0 : i32
      %dma_start3A_496 = tpu.memref_slice %dma_start3A_493[%dma_start3A_494, %dma_start3A_495] : memref<64x128xf32, #tpu.memory_space<vmem>> -> memref<64x128xf32, #tpu.memory_space<vmem>>
      %dma_start3A_497 = arith.constant 0 : i32
      %dma_start3A_498 = tpu.memref_slice %arg9[%add3A_461, %dma_start3A_497] : memref<10112x128xf32, #tpu.memory_space<vmem_shared>> -> memref<64x128xf32, #tpu.memory_space<vmem_shared>>
      tpu.enqueue_dma source(%dma_start3A_498 : memref<64x128xf32, #tpu.memory_space<vmem_shared>>) target(%dma_start3A_496 : memref<64x128xf32, #tpu.memory_space<vmem>>) target_semaphore(%run_scoped3A_480 : memref<!tpu.dma_semaphore, #tpu.memory_space<semaphore_mem>>)
      %dma_wait3A = arith.constant 0 : i32
      %dma_wait3A_499 = arith.constant 0 : i32
      %dma_wait3A_500 = tpu.memref_slice %arg8[%run_scoped3A_462, %dma_wait3A, %dma_wait3A_499] : memref<4x64x128xf32, #tpu.memory_space<vmem>> -> memref<1x64x128xf32, #tpu.memory_space<vmem>>
      %dma_wait3A_501 = tpu.memref_squeeze %dma_wait3A_500 : memref<1x64x128xf32, #tpu.memory_space<vmem>> -> memref<64x128xf32, #tpu.memory_space<vmem>>
      %dma_wait3A_502 = arith.constant 0 : i32
      %dma_wait3A_503 = arith.constant 0 : i32
      %dma_wait3A_504 = tpu.memref_slice %dma_wait3A_501[%dma_wait3A_502, %dma_wait3A_503] : memref<64x128xf32, #tpu.memory_space<vmem>> -> memref<64x128xf32, #tpu.memory_space<vmem>>
      %dma_wait3A_505 = arith.constant 0 : i32
      %dma_wait3A_506 = tpu.memref_slice %arg9[%add3A_461, %dma_wait3A_505] : memref<10112x128xf32, #tpu.memory_space<vmem_shared>> -> memref<64x128xf32, #tpu.memory_space<vmem_shared>>
      %dma_wait3A_507 = arith.constant 0 : i32
      %dma_wait3A_508 = arith.constant 0 : i32
      %dma_wait3A_509 = tpu.memref_slice %arg8[%run_scoped3A_462, %dma_wait3A_507, %dma_wait3A_508] : memref<4x64x128xf32, #tpu.memory_space<vmem>> -> memref<1x64x128xf32, #tpu.memory_space<vmem>>
      %dma_wait3A_510 = tpu.memref_squeeze %dma_wait3A_509 : memref<1x64x128xf32, #tpu.memory_space<vmem>> -> memref<64x128xf32, #tpu.memory_space<vmem>>
      %dma_wait3A_511 = arith.constant 0 : i32
      %dma_wait3A_512 = arith.constant 0 : i32
      %dma_wait3A_513 = tpu.memref_slice %dma_wait3A_510[%dma_wait3A_511, %dma_wait3A_512] : memref<64x128xf32, #tpu.memory_space<vmem>> -> memref<64x128xf32, #tpu.memory_space<vmem>>
      %dma_wait3A_514 = arith.constant 0 : i32
      %dma_wait3A_515 = tpu.memref_slice %arg9[%add3A_461, %dma_wait3A_514] : memref<10112x128xf32, #tpu.memory_space<vmem_shared>> -> memref<64x128xf32, #tpu.memory_space<vmem_shared>>
      tpu.wait_dma2 semaphore(%run_scoped3A_480 : memref<!tpu.dma_semaphore, #tpu.memory_space<semaphore_mem>>) src(%dma_wait3A_515 : memref<64x128xf32, #tpu.memory_space<vmem_shared>>) dst(%dma_wait3A_513 : memref<64x128xf32, #tpu.memory_space<vmem>>)
      tpu.yield
    }) : () -> ()
    %run_scoped3A_463 = arith.constant 1 : i32
    "tpu.region"() ({
      %run_scoped3A_480 = tpu.sem_alloc : memref<!tpu.dma_semaphore, #tpu.memory_space<semaphore_mem>>
      %dma_start3A_481 = arith.constant 0 : i32
      %dma_start3A_482 = arith.constant 0 : i32
      %dma_start3A_483 = tpu.memref_slice %arg8[%run_scoped3A_463, %dma_start3A_481, %dma_start3A_482] : memref<4x64x128xf32, #tpu.memory_space<vmem>> -> memref<1x64x128xf32, #tpu.memory_space<vmem>>
      %dma_start3A_484 = tpu.memref_squeeze %dma_start3A_483 : memref<1x64x128xf32, #tpu.memory_space<vmem>> -> memref<64x128xf32, #tpu.memory_space<vmem>>
      %dma_start3A_485 = arith.constant 0 : i32
      %dma_start3A_486 = arith.constant 0 : i32
      %dma_start3A_487 = tpu.memref_slice %dma_start3A_484[%dma_start3A_485, %dma_start3A_486] : memref<64x128xf32, #tpu.memory_space<vmem>> -> memref<64x128xf32, #tpu.memory_space<vmem>>
      %dma_start3A_488 = arith.constant 0 : i32
      %dma_start3A_489 = tpu.memref_slice %arg4[%arg0, %add3A_461, %dma_start3A_488] : memref<2x10112x128xf32, #tpu.memory_space<hbm>> -> memref<1x64x128xf32, #tpu.memory_space<hbm>>
      %dma_start3A_490 = tpu.memref_squeeze %dma_start3A_489 : memref<1x64x128xf32, #tpu.memory_space<hbm>> -> memref<64x128xf32, #tpu.memory_space<hbm>>
      %dma_start3A_491 = arith.constant 0 : i32
      %dma_start3A_492 = tpu.memref_slice %arg4[%arg0, %add3A_461, %dma_start3A_491] : memref<2x10112x128xf32, #tpu.memory_space<hbm>> -> memref<1x64x128xf32, #tpu.memory_space<hbm>>
      %dma_start3A_493 = tpu.memref_squeeze %dma_start3A_492 : memref<1x64x128xf32, #tpu.memory_space<hbm>> -> memref<64x128xf32, #tpu.memory_space<hbm>>
      %dma_start3A_494 = arith.constant 0 : i32
      %dma_start3A_495 = arith.constant 0 : i32
      %dma_start3A_496 = tpu.memref_slice %arg8[%run_scoped3A_463, %dma_start3A_494, %dma_start3A_495] : memref<4x64x128xf32, #tpu.memory_space<vmem>> -> memref<1x64x128xf32, #tpu.memory_space<vmem>>
      %dma_start3A_497 = tpu.memref_squeeze %dma_start3A_496 : memref<1x64x128xf32, #tpu.memory_space<vmem>> -> memref<64x128xf32, #tpu.memory_space<vmem>>
      %dma_start3A_498 = arith.constant 0 : i32
      %dma_start3A_499 = arith.constant 0 : i32
      %dma_start3A_500 = tpu.memref_slice %dma_start3A_497[%dma_start3A_498, %dma_start3A_499] : memref<64x128xf32, #tpu.memory_space<vmem>> -> memref<64x128xf32, #tpu.memory_space<vmem>>
      tpu.enqueue_dma source(%dma_start3A_500 : memref<64x128xf32, #tpu.memory_space<vmem>>) target(%dma_start3A_493 : memref<64x128xf32, #tpu.memory_space<hbm>>) target_semaphore(%run_scoped3A_480 : memref<!tpu.dma_semaphore, #tpu.memory_space<semaphore_mem>>)
      %dma_wait3A = arith.constant 0 : i32
      %dma_wait3A_501 = arith.constant 0 : i32
      %dma_wait3A_502 = tpu.memref_slice %arg8[%run_scoped3A_463, %dma_wait3A, %dma_wait3A_501] : memref<4x64x128xf32, #tpu.memory_space<vmem>> -> memref<1x64x128xf32, #tpu.memory_space<vmem>>
      %dma_wait3A_503 = tpu.memref_squeeze %dma_wait3A_502 : memref<1x64x128xf32, #tpu.memory_space<vmem>> -> memref<64x128xf32, #tpu.memory_space<vmem>>
      %dma_wait3A_504 = arith.constant 0 : i32
      %dma_wait3A_505 = arith.constant 0 : i32
      %dma_wait3A_506 = tpu.memref_slice %dma_wait3A_503[%dma_wait3A_504, %dma_wait3A_505] : memref<64x128xf32, #tpu.memory_space<vmem>> -> memref<64x128xf32, #tpu.memory_space<vmem>>
      %dma_wait3A_507 = arith.constant 0 : i32
      %dma_wait3A_508 = tpu.memref_slice %arg4[%arg0, %add3A_461, %dma_wait3A_507] : memref<2x10112x128xf32, #tpu.memory_space<hbm>> -> memref<1x64x128xf32, #tpu.memory_space<hbm>>
      %dma_wait3A_509 = tpu.memref_squeeze %dma_wait3A_508 : memref<1x64x128xf32, #tpu.memory_space<hbm>> -> memref<64x128xf32, #tpu.memory_space<hbm>>
      %dma_wait3A_510 = arith.constant 0 : i32
      %dma_wait3A_511 = tpu.memref_slice %arg4[%arg0, %add3A_461, %dma_wait3A_510] : memref<2x10112x128xf32, #tpu.memory_space<hbm>> -> memref<1x64x128xf32, #tpu.memory_space<hbm>>
      %dma_wait3A_512 = tpu.memref_squeeze %dma_wait3A_511 : memref<1x64x128xf32, #tpu.memory_space<hbm>> -> memref<64x128xf32, #tpu.memory_space<hbm>>
      %dma_wait3A_513 = arith.constant 0 : i32
      %dma_wait3A_514 = arith.constant 0 : i32
      %dma_wait3A_515 = tpu.memref_slice %arg8[%run_scoped3A_463, %dma_wait3A_513, %dma_wait3A_514] : memref<4x64x128xf32, #tpu.memory_space<vmem>> -> memref<1x64x128xf32, #tpu.memory_space<vmem>>
      %dma_wait3A_516 = tpu.memref_squeeze %dma_wait3A_515 : memref<1x64x128xf32, #tpu.memory_space<vmem>> -> memref<64x128xf32, #tpu.memory_space<vmem>>
      %dma_wait3A_517 = arith.constant 0 : i32
      %dma_wait3A_518 = arith.constant 0 : i32
      %dma_wait3A_519 = tpu.memref_slice %dma_wait3A_516[%dma_wait3A_517, %dma_wait3A_518] : memref<64x128xf32, #tpu.memory_space<vmem>> -> memref<64x128xf32, #tpu.memory_space<vmem>>
      tpu.wait_dma2 semaphore(%run_scoped3A_480 : memref<!tpu.dma_semaphore, #tpu.memory_space<semaphore_mem>>) src(%dma_wait3A_519 : memref<64x128xf32, #tpu.memory_space<vmem>>) dst(%dma_wait3A_512 : memref<64x128xf32, #tpu.memory_space<hbm>>)
      tpu.yield
    }) : () -> ()
    %add3A_464 = arith.constant 384 : i32
    %add3A_465 = arith.addi %mul3A_35, %add3A_464 : i32
    %run_scoped3A_466 = arith.constant 2 : i32
    "tpu.region"() ({
      %run_scoped3A_480 = tpu.sem_alloc : memref<!tpu.dma_semaphore, #tpu.memory_space<semaphore_mem>>
      %dma_start3A_481 = arith.constant 0 : i32
      %dma_start3A_482 = arith.constant 0 : i32
      %dma_start3A_483 = tpu.memref_slice %arg8[%run_scoped3A_466, %dma_start3A_481, %dma_start3A_482] : memref<4x64x128xf32, #tpu.memory_space<vmem>> -> memref<1x64x128xf32, #tpu.memory_space<vmem>>
      %dma_start3A_484 = tpu.memref_squeeze %dma_start3A_483 : memref<1x64x128xf32, #tpu.memory_space<vmem>> -> memref<64x128xf32, #tpu.memory_space<vmem>>
      %dma_start3A_485 = arith.constant 0 : i32
      %dma_start3A_486 = arith.constant 0 : i32
      %dma_start3A_487 = tpu.memref_slice %dma_start3A_484[%dma_start3A_485, %dma_start3A_486] : memref<64x128xf32, #tpu.memory_space<vmem>> -> memref<64x128xf32, #tpu.memory_space<vmem>>
      %dma_start3A_488 = arith.constant 0 : i32
      %dma_start3A_489 = tpu.memref_slice %arg9[%add3A_465, %dma_start3A_488] : memref<10112x128xf32, #tpu.memory_space<vmem_shared>> -> memref<64x128xf32, #tpu.memory_space<vmem_shared>>
      %dma_start3A_490 = arith.constant 0 : i32
      %dma_start3A_491 = arith.constant 0 : i32
      %dma_start3A_492 = tpu.memref_slice %arg8[%run_scoped3A_466, %dma_start3A_490, %dma_start3A_491] : memref<4x64x128xf32, #tpu.memory_space<vmem>> -> memref<1x64x128xf32, #tpu.memory_space<vmem>>
      %dma_start3A_493 = tpu.memref_squeeze %dma_start3A_492 : memref<1x64x128xf32, #tpu.memory_space<vmem>> -> memref<64x128xf32, #tpu.memory_space<vmem>>
      %dma_start3A_494 = arith.constant 0 : i32
      %dma_start3A_495 = arith.constant 0 : i32
      %dma_start3A_496 = tpu.memref_slice %dma_start3A_493[%dma_start3A_494, %dma_start3A_495] : memref<64x128xf32, #tpu.memory_space<vmem>> -> memref<64x128xf32, #tpu.memory_space<vmem>>
      %dma_start3A_497 = arith.constant 0 : i32
      %dma_start3A_498 = tpu.memref_slice %arg9[%add3A_465, %dma_start3A_497] : memref<10112x128xf32, #tpu.memory_space<vmem_shared>> -> memref<64x128xf32, #tpu.memory_space<vmem_shared>>
      tpu.enqueue_dma source(%dma_start3A_498 : memref<64x128xf32, #tpu.memory_space<vmem_shared>>) target(%dma_start3A_496 : memref<64x128xf32, #tpu.memory_space<vmem>>) target_semaphore(%run_scoped3A_480 : memref<!tpu.dma_semaphore, #tpu.memory_space<semaphore_mem>>)
      %dma_wait3A = arith.constant 0 : i32
      %dma_wait3A_499 = arith.constant 0 : i32
      %dma_wait3A_500 = tpu.memref_slice %arg8[%run_scoped3A_466, %dma_wait3A, %dma_wait3A_499] : memref<4x64x128xf32, #tpu.memory_space<vmem>> -> memref<1x64x128xf32, #tpu.memory_space<vmem>>
      %dma_wait3A_501 = tpu.memref_squeeze %dma_wait3A_500 : memref<1x64x128xf32, #tpu.memory_space<vmem>> -> memref<64x128xf32, #tpu.memory_space<vmem>>
      %dma_wait3A_502 = arith.constant 0 : i32
      %dma_wait3A_503 = arith.constant 0 : i32
      %dma_wait3A_504 = tpu.memref_slice %dma_wait3A_501[%dma_wait3A_502, %dma_wait3A_503] : memref<64x128xf32, #tpu.memory_space<vmem>> -> memref<64x128xf32, #tpu.memory_space<vmem>>
      %dma_wait3A_505 = arith.constant 0 : i32
      %dma_wait3A_506 = tpu.memref_slice %arg9[%add3A_465, %dma_wait3A_505] : memref<10112x128xf32, #tpu.memory_space<vmem_shared>> -> memref<64x128xf32, #tpu.memory_space<vmem_shared>>
      %dma_wait3A_507 = arith.constant 0 : i32
      %dma_wait3A_508 = arith.constant 0 : i32
      %dma_wait3A_509 = tpu.memref_slice %arg8[%run_scoped3A_466, %dma_wait3A_507, %dma_wait3A_508] : memref<4x64x128xf32, #tpu.memory_space<vmem>> -> memref<1x64x128xf32, #tpu.memory_space<vmem>>
      %dma_wait3A_510 = tpu.memref_squeeze %dma_wait3A_509 : memref<1x64x128xf32, #tpu.memory_space<vmem>> -> memref<64x128xf32, #tpu.memory_space<vmem>>
      %dma_wait3A_511 = arith.constant 0 : i32
      %dma_wait3A_512 = arith.constant 0 : i32
      %dma_wait3A_513 = tpu.memref_slice %dma_wait3A_510[%dma_wait3A_511, %dma_wait3A_512] : memref<64x128xf32, #tpu.memory_space<vmem>> -> memref<64x128xf32, #tpu.memory_space<vmem>>
      %dma_wait3A_514 = arith.constant 0 : i32
      %dma_wait3A_515 = tpu.memref_slice %arg9[%add3A_465, %dma_wait3A_514] : memref<10112x128xf32, #tpu.memory_space<vmem_shared>> -> memref<64x128xf32, #tpu.memory_space<vmem_shared>>
      tpu.wait_dma2 semaphore(%run_scoped3A_480 : memref<!tpu.dma_semaphore, #tpu.memory_space<semaphore_mem>>) src(%dma_wait3A_515 : memref<64x128xf32, #tpu.memory_space<vmem_shared>>) dst(%dma_wait3A_513 : memref<64x128xf32, #tpu.memory_space<vmem>>)
      tpu.yield
    }) : () -> ()
    %run_scoped3A_467 = arith.constant 2 : i32
    "tpu.region"() ({
      %run_scoped3A_480 = tpu.sem_alloc : memref<!tpu.dma_semaphore, #tpu.memory_space<semaphore_mem>>
      %dma_start3A_481 = arith.constant 0 : i32
      %dma_start3A_482 = arith.constant 0 : i32
      %dma_start3A_483 = tpu.memref_slice %arg8[%run_scoped3A_467, %dma_start3A_481, %dma_start3A_482] : memref<4x64x128xf32, #tpu.memory_space<vmem>> -> memref<1x64x128xf32, #tpu.memory_space<vmem>>
      %dma_start3A_484 = tpu.memref_squeeze %dma_start3A_483 : memref<1x64x128xf32, #tpu.memory_space<vmem>> -> memref<64x128xf32, #tpu.memory_space<vmem>>
      %dma_start3A_485 = arith.constant 0 : i32
      %dma_start3A_486 = arith.constant 0 : i32
      %dma_start3A_487 = tpu.memref_slice %dma_start3A_484[%dma_start3A_485, %dma_start3A_486] : memref<64x128xf32, #tpu.memory_space<vmem>> -> memref<64x128xf32, #tpu.memory_space<vmem>>
      %dma_start3A_488 = arith.constant 0 : i32
      %dma_start3A_489 = tpu.memref_slice %arg4[%arg0, %add3A_465, %dma_start3A_488] : memref<2x10112x128xf32, #tpu.memory_space<hbm>> -> memref<1x64x128xf32, #tpu.memory_space<hbm>>
      %dma_start3A_490 = tpu.memref_squeeze %dma_start3A_489 : memref<1x64x128xf32, #tpu.memory_space<hbm>> -> memref<64x128xf32, #tpu.memory_space<hbm>>
      %dma_start3A_491 = arith.constant 0 : i32
      %dma_start3A_492 = tpu.memref_slice %arg4[%arg0, %add3A_465, %dma_start3A_491] : memref<2x10112x128xf32, #tpu.memory_space<hbm>> -> memref<1x64x128xf32, #tpu.memory_space<hbm>>
      %dma_start3A_493 = tpu.memref_squeeze %dma_start3A_492 : memref<1x64x128xf32, #tpu.memory_space<hbm>> -> memref<64x128xf32, #tpu.memory_space<hbm>>
      %dma_start3A_494 = arith.constant 0 : i32
      %dma_start3A_495 = arith.constant 0 : i32
      %dma_start3A_496 = tpu.memref_slice %arg8[%run_scoped3A_467, %dma_start3A_494, %dma_start3A_495] : memref<4x64x128xf32, #tpu.memory_space<vmem>> -> memref<1x64x128xf32, #tpu.memory_space<vmem>>
      %dma_start3A_497 = tpu.memref_squeeze %dma_start3A_496 : memref<1x64x128xf32, #tpu.memory_space<vmem>> -> memref<64x128xf32, #tpu.memory_space<vmem>>
      %dma_start3A_498 = arith.constant 0 : i32
      %dma_start3A_499 = arith.constant 0 : i32
      %dma_start3A_500 = tpu.memref_slice %dma_start3A_497[%dma_start3A_498, %dma_start3A_499] : memref<64x128xf32, #tpu.memory_space<vmem>> -> memref<64x128xf32, #tpu.memory_space<vmem>>
      tpu.enqueue_dma source(%dma_start3A_500 : memref<64x128xf32, #tpu.memory_space<vmem>>) target(%dma_start3A_493 : memref<64x128xf32, #tpu.memory_space<hbm>>) target_semaphore(%run_scoped3A_480 : memref<!tpu.dma_semaphore, #tpu.memory_space<semaphore_mem>>)
      %dma_wait3A = arith.constant 0 : i32
      %dma_wait3A_501 = arith.constant 0 : i32
      %dma_wait3A_502 = tpu.memref_slice %arg8[%run_scoped3A_467, %dma_wait3A, %dma_wait3A_501] : memref<4x64x128xf32, #tpu.memory_space<vmem>> -> memref<1x64x128xf32, #tpu.memory_space<vmem>>
      %dma_wait3A_503 = tpu.memref_squeeze %dma_wait3A_502 : memref<1x64x128xf32, #tpu.memory_space<vmem>> -> memref<64x128xf32, #tpu.memory_space<vmem>>
      %dma_wait3A_504 = arith.constant 0 : i32
      %dma_wait3A_505 = arith.constant 0 : i32
      %dma_wait3A_506 = tpu.memref_slice %dma_wait3A_503[%dma_wait3A_504, %dma_wait3A_505] : memref<64x128xf32, #tpu.memory_space<vmem>> -> memref<64x128xf32, #tpu.memory_space<vmem>>
      %dma_wait3A_507 = arith.constant 0 : i32
      %dma_wait3A_508 = tpu.memref_slice %arg4[%arg0, %add3A_465, %dma_wait3A_507] : memref<2x10112x128xf32, #tpu.memory_space<hbm>> -> memref<1x64x128xf32, #tpu.memory_space<hbm>>
      %dma_wait3A_509 = tpu.memref_squeeze %dma_wait3A_508 : memref<1x64x128xf32, #tpu.memory_space<hbm>> -> memref<64x128xf32, #tpu.memory_space<hbm>>
      %dma_wait3A_510 = arith.constant 0 : i32
      %dma_wait3A_511 = tpu.memref_slice %arg4[%arg0, %add3A_465, %dma_wait3A_510] : memref<2x10112x128xf32, #tpu.memory_space<hbm>> -> memref<1x64x128xf32, #tpu.memory_space<hbm>>
      %dma_wait3A_512 = tpu.memref_squeeze %dma_wait3A_511 : memref<1x64x128xf32, #tpu.memory_space<hbm>> -> memref<64x128xf32, #tpu.memory_space<hbm>>
      %dma_wait3A_513 = arith.constant 0 : i32
      %dma_wait3A_514 = arith.constant 0 : i32
      %dma_wait3A_515 = tpu.memref_slice %arg8[%run_scoped3A_467, %dma_wait3A_513, %dma_wait3A_514] : memref<4x64x128xf32, #tpu.memory_space<vmem>> -> memref<1x64x128xf32, #tpu.memory_space<vmem>>
      %dma_wait3A_516 = tpu.memref_squeeze %dma_wait3A_515 : memref<1x64x128xf32, #tpu.memory_space<vmem>> -> memref<64x128xf32, #tpu.memory_space<vmem>>
      %dma_wait3A_517 = arith.constant 0 : i32
      %dma_wait3A_518 = arith.constant 0 : i32
      %dma_wait3A_519 = tpu.memref_slice %dma_wait3A_516[%dma_wait3A_517, %dma_wait3A_518] : memref<64x128xf32, #tpu.memory_space<vmem>> -> memref<64x128xf32, #tpu.memory_space<vmem>>
      tpu.wait_dma2 semaphore(%run_scoped3A_480 : memref<!tpu.dma_semaphore, #tpu.memory_space<semaphore_mem>>) src(%dma_wait3A_519 : memref<64x128xf32, #tpu.memory_space<vmem>>) dst(%dma_wait3A_512 : memref<64x128xf32, #tpu.memory_space<hbm>>)
      tpu.yield
    }) : () -> ()
    %add3A_468 = arith.constant 448 : i32
    %add3A_469 = arith.addi %mul3A_35, %add3A_468 : i32
    %run_scoped3A_470 = arith.constant 3 : i32
    "tpu.region"() ({
      %run_scoped3A_480 = tpu.sem_alloc : memref<!tpu.dma_semaphore, #tpu.memory_space<semaphore_mem>>
      %dma_start3A_481 = arith.constant 0 : i32
      %dma_start3A_482 = arith.constant 0 : i32
      %dma_start3A_483 = tpu.memref_slice %arg8[%run_scoped3A_470, %dma_start3A_481, %dma_start3A_482] : memref<4x64x128xf32, #tpu.memory_space<vmem>> -> memref<1x64x128xf32, #tpu.memory_space<vmem>>
      %dma_start3A_484 = tpu.memref_squeeze %dma_start3A_483 : memref<1x64x128xf32, #tpu.memory_space<vmem>> -> memref<64x128xf32, #tpu.memory_space<vmem>>
      %dma_start3A_485 = arith.constant 0 : i32
      %dma_start3A_486 = arith.constant 0 : i32
      %dma_start3A_487 = tpu.memref_slice %dma_start3A_484[%dma_start3A_485, %dma_start3A_486] : memref<64x128xf32, #tpu.memory_space<vmem>> -> memref<64x128xf32, #tpu.memory_space<vmem>>
      %dma_start3A_488 = arith.constant 0 : i32
      %dma_start3A_489 = tpu.memref_slice %arg9[%add3A_469, %dma_start3A_488] : memref<10112x128xf32, #tpu.memory_space<vmem_shared>> -> memref<64x128xf32, #tpu.memory_space<vmem_shared>>
      %dma_start3A_490 = arith.constant 0 : i32
      %dma_start3A_491 = arith.constant 0 : i32
      %dma_start3A_492 = tpu.memref_slice %arg8[%run_scoped3A_470, %dma_start3A_490, %dma_start3A_491] : memref<4x64x128xf32, #tpu.memory_space<vmem>> -> memref<1x64x128xf32, #tpu.memory_space<vmem>>
      %dma_start3A_493 = tpu.memref_squeeze %dma_start3A_492 : memref<1x64x128xf32, #tpu.memory_space<vmem>> -> memref<64x128xf32, #tpu.memory_space<vmem>>
      %dma_start3A_494 = arith.constant 0 : i32
      %dma_start3A_495 = arith.constant 0 : i32
      %dma_start3A_496 = tpu.memref_slice %dma_start3A_493[%dma_start3A_494, %dma_start3A_495] : memref<64x128xf32, #tpu.memory_space<vmem>> -> memref<64x128xf32, #tpu.memory_space<vmem>>
      %dma_start3A_497 = arith.constant 0 : i32
      %dma_start3A_498 = tpu.memref_slice %arg9[%add3A_469, %dma_start3A_497] : memref<10112x128xf32, #tpu.memory_space<vmem_shared>> -> memref<64x128xf32, #tpu.memory_space<vmem_shared>>
      tpu.enqueue_dma source(%dma_start3A_498 : memref<64x128xf32, #tpu.memory_space<vmem_shared>>) target(%dma_start3A_496 : memref<64x128xf32, #tpu.memory_space<vmem>>) target_semaphore(%run_scoped3A_480 : memref<!tpu.dma_semaphore, #tpu.memory_space<semaphore_mem>>)
      %dma_wait3A = arith.constant 0 : i32
      %dma_wait3A_499 = arith.constant 0 : i32
      %dma_wait3A_500 = tpu.memref_slice %arg8[%run_scoped3A_470, %dma_wait3A, %dma_wait3A_499] : memref<4x64x128xf32, #tpu.memory_space<vmem>> -> memref<1x64x128xf32, #tpu.memory_space<vmem>>
      %dma_wait3A_501 = tpu.memref_squeeze %dma_wait3A_500 : memref<1x64x128xf32, #tpu.memory_space<vmem>> -> memref<64x128xf32, #tpu.memory_space<vmem>>
      %dma_wait3A_502 = arith.constant 0 : i32
      %dma_wait3A_503 = arith.constant 0 : i32
      %dma_wait3A_504 = tpu.memref_slice %dma_wait3A_501[%dma_wait3A_502, %dma_wait3A_503] : memref<64x128xf32, #tpu.memory_space<vmem>> -> memref<64x128xf32, #tpu.memory_space<vmem>>
      %dma_wait3A_505 = arith.constant 0 : i32
      %dma_wait3A_506 = tpu.memref_slice %arg9[%add3A_469, %dma_wait3A_505] : memref<10112x128xf32, #tpu.memory_space<vmem_shared>> -> memref<64x128xf32, #tpu.memory_space<vmem_shared>>
      %dma_wait3A_507 = arith.constant 0 : i32
      %dma_wait3A_508 = arith.constant 0 : i32
      %dma_wait3A_509 = tpu.memref_slice %arg8[%run_scoped3A_470, %dma_wait3A_507, %dma_wait3A_508] : memref<4x64x128xf32, #tpu.memory_space<vmem>> -> memref<1x64x128xf32, #tpu.memory_space<vmem>>
      %dma_wait3A_510 = tpu.memref_squeeze %dma_wait3A_509 : memref<1x64x128xf32, #tpu.memory_space<vmem>> -> memref<64x128xf32, #tpu.memory_space<vmem>>
      %dma_wait3A_511 = arith.constant 0 : i32
      %dma_wait3A_512 = arith.constant 0 : i32
      %dma_wait3A_513 = tpu.memref_slice %dma_wait3A_510[%dma_wait3A_511, %dma_wait3A_512] : memref<64x128xf32, #tpu.memory_space<vmem>> -> memref<64x128xf32, #tpu.memory_space<vmem>>
      %dma_wait3A_514 = arith.constant 0 : i32
      %dma_wait3A_515 = tpu.memref_slice %arg9[%add3A_469, %dma_wait3A_514] : memref<10112x128xf32, #tpu.memory_space<vmem_shared>> -> memref<64x128xf32, #tpu.memory_space<vmem_shared>>
      tpu.wait_dma2 semaphore(%run_scoped3A_480 : memref<!tpu.dma_semaphore, #tpu.memory_space<semaphore_mem>>) src(%dma_wait3A_515 : memref<64x128xf32, #tpu.memory_space<vmem_shared>>) dst(%dma_wait3A_513 : memref<64x128xf32, #tpu.memory_space<vmem>>)
      tpu.yield
    }) : () -> ()
    %run_scoped3A_471 = arith.constant 3 : i32
    "tpu.region"() ({
      %run_scoped3A_480 = tpu.sem_alloc : memref<!tpu.dma_semaphore, #tpu.memory_space<semaphore_mem>>
      %dma_start3A_481 = arith.constant 0 : i32
      %dma_start3A_482 = arith.constant 0 : i32
      %dma_start3A_483 = tpu.memref_slice %arg8[%run_scoped3A_471, %dma_start3A_481, %dma_start3A_482] : memref<4x64x128xf32, #tpu.memory_space<vmem>> -> memref<1x64x128xf32, #tpu.memory_space<vmem>>
      %dma_start3A_484 = tpu.memref_squeeze %dma_start3A_483 : memref<1x64x128xf32, #tpu.memory_space<vmem>> -> memref<64x128xf32, #tpu.memory_space<vmem>>
      %dma_start3A_485 = arith.constant 0 : i32
      %dma_start3A_486 = arith.constant 0 : i32
      %dma_start3A_487 = tpu.memref_slice %dma_start3A_484[%dma_start3A_485, %dma_start3A_486] : memref<64x128xf32, #tpu.memory_space<vmem>> -> memref<64x128xf32, #tpu.memory_space<vmem>>
      %dma_start3A_488 = arith.constant 0 : i32
      %dma_start3A_489 = tpu.memref_slice %arg4[%arg0, %add3A_469, %dma_start3A_488] : memref<2x10112x128xf32, #tpu.memory_space<hbm>> -> memref<1x64x128xf32, #tpu.memory_space<hbm>>
      %dma_start3A_490 = tpu.memref_squeeze %dma_start3A_489 : memref<1x64x128xf32, #tpu.memory_space<hbm>> -> memref<64x128xf32, #tpu.memory_space<hbm>>
      %dma_start3A_491 = arith.constant 0 : i32
      %dma_start3A_492 = tpu.memref_slice %arg4[%arg0, %add3A_469, %dma_start3A_491] : memref<2x10112x128xf32, #tpu.memory_space<hbm>> -> memref<1x64x128xf32, #tpu.memory_space<hbm>>
      %dma_start3A_493 = tpu.memref_squeeze %dma_start3A_492 : memref<1x64x128xf32, #tpu.memory_space<hbm>> -> memref<64x128xf32, #tpu.memory_space<hbm>>
      %dma_start3A_494 = arith.constant 0 : i32
      %dma_start3A_495 = arith.constant 0 : i32
      %dma_start3A_496 = tpu.memref_slice %arg8[%run_scoped3A_471, %dma_start3A_494, %dma_start3A_495] : memref<4x64x128xf32, #tpu.memory_space<vmem>> -> memref<1x64x128xf32, #tpu.memory_space<vmem>>
      %dma_start3A_497 = tpu.memref_squeeze %dma_start3A_496 : memref<1x64x128xf32, #tpu.memory_space<vmem>> -> memref<64x128xf32, #tpu.memory_space<vmem>>
      %dma_start3A_498 = arith.constant 0 : i32
      %dma_start3A_499 = arith.constant 0 : i32
      %dma_start3A_500 = tpu.memref_slice %dma_start3A_497[%dma_start3A_498, %dma_start3A_499] : memref<64x128xf32, #tpu.memory_space<vmem>> -> memref<64x128xf32, #tpu.memory_space<vmem>>
      tpu.enqueue_dma source(%dma_start3A_500 : memref<64x128xf32, #tpu.memory_space<vmem>>) target(%dma_start3A_493 : memref<64x128xf32, #tpu.memory_space<hbm>>) target_semaphore(%run_scoped3A_480 : memref<!tpu.dma_semaphore, #tpu.memory_space<semaphore_mem>>)
      %dma_wait3A = arith.constant 0 : i32
      %dma_wait3A_501 = arith.constant 0 : i32
      %dma_wait3A_502 = tpu.memref_slice %arg8[%run_scoped3A_471, %dma_wait3A, %dma_wait3A_501] : memref<4x64x128xf32, #tpu.memory_space<vmem>> -> memref<1x64x128xf32, #tpu.memory_space<vmem>>
      %dma_wait3A_503 = tpu.memref_squeeze %dma_wait3A_502 : memref<1x64x128xf32, #tpu.memory_space<vmem>> -> memref<64x128xf32, #tpu.memory_space<vmem>>
      %dma_wait3A_504 = arith.constant 0 : i32
      %dma_wait3A_505 = arith.constant 0 : i32
      %dma_wait3A_506 = tpu.memref_slice %dma_wait3A_503[%dma_wait3A_504, %dma_wait3A_505] : memref<64x128xf32, #tpu.memory_space<vmem>> -> memref<64x128xf32, #tpu.memory_space<vmem>>
      %dma_wait3A_507 = arith.constant 0 : i32
      %dma_wait3A_508 = tpu.memref_slice %arg4[%arg0, %add3A_469, %dma_wait3A_507] : memref<2x10112x128xf32, #tpu.memory_space<hbm>> -> memref<1x64x128xf32, #tpu.memory_space<hbm>>
      %dma_wait3A_509 = tpu.memref_squeeze %dma_wait3A_508 : memref<1x64x128xf32, #tpu.memory_space<hbm>> -> memref<64x128xf32, #tpu.memory_space<hbm>>
      %dma_wait3A_510 = arith.constant 0 : i32
      %dma_wait3A_511 = tpu.memref_slice %arg4[%arg0, %add3A_469, %dma_wait3A_510] : memref<2x10112x128xf32, #tpu.memory_space<hbm>> -> memref<1x64x128xf32, #tpu.memory_space<hbm>>
      %dma_wait3A_512 = tpu.memref_squeeze %dma_wait3A_511 : memref<1x64x128xf32, #tpu.memory_space<hbm>> -> memref<64x128xf32, #tpu.memory_space<hbm>>
      %dma_wait3A_513 = arith.constant 0 : i32
      %dma_wait3A_514 = arith.constant 0 : i32
      %dma_wait3A_515 = tpu.memref_slice %arg8[%run_scoped3A_471, %dma_wait3A_513, %dma_wait3A_514] : memref<4x64x128xf32, #tpu.memory_space<vmem>> -> memref<1x64x128xf32, #tpu.memory_space<vmem>>
      %dma_wait3A_516 = tpu.memref_squeeze %dma_wait3A_515 : memref<1x64x128xf32, #tpu.memory_space<vmem>> -> memref<64x128xf32, #tpu.memory_space<vmem>>
      %dma_wait3A_517 = arith.constant 0 : i32
      %dma_wait3A_518 = arith.constant 0 : i32
      %dma_wait3A_519 = tpu.memref_slice %dma_wait3A_516[%dma_wait3A_517, %dma_wait3A_518] : memref<64x128xf32, #tpu.memory_space<vmem>> -> memref<64x128xf32, #tpu.memory_space<vmem>>
      tpu.wait_dma2 semaphore(%run_scoped3A_480 : memref<!tpu.dma_semaphore, #tpu.memory_space<semaphore_mem>>) src(%dma_wait3A_519 : memref<64x128xf32, #tpu.memory_space<vmem>>) dst(%dma_wait3A_512 : memref<64x128xf32, #tpu.memory_space<hbm>>)
      tpu.yield
    }) : () -> ()
    %add3A_472 = arith.constant 512 : i32
    %add3A_473 = arith.addi %mul3A_35, %add3A_472 : i32
    %run_scoped3A_474 = arith.constant 0 : i32
    "tpu.region"() ({
      %run_scoped3A_480 = tpu.sem_alloc : memref<!tpu.dma_semaphore, #tpu.memory_space<semaphore_mem>>
      %dma_start3A_481 = arith.constant 0 : i32
      %dma_start3A_482 = arith.constant 0 : i32
      %dma_start3A_483 = tpu.memref_slice %arg8[%run_scoped3A_474, %dma_start3A_481, %dma_start3A_482] : memref<4x64x128xf32, #tpu.memory_space<vmem>> -> memref<1x64x128xf32, #tpu.memory_space<vmem>>
      %dma_start3A_484 = tpu.memref_squeeze %dma_start3A_483 : memref<1x64x128xf32, #tpu.memory_space<vmem>> -> memref<64x128xf32, #tpu.memory_space<vmem>>
      %dma_start3A_485 = arith.constant 0 : i32
      %dma_start3A_486 = arith.constant 0 : i32
      %dma_start3A_487 = tpu.memref_slice %dma_start3A_484[%dma_start3A_485, %dma_start3A_486] : memref<64x128xf32, #tpu.memory_space<vmem>> -> memref<64x128xf32, #tpu.memory_space<vmem>>
      %dma_start3A_488 = arith.constant 0 : i32
      %dma_start3A_489 = tpu.memref_slice %arg9[%add3A_473, %dma_start3A_488] : memref<10112x128xf32, #tpu.memory_space<vmem_shared>> -> memref<64x128xf32, #tpu.memory_space<vmem_shared>>
      %dma_start3A_490 = arith.constant 0 : i32
      %dma_start3A_491 = arith.constant 0 : i32
      %dma_start3A_492 = tpu.memref_slice %arg8[%run_scoped3A_474, %dma_start3A_490, %dma_start3A_491] : memref<4x64x128xf32, #tpu.memory_space<vmem>> -> memref<1x64x128xf32, #tpu.memory_space<vmem>>
      %dma_start3A_493 = tpu.memref_squeeze %dma_start3A_492 : memref<1x64x128xf32, #tpu.memory_space<vmem>> -> memref<64x128xf32, #tpu.memory_space<vmem>>
      %dma_start3A_494 = arith.constant 0 : i32
      %dma_start3A_495 = arith.constant 0 : i32
      %dma_start3A_496 = tpu.memref_slice %dma_start3A_493[%dma_start3A_494, %dma_start3A_495] : memref<64x128xf32, #tpu.memory_space<vmem>> -> memref<64x128xf32, #tpu.memory_space<vmem>>
      %dma_start3A_497 = arith.constant 0 : i32
      %dma_start3A_498 = tpu.memref_slice %arg9[%add3A_473, %dma_start3A_497] : memref<10112x128xf32, #tpu.memory_space<vmem_shared>> -> memref<64x128xf32, #tpu.memory_space<vmem_shared>>
      tpu.enqueue_dma source(%dma_start3A_498 : memref<64x128xf32, #tpu.memory_space<vmem_shared>>) target(%dma_start3A_496 : memref<64x128xf32, #tpu.memory_space<vmem>>) target_semaphore(%run_scoped3A_480 : memref<!tpu.dma_semaphore, #tpu.memory_space<semaphore_mem>>)
      %dma_wait3A = arith.constant 0 : i32
      %dma_wait3A_499 = arith.constant 0 : i32
      %dma_wait3A_500 = tpu.memref_slice %arg8[%run_scoped3A_474, %dma_wait3A, %dma_wait3A_499] : memref<4x64x128xf32, #tpu.memory_space<vmem>> -> memref<1x64x128xf32, #tpu.memory_space<vmem>>
      %dma_wait3A_501 = tpu.memref_squeeze %dma_wait3A_500 : memref<1x64x128xf32, #tpu.memory_space<vmem>> -> memref<64x128xf32, #tpu.memory_space<vmem>>
      %dma_wait3A_502 = arith.constant 0 : i32
      %dma_wait3A_503 = arith.constant 0 : i32
      %dma_wait3A_504 = tpu.memref_slice %dma_wait3A_501[%dma_wait3A_502, %dma_wait3A_503] : memref<64x128xf32, #tpu.memory_space<vmem>> -> memref<64x128xf32, #tpu.memory_space<vmem>>
      %dma_wait3A_505 = arith.constant 0 : i32
      %dma_wait3A_506 = tpu.memref_slice %arg9[%add3A_473, %dma_wait3A_505] : memref<10112x128xf32, #tpu.memory_space<vmem_shared>> -> memref<64x128xf32, #tpu.memory_space<vmem_shared>>
      %dma_wait3A_507 = arith.constant 0 : i32
      %dma_wait3A_508 = arith.constant 0 : i32
      %dma_wait3A_509 = tpu.memref_slice %arg8[%run_scoped3A_474, %dma_wait3A_507, %dma_wait3A_508] : memref<4x64x128xf32, #tpu.memory_space<vmem>> -> memref<1x64x128xf32, #tpu.memory_space<vmem>>
      %dma_wait3A_510 = tpu.memref_squeeze %dma_wait3A_509 : memref<1x64x128xf32, #tpu.memory_space<vmem>> -> memref<64x128xf32, #tpu.memory_space<vmem>>
      %dma_wait3A_511 = arith.constant 0 : i32
      %dma_wait3A_512 = arith.constant 0 : i32
      %dma_wait3A_513 = tpu.memref_slice %dma_wait3A_510[%dma_wait3A_511, %dma_wait3A_512] : memref<64x128xf32, #tpu.memory_space<vmem>> -> memref<64x128xf32, #tpu.memory_space<vmem>>
      %dma_wait3A_514 = arith.constant 0 : i32
      %dma_wait3A_515 = tpu.memref_slice %arg9[%add3A_473, %dma_wait3A_514] : memref<10112x128xf32, #tpu.memory_space<vmem_shared>> -> memref<64x128xf32, #tpu.memory_space<vmem_shared>>
      tpu.wait_dma2 semaphore(%run_scoped3A_480 : memref<!tpu.dma_semaphore, #tpu.memory_space<semaphore_mem>>) src(%dma_wait3A_515 : memref<64x128xf32, #tpu.memory_space<vmem_shared>>) dst(%dma_wait3A_513 : memref<64x128xf32, #tpu.memory_space<vmem>>)
      tpu.yield
    }) : () -> ()
    %run_scoped3A_475 = arith.constant 0 : i32
    "tpu.region"() ({
      %run_scoped3A_480 = tpu.sem_alloc : memref<!tpu.dma_semaphore, #tpu.memory_space<semaphore_mem>>
      %dma_start3A_481 = arith.constant 0 : i32
      %dma_start3A_482 = arith.constant 0 : i32
      %dma_start3A_483 = tpu.memref_slice %arg8[%run_scoped3A_475, %dma_start3A_481, %dma_start3A_482] : memref<4x64x128xf32, #tpu.memory_space<vmem>> -> memref<1x64x128xf32, #tpu.memory_space<vmem>>
      %dma_start3A_484 = tpu.memref_squeeze %dma_start3A_483 : memref<1x64x128xf32, #tpu.memory_space<vmem>> -> memref<64x128xf32, #tpu.memory_space<vmem>>
      %dma_start3A_485 = arith.constant 0 : i32
      %dma_start3A_486 = arith.constant 0 : i32
      %dma_start3A_487 = tpu.memref_slice %dma_start3A_484[%dma_start3A_485, %dma_start3A_486] : memref<64x128xf32, #tpu.memory_space<vmem>> -> memref<64x128xf32, #tpu.memory_space<vmem>>
      %dma_start3A_488 = arith.constant 0 : i32
      %dma_start3A_489 = tpu.memref_slice %arg4[%arg0, %add3A_473, %dma_start3A_488] : memref<2x10112x128xf32, #tpu.memory_space<hbm>> -> memref<1x64x128xf32, #tpu.memory_space<hbm>>
      %dma_start3A_490 = tpu.memref_squeeze %dma_start3A_489 : memref<1x64x128xf32, #tpu.memory_space<hbm>> -> memref<64x128xf32, #tpu.memory_space<hbm>>
      %dma_start3A_491 = arith.constant 0 : i32
      %dma_start3A_492 = tpu.memref_slice %arg4[%arg0, %add3A_473, %dma_start3A_491] : memref<2x10112x128xf32, #tpu.memory_space<hbm>> -> memref<1x64x128xf32, #tpu.memory_space<hbm>>
      %dma_start3A_493 = tpu.memref_squeeze %dma_start3A_492 : memref<1x64x128xf32, #tpu.memory_space<hbm>> -> memref<64x128xf32, #tpu.memory_space<hbm>>
      %dma_start3A_494 = arith.constant 0 : i32
      %dma_start3A_495 = arith.constant 0 : i32
      %dma_start3A_496 = tpu.memref_slice %arg8[%run_scoped3A_475, %dma_start3A_494, %dma_start3A_495] : memref<4x64x128xf32, #tpu.memory_space<vmem>> -> memref<1x64x128xf32, #tpu.memory_space<vmem>>
      %dma_start3A_497 = tpu.memref_squeeze %dma_start3A_496 : memref<1x64x128xf32, #tpu.memory_space<vmem>> -> memref<64x128xf32, #tpu.memory_space<vmem>>
      %dma_start3A_498 = arith.constant 0 : i32
      %dma_start3A_499 = arith.constant 0 : i32
      %dma_start3A_500 = tpu.memref_slice %dma_start3A_497[%dma_start3A_498, %dma_start3A_499] : memref<64x128xf32, #tpu.memory_space<vmem>> -> memref<64x128xf32, #tpu.memory_space<vmem>>
      tpu.enqueue_dma source(%dma_start3A_500 : memref<64x128xf32, #tpu.memory_space<vmem>>) target(%dma_start3A_493 : memref<64x128xf32, #tpu.memory_space<hbm>>) target_semaphore(%run_scoped3A_480 : memref<!tpu.dma_semaphore, #tpu.memory_space<semaphore_mem>>)
      %dma_wait3A = arith.constant 0 : i32
      %dma_wait3A_501 = arith.constant 0 : i32
      %dma_wait3A_502 = tpu.memref_slice %arg8[%run_scoped3A_475, %dma_wait3A, %dma_wait3A_501] : memref<4x64x128xf32, #tpu.memory_space<vmem>> -> memref<1x64x128xf32, #tpu.memory_space<vmem>>
      %dma_wait3A_503 = tpu.memref_squeeze %dma_wait3A_502 : memref<1x64x128xf32, #tpu.memory_space<vmem>> -> memref<64x128xf32, #tpu.memory_space<vmem>>
      %dma_wait3A_504 = arith.constant 0 : i32
      %dma_wait3A_505 = arith.constant 0 : i32
      %dma_wait3A_506 = tpu.memref_slice %dma_wait3A_503[%dma_wait3A_504, %dma_wait3A_505] : memref<64x128xf32, #tpu.memory_space<vmem>> -> memref<64x128xf32, #tpu.memory_space<vmem>>
      %dma_wait3A_507 = arith.constant 0 : i32
      %dma_wait3A_508 = tpu.memref_slice %arg4[%arg0, %add3A_473, %dma_wait3A_507] : memref<2x10112x128xf32, #tpu.memory_space<hbm>> -> memref<1x64x128xf32, #tpu.memory_space<hbm>>
      %dma_wait3A_509 = tpu.memref_squeeze %dma_wait3A_508 : memref<1x64x128xf32, #tpu.memory_space<hbm>> -> memref<64x128xf32, #tpu.memory_space<hbm>>
      %dma_wait3A_510 = arith.constant 0 : i32
      %dma_wait3A_511 = tpu.memref_slice %arg4[%arg0, %add3A_473, %dma_wait3A_510] : memref<2x10112x128xf32, #tpu.memory_space<hbm>> -> memref<1x64x128xf32, #tpu.memory_space<hbm>>
      %dma_wait3A_512 = tpu.memref_squeeze %dma_wait3A_511 : memref<1x64x128xf32, #tpu.memory_space<hbm>> -> memref<64x128xf32, #tpu.memory_space<hbm>>
      %dma_wait3A_513 = arith.constant 0 : i32
      %dma_wait3A_514 = arith.constant 0 : i32
      %dma_wait3A_515 = tpu.memref_slice %arg8[%run_scoped3A_475, %dma_wait3A_513, %dma_wait3A_514] : memref<4x64x128xf32, #tpu.memory_space<vmem>> -> memref<1x64x128xf32, #tpu.memory_space<vmem>>
      %dma_wait3A_516 = tpu.memref_squeeze %dma_wait3A_515 : memref<1x64x128xf32, #tpu.memory_space<vmem>> -> memref<64x128xf32, #tpu.memory_space<vmem>>
      %dma_wait3A_517 = arith.constant 0 : i32
      %dma_wait3A_518 = arith.constant 0 : i32
      %dma_wait3A_519 = tpu.memref_slice %dma_wait3A_516[%dma_wait3A_517, %dma_wait3A_518] : memref<64x128xf32, #tpu.memory_space<vmem>> -> memref<64x128xf32, #tpu.memory_space<vmem>>
      tpu.wait_dma2 semaphore(%run_scoped3A_480 : memref<!tpu.dma_semaphore, #tpu.memory_space<semaphore_mem>>) src(%dma_wait3A_519 : memref<64x128xf32, #tpu.memory_space<vmem>>) dst(%dma_wait3A_512 : memref<64x128xf32, #tpu.memory_space<hbm>>)
      tpu.yield
    }) : () -> ()
    %add3A_476 = arith.constant 576 : i32
    %add3A_477 = arith.addi %mul3A_35, %add3A_476 : i32
    %run_scoped3A_478 = arith.constant 1 : i32
    "tpu.region"() ({
      %run_scoped3A_480 = tpu.sem_alloc : memref<!tpu.dma_semaphore, #tpu.memory_space<semaphore_mem>>
      %dma_start3A_481 = arith.constant 0 : i32
      %dma_start3A_482 = arith.constant 0 : i32
      %dma_start3A_483 = tpu.memref_slice %arg8[%run_scoped3A_478, %dma_start3A_481, %dma_start3A_482] : memref<4x64x128xf32, #tpu.memory_space<vmem>> -> memref<1x64x128xf32, #tpu.memory_space<vmem>>
      %dma_start3A_484 = tpu.memref_squeeze %dma_start3A_483 : memref<1x64x128xf32, #tpu.memory_space<vmem>> -> memref<64x128xf32, #tpu.memory_space<vmem>>
      %dma_start3A_485 = arith.constant 0 : i32
      %dma_start3A_486 = arith.constant 0 : i32
      %dma_start3A_487 = tpu.memref_slice %dma_start3A_484[%dma_start3A_485, %dma_start3A_486] : memref<64x128xf32, #tpu.memory_space<vmem>> -> memref<56x128xf32, #tpu.memory_space<vmem>>
      %dma_start3A_488 = arith.constant 0 : i32
      %dma_start3A_489 = tpu.memref_slice %arg9[%add3A_477, %dma_start3A_488] : memref<10112x128xf32, #tpu.memory_space<vmem_shared>> -> memref<56x128xf32, #tpu.memory_space<vmem_shared>>
      %dma_start3A_490 = arith.constant 0 : i32
      %dma_start3A_491 = arith.constant 0 : i32
      %dma_start3A_492 = tpu.memref_slice %arg8[%run_scoped3A_478, %dma_start3A_490, %dma_start3A_491] : memref<4x64x128xf32, #tpu.memory_space<vmem>> -> memref<1x64x128xf32, #tpu.memory_space<vmem>>
      %dma_start3A_493 = tpu.memref_squeeze %dma_start3A_492 : memref<1x64x128xf32, #tpu.memory_space<vmem>> -> memref<64x128xf32, #tpu.memory_space<vmem>>
      %dma_start3A_494 = arith.constant 0 : i32
      %dma_start3A_495 = arith.constant 0 : i32
      %dma_start3A_496 = tpu.memref_slice %dma_start3A_493[%dma_start3A_494, %dma_start3A_495] : memref<64x128xf32, #tpu.memory_space<vmem>> -> memref<56x128xf32, #tpu.memory_space<vmem>>
      %dma_start3A_497 = arith.constant 0 : i32
      %dma_start3A_498 = tpu.memref_slice %arg9[%add3A_477, %dma_start3A_497] : memref<10112x128xf32, #tpu.memory_space<vmem_shared>> -> memref<56x128xf32, #tpu.memory_space<vmem_shared>>
      tpu.enqueue_dma source(%dma_start3A_498 : memref<56x128xf32, #tpu.memory_space<vmem_shared>>) target(%dma_start3A_496 : memref<56x128xf32, #tpu.memory_space<vmem>>) target_semaphore(%run_scoped3A_480 : memref<!tpu.dma_semaphore, #tpu.memory_space<semaphore_mem>>)
      %dma_wait3A = arith.constant 0 : i32
      %dma_wait3A_499 = arith.constant 0 : i32
      %dma_wait3A_500 = tpu.memref_slice %arg8[%run_scoped3A_478, %dma_wait3A, %dma_wait3A_499] : memref<4x64x128xf32, #tpu.memory_space<vmem>> -> memref<1x64x128xf32, #tpu.memory_space<vmem>>
      %dma_wait3A_501 = tpu.memref_squeeze %dma_wait3A_500 : memref<1x64x128xf32, #tpu.memory_space<vmem>> -> memref<64x128xf32, #tpu.memory_space<vmem>>
      %dma_wait3A_502 = arith.constant 0 : i32
      %dma_wait3A_503 = arith.constant 0 : i32
      %dma_wait3A_504 = tpu.memref_slice %dma_wait3A_501[%dma_wait3A_502, %dma_wait3A_503] : memref<64x128xf32, #tpu.memory_space<vmem>> -> memref<56x128xf32, #tpu.memory_space<vmem>>
      %dma_wait3A_505 = arith.constant 0 : i32
      %dma_wait3A_506 = tpu.memref_slice %arg9[%add3A_477, %dma_wait3A_505] : memref<10112x128xf32, #tpu.memory_space<vmem_shared>> -> memref<56x128xf32, #tpu.memory_space<vmem_shared>>
      %dma_wait3A_507 = arith.constant 0 : i32
      %dma_wait3A_508 = arith.constant 0 : i32
      %dma_wait3A_509 = tpu.memref_slice %arg8[%run_scoped3A_478, %dma_wait3A_507, %dma_wait3A_508] : memref<4x64x128xf32, #tpu.memory_space<vmem>> -> memref<1x64x128xf32, #tpu.memory_space<vmem>>
      %dma_wait3A_510 = tpu.memref_squeeze %dma_wait3A_509 : memref<1x64x128xf32, #tpu.memory_space<vmem>> -> memref<64x128xf32, #tpu.memory_space<vmem>>
      %dma_wait3A_511 = arith.constant 0 : i32
      %dma_wait3A_512 = arith.constant 0 : i32
      %dma_wait3A_513 = tpu.memref_slice %dma_wait3A_510[%dma_wait3A_511, %dma_wait3A_512] : memref<64x128xf32, #tpu.memory_space<vmem>> -> memref<56x128xf32, #tpu.memory_space<vmem>>
      %dma_wait3A_514 = arith.constant 0 : i32
      %dma_wait3A_515 = tpu.memref_slice %arg9[%add3A_477, %dma_wait3A_514] : memref<10112x128xf32, #tpu.memory_space<vmem_shared>> -> memref<56x128xf32, #tpu.memory_space<vmem_shared>>
      tpu.wait_dma2 semaphore(%run_scoped3A_480 : memref<!tpu.dma_semaphore, #tpu.memory_space<semaphore_mem>>) src(%dma_wait3A_515 : memref<56x128xf32, #tpu.memory_space<vmem_shared>>) dst(%dma_wait3A_513 : memref<56x128xf32, #tpu.memory_space<vmem>>)
      tpu.yield
    }) : () -> ()
    %run_scoped3A_479 = arith.constant 1 : i32
    "tpu.region"() ({
      %run_scoped3A_480 = tpu.sem_alloc : memref<!tpu.dma_semaphore, #tpu.memory_space<semaphore_mem>>
      %dma_start3A_481 = arith.constant 0 : i32
      %dma_start3A_482 = arith.constant 0 : i32
      %dma_start3A_483 = tpu.memref_slice %arg8[%run_scoped3A_479, %dma_start3A_481, %dma_start3A_482] : memref<4x64x128xf32, #tpu.memory_space<vmem>> -> memref<1x64x128xf32, #tpu.memory_space<vmem>>
      %dma_start3A_484 = tpu.memref_squeeze %dma_start3A_483 : memref<1x64x128xf32, #tpu.memory_space<vmem>> -> memref<64x128xf32, #tpu.memory_space<vmem>>
      %dma_start3A_485 = arith.constant 0 : i32
      %dma_start3A_486 = arith.constant 0 : i32
      %dma_start3A_487 = tpu.memref_slice %dma_start3A_484[%dma_start3A_485, %dma_start3A_486] : memref<64x128xf32, #tpu.memory_space<vmem>> -> memref<56x128xf32, #tpu.memory_space<vmem>>
      %dma_start3A_488 = arith.constant 0 : i32
      %dma_start3A_489 = tpu.memref_slice %arg4[%arg0, %add3A_477, %dma_start3A_488] : memref<2x10112x128xf32, #tpu.memory_space<hbm>> -> memref<1x56x128xf32, #tpu.memory_space<hbm>>
      %dma_start3A_490 = tpu.memref_squeeze %dma_start3A_489 : memref<1x56x128xf32, #tpu.memory_space<hbm>> -> memref<56x128xf32, #tpu.memory_space<hbm>>
      %dma_start3A_491 = arith.constant 0 : i32
      %dma_start3A_492 = tpu.memref_slice %arg4[%arg0, %add3A_477, %dma_start3A_491] : memref<2x10112x128xf32, #tpu.memory_space<hbm>> -> memref<1x56x128xf32, #tpu.memory_space<hbm>>
      %dma_start3A_493 = tpu.memref_squeeze %dma_start3A_492 : memref<1x56x128xf32, #tpu.memory_space<hbm>> -> memref<56x128xf32, #tpu.memory_space<hbm>>
      %dma_start3A_494 = arith.constant 0 : i32
      %dma_start3A_495 = arith.constant 0 : i32
      %dma_start3A_496 = tpu.memref_slice %arg8[%run_scoped3A_479, %dma_start3A_494, %dma_start3A_495] : memref<4x64x128xf32, #tpu.memory_space<vmem>> -> memref<1x64x128xf32, #tpu.memory_space<vmem>>
      %dma_start3A_497 = tpu.memref_squeeze %dma_start3A_496 : memref<1x64x128xf32, #tpu.memory_space<vmem>> -> memref<64x128xf32, #tpu.memory_space<vmem>>
      %dma_start3A_498 = arith.constant 0 : i32
      %dma_start3A_499 = arith.constant 0 : i32
      %dma_start3A_500 = tpu.memref_slice %dma_start3A_497[%dma_start3A_498, %dma_start3A_499] : memref<64x128xf32, #tpu.memory_space<vmem>> -> memref<56x128xf32, #tpu.memory_space<vmem>>
      tpu.enqueue_dma source(%dma_start3A_500 : memref<56x128xf32, #tpu.memory_space<vmem>>) target(%dma_start3A_493 : memref<56x128xf32, #tpu.memory_space<hbm>>) target_semaphore(%run_scoped3A_480 : memref<!tpu.dma_semaphore, #tpu.memory_space<semaphore_mem>>)
      %dma_wait3A = arith.constant 0 : i32
      %dma_wait3A_501 = arith.constant 0 : i32
      %dma_wait3A_502 = tpu.memref_slice %arg8[%run_scoped3A_479, %dma_wait3A, %dma_wait3A_501] : memref<4x64x128xf32, #tpu.memory_space<vmem>> -> memref<1x64x128xf32, #tpu.memory_space<vmem>>
      %dma_wait3A_503 = tpu.memref_squeeze %dma_wait3A_502 : memref<1x64x128xf32, #tpu.memory_space<vmem>> -> memref<64x128xf32, #tpu.memory_space<vmem>>
      %dma_wait3A_504 = arith.constant 0 : i32
      %dma_wait3A_505 = arith.constant 0 : i32
      %dma_wait3A_506 = tpu.memref_slice %dma_wait3A_503[%dma_wait3A_504, %dma_wait3A_505] : memref<64x128xf32, #tpu.memory_space<vmem>> -> memref<56x128xf32, #tpu.memory_space<vmem>>
      %dma_wait3A_507 = arith.constant 0 : i32
      %dma_wait3A_508 = tpu.memref_slice %arg4[%arg0, %add3A_477, %dma_wait3A_507] : memref<2x10112x128xf32, #tpu.memory_space<hbm>> -> memref<1x56x128xf32, #tpu.memory_space<hbm>>
      %dma_wait3A_509 = tpu.memref_squeeze %dma_wait3A_508 : memref<1x56x128xf32, #tpu.memory_space<hbm>> -> memref<56x128xf32, #tpu.memory_space<hbm>>
      %dma_wait3A_510 = arith.constant 0 : i32
      %dma_wait3A_511 = tpu.memref_slice %arg4[%arg0, %add3A_477, %dma_wait3A_510] : memref<2x10112x128xf32, #tpu.memory_space<hbm>> -> memref<1x56x128xf32, #tpu.memory_space<hbm>>
      %dma_wait3A_512 = tpu.memref_squeeze %dma_wait3A_511 : memref<1x56x128xf32, #tpu.memory_space<hbm>> -> memref<56x128xf32, #tpu.memory_space<hbm>>
      %dma_wait3A_513 = arith.constant 0 : i32
      %dma_wait3A_514 = arith.constant 0 : i32
      %dma_wait3A_515 = tpu.memref_slice %arg8[%run_scoped3A_479, %dma_wait3A_513, %dma_wait3A_514] : memref<4x64x128xf32, #tpu.memory_space<vmem>> -> memref<1x64x128xf32, #tpu.memory_space<vmem>>
      %dma_wait3A_516 = tpu.memref_squeeze %dma_wait3A_515 : memref<1x64x128xf32, #tpu.memory_space<vmem>> -> memref<64x128xf32, #tpu.memory_space<vmem>>
      %dma_wait3A_517 = arith.constant 0 : i32
      %dma_wait3A_518 = arith.constant 0 : i32
      %dma_wait3A_519 = tpu.memref_slice %dma_wait3A_516[%dma_wait3A_517, %dma_wait3A_518] : memref<64x128xf32, #tpu.memory_space<vmem>> -> memref<56x128xf32, #tpu.memory_space<vmem>>
      tpu.wait_dma2 semaphore(%run_scoped3A_480 : memref<!tpu.dma_semaphore, #tpu.memory_space<semaphore_mem>>) src(%dma_wait3A_519 : memref<56x128xf32, #tpu.memory_space<vmem>>) dst(%dma_wait3A_512 : memref<56x128xf32, #tpu.memory_space<hbm>>)
      tpu.yield
    }) : () -> ()
    return
  }
}

module attributes {stable_mosaic.version = 14 : i64} {
  func.func @_tc_body(%arg0: i32, %arg1: memref<1000x128xf32, #tpu.memory_space<vmem>>, %arg2: memref<2x1000x128xf32, #tpu.memory_space<vmem>>, %arg3: memref<128x128xf32, #tpu.memory_space<vmem>>, %arg4: memref<128x128xf32, #tpu.memory_space<vmem>>, %arg5: memref<1000x128xf32, #tpu.memory_space<vmem>>) attributes {dimension_semantics = [#tpu.dimension_semantics<arbitrary>], iteration_bounds = array<i64: 10>, scalar_prefetch = 0 : i64, scratch_operands = 0 : i64, tpu.core_type = #tpu.core_type<tc>, window_params = [{transform_indices = @transform_0, window_bounds = array<i64: 1000, 128>}, {transform_indices = @transform_1, window_bounds = array<i64: 2, 1000, 128>}, {pipeline_mode = #tpu.pipeline_mode<synchronous>, transform_indices = @transform_2, window_bounds = array<i64: 128, 128>}, {pipeline_mode = #tpu.pipeline_mode<synchronous>, transform_indices = @transform_3, window_bounds = array<i64: 128, 128>}, {transform_indices = @transform_4, window_bounds = array<i64: 1000, 128>}]} {
    %get3A = arith.constant 0 : index
    %get3A_0 = arith.constant 0 : index
    %get3A_1 = vector.load %arg1[%get3A, %get3A_0] : memref<1000x128xf32, #tpu.memory_space<vmem>>, vector<1000x128xf32>
    %get3A_2 = arith.constant 0 : index
    %get3A_3 = arith.constant 0 : index
    %get3A_4 = vector.load %arg3[%get3A_2, %get3A_3] : memref<128x128xf32, #tpu.memory_space<vmem>>, vector<128x128xf32>
    %dot_general3A = arith.constant dense<0.000000e+00> : vector<1000x128xf32>
    %dot_general3A_5 = tpu.matmul %get3A_1, %get3A_4, %dot_general3A {dimension_numbers = #tpu.dot_dimension_numbers<[1], [0], [0], [1], [0, 0, 1, 1], [], []>, transpose_lhs_hint = false} : vector<1000x128xf32>, vector<128x128xf32>, vector<1000x128xf32> -> vector<1000x128xf32>
    %get3A_6 = arith.constant 0 : index
    %get3A_7 = arith.constant 0 : index
    %get3A_8 = arith.constant 0 : index
    %get3A_9 = vector.load %arg2[%get3A_6, %get3A_7, %get3A_8] : memref<2x1000x128xf32, #tpu.memory_space<vmem>>, vector<1x1000x128xf32>
    %get3A_10 = vector.shape_cast %get3A_9 : vector<1x1000x128xf32> to vector<1000x128xf32>
    %get3A_11 = arith.constant 1 : index
    %get3A_12 = arith.constant 0 : index
    %get3A_13 = arith.constant 0 : index
    %get3A_14 = vector.load %arg2[%get3A_11, %get3A_12, %get3A_13] : memref<2x1000x128xf32, #tpu.memory_space<vmem>>, vector<1x1000x128xf32>
    %get3A_15 = vector.shape_cast %get3A_14 : vector<1x1000x128xf32> to vector<1000x128xf32>
    %add3A = arith.addf %get3A_10, %get3A_15 : vector<1000x128xf32>
    %get3A_16 = arith.constant 0 : index
    %get3A_17 = arith.constant 0 : index
    %get3A_18 = vector.load %arg4[%get3A_16, %get3A_17] : memref<128x128xf32, #tpu.memory_space<vmem>>, vector<128x128xf32>
    %dot_general3A_19 = arith.constant dense<0.000000e+00> : vector<1000x128xf32>
    %dot_general3A_20 = tpu.matmul %add3A, %get3A_18, %dot_general3A_19 {dimension_numbers = #tpu.dot_dimension_numbers<[1], [0], [0], [1], [0, 0, 1, 1], [], []>, transpose_lhs_hint = false} : vector<1000x128xf32>, vector<128x128xf32>, vector<1000x128xf32> -> vector<1000x128xf32>
    %add3A_21 = arith.addf %dot_general3A_5, %dot_general3A_20 : vector<1000x128xf32>
    %max3A = arith.constant 0.000000e+00 : f32
    %max3A_22 = vector.broadcast %max3A : f32 to vector<1000x128xf32>
    %max3A_23 = arith.maximumf %add3A_21, %max3A_22 : vector<1000x128xf32>
    %swap3A = arith.constant 0 : index
    %swap3A_24 = arith.constant 0 : index
    %swap3A_25 = vector.load %arg5[%swap3A, %swap3A_24] : memref<1000x128xf32, #tpu.memory_space<vmem>>, vector<1000x128xf32>
    tpu.vector_store %arg5[%swap3A, %swap3A_24], %max3A_23 {strides = array<i32>} : memref<1000x128xf32, #tpu.memory_space<vmem>>, vector<1000x128xf32>,
    return
  }
  func.func @transform_0(%arg0: i32) -> (i32, i32) {
    %c0_i32 = arith.constant 0 : i32
    %c0_i32_0 = arith.constant 0 : i32
    return %arg0, %c0_i32 : i32, i32
  }
  func.func @transform_1(%arg0: i32) -> (i32, i32, i32) {
    %c0_i32 = arith.constant 0 : i32
    %c0_i32_0 = arith.constant 0 : i32
    %c0_i32_1 = arith.constant 0 : i32
    return %c0_i32, %arg0, %c0_i32_0 : i32, i32, i32
  }
  func.func @transform_2(%arg0: i32) -> (i32, i32) {
    %c0_i32 = arith.constant 0 : i32
    %c0_i32_0 = arith.constant 0 : i32
    %c0_i32_1 = arith.constant 0 : i32
    return %c0_i32, %c0_i32_0 : i32, i32
  }
  func.func @transform_3(%arg0: i32) -> (i32, i32) {
    %c0_i32 = arith.constant 0 : i32
    %c0_i32_0 = arith.constant 0 : i32
    %c0_i32_1 = arith.constant 0 : i32
    return %c0_i32, %c0_i32_0 : i32, i32
  }
  func.func @transform_4(%arg0: i32) -> (i32, i32) {
    %c0_i32 = arith.constant 0 : i32
    %c0_i32_0 = arith.constant 0 : i32
    return %arg0, %c0_i32 : i32, i32
  }
}

</mosaic_0001>

<sc_bundles>
// kernel: kernel.4.cloned.1.call-start
scs
__scs_entry_jumppad:
0x0: {  	(pc) =	sbr.rel $0x88, $3  }
0x1: {  	(tag) =	ssettag $0x0;
	lr =	simm.s32 $0x1  }
0x2: {  	[smem:$0x3F9D] =	sst lr;
	_ =	strace $0xD0000000  }
0x3: {  	_ = 	snop  }
0x4: {  	_ = 	snop  }
0x5: {  	_ = 	snop  }
0x6: {  	_ = 	snop  }
0x7: {  	_ = 	snop  }
__scs_overlays_trampoline_lowered:
0x8: {  	[smem:$0x3FAC] =	sst s0  }
0x9: {  	[smem:$0x3FAD] =	sst s1  }
0xa: {  	[smem:$0x3FAE] =	sst s2  }
0xb: {  	[smem:$0x3FAF] =	sst s3  }
0xc: {  	[smem:$0x3FB0] =	sst s4  }
0xd: {  	[smem:$0x3FB1] =	sst s5  }
0xe: {  	[smem:$0x3FB2] =	sst s6  }
0xf: {  	[smem:$0x3FB3] =	sst s7  }
0x10: {  	[smem:$0x3FB4] =	sst s8  }
0x11: {  	[smem:$0x3FB5] =	sst s9;
	s0 =	simm.s32 @!p0 $0x0  }
0x12: {  	s1 =	sld [smem:$0x3F9B];
	s0 =	simm.s32 @p0 $0x1  }
0x13: {  	[smem:$0x3FB6] =	sst s0;
	s0 =	simm.s32 @!p1 $0x0  }
0x14: {  	s2 =	sld [smem:$0x3F9A];
	s0 =	simm.s32 @p1 $0x1  }
0x15: {  	[smem:$0x3FB7] =	sst s0;
	s0 =	simm.s32 @!p2 $0x0  }
0x16: {  	s3 =	sld [smem:$0x3FDB];
	s0 =	simm.s32 @p2 $0x1  }
0x17: {  	s4 =	simm.s32 $0x1BF5;
	[smem:$0x3FB9] =	sst s0  }
0x18: {  	s0 =	sld [smem:$0x3F9C];
	_ =	swait.ge [sflag:s4], $0x0  }
0x19: {  	s7 =	sld [smem:$0x3F9D]  }
0x1a: {  	s8 =	sadd.s32 $0xFFFFE003, lr  }
0x1b: {  	s9 =	sadd.s32 $0xFFFFFEF7, lr;
	s5 =	simm.s32 $0xFFFFFFFF;
	p2 =	slt.u32 s8, $0xFFFFF086  }
0x1c: {  	p1 =	slt.u32 s9, $0xF7A;
	s5 =	simm.s32 @!p2 $0x0  }
0x1d: {  	s5 =	simm.s32 @p1 $0x1;
	p0 =	seq.s32 s7, s2  }
0x1e: {  	s7 =	smul.u32 @!p0 $0xF7A, s2;
	p2 =	seq.s32 @!p0 s5, $0x0  }
0x1f: {  	s9 =	smul.u32 $0xF7A, s1;
	s8 =	simm.s32 @!p0 $0x1BF5;
	p2 =	por !p2, p0  }
0x20: {  	[sflag:s8] =	ssyncset.s32 @!p0 $0xFFFFF086;
	s6 =	sadd.s32 @!p0 s3, s7;
	s7 =	simm.s32 @!p0 $0x108  }
0x21: {  	s3 =	sadd.s32 s3, s9;
	s6 =	sadd.s32 @!p0 $0x88, s6;
	s7 =	simm.s32 @p2 $0x1082  }
0x22: {  	[simem:s7], [sflag:s8] =	dma.local @!p0 [hbm:s6], $0xF7A  }
0x23: {  	s9 =	sor.u32 $0xD0000000, s2;
	s6 =	simm.s32 $0x108;
	_ =	swait.ge @!p0 [sflag:s8], $0x0  }
0x24: {  	s3 =	sadd.s32 $0x88, s3;
	s6 =	simm.s32 @!p1 $0x1082;
	[sflag:s4] =	ssyncset.s32 $0xFFFFF086  }
0x25: {  	[simem:s6], [sflag:s4] =	dma.local [hbm:s3], $0xF7A  }
0x26: {  	[smem:$0x3F9D] =	sst s1;
	(tag) =	ssettag s2;
	_ =	strace s9  }
0x27: {  	s1 =	sld [smem:$0x3FAD]  }
0x28: {  	s2 =	sld [smem:$0x3FAE]  }
0x29: {  	s4 =	sld [smem:$0x3FB0]  }
0x2a: {  	p0 =	seq.s32 s5, $0x0;
	s5 =	sld [smem:$0x3FB1]  }
0x2b: {  	s6 =	sld [smem:$0x3FB2]  }
0x2c: {  	s7 =	sld [smem:$0x3FB3]  }
0x2d: {  	s3 =	simm.s32 $0x108;
	s8 =	sld [smem:$0x3FB4]  }
0x2e: {  	s3 =	simm.s32 @!p0 $0x1082;
	s9 =	sld [smem:$0x3FB5]  }
0x2f: {  	lr =	sadd.s32 s0, s3;
	s0 =	sld [smem:$0x3FAC]  }
0x30: {  	s3 =	sld [smem:$0x3FAF]  }
0x31: {  	[smem:$0x3FB8] =	sst s10  }
0x32: {  	s10 =	sld [smem:$0x3FB6];
	_ =	sdelay $0x3  }
0x33: {  	p0 =	seq.s32 s10, $0x1;
	s10 =	sld [smem:$0x3FB8];
	_ =	sdelay $0x3  }
0x34: {  	[smem:$0x3FB8] =	sst s10  }
0x35: {  	s10 =	sld [smem:$0x3FB7];
	_ =	sdelay $0x3  }
0x36: {  	p1 =	seq.s32 s10, $0x1;
	s10 =	sld [smem:$0x3FB8];
	_ =	sdelay $0x3  }
0x37: {  	[smem:$0x3FB8] =	sst s10  }
0x38: {  	s10 =	sld [smem:$0x3FB9]  }
0x39: {  	_ = 	snop;
	(pc) =	sbr.ind lr, $3  }
0x3a: {  	_ = 	snop  }
0x3b: {  	_ = 	snop  }
0x3c: {  	p2 =	seq.s32 s10, $0x1;
	s10 =	sld [smem:$0x3FB8]  }
0x3d: {  	_ =	shalt  }
0x3e: {  	_ =	shalt  }
0x3f: {  	_ =	shalt  }
0x40: {  	_ =	shalt  }
0x41: {  	_ =	shalt  }
0x42: {  	_ =	shalt  }
0x43: {  	_ =	shalt  }
0x44: {  	_ =	shalt  }
0x45: {  	_ =	shalt  }
0x46: {  	_ =	shalt  }
0x47: {  	_ =	shalt  }
0x48: {  	_ =	shalt  }
0x49: {  	_ =	shalt  }
0x4a: {  	_ =	shalt  }
0x4b: {  	_ =	shalt  }
0x4c: {  	_ =	shalt  }
0x4d: {  	_ =	shalt  }
0x4e: {  	_ =	shalt  }
0x4f: {  	_ =	shalt  }
0x50: {  	_ =	shalt  }
0x51: {  	_ =	shalt  }
0x52: {  	_ =	shalt  }
0x53: {  	_ =	shalt  }
0x54: {  	_ =	shalt  }
0x55: {  	_ =	shalt  }
0x56: {  	_ =	shalt  }
0x57: {  	_ =	shalt  }
0x58: {  	_ =	shalt  }
0x59: {  	_ =	shalt  }
0x5a: {  	_ =	shalt  }
0x5b: {  	_ =	shalt  }
0x5c: {  	_ =	shalt  }
0x5d: {  	_ =	shalt  }
0x5e: {  	_ =	shalt  }
0x5f: {  	_ =	shalt  }
0x60: {  	_ =	shalt  }
0x61: {  	_ =	shalt  }
0x62: {  	_ =	shalt  }
0x63: {  	_ =	shalt  }
0x64: {  	_ =	shalt  }
0x65: {  	_ =	shalt  }
0x66: {  	_ =	shalt  }
0x67: {  	_ =	shalt  }
0x68: {  	_ =	shalt  }
0x69: {  	_ =	shalt  }
0x6a: {  	_ =	shalt  }
0x6b: {  	_ =	shalt  }
0x6c: {  	_ =	shalt  }
0x6d: {  	_ =	shalt  }
0x6e: {  	_ =	shalt  }
0x6f: {  	_ =	shalt  }
0x70: {  	_ =	shalt  }
0x71: {  	_ =	shalt  }
0x72: {  	_ =	shalt  }
0x73: {  	_ =	shalt  }
0x74: {  	_ =	shalt  }
0x75: {  	_ =	shalt  }
0x76: {  	_ =	shalt  }
0x77: {  	_ =	shalt  }
0x78: {  	_ =	shalt  }
0x79: {  	_ =	shalt  }
0x7a: {  	_ =	shalt  }
0x7b: {  	_ =	shalt  }
0x7c: {  	_ =	shalt  }
0x7d: {  	_ =	shalt  }
0x7e: {  	_ =	shalt  }
0x7f: {  	_ =	shalt  }
0x80: {  	_ =	shalt  }
0x81: {  	_ =	shalt  }
0x82: {  	_ =	shalt  }
0x83: {  	_ =	shalt  }
0x84: {  	_ =	shalt  }
0x85: {  	_ =	shalt  }
0x86: {  	_ =	shalt  }
0x87: {  	_ =	shalt  }
.Lfunc_end0:
.L_simem_size_0:
called_computation_lowered:
.L_overlay_start_0:
0x88: {  	s2 =	sld [smem:$0x3FD9]  }
0x89: {  	s3 =	sld [smem:$0x3FFE];
	_ =	sdelay $0x1  }
0x8a: {  	s1 =	srdreg.scid  }
0x8b: {  	s0 =	sand.u32 $0x1, s1  }
0x8c: {  	s17 =	sshll.u32 s0, $0xA;
	s2 =	sadd.s32 s3, s2  }
0x8d: {  	s2 =	sadd.s32 s2, s17  }
0x8e: {  	[smem:$0x3FC4] =	sst s2  }
0x8f: {  	_ = 	snop  }
0x90: {  	s2 =	sld [smem:$0x3FC9]  }
0x91: {  	s18 =	sld [smem:$0x3FD0];
	(tm) =	ssettm $0x1  }
0x92: {  	s4 =	sld [smem:$0x3FFB];
	_ =	sdelay $0x3  }
0x93: {  	_ =	strace s4  }
0x94: {  	s4 =	sld [smem:$0x3FFC];
	_ =	sdelay $0x3  }
0x95: {  	_ =	strace s4  }
0x96: {  	s4 =	sld [smem:$0x3FFD];
	_ =	sdelay $0x3  }
0x97: {  	_ =	strace s4  }
0x98: {  	_ =	strace $0x8FFFFFFF  }
0x99: {  	s19 =	sld [smem:$0x3FDB];
	_ =	sdelay $0x1  }
0x9a: {  	s5 =	simm.s32 $_scs_section_size  }
0x9b: {  	s6 =	simm.s32 $_size__tile_overlayer_lowered;
	s7 =	simm.s32 $_tile_overlayer_lowered  }
0x9c: {  	s22 =	simm.s32 $0x1BFF;
	s21 =	sshll.u32 s7, $0x1;
	s4 =	sadd.s32 s5, s19  }
0x9d: {  	s8 =	simm.s32 $0x0;
	s20 =	sshll.u32 s6, $0x1;
	s6 =	sadd.s32 s21, s4  }
0x9e: {  	[timem:s8], [sflag:s22] =	dma.local [hbm:s6], s20  }
0x9f: {  	_ =	swait.ge [sflag:s22], s20  }
0xa0: {  	s5 =	ssub.s32 $0x0, s20;
	[sflag:s22] =	ssyncset.done $0x0  }
0xa1: {  	[sflag:s22] =	ssyncadd.s32 s5;
	_ =	sdelay $0x1  }
0xa2: {  	s23 =	simm.s32 $0x1B8B  }
0xa3: {  	_ =	swait.ge [sflag:s23], $0x1  }
0xa4: {  	[sflag:s23] =	ssyncset.done $0x0  }
0xa5: {  	s25 =	simm.s32 $0x1B8E;
	s24 =	sld [smem:$0x3FFE];
	[sflag:s23] =	ssyncadd.s32 $0xFFFFFFFF  }
0xa6: {  	s26 =	simm.s32 $execute0_lowered;
	[smem:$0x3FD2] =	sst s25  }
0xa7: {  	s6 =	sshll.u32 s26, $0x1;
	_ =	strace $0x80000046;
	[dreg:$0x1] =	wrdreg $0xFFFFFFFF  }
0xa8: {  	s28 =	simm.s32 $_size_execute0_lowered;
	s4 =	sadd.s32 s4, s6;
	[dreg:$0x0] =	wrdreg $0x0  }
0xa9: {  	s6 =	sshll.u32 s28, $0x1;
	[dreg:$0x2] =	wrdreg s4  }
0xaa: {  	[dreg:$0x3] =	wrdreg s6  }
0xab: {  	[dreg:$0x4] =	wrdreg $0xC0  }
0xac: {  	_ =	task [dreg:s8], $0x5FFFF  }
0xad: {  	[dreg:$0x1] =	wrdreg $0xFFFFFFFF  }
0xae: {  	[dreg:$0x0] =	wrdreg $0x60  }
0xaf: {  	[dreg:$0x2] =	wrdreg s2  }
0xb0: {  	[dreg:$0x3] =	wrdreg s18  }
0xb1: {  	[dreg:$0x4] =	wrdreg s24  }
0xb2: {  	[dreg:$0x5] =	wrdreg $0xC4000  }
0xb3: {  	[dreg:$0x6] =	wrdreg $0x9  }
0xb4: {  	_ =	task.clear_ibuf [dreg:s8], $0x7FFFF;
	_ =	strace $0x90000046  }
0xb5: {  	s29 =	simm.s32 $0x9;
	_ =	strace $0x80000048  }
0xb6: {  	_ =	swait.ge [sflag:s29], $0x1  }
0xb7: {  	[sflag:s29] =	ssyncadd.s32 $0xFFFFFFFF  }
0xb8: {  	_ =	strace $0x90000048  }
0xb9: {  	_ =	sfence  }
0xba: {  	s30 =	sld [smem:$0x0];
	_ =	sdelay $0x2  }
0xbb: {  	s31 =	sshll.u32 s1, $0xD;
	s1 =	sshrl.u32 s1, $0x2  }
0xbc: {  	s3 =	sand.u32 $0x4000, s31;
	s1 =	sadd.s32 s1, s30  }
0xbd: {  	s0 =	sor.u32 s3, s0;
	s1 =	sshll.u32 s1, $0x11  }
0xbe: {  	s0 =	sor.u32 s1, s0  }
0xbf: {  	s0 =	sadd.s32 $0x8F2B, s0  }
0xc0: {  	[sflag:s0] =	ssyncadd.remote.s32 $0x1  }
0xc1: {  	_ =	sfence.sel $0xFFFF  }
0xc2: {  	[dreg:$0x0] =	wrdreg $0xFFFFFFFF;
	(pc) =	sbr.abs _section_cstart, $3  }
0xc3: {  	[dreg:$0x1] =	wrdreg $0xFFFFFFFF  }
0xc4: {  	_ =	task.clear_ibuf [dreg:s8], $0x2FFFF;
	_ =	strace $0x9FFFFFFF  }
0xc5: {  	(tm) =	ssettm $0x7FFFFFFF  }
tec
execute0_lowered:
.L_overlay_start_1:
0x0: {  	(tag) =	ssettag $0x1  }
0x1: {  	s1 =	rddreg [dreg:$0x0]  }
0x2: {  	s5 =	rddreg [dreg:$0x1]  }
0x3: {  	s0 =	rddreg [dreg:$0x2]  }
0x4: {  	s2 =	rddreg [dreg:$0x3];
	s3 =	simm.s32 $0x0;
	s4 =	srdreg.scid  }
0x5: {  	s20 =	stileid.u32;
	s25 =	simm.s32 $0x4200;
	s26 =	simm.s32 $0x4280  }
0x6: {  	[smem:$0x7FF] =	sst s3;
	s4 =	sand.u32 $0x1, s4;
	s8 =	sshll.u32 s20, $0x9  }
0x7: {  	s9 =	sshll.u32 s20, $0xB;
	s10 =	smul.u32 $0x13C00, s20;
	s11 =	sadd.s32 $0xE00, s0  }
0x8: {  	_ =	strace $0x80000047;
	s6 =	ssub.s32 $0x2, s4;
	[dreg:$0x5] =	wrdreg s25  }
0x9: {  	p1 =	seq.s32 s4, $0x0;
	s8 =	sor.u32 $0x8000, s8;
	[dreg:$0x6] =	wrdreg s26  }
0xa: {  	p0 =	sne.s32 s4, $0x0;
	s7 =	sshrl.u32 s6, $0x1;
	s8 =	smov.u32 @p1 s9  }
0xb: {  	s12 =	sadd.s32 $0x8000, s10;
	s13 =	sadd.s32 $0xA000, s10;
	s14 =	sadd.s32 $0xC000, s10  }
0xc: {  	s15 =	sadd.s32 $0xE000, s10;
	s17 =	sadd.s32 $0x10000, s10;
	s0 =	ssub.s32 s6, s7  }
0xd: {  	s28 =	sadd.s32 s5, s8;
	s5 =	sadd.s32 s9, s5;
	s6 =	sadd.s32 $0x2000, s10  }
0xe: {  	s7 =	sadd.s32 $0x4000, s10;
	s8 =	sadd.s32 $0x6000, s10;
	s9 =	smul.u32 $0x13C000, s4  }
0xf: {  	s31 =	sadd.s32 s15, s2;
	s4 =	simm.s32 $0x5;
	[dreg:$0x9] =	wrdreg s28  }
0x10: {  	s25 =	sadd.s32 $0x200, s5;
	s26 =	sadd.s32 $0x400, s5;
	s5 =	sadd.s32 $0x600, s5  }
0x11: {  	s0 =	smax.u32 s0, $0x1;
	[dreg:$0x1a] =	wrdreg s31;
	s16 =	sadd.s32 s10, s9  }
0x12: {  	s10 =	sadd.s32 $0x12000, s10;
	s18 =	sadd.s32 s9, s6;
	[dreg:$0x14] =	wrdreg s25  }
0x13: {  	s30 =	sadd.s32 s9, s7;
	s21 =	sadd.s32 s9, s8;
	[dreg:$0x15] =	wrdreg s26  }
0x14: {  	s23 =	sadd.s32 s9, s12;
	s28 =	sadd.s32 s9, s13;
	[dreg:$0x16] =	wrdreg s5  }
0x15: {  	s25 =	sadd.s32 s14, s2;
	[dreg:$0x1d] =	wrdreg s0;
	s5 =	simm.s32 $0x4400  }
0x16: {  	s16 =	sshrl.u32 s16, $0x3;
	s29 =	sshrl.u32 s18, $0x3;
	s19 =	sshrl.u32 s30, $0x3  }
0x17: {  	s22 =	sshrl.u32 s21, $0x3;
	s21 =	simm.s32 $0x4300;
	[dreg:$0x19] =	wrdreg s25  }
0x18: {  	s24 =	sshrl.u32 s23, $0x3;
	s23 =	simm.s32 $0x4380;
	[dreg:$0x7] =	wrdreg s21  }
0x19: {  	s16 =	sadd.s32 s11, s16;
	[dreg:$0x8] =	wrdreg s23;
	s21 =	sadd.s32 s7, s2  }
0x1a: {  	s23 =	sadd.s32 s12, s2;
	s7 =	simm.s32 $0x6400;
	[dreg:$0xa] =	wrdreg s16  }
0x1b: {  	s12 =	simm.s32 $0x4;
	s16 =	sadd.s32 s11, s29;
	[dreg:$0x17] =	wrdreg s23  }
0x1c: {  	s29 =	sadd.s32 s9, s14;
	s14 =	simm.s32 $0x0;
	[dreg:$0xb] =	wrdreg s16  }
0x1d: {  	s16 =	sadd.s32 s11, s19;
	s18 =	sshrl.u32 s29, $0x3;
	s19 =	sadd.s32 s9, s15  }
0x1e: {  	s29 =	sadd.s32 s10, s2;
	[dreg:$0xc] =	wrdreg s16;
	s16 =	sadd.s32 s11, s22  }
0x1f: {  	s30 =	sadd.s32 s11, s18;
	s18 =	sshrl.u32 s19, $0x3;
	s19 =	sadd.s32 s9, s17  }
0x20: {  	s9 =	sadd.s32 s9, s10;
	s22 =	smul.u32 $0x4F000, s20;
	[dreg:$0x1c] =	wrdreg s29  }
0x21: {  	s20 =	sadd.s32 s6, s2;
	s6 =	simm.s32 $0x40;
	[dreg:$0xd] =	wrdreg s16  }
0x22: {  	s16 =	sadd.s32 s11, s24;
	[dreg:$0x10] =	wrdreg s30;
	s9 =	sshrl.u32 s9, $0x3  }
0x23: {  	[dreg:$0xe] =	wrdreg s16;
	s16 =	sshrl.u32 s28, $0x3;
	s9 =	sadd.s32 s11, s9  }
0x24: {  	s10 =	simm.s32 $0x2;
	s16 =	sadd.s32 s11, s16;
	[dreg:$0x13] =	wrdreg s9  }
0x25: {  	s24 =	sshrl.u32 s22, $0x2;
	[dreg:$0xf] =	wrdreg s16;
	s16 =	sadd.s32 s11, s18  }
0x26: {  	s28 =	sadd.s32 s17, s2;
	[dreg:$0x11] =	wrdreg s16;
	s16 =	sshrl.u32 s19, $0x3  }
0x27: {  	s22 =	sadd.s32 s8, s2;
	[dreg:$0x1b] =	wrdreg s28;
	s16 =	sadd.s32 s11, s16  }
0x28: {  	s8 =	simm.s32 $0x8400;
	[dreg:$0x12] =	wrdreg s16;
	s16 =	simm.s32 $0x100  }
0x29: {  	s19 =	sadd.s32 s24, s2;
	s24 =	sadd.s32 s13, s2;
	s16 =	simm.s32 @!p1 $0x40  }
0x2a: {  	s9 =	simm.s32 $0x1;
	[dreg:$0x18] =	wrdreg s24;
	s30 =	sshrl.u32 s16, $0x2  }
0x2b: {  	v0 =	vimm.f32 $0.0e+00;
	s13 =	simm.s32 $0xA400;
	s11 =	simm.s32 $0x3;
	[dreg:$0x1e] =	wrdreg s30  }
.LBB2_1:
0x2c: {  	s0 =	rddreg [dreg:$0x9]  }
0x2d: {  	[tilespmem:s3], [sflag:$0x5] =	stream.linear.gather [hbm4b:s0+s3], $0x1000, $0x38;
	v63 =	vld [tilespmem:$0x0]  }
0x2e: {  	_ =	swait.ge [sflag:s4], $0x1000  }
0x2f: {  	s15 =	simm.s32 @!p0 $0x1000;
	[sflag:s4] =	ssyncset.done $0x0  }
0x30: {  	s0 =	simm.s32 @!p0 $0x0;
	s17 =	rddreg [dreg:$0x14];
	[sflag:s4] =	ssyncadd.s32 $0xFFFFF000  }
0x31: {  	[tilespmem:s15], [sflag:$0x5] =	stream.linear.gather @!p0 [hbm4b:s17+s0], $0x1000, $0x38;
	v63 =	vld [tilespmem:$0x0]  }
0x32: {  	s15 =	simm.s32 @!p0 $0x5  }
0x33: {  	_ =	swait.ge @!p0 [sflag:s15], $0x1000  }
0x34: {  	[sflag:s15] =	ssyncset.done @!p0 $0x0  }
0x35: {  	s17 =	simm.s32 @!p0 $0x2000;
	s18 =	rddreg [dreg:$0x15];
	[sflag:s15] =	ssyncadd.s32 @!p0 $0xFFFFF000  }
0x36: {  	[tilespmem:s17], [sflag:$0x5] =	stream.linear.gather @!p0 [hbm4b:s18+s0], $0x1000, $0x38;
	v63 =	vld [tilespmem:$0x0]  }
0x37: {  	_ =	swait.ge @!p0 [sflag:s15], $0x1000  }
0x38: {  	[sflag:s15] =	ssyncset.done @!p0 $0x0  }
0x39: {  	s17 =	simm.s32 @!p0 $0x3000;
	s18 =	rddreg [dreg:$0x16];
	[sflag:s15] =	ssyncadd.s32 @!p0 $0xFFFFF000  }
0x3a: {  	[tilespmem:s17], [sflag:$0x5] =	stream.linear.gather @!p0 [hbm4b:s18+s0], $0x1000, $0x38;
	v63 =	vld [tilespmem:$0x0]  }
0x3b: {  	_ =	swait.ge @!p0 [sflag:s15], $0x1000  }
0x3c: {  	[sflag:s15] =	ssyncset.done @!p0 $0x0  }
0x3d: {  	s0 =	simm.s32 $0x0;
	[sflag:s15] =	ssyncadd.s32 @!p0 $0xFFFFF000;
	s15 =	simm.s32 $0x200  }
.LBB2_2:
0x3e: {  	p1 =	sne.s32 s15, $0x7E00;
	[tilespmem:s0+$0x4470] =	vst v0  }
0x3f: {  	[tilespmem:s0+$0x4400] =	vst v0  }
0x40: {  	[tilespmem:s0+$0x4410] =	vst v0  }
.Ltmp0:
0x41: {  	[tilespmem:s0+$0x4420] =	vst v0;
	(pc) =	sbr.rel @p1 .LBB2_2-.Ltmp0, $4  }
0x42: {  	[tilespmem:s0+$0x4430] =	vst v0  }
0x43: {  	[tilespmem:s0+$0x4440] =	vst v0  }
0x44: {  	[tilespmem:s0+$0x4450] =	vst v0  }
0x45: {  	[tilespmem:s0+$0x4460] =	vst v0;
	s0 =	sshra.s32 s15, $0x2;
	s15 =	sadd.s32 $0x200, s15  }
0x46: {  	[tilespmem:s0+$0x4470] =	vst v0  }
0x47: {  	[tilespmem:s0+$0x4400] =	vst v0  }
0x48: {  	[tilespmem:s0+$0x4410] =	vst v0  }
0x49: {  	[tilespmem:s0+$0x4420] =	vst v0  }
0x4a: {  	[tilespmem:s0+$0x4430] =	vst v0  }
0x4b: {  	[tilespmem:s0+$0x4440] =	vst v0  }
0x4c: {  	[tilespmem:s0+$0x4450] =	vst v0  }
0x4d: {  	[tilespmem:s0+$0x4460] =	vst v0  }
0x4e: {  	[spmem:s19] =	stream.linear.scatter [tilespmem:s5], [sflag:$0x5], $0x2000, $0x38;
	v63 =	vld [tilespmem:$0x0]  }
0x4f: {  	_ =	swait.ge [sflag:s4], $0x2000  }
0x50: {  	[sflag:s4] =	ssyncset.done $0x0  }
0x51: {  	[sflag:s4] =	ssyncadd.s32 $0xFFFFE000  }
0x52: {  	[spmem:s20] =	stream.linear.scatter [tilespmem:s5], [sflag:$0x5], $0x2000, $0x38;
	v63 =	vld [tilespmem:$0x0]  }
0x53: {  	_ =	swait.ge [sflag:s4], $0x2000  }
0x54: {  	[sflag:s4] =	ssyncset.done $0x0  }
0x55: {  	[sflag:s4] =	ssyncadd.s32 $0xFFFFE000  }
0x56: {  	[spmem:s21] =	stream.linear.scatter [tilespmem:s5], [sflag:$0x5], $0x2000, $0x38;
	v63 =	vld [tilespmem:$0x0]  }
0x57: {  	_ =	swait.ge [sflag:s4], $0x2000  }
0x58: {  	[sflag:s4] =	ssyncset.done $0x0  }
0x59: {  	[sflag:s4] =	ssyncadd.s32 $0xFFFFE000  }
0x5a: {  	[spmem:s22] =	stream.linear.scatter [tilespmem:s5], [sflag:$0x5], $0x2000, $0x38;
	v63 =	vld [tilespmem:$0x0]  }
0x5b: {  	_ =	swait.ge [sflag:s4], $0x2000  }
0x5c: {  	[sflag:s4] =	ssyncset.done $0x0  }
0x5d: {  	[sflag:s4] =	ssyncadd.s32 $0xFFFFE000  }
0x5e: {  	[spmem:s23] =	stream.linear.scatter [tilespmem:s5], [sflag:$0x5], $0x2000, $0x38;
	v63 =	vld [tilespmem:$0x0]  }
0x5f: {  	_ =	swait.ge [sflag:s4], $0x2000  }
0x60: {  	[sflag:s4] =	ssyncset.done $0x0  }
0x61: {  	[sflag:s4] =	ssyncadd.s32 $0xFFFFE000  }
0x62: {  	[spmem:s24] =	stream.linear.scatter [tilespmem:s5], [sflag:$0x5], $0x2000, $0x38;
	v63 =	vld [tilespmem:$0x0]  }
0x63: {  	_ =	swait.ge [sflag:s4], $0x2000  }
0x64: {  	[sflag:s4] =	ssyncset.done $0x0  }
0x65: {  	[sflag:s4] =	ssyncadd.s32 $0xFFFFE000  }
0x66: {  	[spmem:s25] =	stream.linear.scatter [tilespmem:s5], [sflag:$0x5], $0x2000, $0x38;
	v63 =	vld [tilespmem:$0x0]  }
0x67: {  	_ =	swait.ge [sflag:s4], $0x2000  }
0x68: {  	[sflag:s4] =	ssyncset.done $0x0  }
0x69: {  	[sflag:s4] =	ssyncadd.s32 $0xFFFFE000  }
0x6a: {  	[spmem:s31] =	stream.linear.scatter [tilespmem:s5], [sflag:$0x5], $0x2000, $0x38;
	v63 =	vld [tilespmem:$0x0]  }
0x6b: {  	_ =	swait.ge [sflag:s4], $0x2000  }
0x6c: {  	[sflag:s4] =	ssyncset.done $0x0  }
0x6d: {  	s17 =	rddreg [dreg:$0x1b];
	[sflag:s4] =	ssyncadd.s32 $0xFFFFE000  }
0x6e: {  	[spmem:s17] =	stream.linear.scatter [tilespmem:s5], [sflag:$0x5], $0x2000, $0x38;
	v63 =	vld [tilespmem:$0x0]  }
0x6f: {  	_ =	swait.ge [sflag:s4], $0x2000  }
0x70: {  	[sflag:s4] =	ssyncset.done $0x0  }
0x71: {  	s18 =	rddreg [dreg:$0x1c];
	[sflag:s4] =	ssyncadd.s32 $0xFFFFE000  }
0x72: {  	[spmem:s18] =	stream.linear.scatter [tilespmem:s5], [sflag:$0x5], $0x1C00, $0x38;
	v63 =	vld [tilespmem:$0x0]  }
0x73: {  	_ =	swait.ge [sflag:s4], $0x1C00  }
0x74: {  	[sflag:s4] =	ssyncset.done $0x0  }
0x75: {  	[sflag:s4] =	ssyncadd.s32 $0xFFFFE400  }
0x76: {  	[bflag:$0x0] =	sbarrier.arrive $0xFFFF  }
0x77: {  	v1 =	vld [tilespmem:$0x0];
	_ =	sdelay $0x1  }
0x78: {  	v2 =	vld [tilespmem:$0x10];
	_ =	sdelay $0x1  }
0x79: {  	v3 =	vld [tilespmem:$0x20]  }
0x7a: {  	v4 =	vand.u32 $0x3FFF, v1  }
0x7b: {  	v58 =	vld [tilespmem:$0x30];
	v1 =	vshrl.u32 v1, $0xE;
	[tilespmem:$0x4000] =	vst v4  }
0x7c: {  	[tilespmem:$0x4200] =	vst v1;
	v1 =	vand.u32 $0x3FFF, v2  }
0x7d: {  	[tilespmem:$0x4010] =	vst v1;
	v1 =	vshrl.u32 v2, $0xE  }
0x7e: {  	[tilespmem:$0x4210] =	vst v1;
	v1 =	vand.u32 $0x3FFF, v3  }
0x7f: {  	[tilespmem:$0x4020] =	vst v1;
	v1 =	vshrl.u32 v3, $0xE  }
0x80: {  	[tilespmem:$0x4220] =	vst v1;
	v1 =	vand.u32 $0x3FFF, v58  }
0x81: {  	[tilespmem:$0x4030] =	vst v1;
	v1 =	vshrl.u32 v58, $0xE  }
0x82: {  	s26 =	smov.u32 s19;
	s19 =	simm.s32 $0x4000;
	[tilespmem:$0x4230] =	vst v1  }
0x83: {  	[tilespmem:s5], [sflag:$0x1] =	stream.indirect.gather [hbm4b:s1+s6], $0x80, s19, s6, $0xb8;
	v63 =	vld [tilespmem:$0x0]  }
0x84: {  	v1 =	vld [tilespmem:$0x40];
	_ =	sdelay $0x1  }
0x85: {  	v2 =	vld [tilespmem:$0x50];
	_ =	sdelay $0x1  }
0x86: {  	v3 =	vld [tilespmem:$0x60]  }
0x87: {  	v59 =	vand.u32 $0x3FFF, v1  }
0x88: {  	v60 =	vld [tilespmem:$0x70];
	v1 =	vshrl.u32 v1, $0xE;
	[tilespmem:$0x4080] =	vst v59  }
0x89: {  	[tilespmem:$0x4280] =	vst v1;
	v1 =	vand.u32 $0x3FFF, v2  }
0x8a: {  	[tilespmem:$0x4090] =	vst v1;
	v1 =	vshrl.u32 v2, $0xE  }
0x8b: {  	[tilespmem:$0x4290] =	vst v1;
	v1 =	vand.u32 $0x3FFF, v3  }
0x8c: {  	[tilespmem:$0x40A0] =	vst v1;
	v1 =	vshrl.u32 v3, $0xE  }
0x8d: {  	[tilespmem:$0x42A0] =	vst v1;
	v1 =	vand.u32 $0x3FFF, v60  }
0x8e: {  	[tilespmem:$0x40B0] =	vst v1;
	v1 =	vshrl.u32 v60, $0xE  }
0x8f: {  	s28 =	smov.u32 s20;
	s20 =	simm.s32 $0x4080;
	[tilespmem:$0x42B0] =	vst v1  }
0x90: {  	[tilespmem:s7], [sflag:$0x2] =	stream.indirect.gather [hbm4b:s1+s6], $0x80, s20, s6, $0xb8;
	v63 =	vld [tilespmem:$0x0]  }
0x91: {  	v1 =	vld [tilespmem:$0x80];
	_ =	sdelay $0x1  }
0x92: {  	v2 =	vld [tilespmem:$0x90];
	_ =	sdelay $0x1  }
0x93: {  	v3 =	vld [tilespmem:$0xA0]  }
0x94: {  	v61 =	vand.u32 $0x3FFF, v1  }
0x95: {  	v62 =	vld [tilespmem:$0xB0];
	v1 =	vshrl.u32 v1, $0xE;
	[tilespmem:$0x4100] =	vst v61  }
0x96: {  	[tilespmem:$0x4300] =	vst v1;
	v1 =	vand.u32 $0x3FFF, v2  }
0x97: {  	[tilespmem:$0x4110] =	vst v1;
	v1 =	vshrl.u32 v2, $0xE  }
0x98: {  	[tilespmem:$0x4310] =	vst v1;
	v1 =	vand.u32 $0x3FFF, v3  }
0x99: {  	[tilespmem:$0x4120] =	vst v1;
	v1 =	vshrl.u32 v3, $0xE  }
0x9a: {  	[tilespmem:$0x4320] =	vst v1;
	v1 =	vand.u32 $0x3FFF, v62  }
0x9b: {  	[tilespmem:$0x4130] =	vst v1;
	v1 =	vshrl.u32 v62, $0xE  }
0x9c: {  	s29 =	smov.u32 s21;
	s21 =	simm.s32 $0x4100;
	[tilespmem:$0x4330] =	vst v1  }
0x9d: {  	[tilespmem:s8], [sflag:$0x3] =	stream.indirect.gather [hbm4b:s1+s6], $0x80, s21, s6, $0xb8;
	v63 =	vld [tilespmem:$0x0]  }
0x9e: {  	_ =	swait.ge [sflag:s9], $0x2000  }
0x9f: {  	[sflag:s9] =	ssyncset.done $0x0  }
0xa0: {  	s15 =	simm.s32 $0x1B0;
	p1 =	sle.u32 s16, $0x3;
	[sflag:s9] =	ssyncadd.s32 $0xFFFFE000  }
0xa1: {  	v1 =	vld @!p1 [tilespmem:s15+$0xFFFFFF10];
	_ =	sdelay $0x4  }
0xa2: {  	v2 =	vand.u32 @!p1 $0x3FFF, v1  }
0xa3: {  	s17 =	simm.s32 $0xC0;
	v1 =	vshrl.u32 @!p1 v1, $0xE;
	[tilespmem:$0x4180] =	vst @!p1 v2  }
0xa4: {  	s0 =	sor.u32 @!p1 $0x50, s17;
	[tilespmem:$0x4380] =	vst @!p1 v1  }
0xa5: {  	v1 =	vld @!p1 [tilespmem:s0+$0x0];
	_ =	sdelay $0x4  }
0xa6: {  	v2 =	vand.u32 @!p1 $0x3FFF, v1  }
0xa7: {  	v1 =	vshrl.u32 @!p1 v1, $0xE;
	[tilespmem:$0x4190] =	vst @!p1 v2  }
0xa8: {  	s0 =	sor.u32 @!p1 $0x60, s17;
	[tilespmem:$0x4390] =	vst @!p1 v1  }
0xa9: {  	v1 =	vld @!p1 [tilespmem:s0+$0x0];
	_ =	sdelay $0x4  }
0xaa: {  	v2 =	vand.u32 @!p1 $0x3FFF, v1  }
0xab: {  	v1 =	vshrl.u32 @!p1 v1, $0xE;
	[tilespmem:$0x41A0] =	vst @!p1 v2  }
0xac: {  	s0 =	sor.u32 @!p1 $0x70, s17;
	[tilespmem:$0x43A0] =	vst @!p1 v1  }
0xad: {  	v1 =	vld @!p1 [tilespmem:s0+$0x0];
	_ =	sdelay $0x4  }
0xae: {  	v2 =	vand.u32 @!p1 $0x3FFF, v1  }
0xaf: {  	v1 =	vshrl.u32 @!p1 v1, $0xE;
	[tilespmem:$0x41B0] =	vst @!p1 v2  }
0xb0: {  	s18 =	simm.s32 @!p1 $0x40;
	s19 =	simm.s32 @!p1 $0x4180;
	s0 =	simm.s32 @!p1 $0xA400;
	[tilespmem:$0x43B0] =	vst @!p1 v1  }
0xb1: {  	[tilespmem:s0], [sflag:$0x4] =	stream.indirect.gather @!p1 [hbm4b:s1+s18], $0x80, s19, s18, $0xb8;
	v63 =	vld [tilespmem:$0x0]  }
0xb2: {  	s30 =	smov.u32 s22;
	s22 =	rddreg [dreg:$0x5]  }
0xb3: {  	[spmem:s2] =	stream.indirect.scatter.add.f32 [tilespmem:s5], [sflag:$0x5], $0x80, s22, s6, $0xb8;
	v63 =	vld [tilespmem:$0x0]  }
0xb4: {  	_ =	swait.ge [sflag:s4], $0x2000  }
0xb5: {  	[sflag:s4] =	ssyncset.done $0x0  }
0xb6: {  	[sflag:s4] =	ssyncadd.s32 $0xFFFFE000  }
0xb7: {  	_ =	swait.ge [sflag:s10], $0x2000  }
0xb8: {  	[sflag:s10] =	ssyncset.done $0x0  }
0xb9: {  	p1 =	sle.u32 s16, $0x4;
	[sflag:s10] =	ssyncadd.s32 $0xFFFFE000  }
0xba: {  	v1 =	vld @!p1 [tilespmem:s15+$0xFFFFFF50];
	_ =	sdelay $0x4  }
0xbb: {  	v2 =	vand.u32 @!p1 $0x3FFF, v1  }
0xbc: {  	v1 =	vshrl.u32 @!p1 v1, $0xE;
	[tilespmem:$0x4000] =	vst @!p1 v2  }
0xbd: {  	[tilespmem:$0x4200] =	vst @!p1 v1  }
0xbe: {  	v1 =	vld @!p1 [tilespmem:s15+$0xFFFFFF60];
	_ =	sdelay $0x4  }
0xbf: {  	v2 =	vand.u32 @!p1 $0x3FFF, v1  }
0xc0: {  	v1 =	vshrl.u32 @!p1 v1, $0xE;
	[tilespmem:$0x4010] =	vst @!p1 v2  }
0xc1: {  	[tilespmem:$0x4210] =	vst @!p1 v1  }
0xc2: {  	v1 =	vld @!p1 [tilespmem:s15+$0xFFFFFF70];
	_ =	sdelay $0x4  }
0xc3: {  	v2 =	vand.u32 @!p1 $0x3FFF, v1  }
0xc4: {  	v1 =	vshrl.u32 @!p1 v1, $0xE;
	[tilespmem:$0x4020] =	vst @!p1 v2  }
0xc5: {  	[tilespmem:$0x4220] =	vst @!p1 v1  }
0xc6: {  	v1 =	vld @!p1 [tilespmem:s15+$0xFFFFFF80];
	_ =	sdelay $0x4  }
0xc7: {  	v2 =	vand.u32 @!p1 $0x3FFF, v1  }
0xc8: {  	v1 =	vshrl.u32 @!p1 v1, $0xE;
	[tilespmem:$0x4030] =	vst @!p1 v2  }
0xc9: {  	s0 =	simm.s32 @!p1 $0x4400;
	s18 =	simm.s32 @!p1 $0x40;
	s19 =	simm.s32 @!p1 $0x4000;
	[tilespmem:$0x4230] =	vst @!p1 v1  }
0xca: {  	[tilespmem:s0], [sflag:$0x1] =	stream.indirect.gather @!p1 [hbm4b:s1+s18], $0x80, s19, s18, $0xb8;
	v63 =	vld [tilespmem:$0x0]  }
0xcb: {  	s23 =	rddreg [dreg:$0x6]  }
0xcc: {  	[spmem:s2] =	stream.indirect.scatter.add.f32 [tilespmem:s7], [sflag:$0x5], $0x80, s23, s6, $0xb8;
	v63 =	vld [tilespmem:$0x0]  }
0xcd: {  	_ =	swait.ge [sflag:s4], $0x2000  }
0xce: {  	[sflag:s4] =	ssyncset.done $0x0  }
0xcf: {  	[sflag:s4] =	ssyncadd.s32 $0xFFFFE000  }
0xd0: {  	_ =	swait.ge [sflag:s11], $0x2000  }
0xd1: {  	[sflag:s11] =	ssyncset.done $0x0  }
0xd2: {  	p1 =	sle.u32 s16, $0x5;
	[sflag:s11] =	ssyncadd.s32 $0xFFFFE000  }
0xd3: {  	v1 =	vld @!p1 [tilespmem:s15+$0xFFFFFF90];
	_ =	sdelay $0x4  }
0xd4: {  	v2 =	vand.u32 @!p1 $0x3FFF, v1  }
0xd5: {  	s0 =	simm.s32 @!p1 $0x140;
	v1 =	vshrl.u32 @!p1 v1, $0xE;
	[tilespmem:$0x4080] =	vst @!p1 v2  }
0xd6: {  	s18 =	sor.u32 @!p1 $0x50, s0;
	[tilespmem:$0x4280] =	vst @!p1 v1  }
0xd7: {  	v1 =	vld @!p1 [tilespmem:s18+$0x0];
	_ =	sdelay $0x4  }
0xd8: {  	v2 =	vand.u32 @!p1 $0x3FFF, v1  }
0xd9: {  	v1 =	vshrl.u32 @!p1 v1, $0xE;
	[tilespmem:$0x4090] =	vst @!p1 v2  }
0xda: {  	s18 =	sor.u32 @!p1 $0x60, s0;
	[tilespmem:$0x4290] =	vst @!p1 v1  }
0xdb: {  	v1 =	vld @!p1 [tilespmem:s18+$0x0];
	_ =	sdelay $0x4  }
0xdc: {  	v2 =	vand.u32 @!p1 $0x3FFF, v1  }
0xdd: {  	v1 =	vshrl.u32 @!p1 v1, $0xE;
	[tilespmem:$0x40A0] =	vst @!p1 v2  }
0xde: {  	s0 =	sor.u32 @!p1 $0x70, s0;
	[tilespmem:$0x42A0] =	vst @!p1 v1  }
0xdf: {  	v1 =	vld @!p1 [tilespmem:s0+$0x0];
	_ =	sdelay $0x4  }
0xe0: {  	v2 =	vand.u32 @!p1 $0x3FFF, v1  }
0xe1: {  	v1 =	vshrl.u32 @!p1 v1, $0xE;
	[tilespmem:$0x40B0] =	vst @!p1 v2  }
0xe2: {  	s19 =	simm.s32 @!p1 $0x4080;
	s18 =	simm.s32 @!p1 $0x40;
	s0 =	simm.s32 @!p1 $0x6400;
	[tilespmem:$0x42B0] =	vst @!p1 v1  }
0xe3: {  	[tilespmem:s0], [sflag:$0x2] =	stream.indirect.gather @!p1 [hbm4b:s1+s18], $0x80, s19, s18, $0xb8;
	v63 =	vld [tilespmem:$0x0]  }
0xe4: {  	s24 =	rddreg [dreg:$0x7]  }
0xe5: {  	[spmem:s2] =	stream.indirect.scatter.add.f32 [tilespmem:s8], [sflag:$0x5], $0x80, s24, s6, $0xb8;
	v63 =	vld [tilespmem:$0x0]  }
0xe6: {  	_ =	swait.ge [sflag:s4], $0x2000  }
0xe7: {  	[sflag:s4] =	ssyncset.done $0x0  }
0xe8: {  	[sflag:s4] =	ssyncadd.s32 $0xFFFFE000  }
0xe9: {  	_ =	swait.ge [sflag:s12], $0x2000  }
0xea: {  	[sflag:s12] =	ssyncset.done $0x0  }
0xeb: {  	p3 =	sle.u32 s16, $0x6;
	[sflag:s12] =	ssyncadd.s32 $0xFFFFE000  }
0xec: {  	v1 =	vld @!p3 [tilespmem:s15+$0xFFFFFFD0];
	_ =	sdelay $0x4  }
0xed: {  	v2 =	vand.u32 @!p3 $0x3FFF, v1  }
0xee: {  	v1 =	vshrl.u32 @!p3 v1, $0xE;
	[tilespmem:$0x4100] =	vst @!p3 v2  }
0xef: {  	[tilespmem:$0x4300] =	vst @!p3 v1  }
0xf0: {  	v1 =	vld @!p3 [tilespmem:s15+$0xFFFFFFE0]  }
0xf1: {  	s25 =	rddreg [dreg:$0x1e]  }
0xf2: {  	s18 =	sadd.s32 $0xFFFFFFFF, s25  }
0xf3: {  	p1 =	sne.s32 s18, $0x0  }
.Ltmp1:
0xf4: {  	_ = 	snop;
	(pc) =	sbr.rel @!p1 .LBB2_5-.Ltmp1, $4  }
0xf5: {  	v2 =	vand.u32 @!p3 $0x3FFF, v1  }
0xf6: {  	v1 =	vshrl.u32 @!p3 v1, $0xE;
	[tilespmem:$0x4110] =	vst @!p3 v2  }
0xf7: {  	s31 =	simm.s32 $0x2B0;
	s22 =	simm.s32 @!p3 $0x8400;
	s23 =	simm.s32 @!p3 $0x40;
	[tilespmem:$0x4310] =	vst @!p3 v1  }
0xf8: {  	s19 =	simm.s32 $0xA;
	s24 =	rddreg [dreg:$0x8];
	s25 =	simm.s32 @!p3 $0x4100;
	v1 =	vld @!p3 [tilespmem:s15+$0xFFFFFFF0]  }
.LBB2_4:
0xf9: {  	_ =	sdelay $0x3  }
0xfa: {  	v2 =	vand.u32 @!p3 $0x3FFF, v1  }
0xfb: {  	v1 =	vshrl.u32 @!p3 v1, $0xE;
	[tilespmem:$0x4120] =	vst @!p3 v2  }
0xfc: {  	[tilespmem:$0x4320] =	vst @!p3 v1  }
0xfd: {  	v1 =	vld @!p3 [tilespmem:s15+$0x0];
	_ =	sdelay $0x4  }
0xfe: {  	v2 =	vand.u32 @!p3 $0x3FFF, v1  }
0xff: {  	v1 =	vshrl.u32 @!p3 v1, $0xE;
	[tilespmem:$0x4130] =	vst @!p3 v2  }
0x100: {  	[tilespmem:$0x4330] =	vst @!p3 v1  }
0x101: {  	[tilespmem:s22], [sflag:$0x3] =	stream.indirect.gather @!p3 [hbm4b:s1+s23], $0x80, s25, s23, $0xb8;
	v63 =	vld [tilespmem:$0x0]  }
0x102: {  	_ = 	snop  }
0x103: {  	[spmem:s2] =	stream.indirect.scatter.add.f32 [tilespmem:s13], [sflag:$0x5], $0x80, s24, s6, $0xb8;
	v63 =	vld [tilespmem:$0x0]  }
0x104: {  	_ =	swait.ge [sflag:s4], $0x2000  }
0x105: {  	[sflag:s4] =	ssyncset.done $0x0  }
0x106: {  	[sflag:s4] =	ssyncadd.s32 $0xFFFFE000  }
0x107: {  	_ =	swait.ge [sflag:s9], $0x2000  }
0x108: {  	s23 =	sadd.s32 $0xFFFFFFFD, s19;
	[sflag:s9] =	ssyncset.done $0x0  }
0x109: {  	p3 =	sge.u32 s23, s16;
	[sflag:s9] =	ssyncadd.s32 $0xFFFFE000  }
0x10a: {  	v1 =	vld @!p3 [tilespmem:s31+$0xFFFFFF10];
	_ =	sdelay $0x4  }
0x10b: {  	v2 =	vand.u32 @!p3 $0x3FFF, v1  }
0x10c: {  	s17 =	sadd.s32 $0x100, s17;
	v1 =	vshrl.u32 @!p3 v1, $0xE;
	[tilespmem:$0x4180] =	vst @!p3 v2  }
0x10d: {  	s22 =	sor.u32 @!p3 $0x50, s17;
	[tilespmem:$0x4380] =	vst @!p3 v1  }
0x10e: {  	v1 =	vld @!p3 [tilespmem:s22+$0x0];
	_ =	sdelay $0x4  }
0x10f: {  	v2 =	vand.u32 @!p3 $0x3FFF, v1  }
0x110: {  	v1 =	vshrl.u32 @!p3 v1, $0xE;
	[tilespmem:$0x4190] =	vst @!p3 v2  }
0x111: {  	s22 =	sor.u32 @!p3 $0x60, s17;
	[tilespmem:$0x4390] =	vst @!p3 v1  }
0x112: {  	v1 =	vld @!p3 [tilespmem:s22+$0x0];
	_ =	sdelay $0x4  }
0x113: {  	v2 =	vand.u32 @!p3 $0x3FFF, v1  }
0x114: {  	v1 =	vshrl.u32 @!p3 v1, $0xE;
	[tilespmem:$0x41A0] =	vst @!p3 v2  }
0x115: {  	s22 =	sor.u32 @!p3 $0x70, s17;
	[tilespmem:$0x43A0] =	vst @!p3 v1  }
0x116: {  	v1 =	vld @!p3 [tilespmem:s22+$0x0];
	_ =	sdelay $0x4  }
0x117: {  	v2 =	vand.u32 @!p3 $0x3FFF, v1  }
0x118: {  	v1 =	vshrl.u32 @!p3 v1, $0xE;
	[tilespmem:$0x41B0] =	vst @!p3 v2  }
0x119: {  	s23 =	simm.s32 @!p3 $0x40;
	s24 =	simm.s32 @!p3 $0x4180;
	s22 =	simm.s32 @!p3 $0xA400;
	[tilespmem:$0x43B0] =	vst @!p3 v1  }
0x11a: {  	[tilespmem:s22], [sflag:$0x4] =	stream.indirect.gather @!p3 [hbm4b:s1+s23], $0x80, s24, s23, $0xb8;
	v63 =	vld [tilespmem:$0x0]  }
0x11b: {  	s25 =	rddreg [dreg:$0x5]  }
0x11c: {  	[spmem:s2] =	stream.indirect.scatter.add.f32 [tilespmem:s5], [sflag:$0x5], $0x80, s25, s6, $0xb8;
	v63 =	vld [tilespmem:$0x0]  }
0x11d: {  	_ =	swait.ge [sflag:s4], $0x2000  }
0x11e: {  	[sflag:s4] =	ssyncset.done $0x0  }
0x11f: {  	[sflag:s4] =	ssyncadd.s32 $0xFFFFE000  }
0x120: {  	_ =	swait.ge [sflag:s10], $0x2000  }
0x121: {  	s24 =	sadd.s32 $0xFFFFFFFE, s19;
	[sflag:s10] =	ssyncset.done $0x0  }
0x122: {  	p3 =	sge.u32 s24, s16;
	[sflag:s10] =	ssyncadd.s32 $0xFFFFE000  }
0x123: {  	v1 =	vld @!p3 [tilespmem:s31+$0xFFFFFF50];
	_ =	sdelay $0x4  }
0x124: {  	v2 =	vand.u32 @!p3 $0x3FFF, v1  }
0x125: {  	v1 =	vshrl.u32 @!p3 v1, $0xE;
	[tilespmem:$0x4000] =	vst @!p3 v2  }
0x126: {  	[tilespmem:$0x4200] =	vst @!p3 v1  }
0x127: {  	v1 =	vld @!p3 [tilespmem:s31+$0xFFFFFF60];
	_ =	sdelay $0x4  }
0x128: {  	v2 =	vand.u32 @!p3 $0x3FFF, v1  }
0x129: {  	v1 =	vshrl.u32 @!p3 v1, $0xE;
	[tilespmem:$0x4010] =	vst @!p3 v2  }
0x12a: {  	[tilespmem:$0x4210] =	vst @!p3 v1  }
0x12b: {  	v1 =	vld @!p3 [tilespmem:s31+$0xFFFFFF70];
	_ =	sdelay $0x4  }
0x12c: {  	v2 =	vand.u32 @!p3 $0x3FFF, v1  }
0x12d: {  	v1 =	vshrl.u32 @!p3 v1, $0xE;
	[tilespmem:$0x4020] =	vst @!p3 v2  }
0x12e: {  	[tilespmem:$0x4220] =	vst @!p3 v1  }
0x12f: {  	v1 =	vld @!p3 [tilespmem:s31+$0xFFFFFF80];
	_ =	sdelay $0x4  }
0x130: {  	v2 =	vand.u32 @!p3 $0x3FFF, v1  }
0x131: {  	v1 =	vshrl.u32 @!p3 v1, $0xE;
	[tilespmem:$0x4030] =	vst @!p3 v2  }
0x132: {  	s22 =	simm.s32 @!p3 $0x4400;
	s23 =	simm.s32 @!p3 $0x40;
	s24 =	simm.s32 @!p3 $0x4000;
	[tilespmem:$0x4230] =	vst @!p3 v1  }
0x133: {  	[tilespmem:s22], [sflag:$0x1] =	stream.indirect.gather @!p3 [hbm4b:s1+s23], $0x80, s24, s23, $0xb8;
	v63 =	vld [tilespmem:$0x0]  }
0x134: {  	s25 =	rddreg [dreg:$0x6]  }
0x135: {  	[spmem:s2] =	stream.indirect.scatter.add.f32 [tilespmem:s7], [sflag:$0x5], $0x80, s25, s6, $0xb8;
	v63 =	vld [tilespmem:$0x0]  }
0x136: {  	_ =	swait.ge [sflag:s4], $0x2000  }
0x137: {  	[sflag:s4] =	ssyncset.done $0x0  }
0x138: {  	[sflag:s4] =	ssyncadd.s32 $0xFFFFE000  }
0x139: {  	_ =	swait.ge [sflag:s11], $0x2000  }
0x13a: {  	s0 =	sadd.s32 $0xFFFFFFFF, s19;
	[sflag:s11] =	ssyncset.done $0x0  }
0x13b: {  	p2 =	sge.u32 s0, s16;
	[sflag:s11] =	ssyncadd.s32 $0xFFFFE000  }
0x13c: {  	v1 =	vld @!p2 [tilespmem:s31+$0xFFFFFF90];
	_ =	sdelay $0x4  }
0x13d: {  	v2 =	vand.u32 @!p2 $0x3FFF, v1  }
0x13e: {  	s21 =	sadd.s32 @!p2 $0x80, s17;
	v1 =	vshrl.u32 @!p2 v1, $0xE;
	[tilespmem:$0x4080] =	vst @!p2 v2  }
0x13f: {  	s20 =	sor.u32 @!p2 $0x60, s21;
	s0 =	sor.u32 @!p2 $0x70, s21;
	s21 =	sor.u32 @!p2 $0x50, s21;
	[tilespmem:$0x4280] =	vst @!p2 v1  }
0x140: {  	v1 =	vld @!p2 [tilespmem:s21+$0x0];
	_ =	sdelay $0x4  }
0x141: {  	v2 =	vand.u32 @!p2 $0x3FFF, v1  }
0x142: {  	v1 =	vshrl.u32 @!p2 v1, $0xE;
	[tilespmem:$0x4090] =	vst @!p2 v2  }
0x143: {  	[tilespmem:$0x4290] =	vst @!p2 v1  }
0x144: {  	v1 =	vld @!p2 [tilespmem:s20+$0x0];
	_ =	sdelay $0x4  }
0x145: {  	v2 =	vand.u32 @!p2 $0x3FFF, v1  }
0x146: {  	v1 =	vshrl.u32 @!p2 v1, $0xE;
	[tilespmem:$0x40A0] =	vst @!p2 v2  }
0x147: {  	[tilespmem:$0x42A0] =	vst @!p2 v1  }
0x148: {  	v1 =	vld @!p2 [tilespmem:s0+$0x0];
	_ =	sdelay $0x4  }
0x149: {  	v2 =	vand.u32 @!p2 $0x3FFF, v1  }
0x14a: {  	v1 =	vshrl.u32 @!p2 v1, $0xE;
	[tilespmem:$0x40B0] =	vst @!p2 v2  }
0x14b: {  	s22 =	simm.s32 @!p2 $0x4080;
	s21 =	simm.s32 @!p2 $0x40;
	s20 =	simm.s32 @!p2 $0x6400;
	[tilespmem:$0x42B0] =	vst @!p2 v1  }
0x14c: {  	[tilespmem:s20], [sflag:$0x2] =	stream.indirect.gather @!p2 [hbm4b:s1+s21], $0x80, s22, s21, $0xb8;
	v63 =	vld [tilespmem:$0x0]  }
0x14d: {  	s25 =	rddreg [dreg:$0x7]  }
0x14e: {  	[spmem:s2] =	stream.indirect.scatter.add.f32 [tilespmem:s8], [sflag:$0x5], $0x80, s25, s6, $0xb8;
	v63 =	vld [tilespmem:$0x0]  }
0x14f: {  	_ =	swait.ge [sflag:s4], $0x2000  }
0x150: {  	[sflag:s4] =	ssyncset.done $0x0  }
0x151: {  	[sflag:s4] =	ssyncadd.s32 $0xFFFFE000  }
0x152: {  	_ =	swait.ge [sflag:s12], $0x2000  }
0x153: {  	[sflag:s12] =	ssyncset.done $0x0  }
0x154: {  	p3 =	sge.u32 s19, s16;
	[sflag:s12] =	ssyncadd.s32 $0xFFFFE000  }
0x155: {  	v1 =	vld @!p3 [tilespmem:s31+$0xFFFFFFD0];
	_ =	sdelay $0x4  }
0x156: {  	v2 =	vand.u32 @!p3 $0x3FFF, v1  }
0x157: {  	v1 =	vshrl.u32 @!p3 v1, $0xE;
	[tilespmem:$0x4100] =	vst @!p3 v2  }
0x158: {  	[tilespmem:$0x4300] =	vst @!p3 v1  }
0x159: {  	v1 =	vld @!p3 [tilespmem:s31+$0xFFFFFFE0];
	_ =	sdelay $0x1  }
0x15a: {  	s18 =	sadd.s32 $0xFFFFFFFF, s18  }
0x15b: {  	p1 =	sne.s32 s18, $0x0  }
.Ltmp2:
0x15c: {  	_ = 	snop;
	(pc) =	sbr.rel @p1 .LBB2_4-.Ltmp2, $4  }
0x15d: {  	v2 =	vand.u32 @!p3 $0x3FFF, v1  }
0x15e: {  	s15 =	smov.u32 s31;
	v1 =	vshrl.u32 @!p3 v1, $0xE;
	[tilespmem:$0x4110] =	vst @!p3 v2  }
0x15f: {  	s19 =	sadd.s32 $0x4, s19;
	s23 =	simm.s32 @!p3 $0x40;
	s22 =	simm.s32 @!p3 $0x8400;
	[tilespmem:$0x4310] =	vst @!p3 v1  }
0x160: {  	s25 =	simm.s32 @!p3 $0x4100;
	s24 =	rddreg [dreg:$0x8];
	v1 =	vld @!p3 [tilespmem:s31+$0xFFFFFFF0];
	s31 =	sadd.s32 $0x100, s31  }
.LBB2_5:
0x161: {  	_ =	sdelay $0x3  }
0x162: {  	v2 =	vand.u32 @!p3 $0x3FFF, v1  }
0x163: {  	v1 =	vshrl.u32 @!p3 v1, $0xE;
	[tilespmem:$0x4120] =	vst @!p3 v2  }
0x164: {  	[tilespmem:$0x4320] =	vst @!p3 v1  }
0x165: {  	v1 =	vld @!p3 [tilespmem:s15+$0x0];
	_ =	sdelay $0x4  }
0x166: {  	v2 =	vand.u32 @!p3 $0x3FFF, v1  }
0x167: {  	v1 =	vshrl.u32 @!p3 v1, $0xE;
	[tilespmem:$0x4130] =	vst @!p3 v2  }
0x168: {  	[tilespmem:$0x4330] =	vst @!p3 v1  }
0x169: {  	[tilespmem:s22], [sflag:$0x3] =	stream.indirect.gather @!p3 [hbm4b:s1+s23], $0x80, s25, s23, $0xb8;
	v63 =	vld [tilespmem:$0x0]  }
0x16a: {  	_ = 	snop  }
0x16b: {  	[spmem:s2] =	stream.indirect.scatter.add.f32 [tilespmem:s13], [sflag:$0x5], $0x80, s24, s6, $0xb8;
	v63 =	vld [tilespmem:$0x0]  }
0x16c: {  	_ =	swait.ge [sflag:s4], $0x2000  }
0x16d: {  	[sflag:s4] =	ssyncset.done $0x0  }
0x16e: {  	[sflag:s4] =	ssyncadd.s32 $0xFFFFE000  }
0x16f: {  	[bflag:$0x0] =	sbarrier.arrive $0xFFFF  }
0x170: {  	[tilespmem:s5], [sflag:$0x5] =	stream.linear.gather [spmem:s26], $0x2000, $0x38;
	v63 =	vld [tilespmem:$0x0]  }
0x171: {  	_ =	swait.ge [sflag:s4], $0x2000  }
0x172: {  	[sflag:s4] =	ssyncset.done $0x0  }
0x173: {  	s0 =	rddreg [dreg:$0xa];
	[sflag:s4] =	ssyncadd.s32 $0xFFFFE000  }
0x174: {  	[hbm4b:s0+s3] =	stream.linear.scatter [tilespmem:s5], [sflag:$0x5], $0x2000, $0x38;
	v63 =	vld [tilespmem:$0x0]  }
0x175: {  	_ =	swait.ge [sflag:s4], $0x2000  }
0x176: {  	[sflag:s4] =	ssyncset.done $0x0  }
0x177: {  	[sflag:s4] =	ssyncadd.s32 $0xFFFFE000  }
0x178: {  	[tilespmem:s7], [sflag:$0x5] =	stream.linear.gather [spmem:s28], $0x2000, $0x38;
	v63 =	vld [tilespmem:$0x0]  }
0x179: {  	_ =	swait.ge [sflag:s4], $0x2000  }
0x17a: {  	[sflag:s4] =	ssyncset.done $0x0  }
0x17b: {  	s25 =	rddreg [dreg:$0xb];
	[sflag:s4] =	ssyncadd.s32 $0xFFFFE000  }
0x17c: {  	[hbm4b:s25+s3] =	stream.linear.scatter [tilespmem:s7], [sflag:$0x5], $0x2000, $0x38;
	v63 =	vld [tilespmem:$0x0]  }
0x17d: {  	_ =	swait.ge [sflag:s4], $0x2000  }
0x17e: {  	[sflag:s4] =	ssyncset.done $0x0  }
0x17f: {  	[sflag:s4] =	ssyncadd.s32 $0xFFFFE000  }
0x180: {  	[tilespmem:s8], [sflag:$0x5] =	stream.linear.gather [spmem:s29], $0x2000, $0x38;
	v63 =	vld [tilespmem:$0x0]  }
0x181: {  	_ =	swait.ge [sflag:s4], $0x2000  }
0x182: {  	[sflag:s4] =	ssyncset.done $0x0  }
0x183: {  	s19 =	smov.u32 s26;
	s26 =	rddreg [dreg:$0xc];
	[sflag:s4] =	ssyncadd.s32 $0xFFFFE000  }
0x184: {  	[hbm4b:s26+s3] =	stream.linear.scatter [tilespmem:s8], [sflag:$0x5], $0x2000, $0x38;
	v63 =	vld [tilespmem:$0x0]  }
0x185: {  	_ =	swait.ge [sflag:s4], $0x2000  }
0x186: {  	[sflag:s4] =	ssyncset.done $0x0  }
0x187: {  	[sflag:s4] =	ssyncadd.s32 $0xFFFFE000  }
0x188: {  	[tilespmem:s13], [sflag:$0x5] =	stream.linear.gather [spmem:s30], $0x2000, $0x38;
	v63 =	vld [tilespmem:$0x0]  }
0x189: {  	_ =	swait.ge [sflag:s4], $0x2000  }
0x18a: {  	[sflag:s4] =	ssyncset.done $0x0  }
0x18b: {  	s20 =	smov.u32 s28;
	s28 =	rddreg [dreg:$0xd];
	[sflag:s4] =	ssyncadd.s32 $0xFFFFE000  }
0x18c: {  	[hbm4b:s28+s3] =	stream.linear.scatter [tilespmem:s13], [sflag:$0x5], $0x2000, $0x38;
	v63 =	vld [tilespmem:$0x0]  }
0x18d: {  	_ =	swait.ge [sflag:s4], $0x2000  }
0x18e: {  	[sflag:s4] =	ssyncset.done $0x0  }
0x18f: {  	s23 =	rddreg [dreg:$0x17];
	[sflag:s4] =	ssyncadd.s32 $0xFFFFE000  }
0x190: {  	[tilespmem:s5], [sflag:$0x5] =	stream.linear.gather [spmem:s23], $0x2000, $0x38;
	v63 =	vld [tilespmem:$0x0]  }
0x191: {  	_ =	swait.ge [sflag:s4], $0x2000  }
0x192: {  	[sflag:s4] =	ssyncset.done $0x0  }
0x193: {  	s21 =	smov.u32 s29;
	s29 =	rddreg [dreg:$0xe];
	[sflag:s4] =	ssyncadd.s32 $0xFFFFE000  }
0x194: {  	[hbm4b:s29+s3] =	stream.linear.scatter [tilespmem:s5], [sflag:$0x5], $0x2000, $0x38;
	v63 =	vld [tilespmem:$0x0]  }
0x195: {  	_ =	swait.ge [sflag:s4], $0x2000  }
0x196: {  	[sflag:s4] =	ssyncset.done $0x0  }
0x197: {  	s24 =	rddreg [dreg:$0x18];
	[sflag:s4] =	ssyncadd.s32 $0xFFFFE000  }
0x198: {  	[tilespmem:s7], [sflag:$0x5] =	stream.linear.gather [spmem:s24], $0x2000, $0x38;
	v63 =	vld [tilespmem:$0x0]  }
0x199: {  	_ =	swait.ge [sflag:s4], $0x2000  }
0x19a: {  	[sflag:s4] =	ssyncset.done $0x0  }
0x19b: {  	s22 =	smov.u32 s30;
	s30 =	rddreg [dreg:$0xf];
	[sflag:s4] =	ssyncadd.s32 $0xFFFFE000  }
0x19c: {  	[hbm4b:s30+s3] =	stream.linear.scatter [tilespmem:s7], [sflag:$0x5], $0x2000, $0x38;
	v63 =	vld [tilespmem:$0x0]  }
0x19d: {  	_ =	swait.ge [sflag:s4], $0x2000  }
0x19e: {  	[sflag:s4] =	ssyncset.done $0x0  }
0x19f: {  	s25 =	rddreg [dreg:$0x19];
	[sflag:s4] =	ssyncadd.s32 $0xFFFFE000  }
0x1a0: {  	[tilespmem:s8], [sflag:$0x5] =	stream.linear.gather [spmem:s25], $0x2000, $0x38;
	v63 =	vld [tilespmem:$0x0]  }
0x1a1: {  	_ =	swait.ge [sflag:s4], $0x2000  }
0x1a2: {  	[sflag:s4] =	ssyncset.done $0x0  }
0x1a3: {  	s15 =	rddreg [dreg:$0x10];
	[sflag:s4] =	ssyncadd.s32 $0xFFFFE000  }
0x1a4: {  	[hbm4b:s15+s3] =	stream.linear.scatter [tilespmem:s8], [sflag:$0x5], $0x2000, $0x38;
	v63 =	vld [tilespmem:$0x0]  }
0x1a5: {  	_ =	swait.ge [sflag:s4], $0x2000  }
0x1a6: {  	[sflag:s4] =	ssyncset.done $0x0  }
0x1a7: {  	s31 =	rddreg [dreg:$0x1a];
	[sflag:s4] =	ssyncadd.s32 $0xFFFFE000  }
0x1a8: {  	[tilespmem:s13], [sflag:$0x5] =	stream.linear.gather [spmem:s31], $0x2000, $0x38;
	v63 =	vld [tilespmem:$0x0]  }
0x1a9: {  	_ =	swait.ge [sflag:s4], $0x2000  }
0x1aa: {  	[sflag:s4] =	ssyncset.done $0x0  }
0x1ab: {  	s17 =	rddreg [dreg:$0x11];
	[sflag:s4] =	ssyncadd.s32 $0xFFFFE000  }
0x1ac: {  	[hbm4b:s17+s3] =	stream.linear.scatter [tilespmem:s13], [sflag:$0x5], $0x2000, $0x38;
	v63 =	vld [tilespmem:$0x0]  }
0x1ad: {  	_ =	swait.ge [sflag:s4], $0x2000  }
0x1ae: {  	[sflag:s4] =	ssyncset.done $0x0  }
0x1af: {  	s18 =	rddreg [dreg:$0x1b];
	[sflag:s4] =	ssyncadd.s32 $0xFFFFE000  }
0x1b0: {  	[tilespmem:s5], [sflag:$0x5] =	stream.linear.gather [spmem:s18], $0x2000, $0x38;
	v63 =	vld [tilespmem:$0x0]  }
0x1b1: {  	_ =	swait.ge [sflag:s4], $0x2000  }
0x1b2: {  	[sflag:s4] =	ssyncset.done $0x0  }
0x1b3: {  	s26 =	rddreg [dreg:$0x12];
	[sflag:s4] =	ssyncadd.s32 $0xFFFFE000  }
0x1b4: {  	[hbm4b:s26+s3] =	stream.linear.scatter [tilespmem:s5], [sflag:$0x5], $0x2000, $0x38;
	v63 =	vld [tilespmem:$0x0]  }
0x1b5: {  	_ =	swait.ge [sflag:s4], $0x2000  }
0x1b6: {  	[sflag:s4] =	ssyncset.done $0x0  }
0x1b7: {  	s28 =	rddreg [dreg:$0x1c];
	[sflag:s4] =	ssyncadd.s32 $0xFFFFE000  }
0x1b8: {  	[tilespmem:s7], [sflag:$0x5] =	stream.linear.gather [spmem:s28], $0x1C00, $0x38;
	v63 =	vld [tilespmem:$0x0]  }
0x1b9: {  	_ =	swait.ge [sflag:s4], $0x1C00  }
0x1ba: {  	[sflag:s4] =	ssyncset.done $0x0  }
0x1bb: {  	s29 =	rddreg [dreg:$0x13];
	[sflag:s4] =	ssyncadd.s32 $0xFFFFE400  }
0x1bc: {  	[hbm4b:s29+s3] =	stream.linear.scatter [tilespmem:s7], [sflag:$0x5], $0x1C00, $0x38;
	v63 =	vld [tilespmem:$0x0]  }
0x1bd: {  	_ =	swait.ge [sflag:s4], $0x1C00  }
0x1be: {  	s14 =	sadd.s32 $0x1, s14;
	s30 =	rddreg [dreg:$0x1d]  }
0x1bf: {  	p1 =	sne.s32 s14, s30  }
.Ltmp3:
0x1c0: {  	_ = 	snop;
	(pc) =	sbr.rel @p1 .LBB2_1-.Ltmp3, $3  }
0x1c1: {  	_ =	sdelay $0x1  }
0x1c2: {  	[sflag:s4] =	ssyncset.done $0x0  }
0x1c3: {  	[sflag:s4] =	ssyncadd.s32 $0xFFFFE400  }
0x1c4: {  	_ =	sfence.sel $0x180000  }
0x1c5: {  	[bflag:$0x0] =	sbarrier.arrive $0xFFFF  }
0x1c6: {  	_ =	strace $0x90000047  }
0x1c7: {  	s0 =	stileid.u32;
	[bflag:$0x2] =	sbarrier.arrive $0xFFFF  }
0x1c8: {  	p0 =	sne.s32 s0, $0x0;
	s0 =	rddreg [dreg:$0x4]  }
0x1c9: {  	s0 =	sadd.s32 @!p0 $0x100000, s0  }
0x1ca: {  	[sflag:s0] =	ssyncadd.tile.s32 @!p0 $0x1;
	_ =	shalt  }
.Lfunc_end2:
_tile_overlayer_lowered:
.L_overlay_start_2:
0x1cb: {  	(tag) =	ssettag $0x2  }
0x1cc: {  	s0 =	rddreg [dreg:$0x0];
	s2 =	stileid.u32  }
0x1cd: {  	s1 =	rddreg [dreg:$0x1];
	p0 =	sne.s32 s2, $0x0  }
0x1ce: {  	s3 =	rddreg [dreg:$0x2];
	[bflag:$0x3] =	sbarrier.arrive $0xFFFF;
	s2 =	simm.s32 @!p0 $0x1C05  }
0x1cf: {  	[timem:s3], [sflag:s2] =	dma.local @!p0 [hbm:s0], s1  }
0x1d0: {  	s0 =	simm.s32 @!p0 $0x5  }
0x1d1: {  	_ =	swait.ge @!p0 [sflag:s0], s1  }
0x1d2: {  	s1 =	ssub.s32 @!p0 $0x0, s1;
	[sflag:s0] =	ssyncset.done @!p0 $0x0  }
0x1d3: {  	[sflag:s0] =	ssyncadd.s32 @!p0 s1  }
0x1d4: {  	[bflag:$0x3] =	sbarrier.arrive $0xFFFF  }
0x1d5: {  	_ =	shalt  }

</sc_bundles>
